<compile_context>
chip_gen: v7x
topology: tpu7x:2x2x1
jax: 0.10.2.dev20260603
libtpu: 0.0.44.dev20260713+nightly
codegen_flags: <defaults>
</compile_context>

<pallas_src>
import jax
import jax.numpy as jnp
from jax import lax
from jax.experimental import pallas as pl
from jax.experimental.pallas import tpu as pltpu
from jax.experimental.pallas import tpu_sc as plsc

N = 10000
NPAD = 10240
E = 160000
F_IN = 128
H = 8
C = 64
HC = H * C
NP = 4
NCORES = 2
NSUB = 16
LANES = 16

BN = 1024

K1 = 80
NCH1 = (E // NSUB) // K1
K2 = 40
NCH2 = (E // (NCORES * NSUB)) // K2

ROWS_PER_TILE = NPAD // NSUB
ZROWS = 64


def _tc_feats_body(x_ref, w1_ref, asrc_ref, adst_ref, h1t_ref, es_ref, ed_ref):
  h = jnp.dot(x_ref[...], w1_ref[...], preferred_element_type=jnp.float32)
  es_ref[...] = jnp.dot(h, asrc_ref[...], preferred_element_type=jnp.float32)
  ed_ref[...] = jnp.dot(h, adst_ref[...], preferred_element_type=jnp.float32)
  for p in range(NP):
    h1t_ref[p] = h[:, 128 * p:128 * (p + 1)]


def _tc_feats(x, w1, asrc, adst):
  grid = (NPAD // BN,)
  return pl.pallas_call(
      _tc_feats_body,
      grid=grid,
      in_specs=[
          pl.BlockSpec((BN, F_IN), lambda i: (i, 0)),
          pl.BlockSpec((F_IN, HC), lambda i: (0, 0)),
          pl.BlockSpec((HC, 16), lambda i: (0, 0)),
          pl.BlockSpec((HC, 16), lambda i: (0, 0)),
      ],
      out_specs=[
          pl.BlockSpec((NP, BN, 128), lambda i: (0, i, 0)),
          pl.BlockSpec((BN, 16), lambda i: (i, 0)),
          pl.BlockSpec((BN, 16), lambda i: (i, 0)),
      ],
      out_shape=[
          jax.ShapeDtypeStruct((NP, NPAD, 128), jnp.float32),
          jax.ShapeDtypeStruct((NPAD, 16), jnp.float32),
          jax.ShapeDtypeStruct((NPAD, 16), jnp.float32),
      ],
  )(x, w1, asrc, adst)


def _lane_take(vec, idx):
  return lax.gather(
      vec, idx[:, None],
      dimension_numbers=lax.GatherDimensionNumbers(
          offset_dims=(), collapsed_slice_dims=(0,), start_index_map=(0,)),
      slice_sizes=(1,),
      mode=lax.GatherScatterMode.PROMISE_IN_BOUNDS)


def _sc_l1_body(h1f, es_t, ed_t, ei_h,
                acc_out, den_out,
                acc_s, den_s, idxb, srcb2, dstb, g1, g2, rows, exb, zb, zbd,
                gsem, ssem, dsem):
  c = lax.axis_index("c")
  s = lax.axis_index("s")
  row0 = s * ROWS_PER_TILE

  def _zero_vec(ref, nrows, ncols):
    def zrow(i, _):
      for t in range(ncols // LANES):
        ref[i, pl.ds(t * LANES, LANES)] = jnp.zeros((LANES,), jnp.float32)
      return 0
    lax.fori_loop(0, nrows, zrow, 0)

  _zero_vec(zb, ZROWS, 128)
  _zero_vec(zbd, ZROWS, 16)

  def zero_acc():
    for r in range(ROWS_PER_TILE // ZROWS):
      pltpu.sync_copy(zb, acc_s.at[pl.ds(row0 + r * ZROWS, ZROWS)])

  zero_acc()
  for r in range(ROWS_PER_TILE // ZROWS):
    pltpu.sync_copy(zbd, den_s.at[pl.ds(row0 + r * ZROWS, ZROWS)])
  plsc.subcore_barrier()

  ept = E // NSUB

  def issue(i, nb, poff):
    off = pl.multiple_of(s * ept + i * K1, 8)
    pltpu.sync_copy(ei_h.at[:, pl.ds(off, K1)], idxb.at[nb])
    for t in range(K1 // LANES):
      srcb2[nb, pl.ds(t * LANES, LANES)] = (
          idxb[nb, 0, pl.ds(t * LANES, LANES)] + poff)
      dstb[nb, pl.ds(t * LANES, LANES)] = idxb[nb, 1, pl.ds(t * LANES, LANES)]
    pltpu.async_copy(es_t.at[idxb.at[nb, 0]], g1.at[nb], gsem.at[nb])
    pltpu.async_copy(ed_t.at[idxb.at[nb, 1]], g2.at[nb], gsem.at[nb])
    pltpu.async_copy(h1f.at[srcb2.at[nb]], rows.at[nb], gsem.at[nb])

  def drain_g12(ib):
    pltpu.make_async_copy(es_t.at[idxb.at[ib, 0]], g1.at[ib],
                          gsem.at[ib]).wait()
    pltpu.make_async_copy(ed_t.at[idxb.at[ib, 1]], g2.at[ib],
                          gsem.at[ib]).wait()

  def drain_rows(ib):
    pltpu.make_async_copy(h1f.at[srcb2.at[ib]], rows.at[ib],
                          gsem.at[ib]).wait()

  def drain_scat(ib, q):
    pltpu.make_async_copy(rows.at[ib], acc_s.at[dstb.at[ib]],
                          ssem.at[ib]).wait()
    if q == 0:
      pltpu.make_async_copy(exb.at[ib], den_s.at[dstb.at[ib]],
                            dsem.at[ib]).wait()

  for q in range(2):
    p = 2 * c + q
    hA = jnp.full((LANES,), 2 * p, jnp.int32)
    hB = jnp.full((LANES,), 2 * p + 1, jnp.int32)
    poff = p * NPAD

    issue(0, 0, poff)

    def chunk(i, _):
      ib = lax.rem(i, 2)
      nb = 1 - ib

      @pl.when(i >= 1)
      def _():
        drain_scat(nb, q)

      @pl.when(i + 1 < NCH1)
      def _():
        issue(i + 1, nb, poff)

      drain_g12(ib)

      @plsc.parallel_loop(0, K1, unroll=4)
      def _(k):
        e = g1[ib, k] + g2[ib, k]
        exb[ib, k] = jnp.exp(jnp.maximum(e, 0.2 * e))

      drain_rows(ib)

      @plsc.parallel_loop(0, K1, unroll=2)
      def _(k):
        ex = exb[ib, k]
        bA = _lane_take(ex, hA)
        bB = _lane_take(ex, hB)
        for j in range(8):
          b = bA if j < 4 else bB
          rows[ib, k, pl.ds(16 * j, LANES)] = (
              rows[ib, k, pl.ds(16 * j, LANES)] * b)
      pltpu.async_copy(rows.at[ib], acc_s.at[dstb.at[ib]], ssem.at[ib],
                       add=True)
      if q == 0:
        pltpu.async_copy(exb.at[ib], den_s.at[dstb.at[ib]], dsem.at[ib],
                         add=True)
      return 0

    lax.fori_loop(0, NCH1, chunk, 0)
    drain_scat((NCH1 - 1) % 2, q)
    plsc.subcore_barrier()
    pltpu.sync_copy(acc_s.at[pl.ds(row0, ROWS_PER_TILE)],
                    acc_out.at[p, pl.ds(row0, ROWS_PER_TILE)])
    if q == 0:
      @pl.when(c == 0)
      def _():
        pltpu.sync_copy(den_s.at[pl.ds(row0, ROWS_PER_TILE)],
                        den_out.at[pl.ds(row0, ROWS_PER_TILE)])
      zero_acc()
      plsc.subcore_barrier()


def _sc_l1(h1f, es_t, ed_t, ei):
  mesh = plsc.VectorSubcoreMesh(core_axis_name="c", subcore_axis_name="s",
                                num_cores=NCORES, num_subcores=NSUB)
  f = pl.kernel(
      _sc_l1_body,
      compiler_params=pltpu.CompilerParams(use_tc_tiling_on_sc=False),
      out_type=[
          jax.ShapeDtypeStruct((NP, NPAD, 128), jnp.float32),
          jax.ShapeDtypeStruct((NPAD, 16), jnp.float32),
      ],
      mesh=mesh,
      scratch_types=[
          pltpu.VMEM_SHARED((NPAD, 128), jnp.float32),
          pltpu.VMEM_SHARED((NPAD, 16), jnp.float32),
          pltpu.VMEM((2, 2, K1), jnp.int32),
          pltpu.VMEM((2, K1), jnp.int32),
          pltpu.VMEM((2, K1), jnp.int32),
          pltpu.VMEM((2, K1, 16), jnp.float32),
          pltpu.VMEM((2, K1, 16), jnp.float32),
          pltpu.VMEM((2, K1, 128), jnp.float32),
          pltpu.VMEM((2, K1, 16), jnp.float32),
          pltpu.VMEM((ZROWS, 128), jnp.float32),
          pltpu.VMEM((ZROWS, 16), jnp.float32),
          pltpu.SemaphoreType.DMA((2,)),
          pltpu.SemaphoreType.DMA((2,)),
          pltpu.SemaphoreType.DMA((2,)),
      ],
  )
  return f(h1f, es_t, ed_t, ei)


def _tc_mid_body(acc_ref, den_ref, b1_ref, w2_ref, as2_ref, ad2_ref,
                 ta_ref, tb_ref, tc_ref):
  den = den_ref[...]
  bn = den.shape[0]
  h2 = jnp.zeros((bn, 128), jnp.float32)
  for p in range(NP):
    dA = jnp.broadcast_to(den[:, 2 * p:2 * p + 1], (bn, 64))
    dB = jnp.broadcast_to(den[:, 2 * p + 1:2 * p + 2], (bn, 64))
    d128 = jnp.concatenate([dA, dB], axis=1)
    hp = acc_ref[p] / (d128 + 1e-16) + b1_ref[:, 128 * p:128 * (p + 1)]
    hp = jnp.where(hp > 0, hp, jnp.exp(hp) - 1.0)
    h2 = h2 + jnp.dot(hp, w2_ref[pl.ds(128 * p, 128), :],
                      preferred_element_type=jnp.float32)
  es2 = jnp.sum(h2 * as2_ref[...], axis=1, keepdims=True)
  ed2 = jnp.sum(h2 * ad2_ref[...], axis=1, keepdims=True)
  ta_ref[...] = jnp.concatenate(
      [h2[:, 0:2], jnp.ones((bn, 1), jnp.float32),
       jnp.zeros((bn, 13), jnp.float32)], axis=1)
  tb_ref[...] = jnp.broadcast_to(es2, (bn, 16))
  tc_ref[...] = jnp.broadcast_to(ed2, (bn, 16))


def _tc_mid(acc, den, b1r, w2p, as2, ad2):
  grid = (NPAD // BN,)
  return pl.pallas_call(
      _tc_mid_body,
      grid=grid,
      in_specs=[
          pl.BlockSpec((NP, BN, 128), lambda i: (0, i, 0)),
          pl.BlockSpec((BN, 16), lambda i: (i, 0)),
          pl.BlockSpec((1, HC), lambda i: (0, 0)),
          pl.BlockSpec((HC, 128), lambda i: (0, 0)),
          pl.BlockSpec((1, 128), lambda i: (0, 0)),
          pl.BlockSpec((1, 128), lambda i: (0, 0)),
      ],
      out_specs=[
          pl.BlockSpec((BN, 16), lambda i: (i, 0)),
          pl.BlockSpec((BN, 16), lambda i: (i, 0)),
          pl.BlockSpec((BN, 16), lambda i: (i, 0)),
      ],
      out_shape=[
          jax.ShapeDtypeStruct((NPAD, 16), jnp.float32),
          jax.ShapeDtypeStruct((NPAD, 16), jnp.float32),
          jax.ShapeDtypeStruct((NPAD, 16), jnp.float32),
      ],
  )(acc, den, b1r, w2p, as2, ad2)


def _sc_l2_body(ta, tb, tc, ei_h, acc2_out,
                a2_s, idxb, dstb, gA, gB, gC, vb, zbd, gsem, ssem):
  c = lax.axis_index("c")
  s = lax.axis_index("s")
  row0 = s * ROWS_PER_TILE

  def zrow(i, _):
    zbd[i] = jnp.zeros((LANES,), jnp.float32)
    return 0
  lax.fori_loop(0, ZROWS, zrow, 0)
  for r in range(ROWS_PER_TILE // ZROWS):
    pltpu.sync_copy(zbd, a2_s.at[pl.ds(row0 + r * ZROWS, ZROWS)])
  plsc.subcore_barrier()

  wid = c * NSUB + s
  ept = E // (NCORES * NSUB)

  def issue(i, nb):
    off = pl.multiple_of(wid * ept + i * K2, 8)
    pltpu.sync_copy(ei_h.at[:, pl.ds(off, K2)], idxb.at[nb])
    for t0 in (0, 16, K2 - LANES):
      dstb[nb, pl.ds(t0, LANES)] = idxb[nb, 1, pl.ds(t0, LANES)]
    pltpu.async_copy(ta.at[idxb.at[nb, 0]], gA.at[nb], gsem.at[nb])
    pltpu.async_copy(tb.at[idxb.at[nb, 0]], gB.at[nb], gsem.at[nb])
    pltpu.async_copy(tc.at[idxb.at[nb, 1]], gC.at[nb], gsem.at[nb])

  def drain(ib):
    pltpu.make_async_copy(ta.at[idxb.at[ib, 0]], gA.at[ib],
                          gsem.at[ib]).wait()
    pltpu.make_async_copy(tb.at[idxb.at[ib, 0]], gB.at[ib],
                          gsem.at[ib]).wait()
    pltpu.make_async_copy(tc.at[idxb.at[ib, 1]], gC.at[ib],
                          gsem.at[ib]).wait()

  def drain_scat(ib):
    pltpu.make_async_copy(vb.at[ib], a2_s.at[dstb.at[ib]],
                          ssem.at[ib]).wait()

  issue(0, 0)

  def chunk(i, _):
    ib = lax.rem(i, 2)
    nb = 1 - ib

    @pl.when(i >= 1)
    def _():
      drain_scat(nb)

    @pl.when(i + 1 < NCH2)
    def _():
      issue(i + 1, nb)

    drain(ib)

    @plsc.parallel_loop(0, K2, unroll=4)
    def _(k):
      e = gB[ib, k] + gC[ib, k]
      ev = jnp.exp(jnp.maximum(e, 0.2 * e))
      vb[ib, k] = gA[ib, k] * ev
    pltpu.async_copy(vb.at[ib], a2_s.at[dstb.at[ib]], ssem.at[ib], add=True)
    return 0

  lax.fori_loop(0, NCH2, chunk, 0)
  drain_scat((NCH2 - 1) % 2)
  plsc.subcore_barrier()
  pltpu.sync_copy(a2_s.at[pl.ds(row0, ROWS_PER_TILE)],
                  acc2_out.at[c, pl.ds(row0, ROWS_PER_TILE)])


def _sc_l2(ta, tb, tc, ei):
  mesh = plsc.VectorSubcoreMesh(core_axis_name="c", subcore_axis_name="s",
                                num_cores=NCORES, num_subcores=NSUB)
  f = pl.kernel(
      _sc_l2_body,
      compiler_params=pltpu.CompilerParams(use_tc_tiling_on_sc=False),
      out_type=[jax.ShapeDtypeStruct((NCORES, NPAD, 16), jnp.float32)],
      mesh=mesh,
      scratch_types=[
          pltpu.VMEM_SHARED((NPAD, 16), jnp.float32),
          pltpu.VMEM((2, 2, K2), jnp.int32),
          pltpu.VMEM((2, K2), jnp.int32),
          pltpu.VMEM((2, K2, 16), jnp.float32),
          pltpu.VMEM((2, K2, 16), jnp.float32),
          pltpu.VMEM((2, K2, 16), jnp.float32),
          pltpu.VMEM((2, K2, 16), jnp.float32),
          pltpu.VMEM((ZROWS, 16), jnp.float32),
          pltpu.SemaphoreType.DMA((2,)),
          pltpu.SemaphoreType.DMA((2,)),
      ],
  )
  return f(ta, tb, tc, ei)[0]


def _tc_fin_body(acc2_ref, b2_ref, out_ref):
  t = acc2_ref[0] + acc2_ref[1]
  d = t[:, 2:3] + 1e-16
  out_ref[...] = t / d + b2_ref[...]


def _tc_fin(acc2, b2p):
  grid = (NPAD // BN,)
  return pl.pallas_call(
      _tc_fin_body,
      grid=grid,
      in_specs=[
          pl.BlockSpec((NCORES, BN, 16), lambda i: (0, i, 0)),
          pl.BlockSpec((1, 16), lambda i: (0, 0)),
      ],
      out_specs=pl.BlockSpec((BN, 16), lambda i: (i, 0)),
      out_shape=jax.ShapeDtypeStruct((NPAD, 16), jnp.float32),
  )(acc2, b2p)


def kernel(x, edge_index, W1, a_src1, a_dst1, b1, W2, a_src2, a_dst2, b2):
  mask = jnp.repeat(jnp.eye(H, dtype=jnp.float32), C, axis=0)
  asrc = jnp.pad(mask * a_src1.reshape(HC, 1), ((0, 0), (0, 8)))
  adst = jnp.pad(mask * a_dst1.reshape(HC, 1), ((0, 0), (0, 8)))
  b1r = b1.reshape(1, HC)
  w2p = jnp.pad(W2, ((0, 0), (0, 126)))
  as2 = jnp.pad(a_src2.reshape(1, 2), ((0, 0), (0, 126)))
  ad2 = jnp.pad(a_dst2.reshape(1, 2), ((0, 0), (0, 126)))
  b2p = jnp.pad(b2, (0, 14)).reshape(1, 16)
  xp = jnp.pad(x, ((0, NPAD - N), (0, 0)))

  h1t, es_t, ed_t = _tc_feats(xp, W1, asrc, adst)
  h1f = h1t.reshape(NP * NPAD, 128)
  acc, den = _sc_l1(h1f, es_t, ed_t, edge_index)
  ta, tb, tc = _tc_mid(acc, den, b1r, w2p, as2, ad2)
  acc2 = _sc_l2(ta, tb, tc, edge_index)
  res = _tc_fin(acc2, b2p)
  return res[:N, :2]

# --- scband reference (transcript-rebuilt; emitter-appended) ---
"""Pipeline reference for scband-gatclassifier-45543833207124 (READ-ONLY COPY).

The authoritative reference and input builder live on the scoring server;
editing this copy changes nothing except your own understanding.
"""

import jax, jax.numpy as jnp
import numpy as np


def gat_conv(x, edge_index, W, a_src, a_dst, b, heads, out_ch, concat):
    N = x.shape[0]
    src = edge_index[0]
    dst = edge_index[1]
    h = (x @ W).reshape(N, heads, out_ch)
    es = jnp.sum(h * a_src[None, :, :], axis=-1)
    ed = jnp.sum(h * a_dst[None, :, :], axis=-1)
    e = es[src] + ed[dst]
    e = jax.nn.leaky_relu(e, 0.2)
    emax = jax.ops.segment_max(e, dst, num_segments=N)
    emax = jnp.where(jnp.isfinite(emax), emax, 0.0)
    emax = jax.lax.stop_gradient(emax)
    ex = jnp.exp(e - emax[dst])
    denom = jax.ops.segment_sum(ex, dst, num_segments=N)
    alpha = ex / (denom[dst] + 1e-16)
    msg = h[src] * alpha[:, :, None]
    out = jax.ops.segment_sum(msg, dst, num_segments=N)
    if concat:
        out = out.reshape(N, heads * out_ch)
    else:
        out = jnp.mean(out, axis=1)
    return out + b


def setup_inputs(seed: int = 0):
    key = jax.random.key(seed)
    ks = jax.random.split(key, 12)
    N = 10000
    E = 160000
    F_in = 128
    H = 8
    C = 64
    NC = 2
    x = jax.random.normal(ks[0], (N, F_in), dtype=jnp.float32)
    edge_index = jax.random.randint(ks[1], (2, E), 0, N, dtype=jnp.int32)
    W1 = jax.random.normal(ks[2], (F_in, H * C), dtype=jnp.float32) * (1.0 / np.sqrt(F_in))
    a_src1 = jax.random.normal(ks[3], (H, C), dtype=jnp.float32) * 0.1
    a_dst1 = jax.random.normal(ks[4], (H, C), dtype=jnp.float32) * 0.1
    b1 = jnp.zeros((H * C,), dtype=jnp.float32)
    W2 = jax.random.normal(ks[5], (H * C, 1 * NC), dtype=jnp.float32) * (1.0 / np.sqrt(H * C))
    a_src2 = jax.random.normal(ks[6], (1, NC), dtype=jnp.float32) * 0.1
    a_dst2 = jax.random.normal(ks[7], (1, NC), dtype=jnp.float32) * 0.1
    b2 = jnp.zeros((NC,), dtype=jnp.float32)
    return {"x": x, "edge_index": edge_index, "W1": W1, "a_src1": a_src1, "a_dst1": a_dst1, "b1": b1, "W2": W2, "a_src2": a_src2, "a_dst2": a_dst2, "b2": b2}


def reference(x, edge_index, W1, a_src1, a_dst1, b1, W2, a_src2, a_dst2, b2):
    # conv1: GATConv(128, 64, heads=8, concat=True); dropout is identity in eval mode
    h = gat_conv(x, edge_index, W1, a_src1, a_dst1, b1, 8, 64, True)
    h = jax.nn.elu(h)
    # conv2: GATConv(512, 2, heads=1, concat=False)
    out = gat_conv(h, edge_index, W2, a_src2, a_dst2, b2, 1, 2, False)
    return out

if __name__ == "__main__":
    import jax
    _d = setup_inputs()
    print(jax.jit(kernel)(*tuple(_d.values())))

</pallas_src>

<mosaic_0001>
#map = affine_map<(d0, d1) -> (0, 0)>
#map1 = affine_map<(d0, d1) -> (0, 0, 0)>
module attributes {stable_mosaic.version = 14 : i64} {
  func.func @_sc_l1_body(%arg0: i32, %arg1: i32, %arg2: memref<40960x128xf32, #tpu.memory_space<hbm>>, %arg3: memref<10240x16xf32, #tpu.memory_space<hbm>>, %arg4: memref<10240x16xf32, #tpu.memory_space<hbm>>, %arg5: memref<2x160000xi32, #tpu.memory_space<hbm>>, %arg6: memref<4x10240x128xf32, #tpu.memory_space<hbm>>, %arg7: memref<10240x16xf32, #tpu.memory_space<hbm>>, %arg8: memref<10240x128xf32, #tpu.memory_space<vmem_shared>>, %arg9: memref<10240x16xf32, #tpu.memory_space<vmem_shared>>, %arg10: memref<2x2x80xi32, #tpu.memory_space<vmem>>, %arg11: memref<2x80xi32, #tpu.memory_space<vmem>>, %arg12: memref<2x80xi32, #tpu.memory_space<vmem>>, %arg13: memref<2x80x16xf32, #tpu.memory_space<vmem>>, %arg14: memref<2x80x16xf32, #tpu.memory_space<vmem>>, %arg15: memref<2x80x128xf32, #tpu.memory_space<vmem>>, %arg16: memref<2x80x16xf32, #tpu.memory_space<vmem>>, %arg17: memref<64x128xf32, #tpu.memory_space<vmem>>, %arg18: memref<64x16xf32, #tpu.memory_space<vmem>>, %arg19: memref<2x!tpu.dma_semaphore, #tpu.memory_space<semaphore_mem>>, %arg20: memref<2x!tpu.dma_semaphore, #tpu.memory_space<semaphore_mem>>, %arg21: memref<2x!tpu.dma_semaphore, #tpu.memory_space<semaphore_mem>>) attributes {dimension_semantics = [#tpu.dimension_semantics<core_parallel>, #tpu.dimension_semantics<subcore_parallel>], iteration_bounds = array<i64: 2, 16>, scalar_prefetch = 0 : i64, scratch_operands = 14 : i64, tpu.core_type = #tpu.core_type<sc_vector_subcore>, window_params = [{transform_indices = #map}, {transform_indices = #map}, {transform_indices = #map}, {transform_indices = #map}, {transform_indices = #map1}, {transform_indices = #map}]} {
    %mul3A = arith.constant 640 : i32
    %mul3A_0 = arith.muli %arg1, %mul3A : i32
    %scan3A = arith.constant 0 : i32
    %scan3A_1 = arith.constant 0 : i32
    %scan3A_2 = arith.constant 64 : i32
    %scan3A_3 = arith.addi %scan3A_1, %scan3A_2 : i32
    %scan3A_4 = arith.constant 1 : i32
    %scan3A_5 = scf.for %scan3A_544 = %scan3A_1 to %scan3A_3 step %scan3A_4 iter_args(%scan3A_545 = %scan3A) -> (i32)  : i32 {
      %broadcast_in_dim3A_546 = arith.constant 0.000000e+00 : f32
      %broadcast_in_dim3A_547 = vector.broadcast %broadcast_in_dim3A_546 : f32 to vector<16xf32>
      %swap3A_548 = arith.index_cast %scan3A_544 : i32 to index
      %swap3A_549 = arith.constant 0 : index
      %swap3A_550 = tpu.vector_load %arg17[%swap3A_548, %swap3A_549] {strides = array<i32>} : memref<64x128xf32, #tpu.memory_space<vmem>>, vector<1x16xf32>,
      %swap3A_551 = vector.shape_cast %swap3A_550 : vector<1x16xf32> to vector<16xf32>
      %swap3A_552 = vector.shape_cast %broadcast_in_dim3A_547 : vector<16xf32> to vector<1x16xf32>
      tpu.vector_store %arg17[%swap3A_548, %swap3A_549], %swap3A_552 {strides = array<i32>} : memref<64x128xf32, #tpu.memory_space<vmem>>, vector<1x16xf32>,
      %broadcast_in_dim3A_553 = arith.constant 0.000000e+00 : f32
      %broadcast_in_dim3A_554 = vector.broadcast %broadcast_in_dim3A_553 : f32 to vector<16xf32>
      %swap3A_555 = arith.index_cast %scan3A_544 : i32 to index
      %swap3A_556 = arith.constant 16 : index
      %swap3A_557 = tpu.vector_load %arg17[%swap3A_555, %swap3A_556] {strides = array<i32>} : memref<64x128xf32, #tpu.memory_space<vmem>>, vector<1x16xf32>,
      %swap3A_558 = vector.shape_cast %swap3A_557 : vector<1x16xf32> to vector<16xf32>
      %swap3A_559 = vector.shape_cast %broadcast_in_dim3A_554 : vector<16xf32> to vector<1x16xf32>
      tpu.vector_store %arg17[%swap3A_555, %swap3A_556], %swap3A_559 {strides = array<i32>} : memref<64x128xf32, #tpu.memory_space<vmem>>, vector<1x16xf32>,
      %broadcast_in_dim3A_560 = arith.constant 0.000000e+00 : f32
      %broadcast_in_dim3A_561 = vector.broadcast %broadcast_in_dim3A_560 : f32 to vector<16xf32>
      %swap3A_562 = arith.index_cast %scan3A_544 : i32 to index
      %swap3A_563 = arith.constant 32 : index
      %swap3A_564 = tpu.vector_load %arg17[%swap3A_562, %swap3A_563] {strides = array<i32>} : memref<64x128xf32, #tpu.memory_space<vmem>>, vector<1x16xf32>,
      %swap3A_565 = vector.shape_cast %swap3A_564 : vector<1x16xf32> to vector<16xf32>
      %swap3A_566 = vector.shape_cast %broadcast_in_dim3A_561 : vector<16xf32> to vector<1x16xf32>
      tpu.vector_store %arg17[%swap3A_562, %swap3A_563], %swap3A_566 {strides = array<i32>} : memref<64x128xf32, #tpu.memory_space<vmem>>, vector<1x16xf32>,
      %broadcast_in_dim3A_567 = arith.constant 0.000000e+00 : f32
      %broadcast_in_dim3A_568 = vector.broadcast %broadcast_in_dim3A_567 : f32 to vector<16xf32>
      %swap3A_569 = arith.index_cast %scan3A_544 : i32 to index
      %swap3A_570 = arith.constant 48 : index
      %swap3A_571 = tpu.vector_load %arg17[%swap3A_569, %swap3A_570] {strides = array<i32>} : memref<64x128xf32, #tpu.memory_space<vmem>>, vector<1x16xf32>,
      %swap3A_572 = vector.shape_cast %swap3A_571 : vector<1x16xf32> to vector<16xf32>
      %swap3A_573 = vector.shape_cast %broadcast_in_dim3A_568 : vector<16xf32> to vector<1x16xf32>
      tpu.vector_store %arg17[%swap3A_569, %swap3A_570], %swap3A_573 {strides = array<i32>} : memref<64x128xf32, #tpu.memory_space<vmem>>, vector<1x16xf32>,
      %broadcast_in_dim3A_574 = arith.constant 0.000000e+00 : f32
      %broadcast_in_dim3A_575 = vector.broadcast %broadcast_in_dim3A_574 : f32 to vector<16xf32>
      %swap3A_576 = arith.index_cast %scan3A_544 : i32 to index
      %swap3A_577 = arith.constant 64 : index
      %swap3A_578 = tpu.vector_load %arg17[%swap3A_576, %swap3A_577] {strides = array<i32>} : memref<64x128xf32, #tpu.memory_space<vmem>>, vector<1x16xf32>,
      %swap3A_579 = vector.shape_cast %swap3A_578 : vector<1x16xf32> to vector<16xf32>
      %swap3A_580 = vector.shape_cast %broadcast_in_dim3A_575 : vector<16xf32> to vector<1x16xf32>
      tpu.vector_store %arg17[%swap3A_576, %swap3A_577], %swap3A_580 {strides = array<i32>} : memref<64x128xf32, #tpu.memory_space<vmem>>, vector<1x16xf32>,
      %broadcast_in_dim3A_581 = arith.constant 0.000000e+00 : f32
      %broadcast_in_dim3A_582 = vector.broadcast %broadcast_in_dim3A_581 : f32 to vector<16xf32>
      %swap3A_583 = arith.index_cast %scan3A_544 : i32 to index
      %swap3A_584 = arith.constant 80 : index
      %swap3A_585 = tpu.vector_load %arg17[%swap3A_583, %swap3A_584] {strides = array<i32>} : memref<64x128xf32, #tpu.memory_space<vmem>>, vector<1x16xf32>,
      %swap3A_586 = vector.shape_cast %swap3A_585 : vector<1x16xf32> to vector<16xf32>
      %swap3A_587 = vector.shape_cast %broadcast_in_dim3A_582 : vector<16xf32> to vector<1x16xf32>
      tpu.vector_store %arg17[%swap3A_583, %swap3A_584], %swap3A_587 {strides = array<i32>} : memref<64x128xf32, #tpu.memory_space<vmem>>, vector<1x16xf32>,
      %broadcast_in_dim3A_588 = arith.constant 0.000000e+00 : f32
      %broadcast_in_dim3A_589 = vector.broadcast %broadcast_in_dim3A_588 : f32 to vector<16xf32>
      %swap3A_590 = arith.index_cast %scan3A_544 : i32 to index
      %swap3A_591 = arith.constant 96 : index
      %swap3A_592 = tpu.vector_load %arg17[%swap3A_590, %swap3A_591] {strides = array<i32>} : memref<64x128xf32, #tpu.memory_space<vmem>>, vector<1x16xf32>,
      %swap3A_593 = vector.shape_cast %swap3A_592 : vector<1x16xf32> to vector<16xf32>
      %swap3A_594 = vector.shape_cast %broadcast_in_dim3A_589 : vector<16xf32> to vector<1x16xf32>
      tpu.vector_store %arg17[%swap3A_590, %swap3A_591], %swap3A_594 {strides = array<i32>} : memref<64x128xf32, #tpu.memory_space<vmem>>, vector<1x16xf32>,
      %broadcast_in_dim3A_595 = arith.constant 0.000000e+00 : f32
      %broadcast_in_dim3A_596 = vector.broadcast %broadcast_in_dim3A_595 : f32 to vector<16xf32>
      %swap3A_597 = arith.index_cast %scan3A_544 : i32 to index
      %swap3A_598 = arith.constant 112 : index
      %swap3A_599 = tpu.vector_load %arg17[%swap3A_597, %swap3A_598] {strides = array<i32>} : memref<64x128xf32, #tpu.memory_space<vmem>>, vector<1x16xf32>,
      %swap3A_600 = vector.shape_cast %swap3A_599 : vector<1x16xf32> to vector<16xf32>
      %swap3A_601 = vector.shape_cast %broadcast_in_dim3A_596 : vector<16xf32> to vector<1x16xf32>
      tpu.vector_store %arg17[%swap3A_597, %swap3A_598], %swap3A_601 {strides = array<i32>} : memref<64x128xf32, #tpu.memory_space<vmem>>, vector<1x16xf32>,
      %scan3A_602 = arith.constant 0 : i32
      scf.yield %scan3A_602 : i32
    }
    %scan3A_6 = arith.constant 64 : i32
    %scan3A_7 = arith.constant 0 : i32
    %scan3A_8 = arith.constant 0 : i32
    %scan3A_9 = arith.constant 64 : i32
    %scan3A_10 = arith.addi %scan3A_8, %scan3A_9 : i32
    %scan3A_11 = arith.constant 1 : i32
    %scan3A_12 = scf.for %scan3A_544 = %scan3A_8 to %scan3A_10 step %scan3A_11 iter_args(%scan3A_545 = %scan3A_7) -> (i32)  : i32 {
      %broadcast_in_dim3A_546 = arith.constant 0.000000e+00 : f32
      %broadcast_in_dim3A_547 = vector.broadcast %broadcast_in_dim3A_546 : f32 to vector<16xf32>
      %swap3A_548 = arith.index_cast %scan3A_544 : i32 to index
      %swap3A_549 = arith.constant 0 : index
      %swap3A_550 = tpu.vector_load %arg18[%swap3A_548, %swap3A_549] {strides = array<i32>} : memref<64x16xf32, #tpu.memory_space<vmem>>, vector<1x16xf32>,
      %swap3A_551 = vector.shape_cast %swap3A_550 : vector<1x16xf32> to vector<16xf32>
      %swap3A_552 = vector.shape_cast %broadcast_in_dim3A_547 : vector<16xf32> to vector<1x16xf32>
      tpu.vector_store %arg18[%swap3A_548, %swap3A_549], %swap3A_552 {strides = array<i32>} : memref<64x16xf32, #tpu.memory_space<vmem>>, vector<1x16xf32>,
      %scan3A_553 = arith.constant 0 : i32
      scf.yield %scan3A_553 : i32
    }
    %scan3A_13 = arith.constant 64 : i32
    %add3A = arith.constant 0 : i32
    %add3A_14 = arith.addi %mul3A_0, %add3A : i32
    "tpu.region"() ({
      %run_scoped3A_544 = tpu.sem_alloc : memref<!tpu.dma_semaphore, #tpu.memory_space<semaphore_mem>>
      %dma_start3A_545 = arith.constant 0 : i32
      %dma_start3A_546 = tpu.memref_slice %arg8[%add3A_14, %dma_start3A_545] : memref<10240x128xf32, #tpu.memory_space<vmem_shared>> -> memref<64x128xf32, #tpu.memory_space<vmem_shared>>
      %dma_start3A_547 = arith.constant 0 : i32
      %dma_start3A_548 = tpu.memref_slice %arg8[%add3A_14, %dma_start3A_547] : memref<10240x128xf32, #tpu.memory_space<vmem_shared>> -> memref<64x128xf32, #tpu.memory_space<vmem_shared>>
      tpu.enqueue_dma source(%arg17 : memref<64x128xf32, #tpu.memory_space<vmem>>) target(%dma_start3A_548 : memref<64x128xf32, #tpu.memory_space<vmem_shared>>) target_semaphore(%run_scoped3A_544 : memref<!tpu.dma_semaphore, #tpu.memory_space<semaphore_mem>>)
      %dma_wait3A_549 = arith.constant 0 : i32
      %dma_wait3A_550 = tpu.memref_slice %arg8[%add3A_14, %dma_wait3A_549] : memref<10240x128xf32, #tpu.memory_space<vmem_shared>> -> memref<64x128xf32, #tpu.memory_space<vmem_shared>>
      %dma_wait3A_551 = arith.constant 0 : i32
      %dma_wait3A_552 = tpu.memref_slice %arg8[%add3A_14, %dma_wait3A_551] : memref<10240x128xf32, #tpu.memory_space<vmem_shared>> -> memref<64x128xf32, #tpu.memory_space<vmem_shared>>
      tpu.wait_dma2 semaphore(%run_scoped3A_544 : memref<!tpu.dma_semaphore, #tpu.memory_space<semaphore_mem>>) src(%arg17 : memref<64x128xf32, #tpu.memory_space<vmem>>) dst(%dma_wait3A_552 : memref<64x128xf32, #tpu.memory_space<vmem_shared>>)
      tpu.yield
    }) : () -> ()
    %add3A_15 = arith.constant 64 : i32
    %add3A_16 = arith.addi %mul3A_0, %add3A_15 : i32
    "tpu.region"() ({
      %run_scoped3A_544 = tpu.sem_alloc : memref<!tpu.dma_semaphore, #tpu.memory_space<semaphore_mem>>
      %dma_start3A_545 = arith.constant 0 : i32
      %dma_start3A_546 = tpu.memref_slice %arg8[%add3A_16, %dma_start3A_545] : memref<10240x128xf32, #tpu.memory_space<vmem_shared>> -> memref<64x128xf32, #tpu.memory_space<vmem_shared>>
      %dma_start3A_547 = arith.constant 0 : i32
      %dma_start3A_548 = tpu.memref_slice %arg8[%add3A_16, %dma_start3A_547] : memref<10240x128xf32, #tpu.memory_space<vmem_shared>> -> memref<64x128xf32, #tpu.memory_space<vmem_shared>>
      tpu.enqueue_dma source(%arg17 : memref<64x128xf32, #tpu.memory_space<vmem>>) target(%dma_start3A_548 : memref<64x128xf32, #tpu.memory_space<vmem_shared>>) target_semaphore(%run_scoped3A_544 : memref<!tpu.dma_semaphore, #tpu.memory_space<semaphore_mem>>)
      %dma_wait3A_549 = arith.constant 0 : i32
      %dma_wait3A_550 = tpu.memref_slice %arg8[%add3A_16, %dma_wait3A_549] : memref<10240x128xf32, #tpu.memory_space<vmem_shared>> -> memref<64x128xf32, #tpu.memory_space<vmem_shared>>
      %dma_wait3A_551 = arith.constant 0 : i32
      %dma_wait3A_552 = tpu.memref_slice %arg8[%add3A_16, %dma_wait3A_551] : memref<10240x128xf32, #tpu.memory_space<vmem_shared>> -> memref<64x128xf32, #tpu.memory_space<vmem_shared>>
      tpu.wait_dma2 semaphore(%run_scoped3A_544 : memref<!tpu.dma_semaphore, #tpu.memory_space<semaphore_mem>>) src(%arg17 : memref<64x128xf32, #tpu.memory_space<vmem>>) dst(%dma_wait3A_552 : memref<64x128xf32, #tpu.memory_space<vmem_shared>>)
      tpu.yield
    }) : () -> ()
    %add3A_17 = arith.constant 128 : i32
    %add3A_18 = arith.addi %mul3A_0, %add3A_17 : i32
    "tpu.region"() ({
      %run_scoped3A_544 = tpu.sem_alloc : memref<!tpu.dma_semaphore, #tpu.memory_space<semaphore_mem>>
      %dma_start3A_545 = arith.constant 0 : i32
      %dma_start3A_546 = tpu.memref_slice %arg8[%add3A_18, %dma_start3A_545] : memref<10240x128xf32, #tpu.memory_space<vmem_shared>> -> memref<64x128xf32, #tpu.memory_space<vmem_shared>>
      %dma_start3A_547 = arith.constant 0 : i32
      %dma_start3A_548 = tpu.memref_slice %arg8[%add3A_18, %dma_start3A_547] : memref<10240x128xf32, #tpu.memory_space<vmem_shared>> -> memref<64x128xf32, #tpu.memory_space<vmem_shared>>
      tpu.enqueue_dma source(%arg17 : memref<64x128xf32, #tpu.memory_space<vmem>>) target(%dma_start3A_548 : memref<64x128xf32, #tpu.memory_space<vmem_shared>>) target_semaphore(%run_scoped3A_544 : memref<!tpu.dma_semaphore, #tpu.memory_space<semaphore_mem>>)
      %dma_wait3A_549 = arith.constant 0 : i32
      %dma_wait3A_550 = tpu.memref_slice %arg8[%add3A_18, %dma_wait3A_549] : memref<10240x128xf32, #tpu.memory_space<vmem_shared>> -> memref<64x128xf32, #tpu.memory_space<vmem_shared>>
      %dma_wait3A_551 = arith.constant 0 : i32
      %dma_wait3A_552 = tpu.memref_slice %arg8[%add3A_18, %dma_wait3A_551] : memref<10240x128xf32, #tpu.memory_space<vmem_shared>> -> memref<64x128xf32, #tpu.memory_space<vmem_shared>>
      tpu.wait_dma2 semaphore(%run_scoped3A_544 : memref<!tpu.dma_semaphore, #tpu.memory_space<semaphore_mem>>) src(%arg17 : memref<64x128xf32, #tpu.memory_space<vmem>>) dst(%dma_wait3A_552 : memref<64x128xf32, #tpu.memory_space<vmem_shared>>)
      tpu.yield
    }) : () -> ()
    %add3A_19 = arith.constant 192 : i32
    %add3A_20 = arith.addi %mul3A_0, %add3A_19 : i32
    "tpu.region"() ({
      %run_scoped3A_544 = tpu.sem_alloc : memref<!tpu.dma_semaphore, #tpu.memory_space<semaphore_mem>>
      %dma_start3A_545 = arith.constant 0 : i32
      %dma_start3A_546 = tpu.memref_slice %arg8[%add3A_20, %dma_start3A_545] : memref<10240x128xf32, #tpu.memory_space<vmem_shared>> -> memref<64x128xf32, #tpu.memory_space<vmem_shared>>
      %dma_start3A_547 = arith.constant 0 : i32
      %dma_start3A_548 = tpu.memref_slice %arg8[%add3A_20, %dma_start3A_547] : memref<10240x128xf32, #tpu.memory_space<vmem_shared>> -> memref<64x128xf32, #tpu.memory_space<vmem_shared>>
      tpu.enqueue_dma source(%arg17 : memref<64x128xf32, #tpu.memory_space<vmem>>) target(%dma_start3A_548 : memref<64x128xf32, #tpu.memory_space<vmem_shared>>) target_semaphore(%run_scoped3A_544 : memref<!tpu.dma_semaphore, #tpu.memory_space<semaphore_mem>>)
      %dma_wait3A_549 = arith.constant 0 : i32
      %dma_wait3A_550 = tpu.memref_slice %arg8[%add3A_20, %dma_wait3A_549] : memref<10240x128xf32, #tpu.memory_space<vmem_shared>> -> memref<64x128xf32, #tpu.memory_space<vmem_shared>>
      %dma_wait3A_551 = arith.constant 0 : i32
      %dma_wait3A_552 = tpu.memref_slice %arg8[%add3A_20, %dma_wait3A_551] : memref<10240x128xf32, #tpu.memory_space<vmem_shared>> -> memref<64x128xf32, #tpu.memory_space<vmem_shared>>
      tpu.wait_dma2 semaphore(%run_scoped3A_544 : memref<!tpu.dma_semaphore, #tpu.memory_space<semaphore_mem>>) src(%arg17 : memref<64x128xf32, #tpu.memory_space<vmem>>) dst(%dma_wait3A_552 : memref<64x128xf32, #tpu.memory_space<vmem_shared>>)
      tpu.yield
    }) : () -> ()
    %add3A_21 = arith.constant 256 : i32
    %add3A_22 = arith.addi %mul3A_0, %add3A_21 : i32
    "tpu.region"() ({
      %run_scoped3A_544 = tpu.sem_alloc : memref<!tpu.dma_semaphore, #tpu.memory_space<semaphore_mem>>
      %dma_start3A_545 = arith.constant 0 : i32
      %dma_start3A_546 = tpu.memref_slice %arg8[%add3A_22, %dma_start3A_545] : memref<10240x128xf32, #tpu.memory_space<vmem_shared>> -> memref<64x128xf32, #tpu.memory_space<vmem_shared>>
      %dma_start3A_547 = arith.constant 0 : i32
      %dma_start3A_548 = tpu.memref_slice %arg8[%add3A_22, %dma_start3A_547] : memref<10240x128xf32, #tpu.memory_space<vmem_shared>> -> memref<64x128xf32, #tpu.memory_space<vmem_shared>>
      tpu.enqueue_dma source(%arg17 : memref<64x128xf32, #tpu.memory_space<vmem>>) target(%dma_start3A_548 : memref<64x128xf32, #tpu.memory_space<vmem_shared>>) target_semaphore(%run_scoped3A_544 : memref<!tpu.dma_semaphore, #tpu.memory_space<semaphore_mem>>)
      %dma_wait3A_549 = arith.constant 0 : i32
      %dma_wait3A_550 = tpu.memref_slice %arg8[%add3A_22, %dma_wait3A_549] : memref<10240x128xf32, #tpu.memory_space<vmem_shared>> -> memref<64x128xf32, #tpu.memory_space<vmem_shared>>
      %dma_wait3A_551 = arith.constant 0 : i32
      %dma_wait3A_552 = tpu.memref_slice %arg8[%add3A_22, %dma_wait3A_551] : memref<10240x128xf32, #tpu.memory_space<vmem_shared>> -> memref<64x128xf32, #tpu.memory_space<vmem_shared>>
      tpu.wait_dma2 semaphore(%run_scoped3A_544 : memref<!tpu.dma_semaphore, #tpu.memory_space<semaphore_mem>>) src(%arg17 : memref<64x128xf32, #tpu.memory_space<vmem>>) dst(%dma_wait3A_552 : memref<64x128xf32, #tpu.memory_space<vmem_shared>>)
      tpu.yield
    }) : () -> ()
    %add3A_23 = arith.constant 320 : i32
    %add3A_24 = arith.addi %mul3A_0, %add3A_23 : i32
    "tpu.region"() ({
      %run_scoped3A_544 = tpu.sem_alloc : memref<!tpu.dma_semaphore, #tpu.memory_space<semaphore_mem>>
      %dma_start3A_545 = arith.constant 0 : i32
      %dma_start3A_546 = tpu.memref_slice %arg8[%add3A_24, %dma_start3A_545] : memref<10240x128xf32, #tpu.memory_space<vmem_shared>> -> memref<64x128xf32, #tpu.memory_space<vmem_shared>>
      %dma_start3A_547 = arith.constant 0 : i32
      %dma_start3A_548 = tpu.memref_slice %arg8[%add3A_24, %dma_start3A_547] : memref<10240x128xf32, #tpu.memory_space<vmem_shared>> -> memref<64x128xf32, #tpu.memory_space<vmem_shared>>
      tpu.enqueue_dma source(%arg17 : memref<64x128xf32, #tpu.memory_space<vmem>>) target(%dma_start3A_548 : memref<64x128xf32, #tpu.memory_space<vmem_shared>>) target_semaphore(%run_scoped3A_544 : memref<!tpu.dma_semaphore, #tpu.memory_space<semaphore_mem>>)
      %dma_wait3A_549 = arith.constant 0 : i32
      %dma_wait3A_550 = tpu.memref_slice %arg8[%add3A_24, %dma_wait3A_549] : memref<10240x128xf32, #tpu.memory_space<vmem_shared>> -> memref<64x128xf32, #tpu.memory_space<vmem_shared>>
      %dma_wait3A_551 = arith.constant 0 : i32
      %dma_wait3A_552 = tpu.memref_slice %arg8[%add3A_24, %dma_wait3A_551] : memref<10240x128xf32, #tpu.memory_space<vmem_shared>> -> memref<64x128xf32, #tpu.memory_space<vmem_shared>>
      tpu.wait_dma2 semaphore(%run_scoped3A_544 : memref<!tpu.dma_semaphore, #tpu.memory_space<semaphore_mem>>) src(%arg17 : memref<64x128xf32, #tpu.memory_space<vmem>>) dst(%dma_wait3A_552 : memref<64x128xf32, #tpu.memory_space<vmem_shared>>)
      tpu.yield
    }) : () -> ()
    %add3A_25 = arith.constant 384 : i32
    %add3A_26 = arith.addi %mul3A_0, %add3A_25 : i32
    "tpu.region"() ({
      %run_scoped3A_544 = tpu.sem_alloc : memref<!tpu.dma_semaphore, #tpu.memory_space<semaphore_mem>>
      %dma_start3A_545 = arith.constant 0 : i32
      %dma_start3A_546 = tpu.memref_slice %arg8[%add3A_26, %dma_start3A_545] : memref<10240x128xf32, #tpu.memory_space<vmem_shared>> -> memref<64x128xf32, #tpu.memory_space<vmem_shared>>
      %dma_start3A_547 = arith.constant 0 : i32
      %dma_start3A_548 = tpu.memref_slice %arg8[%add3A_26, %dma_start3A_547] : memref<10240x128xf32, #tpu.memory_space<vmem_shared>> -> memref<64x128xf32, #tpu.memory_space<vmem_shared>>
      tpu.enqueue_dma source(%arg17 : memref<64x128xf32, #tpu.memory_space<vmem>>) target(%dma_start3A_548 : memref<64x128xf32, #tpu.memory_space<vmem_shared>>) target_semaphore(%run_scoped3A_544 : memref<!tpu.dma_semaphore, #tpu.memory_space<semaphore_mem>>)
      %dma_wait3A_549 = arith.constant 0 : i32
      %dma_wait3A_550 = tpu.memref_slice %arg8[%add3A_26, %dma_wait3A_549] : memref<10240x128xf32, #tpu.memory_space<vmem_shared>> -> memref<64x128xf32, #tpu.memory_space<vmem_shared>>
      %dma_wait3A_551 = arith.constant 0 : i32
      %dma_wait3A_552 = tpu.memref_slice %arg8[%add3A_26, %dma_wait3A_551] : memref<10240x128xf32, #tpu.memory_space<vmem_shared>> -> memref<64x128xf32, #tpu.memory_space<vmem_shared>>
      tpu.wait_dma2 semaphore(%run_scoped3A_544 : memref<!tpu.dma_semaphore, #tpu.memory_space<semaphore_mem>>) src(%arg17 : memref<64x128xf32, #tpu.memory_space<vmem>>) dst(%dma_wait3A_552 : memref<64x128xf32, #tpu.memory_space<vmem_shared>>)
      tpu.yield
    }) : () -> ()
    %add3A_27 = arith.constant 448 : i32
    %add3A_28 = arith.addi %mul3A_0, %add3A_27 : i32
    "tpu.region"() ({
      %run_scoped3A_544 = tpu.sem_alloc : memref<!tpu.dma_semaphore, #tpu.memory_space<semaphore_mem>>
      %dma_start3A_545 = arith.constant 0 : i32
      %dma_start3A_546 = tpu.memref_slice %arg8[%add3A_28, %dma_start3A_545] : memref<10240x128xf32, #tpu.memory_space<vmem_shared>> -> memref<64x128xf32, #tpu.memory_space<vmem_shared>>
      %dma_start3A_547 = arith.constant 0 : i32
      %dma_start3A_548 = tpu.memref_slice %arg8[%add3A_28, %dma_start3A_547] : memref<10240x128xf32, #tpu.memory_space<vmem_shared>> -> memref<64x128xf32, #tpu.memory_space<vmem_shared>>
      tpu.enqueue_dma source(%arg17 : memref<64x128xf32, #tpu.memory_space<vmem>>) target(%dma_start3A_548 : memref<64x128xf32, #tpu.memory_space<vmem_shared>>) target_semaphore(%run_scoped3A_544 : memref<!tpu.dma_semaphore, #tpu.memory_space<semaphore_mem>>)
      %dma_wait3A_549 = arith.constant 0 : i32
      %dma_wait3A_550 = tpu.memref_slice %arg8[%add3A_28, %dma_wait3A_549] : memref<10240x128xf32, #tpu.memory_space<vmem_shared>> -> memref<64x128xf32, #tpu.memory_space<vmem_shared>>
      %dma_wait3A_551 = arith.constant 0 : i32
      %dma_wait3A_552 = tpu.memref_slice %arg8[%add3A_28, %dma_wait3A_551] : memref<10240x128xf32, #tpu.memory_space<vmem_shared>> -> memref<64x128xf32, #tpu.memory_space<vmem_shared>>
      tpu.wait_dma2 semaphore(%run_scoped3A_544 : memref<!tpu.dma_semaphore, #tpu.memory_space<semaphore_mem>>) src(%arg17 : memref<64x128xf32, #tpu.memory_space<vmem>>) dst(%dma_wait3A_552 : memref<64x128xf32, #tpu.memory_space<vmem_shared>>)
      tpu.yield
    }) : () -> ()
    %add3A_29 = arith.constant 512 : i32
    %add3A_30 = arith.addi %mul3A_0, %add3A_29 : i32
    "tpu.region"() ({
      %run_scoped3A_544 = tpu.sem_alloc : memref<!tpu.dma_semaphore, #tpu.memory_space<semaphore_mem>>
      %dma_start3A_545 = arith.constant 0 : i32
      %dma_start3A_546 = tpu.memref_slice %arg8[%add3A_30, %dma_start3A_545] : memref<10240x128xf32, #tpu.memory_space<vmem_shared>> -> memref<64x128xf32, #tpu.memory_space<vmem_shared>>
      %dma_start3A_547 = arith.constant 0 : i32
      %dma_start3A_548 = tpu.memref_slice %arg8[%add3A_30, %dma_start3A_547] : memref<10240x128xf32, #tpu.memory_space<vmem_shared>> -> memref<64x128xf32, #tpu.memory_space<vmem_shared>>
      tpu.enqueue_dma source(%arg17 : memref<64x128xf32, #tpu.memory_space<vmem>>) target(%dma_start3A_548 : memref<64x128xf32, #tpu.memory_space<vmem_shared>>) target_semaphore(%run_scoped3A_544 : memref<!tpu.dma_semaphore, #tpu.memory_space<semaphore_mem>>)
      %dma_wait3A_549 = arith.constant 0 : i32
      %dma_wait3A_550 = tpu.memref_slice %arg8[%add3A_30, %dma_wait3A_549] : memref<10240x128xf32, #tpu.memory_space<vmem_shared>> -> memref<64x128xf32, #tpu.memory_space<vmem_shared>>
      %dma_wait3A_551 = arith.constant 0 : i32
      %dma_wait3A_552 = tpu.memref_slice %arg8[%add3A_30, %dma_wait3A_551] : memref<10240x128xf32, #tpu.memory_space<vmem_shared>> -> memref<64x128xf32, #tpu.memory_space<vmem_shared>>
      tpu.wait_dma2 semaphore(%run_scoped3A_544 : memref<!tpu.dma_semaphore, #tpu.memory_space<semaphore_mem>>) src(%arg17 : memref<64x128xf32, #tpu.memory_space<vmem>>) dst(%dma_wait3A_552 : memref<64x128xf32, #tpu.memory_space<vmem_shared>>)
      tpu.yield
    }) : () -> ()
    %add3A_31 = arith.constant 576 : i32
    %add3A_32 = arith.addi %mul3A_0, %add3A_31 : i32
    "tpu.region"() ({
      %run_scoped3A_544 = tpu.sem_alloc : memref<!tpu.dma_semaphore, #tpu.memory_space<semaphore_mem>>
      %dma_start3A_545 = arith.constant 0 : i32
      %dma_start3A_546 = tpu.memref_slice %arg8[%add3A_32, %dma_start3A_545] : memref<10240x128xf32, #tpu.memory_space<vmem_shared>> -> memref<64x128xf32, #tpu.memory_space<vmem_shared>>
      %dma_start3A_547 = arith.constant 0 : i32
      %dma_start3A_548 = tpu.memref_slice %arg8[%add3A_32, %dma_start3A_547] : memref<10240x128xf32, #tpu.memory_space<vmem_shared>> -> memref<64x128xf32, #tpu.memory_space<vmem_shared>>
      tpu.enqueue_dma source(%arg17 : memref<64x128xf32, #tpu.memory_space<vmem>>) target(%dma_start3A_548 : memref<64x128xf32, #tpu.memory_space<vmem_shared>>) target_semaphore(%run_scoped3A_544 : memref<!tpu.dma_semaphore, #tpu.memory_space<semaphore_mem>>)
      %dma_wait3A_549 = arith.constant 0 : i32
      %dma_wait3A_550 = tpu.memref_slice %arg8[%add3A_32, %dma_wait3A_549] : memref<10240x128xf32, #tpu.memory_space<vmem_shared>> -> memref<64x128xf32, #tpu.memory_space<vmem_shared>>
      %dma_wait3A_551 = arith.constant 0 : i32
      %dma_wait3A_552 = tpu.memref_slice %arg8[%add3A_32, %dma_wait3A_551] : memref<10240x128xf32, #tpu.memory_space<vmem_shared>> -> memref<64x128xf32, #tpu.memory_space<vmem_shared>>
      tpu.wait_dma2 semaphore(%run_scoped3A_544 : memref<!tpu.dma_semaphore, #tpu.memory_space<semaphore_mem>>) src(%arg17 : memref<64x128xf32, #tpu.memory_space<vmem>>) dst(%dma_wait3A_552 : memref<64x128xf32, #tpu.memory_space<vmem_shared>>)
      tpu.yield
    }) : () -> ()
    %add3A_33 = arith.constant 0 : i32
    %add3A_34 = arith.addi %mul3A_0, %add3A_33 : i32
    "tpu.region"() ({
      %run_scoped3A_544 = tpu.sem_alloc : memref<!tpu.dma_semaphore, #tpu.memory_space<semaphore_mem>>
      %dma_start3A_545 = arith.constant 0 : i32
      %dma_start3A_546 = tpu.memref_slice %arg9[%add3A_34, %dma_start3A_545] : memref<10240x16xf32, #tpu.memory_space<vmem_shared>> -> memref<64x16xf32, #tpu.memory_space<vmem_shared>>
      %dma_start3A_547 = arith.constant 0 : i32
      %dma_start3A_548 = tpu.memref_slice %arg9[%add3A_34, %dma_start3A_547] : memref<10240x16xf32, #tpu.memory_space<vmem_shared>> -> memref<64x16xf32, #tpu.memory_space<vmem_shared>>
      tpu.enqueue_dma source(%arg18 : memref<64x16xf32, #tpu.memory_space<vmem>>) target(%dma_start3A_548 : memref<64x16xf32, #tpu.memory_space<vmem_shared>>) target_semaphore(%run_scoped3A_544 : memref<!tpu.dma_semaphore, #tpu.memory_space<semaphore_mem>>)
      %dma_wait3A_549 = arith.constant 0 : i32
      %dma_wait3A_550 = tpu.memref_slice %arg9[%add3A_34, %dma_wait3A_549] : memref<10240x16xf32, #tpu.memory_space<vmem_shared>> -> memref<64x16xf32, #tpu.memory_space<vmem_shared>>
      %dma_wait3A_551 = arith.constant 0 : i32
      %dma_wait3A_552 = tpu.memref_slice %arg9[%add3A_34, %dma_wait3A_551] : memref<10240x16xf32, #tpu.memory_space<vmem_shared>> -> memref<64x16xf32, #tpu.memory_space<vmem_shared>>
      tpu.wait_dma2 semaphore(%run_scoped3A_544 : memref<!tpu.dma_semaphore, #tpu.memory_space<semaphore_mem>>) src(%arg18 : memref<64x16xf32, #tpu.memory_space<vmem>>) dst(%dma_wait3A_552 : memref<64x16xf32, #tpu.memory_space<vmem_shared>>)
      tpu.yield
    }) : () -> ()
    %add3A_35 = arith.constant 64 : i32
    %add3A_36 = arith.addi %mul3A_0, %add3A_35 : i32
    "tpu.region"() ({
      %run_scoped3A_544 = tpu.sem_alloc : memref<!tpu.dma_semaphore, #tpu.memory_space<semaphore_mem>>
      %dma_start3A_545 = arith.constant 0 : i32
      %dma_start3A_546 = tpu.memref_slice %arg9[%add3A_36, %dma_start3A_545] : memref<10240x16xf32, #tpu.memory_space<vmem_shared>> -> memref<64x16xf32, #tpu.memory_space<vmem_shared>>
      %dma_start3A_547 = arith.constant 0 : i32
      %dma_start3A_548 = tpu.memref_slice %arg9[%add3A_36, %dma_start3A_547] : memref<10240x16xf32, #tpu.memory_space<vmem_shared>> -> memref<64x16xf32, #tpu.memory_space<vmem_shared>>
      tpu.enqueue_dma source(%arg18 : memref<64x16xf32, #tpu.memory_space<vmem>>) target(%dma_start3A_548 : memref<64x16xf32, #tpu.memory_space<vmem_shared>>) target_semaphore(%run_scoped3A_544 : memref<!tpu.dma_semaphore, #tpu.memory_space<semaphore_mem>>)
      %dma_wait3A_549 = arith.constant 0 : i32
      %dma_wait3A_550 = tpu.memref_slice %arg9[%add3A_36, %dma_wait3A_549] : memref<10240x16xf32, #tpu.memory_space<vmem_shared>> -> memref<64x16xf32, #tpu.memory_space<vmem_shared>>
      %dma_wait3A_551 = arith.constant 0 : i32
      %dma_wait3A_552 = tpu.memref_slice %arg9[%add3A_36, %dma_wait3A_551] : memref<10240x16xf32, #tpu.memory_space<vmem_shared>> -> memref<64x16xf32, #tpu.memory_space<vmem_shared>>
      tpu.wait_dma2 semaphore(%run_scoped3A_544 : memref<!tpu.dma_semaphore, #tpu.memory_space<semaphore_mem>>) src(%arg18 : memref<64x16xf32, #tpu.memory_space<vmem>>) dst(%dma_wait3A_552 : memref<64x16xf32, #tpu.memory_space<vmem_shared>>)
      tpu.yield
    }) : () -> ()
    %add3A_37 = arith.constant 128 : i32
    %add3A_38 = arith.addi %mul3A_0, %add3A_37 : i32
    "tpu.region"() ({
      %run_scoped3A_544 = tpu.sem_alloc : memref<!tpu.dma_semaphore, #tpu.memory_space<semaphore_mem>>
      %dma_start3A_545 = arith.constant 0 : i32
      %dma_start3A_546 = tpu.memref_slice %arg9[%add3A_38, %dma_start3A_545] : memref<10240x16xf32, #tpu.memory_space<vmem_shared>> -> memref<64x16xf32, #tpu.memory_space<vmem_shared>>
      %dma_start3A_547 = arith.constant 0 : i32
      %dma_start3A_548 = tpu.memref_slice %arg9[%add3A_38, %dma_start3A_547] : memref<10240x16xf32, #tpu.memory_space<vmem_shared>> -> memref<64x16xf32, #tpu.memory_space<vmem_shared>>
      tpu.enqueue_dma source(%arg18 : memref<64x16xf32, #tpu.memory_space<vmem>>) target(%dma_start3A_548 : memref<64x16xf32, #tpu.memory_space<vmem_shared>>) target_semaphore(%run_scoped3A_544 : memref<!tpu.dma_semaphore, #tpu.memory_space<semaphore_mem>>)
      %dma_wait3A_549 = arith.constant 0 : i32
      %dma_wait3A_550 = tpu.memref_slice %arg9[%add3A_38, %dma_wait3A_549] : memref<10240x16xf32, #tpu.memory_space<vmem_shared>> -> memref<64x16xf32, #tpu.memory_space<vmem_shared>>
      %dma_wait3A_551 = arith.constant 0 : i32
      %dma_wait3A_552 = tpu.memref_slice %arg9[%add3A_38, %dma_wait3A_551] : memref<10240x16xf32, #tpu.memory_space<vmem_shared>> -> memref<64x16xf32, #tpu.memory_space<vmem_shared>>
      tpu.wait_dma2 semaphore(%run_scoped3A_544 : memref<!tpu.dma_semaphore, #tpu.memory_space<semaphore_mem>>) src(%arg18 : memref<64x16xf32, #tpu.memory_space<vmem>>) dst(%dma_wait3A_552 : memref<64x16xf32, #tpu.memory_space<vmem_shared>>)
      tpu.yield
    }) : () -> ()
    %add3A_39 = arith.constant 192 : i32
    %add3A_40 = arith.addi %mul3A_0, %add3A_39 : i32
    "tpu.region"() ({
      %run_scoped3A_544 = tpu.sem_alloc : memref<!tpu.dma_semaphore, #tpu.memory_space<semaphore_mem>>
      %dma_start3A_545 = arith.constant 0 : i32
      %dma_start3A_546 = tpu.memref_slice %arg9[%add3A_40, %dma_start3A_545] : memref<10240x16xf32, #tpu.memory_space<vmem_shared>> -> memref<64x16xf32, #tpu.memory_space<vmem_shared>>
      %dma_start3A_547 = arith.constant 0 : i32
      %dma_start3A_548 = tpu.memref_slice %arg9[%add3A_40, %dma_start3A_547] : memref<10240x16xf32, #tpu.memory_space<vmem_shared>> -> memref<64x16xf32, #tpu.memory_space<vmem_shared>>
      tpu.enqueue_dma source(%arg18 : memref<64x16xf32, #tpu.memory_space<vmem>>) target(%dma_start3A_548 : memref<64x16xf32, #tpu.memory_space<vmem_shared>>) target_semaphore(%run_scoped3A_544 : memref<!tpu.dma_semaphore, #tpu.memory_space<semaphore_mem>>)
      %dma_wait3A_549 = arith.constant 0 : i32
      %dma_wait3A_550 = tpu.memref_slice %arg9[%add3A_40, %dma_wait3A_549] : memref<10240x16xf32, #tpu.memory_space<vmem_shared>> -> memref<64x16xf32, #tpu.memory_space<vmem_shared>>
      %dma_wait3A_551 = arith.constant 0 : i32
      %dma_wait3A_552 = tpu.memref_slice %arg9[%add3A_40, %dma_wait3A_551] : memref<10240x16xf32, #tpu.memory_space<vmem_shared>> -> memref<64x16xf32, #tpu.memory_space<vmem_shared>>
      tpu.wait_dma2 semaphore(%run_scoped3A_544 : memref<!tpu.dma_semaphore, #tpu.memory_space<semaphore_mem>>) src(%arg18 : memref<64x16xf32, #tpu.memory_space<vmem>>) dst(%dma_wait3A_552 : memref<64x16xf32, #tpu.memory_space<vmem_shared>>)
      tpu.yield
    }) : () -> ()
    %add3A_41 = arith.constant 256 : i32
    %add3A_42 = arith.addi %mul3A_0, %add3A_41 : i32
    "tpu.region"() ({
      %run_scoped3A_544 = tpu.sem_alloc : memref<!tpu.dma_semaphore, #tpu.memory_space<semaphore_mem>>
      %dma_start3A_545 = arith.constant 0 : i32
      %dma_start3A_546 = tpu.memref_slice %arg9[%add3A_42, %dma_start3A_545] : memref<10240x16xf32, #tpu.memory_space<vmem_shared>> -> memref<64x16xf32, #tpu.memory_space<vmem_shared>>
      %dma_start3A_547 = arith.constant 0 : i32
      %dma_start3A_548 = tpu.memref_slice %arg9[%add3A_42, %dma_start3A_547] : memref<10240x16xf32, #tpu.memory_space<vmem_shared>> -> memref<64x16xf32, #tpu.memory_space<vmem_shared>>
      tpu.enqueue_dma source(%arg18 : memref<64x16xf32, #tpu.memory_space<vmem>>) target(%dma_start3A_548 : memref<64x16xf32, #tpu.memory_space<vmem_shared>>) target_semaphore(%run_scoped3A_544 : memref<!tpu.dma_semaphore, #tpu.memory_space<semaphore_mem>>)
      %dma_wait3A_549 = arith.constant 0 : i32
      %dma_wait3A_550 = tpu.memref_slice %arg9[%add3A_42, %dma_wait3A_549] : memref<10240x16xf32, #tpu.memory_space<vmem_shared>> -> memref<64x16xf32, #tpu.memory_space<vmem_shared>>
      %dma_wait3A_551 = arith.constant 0 : i32
      %dma_wait3A_552 = tpu.memref_slice %arg9[%add3A_42, %dma_wait3A_551] : memref<10240x16xf32, #tpu.memory_space<vmem_shared>> -> memref<64x16xf32, #tpu.memory_space<vmem_shared>>
      tpu.wait_dma2 semaphore(%run_scoped3A_544 : memref<!tpu.dma_semaphore, #tpu.memory_space<semaphore_mem>>) src(%arg18 : memref<64x16xf32, #tpu.memory_space<vmem>>) dst(%dma_wait3A_552 : memref<64x16xf32, #tpu.memory_space<vmem_shared>>)
      tpu.yield
    }) : () -> ()
    %add3A_43 = arith.constant 320 : i32
    %add3A_44 = arith.addi %mul3A_0, %add3A_43 : i32
    "tpu.region"() ({
      %run_scoped3A_544 = tpu.sem_alloc : memref<!tpu.dma_semaphore, #tpu.memory_space<semaphore_mem>>
      %dma_start3A_545 = arith.constant 0 : i32
      %dma_start3A_546 = tpu.memref_slice %arg9[%add3A_44, %dma_start3A_545] : memref<10240x16xf32, #tpu.memory_space<vmem_shared>> -> memref<64x16xf32, #tpu.memory_space<vmem_shared>>
      %dma_start3A_547 = arith.constant 0 : i32
      %dma_start3A_548 = tpu.memref_slice %arg9[%add3A_44, %dma_start3A_547] : memref<10240x16xf32, #tpu.memory_space<vmem_shared>> -> memref<64x16xf32, #tpu.memory_space<vmem_shared>>
      tpu.enqueue_dma source(%arg18 : memref<64x16xf32, #tpu.memory_space<vmem>>) target(%dma_start3A_548 : memref<64x16xf32, #tpu.memory_space<vmem_shared>>) target_semaphore(%run_scoped3A_544 : memref<!tpu.dma_semaphore, #tpu.memory_space<semaphore_mem>>)
      %dma_wait3A_549 = arith.constant 0 : i32
      %dma_wait3A_550 = tpu.memref_slice %arg9[%add3A_44, %dma_wait3A_549] : memref<10240x16xf32, #tpu.memory_space<vmem_shared>> -> memref<64x16xf32, #tpu.memory_space<vmem_shared>>
      %dma_wait3A_551 = arith.constant 0 : i32
      %dma_wait3A_552 = tpu.memref_slice %arg9[%add3A_44, %dma_wait3A_551] : memref<10240x16xf32, #tpu.memory_space<vmem_shared>> -> memref<64x16xf32, #tpu.memory_space<vmem_shared>>
      tpu.wait_dma2 semaphore(%run_scoped3A_544 : memref<!tpu.dma_semaphore, #tpu.memory_space<semaphore_mem>>) src(%arg18 : memref<64x16xf32, #tpu.memory_space<vmem>>) dst(%dma_wait3A_552 : memref<64x16xf32, #tpu.memory_space<vmem_shared>>)
      tpu.yield
    }) : () -> ()
    %add3A_45 = arith.constant 384 : i32
    %add3A_46 = arith.addi %mul3A_0, %add3A_45 : i32
    "tpu.region"() ({
      %run_scoped3A_544 = tpu.sem_alloc : memref<!tpu.dma_semaphore, #tpu.memory_space<semaphore_mem>>
      %dma_start3A_545 = arith.constant 0 : i32
      %dma_start3A_546 = tpu.memref_slice %arg9[%add3A_46, %dma_start3A_545] : memref<10240x16xf32, #tpu.memory_space<vmem_shared>> -> memref<64x16xf32, #tpu.memory_space<vmem_shared>>
      %dma_start3A_547 = arith.constant 0 : i32
      %dma_start3A_548 = tpu.memref_slice %arg9[%add3A_46, %dma_start3A_547] : memref<10240x16xf32, #tpu.memory_space<vmem_shared>> -> memref<64x16xf32, #tpu.memory_space<vmem_shared>>
      tpu.enqueue_dma source(%arg18 : memref<64x16xf32, #tpu.memory_space<vmem>>) target(%dma_start3A_548 : memref<64x16xf32, #tpu.memory_space<vmem_shared>>) target_semaphore(%run_scoped3A_544 : memref<!tpu.dma_semaphore, #tpu.memory_space<semaphore_mem>>)
      %dma_wait3A_549 = arith.constant 0 : i32
      %dma_wait3A_550 = tpu.memref_slice %arg9[%add3A_46, %dma_wait3A_549] : memref<10240x16xf32, #tpu.memory_space<vmem_shared>> -> memref<64x16xf32, #tpu.memory_space<vmem_shared>>
      %dma_wait3A_551 = arith.constant 0 : i32
      %dma_wait3A_552 = tpu.memref_slice %arg9[%add3A_46, %dma_wait3A_551] : memref<10240x16xf32, #tpu.memory_space<vmem_shared>> -> memref<64x16xf32, #tpu.memory_space<vmem_shared>>
      tpu.wait_dma2 semaphore(%run_scoped3A_544 : memref<!tpu.dma_semaphore, #tpu.memory_space<semaphore_mem>>) src(%arg18 : memref<64x16xf32, #tpu.memory_space<vmem>>) dst(%dma_wait3A_552 : memref<64x16xf32, #tpu.memory_space<vmem_shared>>)
      tpu.yield
    }) : () -> ()
    %add3A_47 = arith.constant 448 : i32
    %add3A_48 = arith.addi %mul3A_0, %add3A_47 : i32
    "tpu.region"() ({
      %run_scoped3A_544 = tpu.sem_alloc : memref<!tpu.dma_semaphore, #tpu.memory_space<semaphore_mem>>
      %dma_start3A_545 = arith.constant 0 : i32
      %dma_start3A_546 = tpu.memref_slice %arg9[%add3A_48, %dma_start3A_545] : memref<10240x16xf32, #tpu.memory_space<vmem_shared>> -> memref<64x16xf32, #tpu.memory_space<vmem_shared>>
      %dma_start3A_547 = arith.constant 0 : i32
      %dma_start3A_548 = tpu.memref_slice %arg9[%add3A_48, %dma_start3A_547] : memref<10240x16xf32, #tpu.memory_space<vmem_shared>> -> memref<64x16xf32, #tpu.memory_space<vmem_shared>>
      tpu.enqueue_dma source(%arg18 : memref<64x16xf32, #tpu.memory_space<vmem>>) target(%dma_start3A_548 : memref<64x16xf32, #tpu.memory_space<vmem_shared>>) target_semaphore(%run_scoped3A_544 : memref<!tpu.dma_semaphore, #tpu.memory_space<semaphore_mem>>)
      %dma_wait3A_549 = arith.constant 0 : i32
      %dma_wait3A_550 = tpu.memref_slice %arg9[%add3A_48, %dma_wait3A_549] : memref<10240x16xf32, #tpu.memory_space<vmem_shared>> -> memref<64x16xf32, #tpu.memory_space<vmem_shared>>
      %dma_wait3A_551 = arith.constant 0 : i32
      %dma_wait3A_552 = tpu.memref_slice %arg9[%add3A_48, %dma_wait3A_551] : memref<10240x16xf32, #tpu.memory_space<vmem_shared>> -> memref<64x16xf32, #tpu.memory_space<vmem_shared>>
      tpu.wait_dma2 semaphore(%run_scoped3A_544 : memref<!tpu.dma_semaphore, #tpu.memory_space<semaphore_mem>>) src(%arg18 : memref<64x16xf32, #tpu.memory_space<vmem>>) dst(%dma_wait3A_552 : memref<64x16xf32, #tpu.memory_space<vmem_shared>>)
      tpu.yield
    }) : () -> ()
    %add3A_49 = arith.constant 512 : i32
    %add3A_50 = arith.addi %mul3A_0, %add3A_49 : i32
    "tpu.region"() ({
      %run_scoped3A_544 = tpu.sem_alloc : memref<!tpu.dma_semaphore, #tpu.memory_space<semaphore_mem>>
      %dma_start3A_545 = arith.constant 0 : i32
      %dma_start3A_546 = tpu.memref_slice %arg9[%add3A_50, %dma_start3A_545] : memref<10240x16xf32, #tpu.memory_space<vmem_shared>> -> memref<64x16xf32, #tpu.memory_space<vmem_shared>>
      %dma_start3A_547 = arith.constant 0 : i32
      %dma_start3A_548 = tpu.memref_slice %arg9[%add3A_50, %dma_start3A_547] : memref<10240x16xf32, #tpu.memory_space<vmem_shared>> -> memref<64x16xf32, #tpu.memory_space<vmem_shared>>
      tpu.enqueue_dma source(%arg18 : memref<64x16xf32, #tpu.memory_space<vmem>>) target(%dma_start3A_548 : memref<64x16xf32, #tpu.memory_space<vmem_shared>>) target_semaphore(%run_scoped3A_544 : memref<!tpu.dma_semaphore, #tpu.memory_space<semaphore_mem>>)
      %dma_wait3A_549 = arith.constant 0 : i32
      %dma_wait3A_550 = tpu.memref_slice %arg9[%add3A_50, %dma_wait3A_549] : memref<10240x16xf32, #tpu.memory_space<vmem_shared>> -> memref<64x16xf32, #tpu.memory_space<vmem_shared>>
      %dma_wait3A_551 = arith.constant 0 : i32
      %dma_wait3A_552 = tpu.memref_slice %arg9[%add3A_50, %dma_wait3A_551] : memref<10240x16xf32, #tpu.memory_space<vmem_shared>> -> memref<64x16xf32, #tpu.memory_space<vmem_shared>>
      tpu.wait_dma2 semaphore(%run_scoped3A_544 : memref<!tpu.dma_semaphore, #tpu.memory_space<semaphore_mem>>) src(%arg18 : memref<64x16xf32, #tpu.memory_space<vmem>>) dst(%dma_wait3A_552 : memref<64x16xf32, #tpu.memory_space<vmem_shared>>)
      tpu.yield
    }) : () -> ()
    %add3A_51 = arith.constant 576 : i32
    %add3A_52 = arith.addi %mul3A_0, %add3A_51 : i32
    "tpu.region"() ({
      %run_scoped3A_544 = tpu.sem_alloc : memref<!tpu.dma_semaphore, #tpu.memory_space<semaphore_mem>>
      %dma_start3A_545 = arith.constant 0 : i32
      %dma_start3A_546 = tpu.memref_slice %arg9[%add3A_52, %dma_start3A_545] : memref<10240x16xf32, #tpu.memory_space<vmem_shared>> -> memref<64x16xf32, #tpu.memory_space<vmem_shared>>
      %dma_start3A_547 = arith.constant 0 : i32
      %dma_start3A_548 = tpu.memref_slice %arg9[%add3A_52, %dma_start3A_547] : memref<10240x16xf32, #tpu.memory_space<vmem_shared>> -> memref<64x16xf32, #tpu.memory_space<vmem_shared>>
      tpu.enqueue_dma source(%arg18 : memref<64x16xf32, #tpu.memory_space<vmem>>) target(%dma_start3A_548 : memref<64x16xf32, #tpu.memory_space<vmem_shared>>) target_semaphore(%run_scoped3A_544 : memref<!tpu.dma_semaphore, #tpu.memory_space<semaphore_mem>>)
      %dma_wait3A_549 = arith.constant 0 : i32
      %dma_wait3A_550 = tpu.memref_slice %arg9[%add3A_52, %dma_wait3A_549] : memref<10240x16xf32, #tpu.memory_space<vmem_shared>> -> memref<64x16xf32, #tpu.memory_space<vmem_shared>>
      %dma_wait3A_551 = arith.constant 0 : i32
      %dma_wait3A_552 = tpu.memref_slice %arg9[%add3A_52, %dma_wait3A_551] : memref<10240x16xf32, #tpu.memory_space<vmem_shared>> -> memref<64x16xf32, #tpu.memory_space<vmem_shared>>
      tpu.wait_dma2 semaphore(%run_scoped3A_544 : memref<!tpu.dma_semaphore, #tpu.memory_space<semaphore_mem>>) src(%arg18 : memref<64x16xf32, #tpu.memory_space<vmem>>) dst(%dma_wait3A_552 : memref<64x16xf32, #tpu.memory_space<vmem_shared>>)
      tpu.yield
    }) : () -> ()
    %barrier3A = arith.constant 0 : index
    tpu.barrier barrier_id(%barrier3A)
    %mul3A_53 = arith.constant 2 : i32
    %mul3A_54 = arith.muli %mul3A_53, %arg0 : i32
    %add3A_55 = arith.constant 0 : i32
    %add3A_56 = arith.addi %mul3A_54, %add3A_55 : i32
    %mul3A_57 = arith.constant 2 : i32
    %mul3A_58 = arith.muli %mul3A_57, %add3A_56 : i32
    %broadcast_in_dim3A = vector.broadcast %mul3A_58 : i32 to vector<16xi32>
    %mul3A_59 = arith.constant 2 : i32
    %mul3A_60 = arith.muli %mul3A_59, %add3A_56 : i32
    %add3A_61 = arith.constant 1 : i32
    %add3A_62 = arith.addi %mul3A_60, %add3A_61 : i32
    %broadcast_in_dim3A_63 = vector.broadcast %add3A_62 : i32 to vector<16xi32>
    %mul3A_64 = arith.constant 10240 : i32
    %mul3A_65 = arith.muli %add3A_56, %mul3A_64 : i32
    %mul3A_66 = arith.constant 10000 : i32
    %mul3A_67 = arith.muli %arg1, %mul3A_66 : i32
    %add3A_68 = arith.constant 0 : i32
    %add3A_69 = arith.addi %mul3A_67, %add3A_68 : i32
    %multiple_of3A = tpu.assume_multiple %add3A_69, 8 : i32
    %run_scoped3A = arith.constant 0 : i32
    "tpu.region"() ({
      %run_scoped3A_544 = tpu.sem_alloc : memref<!tpu.dma_semaphore, #tpu.memory_space<semaphore_mem>>
      %dma_start3A_545 = arith.constant 0 : i32
      %dma_start3A_546 = arith.constant 0 : i32
      %dma_start3A_547 = tpu.memref_slice %arg10[%run_scoped3A, %dma_start3A_545, %dma_start3A_546] : memref<2x2x80xi32, #tpu.memory_space<vmem>> -> memref<1x2x80xi32, #tpu.memory_space<vmem>>
      %dma_start3A_548 = tpu.memref_squeeze %dma_start3A_547 : memref<1x2x80xi32, #tpu.memory_space<vmem>> -> memref<2x80xi32, #tpu.memory_space<vmem>>
      %dma_start3A_549 = arith.constant 0 : i32
      %dma_start3A_550 = tpu.memref_slice %arg5[%dma_start3A_549, %multiple_of3A] : memref<2x160000xi32, #tpu.memory_space<hbm>> -> memref<2x80xi32, #tpu.memory_space<hbm>>
      %dma_start3A_551 = arith.constant 0 : i32
      %dma_start3A_552 = arith.constant 0 : i32
      %dma_start3A_553 = tpu.memref_slice %arg10[%run_scoped3A, %dma_start3A_551, %dma_start3A_552] : memref<2x2x80xi32, #tpu.memory_space<vmem>> -> memref<1x2x80xi32, #tpu.memory_space<vmem>>
      %dma_start3A_554 = tpu.memref_squeeze %dma_start3A_553 : memref<1x2x80xi32, #tpu.memory_space<vmem>> -> memref<2x80xi32, #tpu.memory_space<vmem>>
      %dma_start3A_555 = arith.constant 0 : i32
      %dma_start3A_556 = tpu.memref_slice %arg5[%dma_start3A_555, %multiple_of3A] : memref<2x160000xi32, #tpu.memory_space<hbm>> -> memref<2x80xi32, #tpu.memory_space<hbm>>
      tpu.enqueue_dma source(%dma_start3A_556 : memref<2x80xi32, #tpu.memory_space<hbm>>) target(%dma_start3A_554 : memref<2x80xi32, #tpu.memory_space<vmem>>) target_semaphore(%run_scoped3A_544 : memref<!tpu.dma_semaphore, #tpu.memory_space<semaphore_mem>>)
      %dma_wait3A_557 = arith.constant 0 : i32
      %dma_wait3A_558 = arith.constant 0 : i32
      %dma_wait3A_559 = tpu.memref_slice %arg10[%run_scoped3A, %dma_wait3A_557, %dma_wait3A_558] : memref<2x2x80xi32, #tpu.memory_space<vmem>> -> memref<1x2x80xi32, #tpu.memory_space<vmem>>
      %dma_wait3A_560 = tpu.memref_squeeze %dma_wait3A_559 : memref<1x2x80xi32, #tpu.memory_space<vmem>> -> memref<2x80xi32, #tpu.memory_space<vmem>>
      %dma_wait3A_561 = arith.constant 0 : i32
      %dma_wait3A_562 = tpu.memref_slice %arg5[%dma_wait3A_561, %multiple_of3A] : memref<2x160000xi32, #tpu.memory_space<hbm>> -> memref<2x80xi32, #tpu.memory_space<hbm>>
      %dma_wait3A_563 = arith.constant 0 : i32
      %dma_wait3A_564 = arith.constant 0 : i32
      %dma_wait3A_565 = tpu.memref_slice %arg10[%run_scoped3A, %dma_wait3A_563, %dma_wait3A_564] : memref<2x2x80xi32, #tpu.memory_space<vmem>> -> memref<1x2x80xi32, #tpu.memory_space<vmem>>
      %dma_wait3A_566 = tpu.memref_squeeze %dma_wait3A_565 : memref<1x2x80xi32, #tpu.memory_space<vmem>> -> memref<2x80xi32, #tpu.memory_space<vmem>>
      %dma_wait3A_567 = arith.constant 0 : i32
      %dma_wait3A_568 = tpu.memref_slice %arg5[%dma_wait3A_567, %multiple_of3A] : memref<2x160000xi32, #tpu.memory_space<hbm>> -> memref<2x80xi32, #tpu.memory_space<hbm>>
      tpu.wait_dma2 semaphore(%run_scoped3A_544 : memref<!tpu.dma_semaphore, #tpu.memory_space<semaphore_mem>>) src(%dma_wait3A_568 : memref<2x80xi32, #tpu.memory_space<hbm>>) dst(%dma_wait3A_566 : memref<2x80xi32, #tpu.memory_space<vmem>>)
      tpu.yield
    }) : () -> ()
    %get3A = arith.constant 0 : i32
    %get3A_70 = arith.constant 0 : i32
    %get3A_71 = arith.index_cast %get3A : i32 to index
    %get3A_72 = arith.index_cast %get3A_70 : i32 to index
    %get3A_73 = arith.constant 0 : index
    %get3A_74 = tpu.vector_load %arg10[%get3A_71, %get3A_72, %get3A_73] {strides = array<i32>} : memref<2x2x80xi32, #tpu.memory_space<vmem>>, vector<1x1x16xi32>,
    %get3A_75 = vector.shape_cast %get3A_74 : vector<1x1x16xi32> to vector<16xi32>
    %add3A_76 = vector.broadcast %mul3A_65 : i32 to vector<16xi32>
    %add3A_77 = arith.addi %get3A_75, %add3A_76 : vector<16xi32>
    %swap3A = arith.constant 0 : i32
    %swap3A_78 = arith.index_cast %swap3A : i32 to index
    %swap3A_79 = arith.constant 0 : index
    %swap3A_80 = tpu.vector_load %arg11[%swap3A_78, %swap3A_79] {strides = array<i32>} : memref<2x80xi32, #tpu.memory_space<vmem>>, vector<1x16xi32>,
    %swap3A_81 = vector.shape_cast %swap3A_80 : vector<1x16xi32> to vector<16xi32>
    %swap3A_82 = vector.shape_cast %add3A_77 : vector<16xi32> to vector<1x16xi32>
    tpu.vector_store %arg11[%swap3A_78, %swap3A_79], %swap3A_82 {strides = array<i32>} : memref<2x80xi32, #tpu.memory_space<vmem>>, vector<1x16xi32>,
    %get3A_83 = arith.constant 0 : i32
    %get3A_84 = arith.constant 1 : i32
    %get3A_85 = arith.index_cast %get3A_83 : i32 to index
    %get3A_86 = arith.index_cast %get3A_84 : i32 to index
    %get3A_87 = arith.constant 0 : index
    %get3A_88 = tpu.vector_load %arg10[%get3A_85, %get3A_86, %get3A_87] {strides = array<i32>} : memref<2x2x80xi32, #tpu.memory_space<vmem>>, vector<1x1x16xi32>,
    %get3A_89 = vector.shape_cast %get3A_88 : vector<1x1x16xi32> to vector<16xi32>
    %swap3A_90 = arith.constant 0 : i32
    %swap3A_91 = arith.index_cast %swap3A_90 : i32 to index
    %swap3A_92 = arith.constant 0 : index
    %swap3A_93 = tpu.vector_load %arg12[%swap3A_91, %swap3A_92] {strides = array<i32>} : memref<2x80xi32, #tpu.memory_space<vmem>>, vector<1x16xi32>,
    %swap3A_94 = vector.shape_cast %swap3A_93 : vector<1x16xi32> to vector<16xi32>
    %swap3A_95 = vector.shape_cast %get3A_89 : vector<16xi32> to vector<1x16xi32>
    tpu.vector_store %arg12[%swap3A_91, %swap3A_92], %swap3A_95 {strides = array<i32>} : memref<2x80xi32, #tpu.memory_space<vmem>>, vector<1x16xi32>,
    %get3A_96 = arith.constant 0 : i32
    %get3A_97 = arith.constant 0 : i32
    %get3A_98 = arith.index_cast %get3A_96 : i32 to index
    %get3A_99 = arith.index_cast %get3A_97 : i32 to index
    %get3A_100 = arith.constant 16 : index
    %get3A_101 = tpu.vector_load %arg10[%get3A_98, %get3A_99, %get3A_100] {strides = array<i32>} : memref<2x2x80xi32, #tpu.memory_space<vmem>>, vector<1x1x16xi32>,
    %get3A_102 = vector.shape_cast %get3A_101 : vector<1x1x16xi32> to vector<16xi32>
    %add3A_103 = vector.broadcast %mul3A_65 : i32 to vector<16xi32>
    %add3A_104 = arith.addi %get3A_102, %add3A_103 : vector<16xi32>
    %swap3A_105 = arith.constant 0 : i32
    %swap3A_106 = arith.index_cast %swap3A_105 : i32 to index
    %swap3A_107 = arith.constant 16 : index
    %swap3A_108 = tpu.vector_load %arg11[%swap3A_106, %swap3A_107] {strides = array<i32>} : memref<2x80xi32, #tpu.memory_space<vmem>>, vector<1x16xi32>,
    %swap3A_109 = vector.shape_cast %swap3A_108 : vector<1x16xi32> to vector<16xi32>
    %swap3A_110 = vector.shape_cast %add3A_104 : vector<16xi32> to vector<1x16xi32>
    tpu.vector_store %arg11[%swap3A_106, %swap3A_107], %swap3A_110 {strides = array<i32>} : memref<2x80xi32, #tpu.memory_space<vmem>>, vector<1x16xi32>,
    %get3A_111 = arith.constant 0 : i32
    %get3A_112 = arith.constant 1 : i32
    %get3A_113 = arith.index_cast %get3A_111 : i32 to index
    %get3A_114 = arith.index_cast %get3A_112 : i32 to index
    %get3A_115 = arith.constant 16 : index
    %get3A_116 = tpu.vector_load %arg10[%get3A_113, %get3A_114, %get3A_115] {strides = array<i32>} : memref<2x2x80xi32, #tpu.memory_space<vmem>>, vector<1x1x16xi32>,
    %get3A_117 = vector.shape_cast %get3A_116 : vector<1x1x16xi32> to vector<16xi32>
    %swap3A_118 = arith.constant 0 : i32
    %swap3A_119 = arith.index_cast %swap3A_118 : i32 to index
    %swap3A_120 = arith.constant 16 : index
    %swap3A_121 = tpu.vector_load %arg12[%swap3A_119, %swap3A_120] {strides = array<i32>} : memref<2x80xi32, #tpu.memory_space<vmem>>, vector<1x16xi32>,
    %swap3A_122 = vector.shape_cast %swap3A_121 : vector<1x16xi32> to vector<16xi32>
    %swap3A_123 = vector.shape_cast %get3A_117 : vector<16xi32> to vector<1x16xi32>
    tpu.vector_store %arg12[%swap3A_119, %swap3A_120], %swap3A_123 {strides = array<i32>} : memref<2x80xi32, #tpu.memory_space<vmem>>, vector<1x16xi32>,
    %get3A_124 = arith.constant 0 : i32
    %get3A_125 = arith.constant 0 : i32
    %get3A_126 = arith.index_cast %get3A_124 : i32 to index
    %get3A_127 = arith.index_cast %get3A_125 : i32 to index
    %get3A_128 = arith.constant 32 : index
    %get3A_129 = tpu.vector_load %arg10[%get3A_126, %get3A_127, %get3A_128] {strides = array<i32>} : memref<2x2x80xi32, #tpu.memory_space<vmem>>, vector<1x1x16xi32>,
    %get3A_130 = vector.shape_cast %get3A_129 : vector<1x1x16xi32> to vector<16xi32>
    %add3A_131 = vector.broadcast %mul3A_65 : i32 to vector<16xi32>
    %add3A_132 = arith.addi %get3A_130, %add3A_131 : vector<16xi32>
    %swap3A_133 = arith.constant 0 : i32
    %swap3A_134 = arith.index_cast %swap3A_133 : i32 to index
    %swap3A_135 = arith.constant 32 : index
    %swap3A_136 = tpu.vector_load %arg11[%swap3A_134, %swap3A_135] {strides = array<i32>} : memref<2x80xi32, #tpu.memory_space<vmem>>, vector<1x16xi32>,
    %swap3A_137 = vector.shape_cast %swap3A_136 : vector<1x16xi32> to vector<16xi32>
    %swap3A_138 = vector.shape_cast %add3A_132 : vector<16xi32> to vector<1x16xi32>
    tpu.vector_store %arg11[%swap3A_134, %swap3A_135], %swap3A_138 {strides = array<i32>} : memref<2x80xi32, #tpu.memory_space<vmem>>, vector<1x16xi32>,
    %get3A_139 = arith.constant 0 : i32
    %get3A_140 = arith.constant 1 : i32
    %get3A_141 = arith.index_cast %get3A_139 : i32 to index
    %get3A_142 = arith.index_cast %get3A_140 : i32 to index
    %get3A_143 = arith.constant 32 : index
    %get3A_144 = tpu.vector_load %arg10[%get3A_141, %get3A_142, %get3A_143] {strides = array<i32>} : memref<2x2x80xi32, #tpu.memory_space<vmem>>, vector<1x1x16xi32>,
    %get3A_145 = vector.shape_cast %get3A_144 : vector<1x1x16xi32> to vector<16xi32>
    %swap3A_146 = arith.constant 0 : i32
    %swap3A_147 = arith.index_cast %swap3A_146 : i32 to index
    %swap3A_148 = arith.constant 32 : index
    %swap3A_149 = tpu.vector_load %arg12[%swap3A_147, %swap3A_148] {strides = array<i32>} : memref<2x80xi32, #tpu.memory_space<vmem>>, vector<1x16xi32>,
    %swap3A_150 = vector.shape_cast %swap3A_149 : vector<1x16xi32> to vector<16xi32>
    %swap3A_151 = vector.shape_cast %get3A_145 : vector<16xi32> to vector<1x16xi32>
    tpu.vector_store %arg12[%swap3A_147, %swap3A_148], %swap3A_151 {strides = array<i32>} : memref<2x80xi32, #tpu.memory_space<vmem>>, vector<1x16xi32>,
    %get3A_152 = arith.constant 0 : i32
    %get3A_153 = arith.constant 0 : i32
    %get3A_154 = arith.index_cast %get3A_152 : i32 to index
    %get3A_155 = arith.index_cast %get3A_153 : i32 to index
    %get3A_156 = arith.constant 48 : index
    %get3A_157 = tpu.vector_load %arg10[%get3A_154, %get3A_155, %get3A_156] {strides = array<i32>} : memref<2x2x80xi32, #tpu.memory_space<vmem>>, vector<1x1x16xi32>,
    %get3A_158 = vector.shape_cast %get3A_157 : vector<1x1x16xi32> to vector<16xi32>
    %add3A_159 = vector.broadcast %mul3A_65 : i32 to vector<16xi32>
    %add3A_160 = arith.addi %get3A_158, %add3A_159 : vector<16xi32>
    %swap3A_161 = arith.constant 0 : i32
    %swap3A_162 = arith.index_cast %swap3A_161 : i32 to index
    %swap3A_163 = arith.constant 48 : index
    %swap3A_164 = tpu.vector_load %arg11[%swap3A_162, %swap3A_163] {strides = array<i32>} : memref<2x80xi32, #tpu.memory_space<vmem>>, vector<1x16xi32>,
    %swap3A_165 = vector.shape_cast %swap3A_164 : vector<1x16xi32> to vector<16xi32>
    %swap3A_166 = vector.shape_cast %add3A_160 : vector<16xi32> to vector<1x16xi32>
    tpu.vector_store %arg11[%swap3A_162, %swap3A_163], %swap3A_166 {strides = array<i32>} : memref<2x80xi32, #tpu.memory_space<vmem>>, vector<1x16xi32>,
    %get3A_167 = arith.constant 0 : i32
    %get3A_168 = arith.constant 1 : i32
    %get3A_169 = arith.index_cast %get3A_167 : i32 to index
    %get3A_170 = arith.index_cast %get3A_168 : i32 to index
    %get3A_171 = arith.constant 48 : index
    %get3A_172 = tpu.vector_load %arg10[%get3A_169, %get3A_170, %get3A_171] {strides = array<i32>} : memref<2x2x80xi32, #tpu.memory_space<vmem>>, vector<1x1x16xi32>,
    %get3A_173 = vector.shape_cast %get3A_172 : vector<1x1x16xi32> to vector<16xi32>
    %swap3A_174 = arith.constant 0 : i32
    %swap3A_175 = arith.index_cast %swap3A_174 : i32 to index
    %swap3A_176 = arith.constant 48 : index
    %swap3A_177 = tpu.vector_load %arg12[%swap3A_175, %swap3A_176] {strides = array<i32>} : memref<2x80xi32, #tpu.memory_space<vmem>>, vector<1x16xi32>,
    %swap3A_178 = vector.shape_cast %swap3A_177 : vector<1x16xi32> to vector<16xi32>
    %swap3A_179 = vector.shape_cast %get3A_173 : vector<16xi32> to vector<1x16xi32>
    tpu.vector_store %arg12[%swap3A_175, %swap3A_176], %swap3A_179 {strides = array<i32>} : memref<2x80xi32, #tpu.memory_space<vmem>>, vector<1x16xi32>,
    %get3A_180 = arith.constant 0 : i32
    %get3A_181 = arith.constant 0 : i32
    %get3A_182 = arith.index_cast %get3A_180 : i32 to index
    %get3A_183 = arith.index_cast %get3A_181 : i32 to index
    %get3A_184 = arith.constant 64 : index
    %get3A_185 = tpu.vector_load %arg10[%get3A_182, %get3A_183, %get3A_184] {strides = array<i32>} : memref<2x2x80xi32, #tpu.memory_space<vmem>>, vector<1x1x16xi32>,
    %get3A_186 = vector.shape_cast %get3A_185 : vector<1x1x16xi32> to vector<16xi32>
    %add3A_187 = vector.broadcast %mul3A_65 : i32 to vector<16xi32>
    %add3A_188 = arith.addi %get3A_186, %add3A_187 : vector<16xi32>
    %swap3A_189 = arith.constant 0 : i32
    %swap3A_190 = arith.index_cast %swap3A_189 : i32 to index
    %swap3A_191 = arith.constant 64 : index
    %swap3A_192 = tpu.vector_load %arg11[%swap3A_190, %swap3A_191] {strides = array<i32>} : memref<2x80xi32, #tpu.memory_space<vmem>>, vector<1x16xi32>,
    %swap3A_193 = vector.shape_cast %swap3A_192 : vector<1x16xi32> to vector<16xi32>
    %swap3A_194 = vector.shape_cast %add3A_188 : vector<16xi32> to vector<1x16xi32>
    tpu.vector_store %arg11[%swap3A_190, %swap3A_191], %swap3A_194 {strides = array<i32>} : memref<2x80xi32, #tpu.memory_space<vmem>>, vector<1x16xi32>,
    %get3A_195 = arith.constant 0 : i32
    %get3A_196 = arith.constant 1 : i32
    %get3A_197 = arith.index_cast %get3A_195 : i32 to index
    %get3A_198 = arith.index_cast %get3A_196 : i32 to index
    %get3A_199 = arith.constant 64 : index
    %get3A_200 = tpu.vector_load %arg10[%get3A_197, %get3A_198, %get3A_199] {strides = array<i32>} : memref<2x2x80xi32, #tpu.memory_space<vmem>>, vector<1x1x16xi32>,
    %get3A_201 = vector.shape_cast %get3A_200 : vector<1x1x16xi32> to vector<16xi32>
    %swap3A_202 = arith.constant 0 : i32
    %swap3A_203 = arith.index_cast %swap3A_202 : i32 to index
    %swap3A_204 = arith.constant 64 : index
    %swap3A_205 = tpu.vector_load %arg12[%swap3A_203, %swap3A_204] {strides = array<i32>} : memref<2x80xi32, #tpu.memory_space<vmem>>, vector<1x16xi32>,
    %swap3A_206 = vector.shape_cast %swap3A_205 : vector<1x16xi32> to vector<16xi32>
    %swap3A_207 = vector.shape_cast %get3A_201 : vector<16xi32> to vector<1x16xi32>
    tpu.vector_store %arg12[%swap3A_203, %swap3A_204], %swap3A_207 {strides = array<i32>} : memref<2x80xi32, #tpu.memory_space<vmem>>, vector<1x16xi32>,
    %dma_start3A = arith.constant 0 : i32
    %dma_start3A_208 = arith.constant 0 : i32
    %dma_start3A_209 = arith.constant 0 : i32
    %dma_start3A_210 = arith.constant 0 : i32
    %dma_start3A_211 = arith.constant 0 : i32
    %dma_start3A_212 = arith.constant 0 : i32
    %dma_start3A_213 = tpu.memref_slice %arg13[%dma_start3A_209, %dma_start3A_211, %dma_start3A_212] : memref<2x80x16xf32, #tpu.memory_space<vmem>> -> memref<1x80x16xf32, #tpu.memory_space<vmem>>
    %dma_start3A_214 = tpu.memref_squeeze %dma_start3A_213 : memref<1x80x16xf32, #tpu.memory_space<vmem>> -> memref<80x16xf32, #tpu.memory_space<vmem>>
    %dma_start3A_215 = arith.constant 0 : i32
    %dma_start3A_216 = tpu.memref_slice %arg10[%dma_start3A, %dma_start3A_208, %dma_start3A_215] : memref<2x2x80xi32, #tpu.memory_space<vmem>> -> memref<1x1x80xi32, #tpu.memory_space<vmem>>
    %dma_start3A_217 = tpu.memref_squeeze %dma_start3A_216 : memref<1x1x80xi32, #tpu.memory_space<vmem>> -> memref<80xi32, #tpu.memory_space<vmem>>
    %dma_start3A_218 = arith.constant 0 : i32
    %dma_start3A_219 = arith.constant 0 : i32
    %dma_start3A_220 = tpu.memref_slice %arg3[%dma_start3A_218, %dma_start3A_219] : memref<10240x16xf32, #tpu.memory_space<hbm>> -> memref<10240x16xf32, #tpu.memory_space<hbm>>
    %dma_start3A_221 = tpu.memref_slice %arg19[%dma_start3A_210] : memref<2x!tpu.dma_semaphore, #tpu.memory_space<semaphore_mem>> -> memref<1x!tpu.dma_semaphore, #tpu.memory_space<semaphore_mem>>
    %dma_start3A_222 = tpu.memref_squeeze %dma_start3A_221 : memref<1x!tpu.dma_semaphore, #tpu.memory_space<semaphore_mem>> -> memref<!tpu.dma_semaphore, #tpu.memory_space<semaphore_mem>>
    tpu.enqueue_indirect_dma source(%dma_start3A_220 : memref<10240x16xf32, #tpu.memory_space<hbm>>) target(%dma_start3A_214 : memref<80x16xf32, #tpu.memory_space<vmem>>) offsets(%dma_start3A_217 : memref<80xi32, #tpu.memory_space<vmem>>) semaphore(%dma_start3A_222 : memref<!tpu.dma_semaphore, #tpu.memory_space<semaphore_mem>>)
    %dma_start3A_223 = arith.constant 0 : i32
    %dma_start3A_224 = arith.constant 1 : i32
    %dma_start3A_225 = arith.constant 0 : i32
    %dma_start3A_226 = arith.constant 0 : i32
    %dma_start3A_227 = arith.constant 0 : i32
    %dma_start3A_228 = arith.constant 0 : i32
    %dma_start3A_229 = tpu.memref_slice %arg14[%dma_start3A_225, %dma_start3A_227, %dma_start3A_228] : memref<2x80x16xf32, #tpu.memory_space<vmem>> -> memref<1x80x16xf32, #tpu.memory_space<vmem>>
    %dma_start3A_230 = tpu.memref_squeeze %dma_start3A_229 : memref<1x80x16xf32, #tpu.memory_space<vmem>> -> memref<80x16xf32, #tpu.memory_space<vmem>>
    %dma_start3A_231 = arith.constant 0 : i32
    %dma_start3A_232 = tpu.memref_slice %arg10[%dma_start3A_223, %dma_start3A_224, %dma_start3A_231] : memref<2x2x80xi32, #tpu.memory_space<vmem>> -> memref<1x1x80xi32, #tpu.memory_space<vmem>>
    %dma_start3A_233 = tpu.memref_squeeze %dma_start3A_232 : memref<1x1x80xi32, #tpu.memory_space<vmem>> -> memref<80xi32, #tpu.memory_space<vmem>>
    %dma_start3A_234 = arith.constant 0 : i32
    %dma_start3A_235 = arith.constant 0 : i32
    %dma_start3A_236 = tpu.memref_slice %arg4[%dma_start3A_234, %dma_start3A_235] : memref<10240x16xf32, #tpu.memory_space<hbm>> -> memref<10240x16xf32, #tpu.memory_space<hbm>>
    %dma_start3A_237 = tpu.memref_slice %arg19[%dma_start3A_226] : memref<2x!tpu.dma_semaphore, #tpu.memory_space<semaphore_mem>> -> memref<1x!tpu.dma_semaphore, #tpu.memory_space<semaphore_mem>>
    %dma_start3A_238 = tpu.memref_squeeze %dma_start3A_237 : memref<1x!tpu.dma_semaphore, #tpu.memory_space<semaphore_mem>> -> memref<!tpu.dma_semaphore, #tpu.memory_space<semaphore_mem>>
    tpu.enqueue_indirect_dma source(%dma_start3A_236 : memref<10240x16xf32, #tpu.memory_space<hbm>>) target(%dma_start3A_230 : memref<80x16xf32, #tpu.memory_space<vmem>>) offsets(%dma_start3A_233 : memref<80xi32, #tpu.memory_space<vmem>>) semaphore(%dma_start3A_238 : memref<!tpu.dma_semaphore, #tpu.memory_space<semaphore_mem>>)
    %dma_start3A_239 = arith.constant 0 : i32
    %dma_start3A_240 = arith.constant 0 : i32
    %dma_start3A_241 = arith.constant 0 : i32
    %dma_start3A_242 = arith.constant 0 : i32
    %dma_start3A_243 = arith.constant 0 : i32
    %dma_start3A_244 = tpu.memref_slice %arg15[%dma_start3A_240, %dma_start3A_242, %dma_start3A_243] : memref<2x80x128xf32, #tpu.memory_space<vmem>> -> memref<1x80x128xf32, #tpu.memory_space<vmem>>
    %dma_start3A_245 = tpu.memref_squeeze %dma_start3A_244 : memref<1x80x128xf32, #tpu.memory_space<vmem>> -> memref<80x128xf32, #tpu.memory_space<vmem>>
    %dma_start3A_246 = arith.constant 0 : i32
    %dma_start3A_247 = tpu.memref_slice %arg11[%dma_start3A_239, %dma_start3A_246] : memref<2x80xi32, #tpu.memory_space<vmem>> -> memref<1x80xi32, #tpu.memory_space<vmem>>
    %dma_start3A_248 = tpu.memref_squeeze %dma_start3A_247 : memref<1x80xi32, #tpu.memory_space<vmem>> -> memref<80xi32, #tpu.memory_space<vmem>>
    %dma_start3A_249 = arith.constant 0 : i32
    %dma_start3A_250 = arith.constant 0 : i32
    %dma_start3A_251 = tpu.memref_slice %arg2[%dma_start3A_249, %dma_start3A_250] : memref<40960x128xf32, #tpu.memory_space<hbm>> -> memref<40960x128xf32, #tpu.memory_space<hbm>>
    %dma_start3A_252 = tpu.memref_slice %arg19[%dma_start3A_241] : memref<2x!tpu.dma_semaphore, #tpu.memory_space<semaphore_mem>> -> memref<1x!tpu.dma_semaphore, #tpu.memory_space<semaphore_mem>>
    %dma_start3A_253 = tpu.memref_squeeze %dma_start3A_252 : memref<1x!tpu.dma_semaphore, #tpu.memory_space<semaphore_mem>> -> memref<!tpu.dma_semaphore, #tpu.memory_space<semaphore_mem>>
    tpu.enqueue_indirect_dma source(%dma_start3A_251 : memref<40960x128xf32, #tpu.memory_space<hbm>>) target(%dma_start3A_245 : memref<80x128xf32, #tpu.memory_space<vmem>>) offsets(%dma_start3A_248 : memref<80xi32, #tpu.memory_space<vmem>>) semaphore(%dma_start3A_253 : memref<!tpu.dma_semaphore, #tpu.memory_space<semaphore_mem>>)
    %scan3A_254 = arith.constant 0 : i32
    %scan3A_255 = arith.constant 0 : i32
    %scan3A_256 = arith.constant 125 : i32
    %scan3A_257 = arith.addi %scan3A_255, %scan3A_256 : i32
    %scan3A_258 = arith.constant 1 : i32
    %scan3A_259 = scf.for %scan3A_544 = %scan3A_255 to %scan3A_257 step %scan3A_258 iter_args(%scan3A_545 = %scan3A_254) -> (i32)  : i32 {
      %rem3A = arith.constant 2 : i32
      %rem3A_546 = arith.remsi %scan3A_544, %rem3A : i32
      %sub3A = arith.constant 1 : i32
      %sub3A_547 = arith.subi %sub3A, %rem3A_546 : i32
      %ge3A = arith.constant 1 : i32
      %ge3A_548 = arith.cmpi sge, %scan3A_544, %ge3A : i32
      %convert_element_type3A_549 = arith.extui %ge3A_548 : i1 to i32
      %cond3A_550 = arith.constant 0 : i32
      %cond3A_551 = arith.cmpi ne, %convert_element_type3A_549, %cond3A_550 : i32
      scf.if %cond3A_551 {
        %dma_wait3A_626 = arith.constant 0 : i32
        %dma_wait3A_627 = arith.constant 0 : i32
        %dma_wait3A_628 = tpu.memref_slice %arg15[%sub3A_547, %dma_wait3A_626, %dma_wait3A_627] : memref<2x80x128xf32, #tpu.memory_space<vmem>> -> memref<1x80x128xf32, #tpu.memory_space<vmem>>
        %dma_wait3A_629 = tpu.memref_squeeze %dma_wait3A_628 : memref<1x80x128xf32, #tpu.memory_space<vmem>> -> memref<80x128xf32, #tpu.memory_space<vmem>>
        %dma_wait3A_630 = arith.constant 0 : i32
        %dma_wait3A_631 = tpu.memref_slice %arg12[%sub3A_547, %dma_wait3A_630] : memref<2x80xi32, #tpu.memory_space<vmem>> -> memref<1x80xi32, #tpu.memory_space<vmem>>
        %dma_wait3A_632 = tpu.memref_squeeze %dma_wait3A_631 : memref<1x80xi32, #tpu.memory_space<vmem>> -> memref<80xi32, #tpu.memory_space<vmem>>
        %dma_wait3A_633 = arith.constant 0 : i32
        %dma_wait3A_634 = arith.constant 0 : i32
        %dma_wait3A_635 = tpu.memref_slice %arg8[%dma_wait3A_633, %dma_wait3A_634] : memref<10240x128xf32, #tpu.memory_space<vmem_shared>> -> memref<10240x128xf32, #tpu.memory_space<vmem_shared>>
        %dma_wait3A_636 = tpu.memref_slice %arg20[%sub3A_547] : memref<2x!tpu.dma_semaphore, #tpu.memory_space<semaphore_mem>> -> memref<1x!tpu.dma_semaphore, #tpu.memory_space<semaphore_mem>>
        %dma_wait3A_637 = tpu.memref_squeeze %dma_wait3A_636 : memref<1x!tpu.dma_semaphore, #tpu.memory_space<semaphore_mem>> -> memref<!tpu.dma_semaphore, #tpu.memory_space<semaphore_mem>>
        tpu.wait_indirect_dma semaphore(%dma_wait3A_637 : memref<!tpu.dma_semaphore, #tpu.memory_space<semaphore_mem>>) src(%dma_wait3A_629 : memref<80x128xf32, #tpu.memory_space<vmem>>) dst(%dma_wait3A_635 : memref<10240x128xf32, #tpu.memory_space<vmem_shared>>)
        %dma_wait3A_638 = arith.constant 0 : i32
        %dma_wait3A_639 = arith.constant 0 : i32
        %dma_wait3A_640 = tpu.memref_slice %arg16[%sub3A_547, %dma_wait3A_638, %dma_wait3A_639] : memref<2x80x16xf32, #tpu.memory_space<vmem>> -> memref<1x80x16xf32, #tpu.memory_space<vmem>>
        %dma_wait3A_641 = tpu.memref_squeeze %dma_wait3A_640 : memref<1x80x16xf32, #tpu.memory_space<vmem>> -> memref<80x16xf32, #tpu.memory_space<vmem>>
        %dma_wait3A_642 = arith.constant 0 : i32
        %dma_wait3A_643 = tpu.memref_slice %arg12[%sub3A_547, %dma_wait3A_642] : memref<2x80xi32, #tpu.memory_space<vmem>> -> memref<1x80xi32, #tpu.memory_space<vmem>>
        %dma_wait3A_644 = tpu.memref_squeeze %dma_wait3A_643 : memref<1x80xi32, #tpu.memory_space<vmem>> -> memref<80xi32, #tpu.memory_space<vmem>>
        %dma_wait3A_645 = arith.constant 0 : i32
        %dma_wait3A_646 = arith.constant 0 : i32
        %dma_wait3A_647 = tpu.memref_slice %arg9[%dma_wait3A_645, %dma_wait3A_646] : memref<10240x16xf32, #tpu.memory_space<vmem_shared>> -> memref<10240x16xf32, #tpu.memory_space<vmem_shared>>
        %dma_wait3A_648 = tpu.memref_slice %arg21[%sub3A_547] : memref<2x!tpu.dma_semaphore, #tpu.memory_space<semaphore_mem>> -> memref<1x!tpu.dma_semaphore, #tpu.memory_space<semaphore_mem>>
        %dma_wait3A_649 = tpu.memref_squeeze %dma_wait3A_648 : memref<1x!tpu.dma_semaphore, #tpu.memory_space<semaphore_mem>> -> memref<!tpu.dma_semaphore, #tpu.memory_space<semaphore_mem>>
        tpu.wait_indirect_dma semaphore(%dma_wait3A_649 : memref<!tpu.dma_semaphore, #tpu.memory_space<semaphore_mem>>) src(%dma_wait3A_641 : memref<80x16xf32, #tpu.memory_space<vmem>>) dst(%dma_wait3A_647 : memref<10240x16xf32, #tpu.memory_space<vmem_shared>>)
      } else {
      }
      %add3A_552 = arith.constant 1 : i32
      %add3A_553 = arith.addi %scan3A_544, %add3A_552 : i32
      %lt3A = arith.constant 125 : i32
      %lt3A_554 = arith.cmpi slt, %add3A_553, %lt3A : i32
      %convert_element_type3A_555 = arith.extui %lt3A_554 : i1 to i32
      %cond3A_556 = arith.constant 0 : i32
      %cond3A_557 = arith.cmpi ne, %convert_element_type3A_555, %cond3A_556 : i32
      scf.if %cond3A_557 {
        %add3A_626 = arith.constant 1 : i32
        %add3A_627 = arith.addi %scan3A_544, %add3A_626 : i32
        %mul3A_628 = arith.constant 10000 : i32
        %mul3A_629 = arith.muli %arg1, %mul3A_628 : i32
        %mul3A_630 = arith.constant 80 : i32
        %mul3A_631 = arith.muli %add3A_627, %mul3A_630 : i32
        %add3A_632 = arith.addi %mul3A_629, %mul3A_631 : i32
        %multiple_of3A_633 = tpu.assume_multiple %add3A_632, 8 : i32
        "tpu.region"() ({
          %run_scoped3A_792 = tpu.sem_alloc : memref<!tpu.dma_semaphore, #tpu.memory_space<semaphore_mem>>
          %dma_start3A_793 = arith.constant 0 : i32
          %dma_start3A_794 = arith.constant 0 : i32
          %dma_start3A_795 = tpu.memref_slice %arg10[%sub3A_547, %dma_start3A_793, %dma_start3A_794] : memref<2x2x80xi32, #tpu.memory_space<vmem>> -> memref<1x2x80xi32, #tpu.memory_space<vmem>>
          %dma_start3A_796 = tpu.memref_squeeze %dma_start3A_795 : memref<1x2x80xi32, #tpu.memory_space<vmem>> -> memref<2x80xi32, #tpu.memory_space<vmem>>
          %dma_start3A_797 = arith.constant 0 : i32
          %dma_start3A_798 = tpu.memref_slice %arg5[%dma_start3A_797, %multiple_of3A_633] : memref<2x160000xi32, #tpu.memory_space<hbm>> -> memref<2x80xi32, #tpu.memory_space<hbm>>
          %dma_start3A_799 = arith.constant 0 : i32
          %dma_start3A_800 = arith.constant 0 : i32
          %dma_start3A_801 = tpu.memref_slice %arg10[%sub3A_547, %dma_start3A_799, %dma_start3A_800] : memref<2x2x80xi32, #tpu.memory_space<vmem>> -> memref<1x2x80xi32, #tpu.memory_space<vmem>>
          %dma_start3A_802 = tpu.memref_squeeze %dma_start3A_801 : memref<1x2x80xi32, #tpu.memory_space<vmem>> -> memref<2x80xi32, #tpu.memory_space<vmem>>
          %dma_start3A_803 = arith.constant 0 : i32
          %dma_start3A_804 = tpu.memref_slice %arg5[%dma_start3A_803, %multiple_of3A_633] : memref<2x160000xi32, #tpu.memory_space<hbm>> -> memref<2x80xi32, #tpu.memory_space<hbm>>
          tpu.enqueue_dma source(%dma_start3A_804 : memref<2x80xi32, #tpu.memory_space<hbm>>) target(%dma_start3A_802 : memref<2x80xi32, #tpu.memory_space<vmem>>) target_semaphore(%run_scoped3A_792 : memref<!tpu.dma_semaphore, #tpu.memory_space<semaphore_mem>>)
          %dma_wait3A_805 = arith.constant 0 : i32
          %dma_wait3A_806 = arith.constant 0 : i32
          %dma_wait3A_807 = tpu.memref_slice %arg10[%sub3A_547, %dma_wait3A_805, %dma_wait3A_806] : memref<2x2x80xi32, #tpu.memory_space<vmem>> -> memref<1x2x80xi32, #tpu.memory_space<vmem>>
          %dma_wait3A_808 = tpu.memref_squeeze %dma_wait3A_807 : memref<1x2x80xi32, #tpu.memory_space<vmem>> -> memref<2x80xi32, #tpu.memory_space<vmem>>
          %dma_wait3A_809 = arith.constant 0 : i32
          %dma_wait3A_810 = tpu.memref_slice %arg5[%dma_wait3A_809, %multiple_of3A_633] : memref<2x160000xi32, #tpu.memory_space<hbm>> -> memref<2x80xi32, #tpu.memory_space<hbm>>
          %dma_wait3A_811 = arith.constant 0 : i32
          %dma_wait3A_812 = arith.constant 0 : i32
          %dma_wait3A_813 = tpu.memref_slice %arg10[%sub3A_547, %dma_wait3A_811, %dma_wait3A_812] : memref<2x2x80xi32, #tpu.memory_space<vmem>> -> memref<1x2x80xi32, #tpu.memory_space<vmem>>
          %dma_wait3A_814 = tpu.memref_squeeze %dma_wait3A_813 : memref<1x2x80xi32, #tpu.memory_space<vmem>> -> memref<2x80xi32, #tpu.memory_space<vmem>>
          %dma_wait3A_815 = arith.constant 0 : i32
          %dma_wait3A_816 = tpu.memref_slice %arg5[%dma_wait3A_815, %multiple_of3A_633] : memref<2x160000xi32, #tpu.memory_space<hbm>> -> memref<2x80xi32, #tpu.memory_space<hbm>>
          tpu.wait_dma2 semaphore(%run_scoped3A_792 : memref<!tpu.dma_semaphore, #tpu.memory_space<semaphore_mem>>) src(%dma_wait3A_816 : memref<2x80xi32, #tpu.memory_space<hbm>>) dst(%dma_wait3A_814 : memref<2x80xi32, #tpu.memory_space<vmem>>)
          tpu.yield
        }) : () -> ()
        %get3A_634 = arith.constant 0 : i32
        %get3A_635 = arith.index_cast %sub3A_547 : i32 to index
        %get3A_636 = arith.index_cast %get3A_634 : i32 to index
        %get3A_637 = arith.constant 0 : index
        %get3A_638 = tpu.vector_load %arg10[%get3A_635, %get3A_636, %get3A_637] {strides = array<i32>} : memref<2x2x80xi32, #tpu.memory_space<vmem>>, vector<1x1x16xi32>,
        %get3A_639 = vector.shape_cast %get3A_638 : vector<1x1x16xi32> to vector<16xi32>
        %add3A_640 = vector.broadcast %mul3A_65 : i32 to vector<16xi32>
        %add3A_641 = arith.addi %get3A_639, %add3A_640 : vector<16xi32>
        %swap3A_642 = arith.index_cast %sub3A_547 : i32 to index
        %swap3A_643 = arith.constant 0 : index
        %swap3A_644 = tpu.vector_load %arg11[%swap3A_642, %swap3A_643] {strides = array<i32>} : memref<2x80xi32, #tpu.memory_space<vmem>>, vector<1x16xi32>,
        %swap3A_645 = vector.shape_cast %swap3A_644 : vector<1x16xi32> to vector<16xi32>
        %swap3A_646 = vector.shape_cast %add3A_641 : vector<16xi32> to vector<1x16xi32>
        tpu.vector_store %arg11[%swap3A_642, %swap3A_643], %swap3A_646 {strides = array<i32>} : memref<2x80xi32, #tpu.memory_space<vmem>>, vector<1x16xi32>,
        %get3A_647 = arith.constant 1 : i32
        %get3A_648 = arith.index_cast %sub3A_547 : i32 to index
        %get3A_649 = arith.index_cast %get3A_647 : i32 to index
        %get3A_650 = arith.constant 0 : index
        %get3A_651 = tpu.vector_load %arg10[%get3A_648, %get3A_649, %get3A_650] {strides = array<i32>} : memref<2x2x80xi32, #tpu.memory_space<vmem>>, vector<1x1x16xi32>,
        %get3A_652 = vector.shape_cast %get3A_651 : vector<1x1x16xi32> to vector<16xi32>
        %swap3A_653 = arith.index_cast %sub3A_547 : i32 to index
        %swap3A_654 = arith.constant 0 : index
        %swap3A_655 = tpu.vector_load %arg12[%swap3A_653, %swap3A_654] {strides = array<i32>} : memref<2x80xi32, #tpu.memory_space<vmem>>, vector<1x16xi32>,
        %swap3A_656 = vector.shape_cast %swap3A_655 : vector<1x16xi32> to vector<16xi32>
        %swap3A_657 = vector.shape_cast %get3A_652 : vector<16xi32> to vector<1x16xi32>
        tpu.vector_store %arg12[%swap3A_653, %swap3A_654], %swap3A_657 {strides = array<i32>} : memref<2x80xi32, #tpu.memory_space<vmem>>, vector<1x16xi32>,
        %get3A_658 = arith.constant 0 : i32
        %get3A_659 = arith.index_cast %sub3A_547 : i32 to index
        %get3A_660 = arith.index_cast %get3A_658 : i32 to index
        %get3A_661 = arith.constant 16 : index
        %get3A_662 = tpu.vector_load %arg10[%get3A_659, %get3A_660, %get3A_661] {strides = array<i32>} : memref<2x2x80xi32, #tpu.memory_space<vmem>>, vector<1x1x16xi32>,
        %get3A_663 = vector.shape_cast %get3A_662 : vector<1x1x16xi32> to vector<16xi32>
        %add3A_664 = vector.broadcast %mul3A_65 : i32 to vector<16xi32>
        %add3A_665 = arith.addi %get3A_663, %add3A_664 : vector<16xi32>
        %swap3A_666 = arith.index_cast %sub3A_547 : i32 to index
        %swap3A_667 = arith.constant 16 : index
        %swap3A_668 = tpu.vector_load %arg11[%swap3A_666, %swap3A_667] {strides = array<i32>} : memref<2x80xi32, #tpu.memory_space<vmem>>, vector<1x16xi32>,
        %swap3A_669 = vector.shape_cast %swap3A_668 : vector<1x16xi32> to vector<16xi32>
        %swap3A_670 = vector.shape_cast %add3A_665 : vector<16xi32> to vector<1x16xi32>
        tpu.vector_store %arg11[%swap3A_666, %swap3A_667], %swap3A_670 {strides = array<i32>} : memref<2x80xi32, #tpu.memory_space<vmem>>, vector<1x16xi32>,
        %get3A_671 = arith.constant 1 : i32
        %get3A_672 = arith.index_cast %sub3A_547 : i32 to index
        %get3A_673 = arith.index_cast %get3A_671 : i32 to index
        %get3A_674 = arith.constant 16 : index
        %get3A_675 = tpu.vector_load %arg10[%get3A_672, %get3A_673, %get3A_674] {strides = array<i32>} : memref<2x2x80xi32, #tpu.memory_space<vmem>>, vector<1x1x16xi32>,
        %get3A_676 = vector.shape_cast %get3A_675 : vector<1x1x16xi32> to vector<16xi32>
        %swap3A_677 = arith.index_cast %sub3A_547 : i32 to index
        %swap3A_678 = arith.constant 16 : index
        %swap3A_679 = tpu.vector_load %arg12[%swap3A_677, %swap3A_678] {strides = array<i32>} : memref<2x80xi32, #tpu.memory_space<vmem>>, vector<1x16xi32>,
        %swap3A_680 = vector.shape_cast %swap3A_679 : vector<1x16xi32> to vector<16xi32>
        %swap3A_681 = vector.shape_cast %get3A_676 : vector<16xi32> to vector<1x16xi32>
        tpu.vector_store %arg12[%swap3A_677, %swap3A_678], %swap3A_681 {strides = array<i32>} : memref<2x80xi32, #tpu.memory_space<vmem>>, vector<1x16xi32>,
        %get3A_682 = arith.constant 0 : i32
        %get3A_683 = arith.index_cast %sub3A_547 : i32 to index
        %get3A_684 = arith.index_cast %get3A_682 : i32 to index
        %get3A_685 = arith.constant 32 : index
        %get3A_686 = tpu.vector_load %arg10[%get3A_683, %get3A_684, %get3A_685] {strides = array<i32>} : memref<2x2x80xi32, #tpu.memory_space<vmem>>, vector<1x1x16xi32>,
        %get3A_687 = vector.shape_cast %get3A_686 : vector<1x1x16xi32> to vector<16xi32>
        %add3A_688 = vector.broadcast %mul3A_65 : i32 to vector<16xi32>
        %add3A_689 = arith.addi %get3A_687, %add3A_688 : vector<16xi32>
        %swap3A_690 = arith.index_cast %sub3A_547 : i32 to index
        %swap3A_691 = arith.constant 32 : index
        %swap3A_692 = tpu.vector_load %arg11[%swap3A_690, %swap3A_691] {strides = array<i32>} : memref<2x80xi32, #tpu.memory_space<vmem>>, vector<1x16xi32>,
        %swap3A_693 = vector.shape_cast %swap3A_692 : vector<1x16xi32> to vector<16xi32>
        %swap3A_694 = vector.shape_cast %add3A_689 : vector<16xi32> to vector<1x16xi32>
        tpu.vector_store %arg11[%swap3A_690, %swap3A_691], %swap3A_694 {strides = array<i32>} : memref<2x80xi32, #tpu.memory_space<vmem>>, vector<1x16xi32>,
        %get3A_695 = arith.constant 1 : i32
        %get3A_696 = arith.index_cast %sub3A_547 : i32 to index
        %get3A_697 = arith.index_cast %get3A_695 : i32 to index
        %get3A_698 = arith.constant 32 : index
        %get3A_699 = tpu.vector_load %arg10[%get3A_696, %get3A_697, %get3A_698] {strides = array<i32>} : memref<2x2x80xi32, #tpu.memory_space<vmem>>, vector<1x1x16xi32>,
        %get3A_700 = vector.shape_cast %get3A_699 : vector<1x1x16xi32> to vector<16xi32>
        %swap3A_701 = arith.index_cast %sub3A_547 : i32 to index
        %swap3A_702 = arith.constant 32 : index
        %swap3A_703 = tpu.vector_load %arg12[%swap3A_701, %swap3A_702] {strides = array<i32>} : memref<2x80xi32, #tpu.memory_space<vmem>>, vector<1x16xi32>,
        %swap3A_704 = vector.shape_cast %swap3A_703 : vector<1x16xi32> to vector<16xi32>
        %swap3A_705 = vector.shape_cast %get3A_700 : vector<16xi32> to vector<1x16xi32>
        tpu.vector_store %arg12[%swap3A_701, %swap3A_702], %swap3A_705 {strides = array<i32>} : memref<2x80xi32, #tpu.memory_space<vmem>>, vector<1x16xi32>,
        %get3A_706 = arith.constant 0 : i32
        %get3A_707 = arith.index_cast %sub3A_547 : i32 to index
        %get3A_708 = arith.index_cast %get3A_706 : i32 to index
        %get3A_709 = arith.constant 48 : index
        %get3A_710 = tpu.vector_load %arg10[%get3A_707, %get3A_708, %get3A_709] {strides = array<i32>} : memref<2x2x80xi32, #tpu.memory_space<vmem>>, vector<1x1x16xi32>,
        %get3A_711 = vector.shape_cast %get3A_710 : vector<1x1x16xi32> to vector<16xi32>
        %add3A_712 = vector.broadcast %mul3A_65 : i32 to vector<16xi32>
        %add3A_713 = arith.addi %get3A_711, %add3A_712 : vector<16xi32>
        %swap3A_714 = arith.index_cast %sub3A_547 : i32 to index
        %swap3A_715 = arith.constant 48 : index
        %swap3A_716 = tpu.vector_load %arg11[%swap3A_714, %swap3A_715] {strides = array<i32>} : memref<2x80xi32, #tpu.memory_space<vmem>>, vector<1x16xi32>,
        %swap3A_717 = vector.shape_cast %swap3A_716 : vector<1x16xi32> to vector<16xi32>
        %swap3A_718 = vector.shape_cast %add3A_713 : vector<16xi32> to vector<1x16xi32>
        tpu.vector_store %arg11[%swap3A_714, %swap3A_715], %swap3A_718 {strides = array<i32>} : memref<2x80xi32, #tpu.memory_space<vmem>>, vector<1x16xi32>,
        %get3A_719 = arith.constant 1 : i32
        %get3A_720 = arith.index_cast %sub3A_547 : i32 to index
        %get3A_721 = arith.index_cast %get3A_719 : i32 to index
        %get3A_722 = arith.constant 48 : index
        %get3A_723 = tpu.vector_load %arg10[%get3A_720, %get3A_721, %get3A_722] {strides = array<i32>} : memref<2x2x80xi32, #tpu.memory_space<vmem>>, vector<1x1x16xi32>,
        %get3A_724 = vector.shape_cast %get3A_723 : vector<1x1x16xi32> to vector<16xi32>
        %swap3A_725 = arith.index_cast %sub3A_547 : i32 to index
        %swap3A_726 = arith.constant 48 : index
        %swap3A_727 = tpu.vector_load %arg12[%swap3A_725, %swap3A_726] {strides = array<i32>} : memref<2x80xi32, #tpu.memory_space<vmem>>, vector<1x16xi32>,
        %swap3A_728 = vector.shape_cast %swap3A_727 : vector<1x16xi32> to vector<16xi32>
        %swap3A_729 = vector.shape_cast %get3A_724 : vector<16xi32> to vector<1x16xi32>
        tpu.vector_store %arg12[%swap3A_725, %swap3A_726], %swap3A_729 {strides = array<i32>} : memref<2x80xi32, #tpu.memory_space<vmem>>, vector<1x16xi32>,
        %get3A_730 = arith.constant 0 : i32
        %get3A_731 = arith.index_cast %sub3A_547 : i32 to index
        %get3A_732 = arith.index_cast %get3A_730 : i32 to index
        %get3A_733 = arith.constant 64 : index
        %get3A_734 = tpu.vector_load %arg10[%get3A_731, %get3A_732, %get3A_733] {strides = array<i32>} : memref<2x2x80xi32, #tpu.memory_space<vmem>>, vector<1x1x16xi32>,
        %get3A_735 = vector.shape_cast %get3A_734 : vector<1x1x16xi32> to vector<16xi32>
        %add3A_736 = vector.broadcast %mul3A_65 : i32 to vector<16xi32>
        %add3A_737 = arith.addi %get3A_735, %add3A_736 : vector<16xi32>
        %swap3A_738 = arith.index_cast %sub3A_547 : i32 to index
        %swap3A_739 = arith.constant 64 : index
        %swap3A_740 = tpu.vector_load %arg11[%swap3A_738, %swap3A_739] {strides = array<i32>} : memref<2x80xi32, #tpu.memory_space<vmem>>, vector<1x16xi32>,
        %swap3A_741 = vector.shape_cast %swap3A_740 : vector<1x16xi32> to vector<16xi32>
        %swap3A_742 = vector.shape_cast %add3A_737 : vector<16xi32> to vector<1x16xi32>
        tpu.vector_store %arg11[%swap3A_738, %swap3A_739], %swap3A_742 {strides = array<i32>} : memref<2x80xi32, #tpu.memory_space<vmem>>, vector<1x16xi32>,
        %get3A_743 = arith.constant 1 : i32
        %get3A_744 = arith.index_cast %sub3A_547 : i32 to index
        %get3A_745 = arith.index_cast %get3A_743 : i32 to index
        %get3A_746 = arith.constant 64 : index
        %get3A_747 = tpu.vector_load %arg10[%get3A_744, %get3A_745, %get3A_746] {strides = array<i32>} : memref<2x2x80xi32, #tpu.memory_space<vmem>>, vector<1x1x16xi32>,
        %get3A_748 = vector.shape_cast %get3A_747 : vector<1x1x16xi32> to vector<16xi32>
        %swap3A_749 = arith.index_cast %sub3A_547 : i32 to index
        %swap3A_750 = arith.constant 64 : index
        %swap3A_751 = tpu.vector_load %arg12[%swap3A_749, %swap3A_750] {strides = array<i32>} : memref<2x80xi32, #tpu.memory_space<vmem>>, vector<1x16xi32>,
        %swap3A_752 = vector.shape_cast %swap3A_751 : vector<1x16xi32> to vector<16xi32>
        %swap3A_753 = vector.shape_cast %get3A_748 : vector<16xi32> to vector<1x16xi32>
        tpu.vector_store %arg12[%swap3A_749, %swap3A_750], %swap3A_753 {strides = array<i32>} : memref<2x80xi32, #tpu.memory_space<vmem>>, vector<1x16xi32>,
        %dma_start3A_754 = arith.constant 0 : i32
        %dma_start3A_755 = arith.constant 0 : i32
        %dma_start3A_756 = arith.constant 0 : i32
        %dma_start3A_757 = tpu.memref_slice %arg13[%sub3A_547, %dma_start3A_755, %dma_start3A_756] : memref<2x80x16xf32, #tpu.memory_space<vmem>> -> memref<1x80x16xf32, #tpu.memory_space<vmem>>
        %dma_start3A_758 = tpu.memref_squeeze %dma_start3A_757 : memref<1x80x16xf32, #tpu.memory_space<vmem>> -> memref<80x16xf32, #tpu.memory_space<vmem>>
        %dma_start3A_759 = arith.constant 0 : i32
        %dma_start3A_760 = tpu.memref_slice %arg10[%sub3A_547, %dma_start3A_754, %dma_start3A_759] : memref<2x2x80xi32, #tpu.memory_space<vmem>> -> memref<1x1x80xi32, #tpu.memory_space<vmem>>
        %dma_start3A_761 = tpu.memref_squeeze %dma_start3A_760 : memref<1x1x80xi32, #tpu.memory_space<vmem>> -> memref<80xi32, #tpu.memory_space<vmem>>
        %dma_start3A_762 = arith.constant 0 : i32
        %dma_start3A_763 = arith.constant 0 : i32
        %dma_start3A_764 = tpu.memref_slice %arg3[%dma_start3A_762, %dma_start3A_763] : memref<10240x16xf32, #tpu.memory_space<hbm>> -> memref<10240x16xf32, #tpu.memory_space<hbm>>
        %dma_start3A_765 = tpu.memref_slice %arg19[%sub3A_547] : memref<2x!tpu.dma_semaphore, #tpu.memory_space<semaphore_mem>> -> memref<1x!tpu.dma_semaphore, #tpu.memory_space<semaphore_mem>>
        %dma_start3A_766 = tpu.memref_squeeze %dma_start3A_765 : memref<1x!tpu.dma_semaphore, #tpu.memory_space<semaphore_mem>> -> memref<!tpu.dma_semaphore, #tpu.memory_space<semaphore_mem>>
        tpu.enqueue_indirect_dma source(%dma_start3A_764 : memref<10240x16xf32, #tpu.memory_space<hbm>>) target(%dma_start3A_758 : memref<80x16xf32, #tpu.memory_space<vmem>>) offsets(%dma_start3A_761 : memref<80xi32, #tpu.memory_space<vmem>>) semaphore(%dma_start3A_766 : memref<!tpu.dma_semaphore, #tpu.memory_space<semaphore_mem>>)
        %dma_start3A_767 = arith.constant 1 : i32
        %dma_start3A_768 = arith.constant 0 : i32
        %dma_start3A_769 = arith.constant 0 : i32
        %dma_start3A_770 = tpu.memref_slice %arg14[%sub3A_547, %dma_start3A_768, %dma_start3A_769] : memref<2x80x16xf32, #tpu.memory_space<vmem>> -> memref<1x80x16xf32, #tpu.memory_space<vmem>>
        %dma_start3A_771 = tpu.memref_squeeze %dma_start3A_770 : memref<1x80x16xf32, #tpu.memory_space<vmem>> -> memref<80x16xf32, #tpu.memory_space<vmem>>
        %dma_start3A_772 = arith.constant 0 : i32
        %dma_start3A_773 = tpu.memref_slice %arg10[%sub3A_547, %dma_start3A_767, %dma_start3A_772] : memref<2x2x80xi32, #tpu.memory_space<vmem>> -> memref<1x1x80xi32, #tpu.memory_space<vmem>>
        %dma_start3A_774 = tpu.memref_squeeze %dma_start3A_773 : memref<1x1x80xi32, #tpu.memory_space<vmem>> -> memref<80xi32, #tpu.memory_space<vmem>>
        %dma_start3A_775 = arith.constant 0 : i32
        %dma_start3A_776 = arith.constant 0 : i32
        %dma_start3A_777 = tpu.memref_slice %arg4[%dma_start3A_775, %dma_start3A_776] : memref<10240x16xf32, #tpu.memory_space<hbm>> -> memref<10240x16xf32, #tpu.memory_space<hbm>>
        %dma_start3A_778 = tpu.memref_slice %arg19[%sub3A_547] : memref<2x!tpu.dma_semaphore, #tpu.memory_space<semaphore_mem>> -> memref<1x!tpu.dma_semaphore, #tpu.memory_space<semaphore_mem>>
        %dma_start3A_779 = tpu.memref_squeeze %dma_start3A_778 : memref<1x!tpu.dma_semaphore, #tpu.memory_space<semaphore_mem>> -> memref<!tpu.dma_semaphore, #tpu.memory_space<semaphore_mem>>
        tpu.enqueue_indirect_dma source(%dma_start3A_777 : memref<10240x16xf32, #tpu.memory_space<hbm>>) target(%dma_start3A_771 : memref<80x16xf32, #tpu.memory_space<vmem>>) offsets(%dma_start3A_774 : memref<80xi32, #tpu.memory_space<vmem>>) semaphore(%dma_start3A_779 : memref<!tpu.dma_semaphore, #tpu.memory_space<semaphore_mem>>)
        %dma_start3A_780 = arith.constant 0 : i32
        %dma_start3A_781 = arith.constant 0 : i32
        %dma_start3A_782 = tpu.memref_slice %arg15[%sub3A_547, %dma_start3A_780, %dma_start3A_781] : memref<2x80x128xf32, #tpu.memory_space<vmem>> -> memref<1x80x128xf32, #tpu.memory_space<vmem>>
        %dma_start3A_783 = tpu.memref_squeeze %dma_start3A_782 : memref<1x80x128xf32, #tpu.memory_space<vmem>> -> memref<80x128xf32, #tpu.memory_space<vmem>>
        %dma_start3A_784 = arith.constant 0 : i32
        %dma_start3A_785 = tpu.memref_slice %arg11[%sub3A_547, %dma_start3A_784] : memref<2x80xi32, #tpu.memory_space<vmem>> -> memref<1x80xi32, #tpu.memory_space<vmem>>
        %dma_start3A_786 = tpu.memref_squeeze %dma_start3A_785 : memref<1x80xi32, #tpu.memory_space<vmem>> -> memref<80xi32, #tpu.memory_space<vmem>>
        %dma_start3A_787 = arith.constant 0 : i32
        %dma_start3A_788 = arith.constant 0 : i32
        %dma_start3A_789 = tpu.memref_slice %arg2[%dma_start3A_787, %dma_start3A_788] : memref<40960x128xf32, #tpu.memory_space<hbm>> -> memref<40960x128xf32, #tpu.memory_space<hbm>>
        %dma_start3A_790 = tpu.memref_slice %arg19[%sub3A_547] : memref<2x!tpu.dma_semaphore, #tpu.memory_space<semaphore_mem>> -> memref<1x!tpu.dma_semaphore, #tpu.memory_space<semaphore_mem>>
        %dma_start3A_791 = tpu.memref_squeeze %dma_start3A_790 : memref<1x!tpu.dma_semaphore, #tpu.memory_space<semaphore_mem>> -> memref<!tpu.dma_semaphore, #tpu.memory_space<semaphore_mem>>
        tpu.enqueue_indirect_dma source(%dma_start3A_789 : memref<40960x128xf32, #tpu.memory_space<hbm>>) target(%dma_start3A_783 : memref<80x128xf32, #tpu.memory_space<vmem>>) offsets(%dma_start3A_786 : memref<80xi32, #tpu.memory_space<vmem>>) semaphore(%dma_start3A_791 : memref<!tpu.dma_semaphore, #tpu.memory_space<semaphore_mem>>)
      } else {
      }
      %dma_wait3A_558 = arith.constant 0 : i32
      %dma_wait3A_559 = arith.constant 0 : i32
      %dma_wait3A_560 = arith.constant 0 : i32
      %dma_wait3A_561 = tpu.memref_slice %arg13[%rem3A_546, %dma_wait3A_559, %dma_wait3A_560] : memref<2x80x16xf32, #tpu.memory_space<vmem>> -> memref<1x80x16xf32, #tpu.memory_space<vmem>>
      %dma_wait3A_562 = tpu.memref_squeeze %dma_wait3A_561 : memref<1x80x16xf32, #tpu.memory_space<vmem>> -> memref<80x16xf32, #tpu.memory_space<vmem>>
      %dma_wait3A_563 = arith.constant 0 : i32
      %dma_wait3A_564 = tpu.memref_slice %arg10[%rem3A_546, %dma_wait3A_558, %dma_wait3A_563] : memref<2x2x80xi32, #tpu.memory_space<vmem>> -> memref<1x1x80xi32, #tpu.memory_space<vmem>>
      %dma_wait3A_565 = tpu.memref_squeeze %dma_wait3A_564 : memref<1x1x80xi32, #tpu.memory_space<vmem>> -> memref<80xi32, #tpu.memory_space<vmem>>
      %dma_wait3A_566 = arith.constant 0 : i32
      %dma_wait3A_567 = arith.constant 0 : i32
      %dma_wait3A_568 = tpu.memref_slice %arg3[%dma_wait3A_566, %dma_wait3A_567] : memref<10240x16xf32, #tpu.memory_space<hbm>> -> memref<10240x16xf32, #tpu.memory_space<hbm>>
      %dma_wait3A_569 = tpu.memref_slice %arg19[%rem3A_546] : memref<2x!tpu.dma_semaphore, #tpu.memory_space<semaphore_mem>> -> memref<1x!tpu.dma_semaphore, #tpu.memory_space<semaphore_mem>>
      %dma_wait3A_570 = tpu.memref_squeeze %dma_wait3A_569 : memref<1x!tpu.dma_semaphore, #tpu.memory_space<semaphore_mem>> -> memref<!tpu.dma_semaphore, #tpu.memory_space<semaphore_mem>>
      tpu.wait_indirect_dma semaphore(%dma_wait3A_570 : memref<!tpu.dma_semaphore, #tpu.memory_space<semaphore_mem>>) src(%dma_wait3A_568 : memref<10240x16xf32, #tpu.memory_space<hbm>>) dst(%dma_wait3A_562 : memref<80x16xf32, #tpu.memory_space<vmem>>)
      %dma_wait3A_571 = arith.constant 1 : i32
      %dma_wait3A_572 = arith.constant 0 : i32
      %dma_wait3A_573 = arith.constant 0 : i32
      %dma_wait3A_574 = tpu.memref_slice %arg14[%rem3A_546, %dma_wait3A_572, %dma_wait3A_573] : memref<2x80x16xf32, #tpu.memory_space<vmem>> -> memref<1x80x16xf32, #tpu.memory_space<vmem>>
      %dma_wait3A_575 = tpu.memref_squeeze %dma_wait3A_574 : memref<1x80x16xf32, #tpu.memory_space<vmem>> -> memref<80x16xf32, #tpu.memory_space<vmem>>
      %dma_wait3A_576 = arith.constant 0 : i32
      %dma_wait3A_577 = tpu.memref_slice %arg10[%rem3A_546, %dma_wait3A_571, %dma_wait3A_576] : memref<2x2x80xi32, #tpu.memory_space<vmem>> -> memref<1x1x80xi32, #tpu.memory_space<vmem>>
      %dma_wait3A_578 = tpu.memref_squeeze %dma_wait3A_577 : memref<1x1x80xi32, #tpu.memory_space<vmem>> -> memref<80xi32, #tpu.memory_space<vmem>>
      %dma_wait3A_579 = arith.constant 0 : i32
      %dma_wait3A_580 = arith.constant 0 : i32
      %dma_wait3A_581 = tpu.memref_slice %arg4[%dma_wait3A_579, %dma_wait3A_580] : memref<10240x16xf32, #tpu.memory_space<hbm>> -> memref<10240x16xf32, #tpu.memory_space<hbm>>
      %dma_wait3A_582 = tpu.memref_slice %arg19[%rem3A_546] : memref<2x!tpu.dma_semaphore, #tpu.memory_space<semaphore_mem>> -> memref<1x!tpu.dma_semaphore, #tpu.memory_space<semaphore_mem>>
      %dma_wait3A_583 = tpu.memref_squeeze %dma_wait3A_582 : memref<1x!tpu.dma_semaphore, #tpu.memory_space<semaphore_mem>> -> memref<!tpu.dma_semaphore, #tpu.memory_space<semaphore_mem>>
      tpu.wait_indirect_dma semaphore(%dma_wait3A_583 : memref<!tpu.dma_semaphore, #tpu.memory_space<semaphore_mem>>) src(%dma_wait3A_581 : memref<10240x16xf32, #tpu.memory_space<hbm>>) dst(%dma_wait3A_575 : memref<80x16xf32, #tpu.memory_space<vmem>>)
      %parallel_loop3A = arith.constant 0 : i32
      %parallel_loop3A_584 = arith.constant 80 : i32
      %parallel_loop3A_585 = arith.constant 1 : i32
      scf.for %parallel_loop3A_626 = %parallel_loop3A to %parallel_loop3A_584 step %parallel_loop3A_585  : i32 {
        %parallel_loop3A_627 = arith.index_cast %rem3A_546 : i32 to index
        %parallel_loop3A_628 = arith.index_cast %parallel_loop3A_626 : i32 to index
        %parallel_loop3A_629 = arith.constant 0 : index
        %parallel_loop3A_630 = tpu.vector_load %arg13[%parallel_loop3A_627, %parallel_loop3A_628, %parallel_loop3A_629] {strides = array<i32>} : memref<2x80x16xf32, #tpu.memory_space<vmem>>, vector<1x1x16xf32>,
        %parallel_loop3A_631 = vector.shape_cast %parallel_loop3A_630 : vector<1x1x16xf32> to vector<16xf32>
        %parallel_loop3A_632 = arith.index_cast %rem3A_546 : i32 to index
        %parallel_loop3A_633 = arith.index_cast %parallel_loop3A_626 : i32 to index
        %parallel_loop3A_634 = arith.constant 0 : index
        %parallel_loop3A_635 = tpu.vector_load %arg14[%parallel_loop3A_632, %parallel_loop3A_633, %parallel_loop3A_634] {strides = array<i32>} : memref<2x80x16xf32, #tpu.memory_space<vmem>>, vector<1x1x16xf32>,
        %parallel_loop3A_636 = vector.shape_cast %parallel_loop3A_635 : vector<1x1x16xf32> to vector<16xf32>
        %parallel_loop3A_637 = arith.addf %parallel_loop3A_631, %parallel_loop3A_636 : vector<16xf32>
        %parallel_loop3A_638 = arith.constant 2.000000e-01 : f32
        %parallel_loop3A_639 = vector.broadcast %parallel_loop3A_638 : f32 to vector<16xf32>
        %parallel_loop3A_640 = arith.mulf %parallel_loop3A_639, %parallel_loop3A_637 : vector<16xf32>
        %parallel_loop3A_641 = arith.maximumf %parallel_loop3A_637, %parallel_loop3A_640 : vector<16xf32>
        %parallel_loop3A_642 = math.exp %parallel_loop3A_641 : vector<16xf32>
        %parallel_loop3A_643 = arith.index_cast %rem3A_546 : i32 to index
        %parallel_loop3A_644 = arith.index_cast %parallel_loop3A_626 : i32 to index
        %parallel_loop3A_645 = arith.constant 0 : index
        %parallel_loop3A_646 = tpu.vector_load %arg16[%parallel_loop3A_643, %parallel_loop3A_644, %parallel_loop3A_645] {strides = array<i32>} : memref<2x80x16xf32, #tpu.memory_space<vmem>>, vector<1x1x16xf32>,
        %parallel_loop3A_647 = vector.shape_cast %parallel_loop3A_646 : vector<1x1x16xf32> to vector<16xf32>
        %parallel_loop3A_648 = vector.shape_cast %parallel_loop3A_642 : vector<16xf32> to vector<1x1x16xf32>
        tpu.vector_store %arg16[%parallel_loop3A_643, %parallel_loop3A_644, %parallel_loop3A_645], %parallel_loop3A_648 {strides = array<i32>} : memref<2x80x16xf32, #tpu.memory_space<vmem>>, vector<1x1x16xf32>,
      } {sc.loop_unroll_factor = 4 : i64, sc.parallel_access}
      %dma_wait3A_586 = arith.constant 0 : i32
      %dma_wait3A_587 = arith.constant 0 : i32
      %dma_wait3A_588 = tpu.memref_slice %arg15[%rem3A_546, %dma_wait3A_586, %dma_wait3A_587] : memref<2x80x128xf32, #tpu.memory_space<vmem>> -> memref<1x80x128xf32, #tpu.memory_space<vmem>>
      %dma_wait3A_589 = tpu.memref_squeeze %dma_wait3A_588 : memref<1x80x128xf32, #tpu.memory_space<vmem>> -> memref<80x128xf32, #tpu.memory_space<vmem>>
      %dma_wait3A_590 = arith.constant 0 : i32
      %dma_wait3A_591 = tpu.memref_slice %arg11[%rem3A_546, %dma_wait3A_590] : memref<2x80xi32, #tpu.memory_space<vmem>> -> memref<1x80xi32, #tpu.memory_space<vmem>>
      %dma_wait3A_592 = tpu.memref_squeeze %dma_wait3A_591 : memref<1x80xi32, #tpu.memory_space<vmem>> -> memref<80xi32, #tpu.memory_space<vmem>>
      %dma_wait3A_593 = arith.constant 0 : i32
      %dma_wait3A_594 = arith.constant 0 : i32
      %dma_wait3A_595 = tpu.memref_slice %arg2[%dma_wait3A_593, %dma_wait3A_594] : memref<40960x128xf32, #tpu.memory_space<hbm>> -> memref<40960x128xf32, #tpu.memory_space<hbm>>
      %dma_wait3A_596 = tpu.memref_slice %arg19[%rem3A_546] : memref<2x!tpu.dma_semaphore, #tpu.memory_space<semaphore_mem>> -> memref<1x!tpu.dma_semaphore, #tpu.memory_space<semaphore_mem>>
      %dma_wait3A_597 = tpu.memref_squeeze %dma_wait3A_596 : memref<1x!tpu.dma_semaphore, #tpu.memory_space<semaphore_mem>> -> memref<!tpu.dma_semaphore, #tpu.memory_space<semaphore_mem>>
      tpu.wait_indirect_dma semaphore(%dma_wait3A_597 : memref<!tpu.dma_semaphore, #tpu.memory_space<semaphore_mem>>) src(%dma_wait3A_595 : memref<40960x128xf32, #tpu.memory_space<hbm>>) dst(%dma_wait3A_589 : memref<80x128xf32, #tpu.memory_space<vmem>>)
      %parallel_loop3A_598 = arith.constant 0 : i32
      %parallel_loop3A_599 = arith.constant 80 : i32
      %parallel_loop3A_600 = arith.constant 1 : i32
      scf.for %parallel_loop3A_626 = %parallel_loop3A_598 to %parallel_loop3A_599 step %parallel_loop3A_600  : i32 {
        %parallel_loop3A_627 = arith.index_cast %rem3A_546 : i32 to index
        %parallel_loop3A_628 = arith.index_cast %parallel_loop3A_626 : i32 to index
        %parallel_loop3A_629 = arith.constant 0 : index
        %parallel_loop3A_630 = tpu.vector_load %arg16[%parallel_loop3A_627, %parallel_loop3A_628, %parallel_loop3A_629] {strides = array<i32>} : memref<2x80x16xf32, #tpu.memory_space<vmem>>, vector<1x1x16xf32>,
        %parallel_loop3A_631 = vector.shape_cast %parallel_loop3A_630 : vector<1x1x16xf32> to vector<16xf32>
        %parallel_loop3A_632 = vector.shape_cast %broadcast_in_dim3A : vector<16xi32> to vector<16x1xi32>
        %parallel_loop3A_633 = vector.shape_cast %parallel_loop3A_632 : vector<16x1xi32> to vector<16xi32>
        %parallel_loop3A_634 = tpu.dynamic_gather %parallel_loop3A_631[%parallel_loop3A_633] in [0] : vector<16xf32>, vector<16xi32> -> vector<16xf32>
        %parallel_loop3A_635 = vector.shape_cast %broadcast_in_dim3A_63 : vector<16xi32> to vector<16x1xi32>
        %parallel_loop3A_636 = vector.shape_cast %parallel_loop3A_635 : vector<16x1xi32> to vector<16xi32>
        %parallel_loop3A_637 = tpu.dynamic_gather %parallel_loop3A_631[%parallel_loop3A_636] in [0] : vector<16xf32>, vector<16xi32> -> vector<16xf32>
        %parallel_loop3A_638 = arith.index_cast %rem3A_546 : i32 to index
        %parallel_loop3A_639 = arith.index_cast %parallel_loop3A_626 : i32 to index
        %parallel_loop3A_640 = arith.constant 0 : index
        %parallel_loop3A_641 = tpu.vector_load %arg15[%parallel_loop3A_638, %parallel_loop3A_639, %parallel_loop3A_640] {strides = array<i32>} : memref<2x80x128xf32, #tpu.memory_space<vmem>>, vector<1x1x16xf32>,
        %parallel_loop3A_642 = vector.shape_cast %parallel_loop3A_641 : vector<1x1x16xf32> to vector<16xf32>
        %parallel_loop3A_643 = arith.mulf %parallel_loop3A_642, %parallel_loop3A_634 : vector<16xf32>
        %parallel_loop3A_644 = arith.index_cast %rem3A_546 : i32 to index
        %parallel_loop3A_645 = arith.index_cast %parallel_loop3A_626 : i32 to index
        %parallel_loop3A_646 = arith.constant 0 : index
        %parallel_loop3A_647 = tpu.vector_load %arg15[%parallel_loop3A_644, %parallel_loop3A_645, %parallel_loop3A_646] {strides = array<i32>} : memref<2x80x128xf32, #tpu.memory_space<vmem>>, vector<1x1x16xf32>,
        %parallel_loop3A_648 = vector.shape_cast %parallel_loop3A_647 : vector<1x1x16xf32> to vector<16xf32>
        %parallel_loop3A_649 = vector.shape_cast %parallel_loop3A_643 : vector<16xf32> to vector<1x1x16xf32>
        tpu.vector_store %arg15[%parallel_loop3A_644, %parallel_loop3A_645, %parallel_loop3A_646], %parallel_loop3A_649 {strides = array<i32>} : memref<2x80x128xf32, #tpu.memory_space<vmem>>, vector<1x1x16xf32>,
        %parallel_loop3A_650 = arith.index_cast %rem3A_546 : i32 to index
        %parallel_loop3A_651 = arith.index_cast %parallel_loop3A_626 : i32 to index
        %parallel_loop3A_652 = arith.constant 16 : index
        %parallel_loop3A_653 = tpu.vector_load %arg15[%parallel_loop3A_650, %parallel_loop3A_651, %parallel_loop3A_652] {strides = array<i32>} : memref<2x80x128xf32, #tpu.memory_space<vmem>>, vector<1x1x16xf32>,
        %parallel_loop3A_654 = vector.shape_cast %parallel_loop3A_653 : vector<1x1x16xf32> to vector<16xf32>
        %parallel_loop3A_655 = arith.mulf %parallel_loop3A_654, %parallel_loop3A_634 : vector<16xf32>
        %parallel_loop3A_656 = arith.index_cast %rem3A_546 : i32 to index
        %parallel_loop3A_657 = arith.index_cast %parallel_loop3A_626 : i32 to index
        %parallel_loop3A_658 = arith.constant 16 : index
        %parallel_loop3A_659 = tpu.vector_load %arg15[%parallel_loop3A_656, %parallel_loop3A_657, %parallel_loop3A_658] {strides = array<i32>} : memref<2x80x128xf32, #tpu.memory_space<vmem>>, vector<1x1x16xf32>,
        %parallel_loop3A_660 = vector.shape_cast %parallel_loop3A_659 : vector<1x1x16xf32> to vector<16xf32>
        %parallel_loop3A_661 = vector.shape_cast %parallel_loop3A_655 : vector<16xf32> to vector<1x1x16xf32>
        tpu.vector_store %arg15[%parallel_loop3A_656, %parallel_loop3A_657, %parallel_loop3A_658], %parallel_loop3A_661 {strides = array<i32>} : memref<2x80x128xf32, #tpu.memory_space<vmem>>, vector<1x1x16xf32>,
        %parallel_loop3A_662 = arith.index_cast %rem3A_546 : i32 to index
        %parallel_loop3A_663 = arith.index_cast %parallel_loop3A_626 : i32 to index
        %parallel_loop3A_664 = arith.constant 32 : index
        %parallel_loop3A_665 = tpu.vector_load %arg15[%parallel_loop3A_662, %parallel_loop3A_663, %parallel_loop3A_664] {strides = array<i32>} : memref<2x80x128xf32, #tpu.memory_space<vmem>>, vector<1x1x16xf32>,
        %parallel_loop3A_666 = vector.shape_cast %parallel_loop3A_665 : vector<1x1x16xf32> to vector<16xf32>
        %parallel_loop3A_667 = arith.mulf %parallel_loop3A_666, %parallel_loop3A_634 : vector<16xf32>
        %parallel_loop3A_668 = arith.index_cast %rem3A_546 : i32 to index
        %parallel_loop3A_669 = arith.index_cast %parallel_loop3A_626 : i32 to index
        %parallel_loop3A_670 = arith.constant 32 : index
        %parallel_loop3A_671 = tpu.vector_load %arg15[%parallel_loop3A_668, %parallel_loop3A_669, %parallel_loop3A_670] {strides = array<i32>} : memref<2x80x128xf32, #tpu.memory_space<vmem>>, vector<1x1x16xf32>,
        %parallel_loop3A_672 = vector.shape_cast %parallel_loop3A_671 : vector<1x1x16xf32> to vector<16xf32>
        %parallel_loop3A_673 = vector.shape_cast %parallel_loop3A_667 : vector<16xf32> to vector<1x1x16xf32>
        tpu.vector_store %arg15[%parallel_loop3A_668, %parallel_loop3A_669, %parallel_loop3A_670], %parallel_loop3A_673 {strides = array<i32>} : memref<2x80x128xf32, #tpu.memory_space<vmem>>, vector<1x1x16xf32>,
        %parallel_loop3A_674 = arith.index_cast %rem3A_546 : i32 to index
        %parallel_loop3A_675 = arith.index_cast %parallel_loop3A_626 : i32 to index
        %parallel_loop3A_676 = arith.constant 48 : index
        %parallel_loop3A_677 = tpu.vector_load %arg15[%parallel_loop3A_674, %parallel_loop3A_675, %parallel_loop3A_676] {strides = array<i32>} : memref<2x80x128xf32, #tpu.memory_space<vmem>>, vector<1x1x16xf32>,
        %parallel_loop3A_678 = vector.shape_cast %parallel_loop3A_677 : vector<1x1x16xf32> to vector<16xf32>
        %parallel_loop3A_679 = arith.mulf %parallel_loop3A_678, %parallel_loop3A_634 : vector<16xf32>
        %parallel_loop3A_680 = arith.index_cast %rem3A_546 : i32 to index
        %parallel_loop3A_681 = arith.index_cast %parallel_loop3A_626 : i32 to index
        %parallel_loop3A_682 = arith.constant 48 : index
        %parallel_loop3A_683 = tpu.vector_load %arg15[%parallel_loop3A_680, %parallel_loop3A_681, %parallel_loop3A_682] {strides = array<i32>} : memref<2x80x128xf32, #tpu.memory_space<vmem>>, vector<1x1x16xf32>,
        %parallel_loop3A_684 = vector.shape_cast %parallel_loop3A_683 : vector<1x1x16xf32> to vector<16xf32>
        %parallel_loop3A_685 = vector.shape_cast %parallel_loop3A_679 : vector<16xf32> to vector<1x1x16xf32>
        tpu.vector_store %arg15[%parallel_loop3A_680, %parallel_loop3A_681, %parallel_loop3A_682], %parallel_loop3A_685 {strides = array<i32>} : memref<2x80x128xf32, #tpu.memory_space<vmem>>, vector<1x1x16xf32>,
        %parallel_loop3A_686 = arith.index_cast %rem3A_546 : i32 to index
        %parallel_loop3A_687 = arith.index_cast %parallel_loop3A_626 : i32 to index
        %parallel_loop3A_688 = arith.constant 64 : index
        %parallel_loop3A_689 = tpu.vector_load %arg15[%parallel_loop3A_686, %parallel_loop3A_687, %parallel_loop3A_688] {strides = array<i32>} : memref<2x80x128xf32, #tpu.memory_space<vmem>>, vector<1x1x16xf32>,
        %parallel_loop3A_690 = vector.shape_cast %parallel_loop3A_689 : vector<1x1x16xf32> to vector<16xf32>
        %parallel_loop3A_691 = arith.mulf %parallel_loop3A_690, %parallel_loop3A_637 : vector<16xf32>
        %parallel_loop3A_692 = arith.index_cast %rem3A_546 : i32 to index
        %parallel_loop3A_693 = arith.index_cast %parallel_loop3A_626 : i32 to index
        %parallel_loop3A_694 = arith.constant 64 : index
        %parallel_loop3A_695 = tpu.vector_load %arg15[%parallel_loop3A_692, %parallel_loop3A_693, %parallel_loop3A_694] {strides = array<i32>} : memref<2x80x128xf32, #tpu.memory_space<vmem>>, vector<1x1x16xf32>,
        %parallel_loop3A_696 = vector.shape_cast %parallel_loop3A_695 : vector<1x1x16xf32> to vector<16xf32>
        %parallel_loop3A_697 = vector.shape_cast %parallel_loop3A_691 : vector<16xf32> to vector<1x1x16xf32>
        tpu.vector_store %arg15[%parallel_loop3A_692, %parallel_loop3A_693, %parallel_loop3A_694], %parallel_loop3A_697 {strides = array<i32>} : memref<2x80x128xf32, #tpu.memory_space<vmem>>, vector<1x1x16xf32>,
        %parallel_loop3A_698 = arith.index_cast %rem3A_546 : i32 to index
        %parallel_loop3A_699 = arith.index_cast %parallel_loop3A_626 : i32 to index
        %parallel_loop3A_700 = arith.constant 80 : index
        %parallel_loop3A_701 = tpu.vector_load %arg15[%parallel_loop3A_698, %parallel_loop3A_699, %parallel_loop3A_700] {strides = array<i32>} : memref<2x80x128xf32, #tpu.memory_space<vmem>>, vector<1x1x16xf32>,
        %parallel_loop3A_702 = vector.shape_cast %parallel_loop3A_701 : vector<1x1x16xf32> to vector<16xf32>
        %parallel_loop3A_703 = arith.mulf %parallel_loop3A_702, %parallel_loop3A_637 : vector<16xf32>
        %parallel_loop3A_704 = arith.index_cast %rem3A_546 : i32 to index
        %parallel_loop3A_705 = arith.index_cast %parallel_loop3A_626 : i32 to index
        %parallel_loop3A_706 = arith.constant 80 : index
        %parallel_loop3A_707 = tpu.vector_load %arg15[%parallel_loop3A_704, %parallel_loop3A_705, %parallel_loop3A_706] {strides = array<i32>} : memref<2x80x128xf32, #tpu.memory_space<vmem>>, vector<1x1x16xf32>,
        %parallel_loop3A_708 = vector.shape_cast %parallel_loop3A_707 : vector<1x1x16xf32> to vector<16xf32>
        %parallel_loop3A_709 = vector.shape_cast %parallel_loop3A_703 : vector<16xf32> to vector<1x1x16xf32>
        tpu.vector_store %arg15[%parallel_loop3A_704, %parallel_loop3A_705, %parallel_loop3A_706], %parallel_loop3A_709 {strides = array<i32>} : memref<2x80x128xf32, #tpu.memory_space<vmem>>, vector<1x1x16xf32>,
        %parallel_loop3A_710 = arith.index_cast %rem3A_546 : i32 to index
        %parallel_loop3A_711 = arith.index_cast %parallel_loop3A_626 : i32 to index
        %parallel_loop3A_712 = arith.constant 96 : index
        %parallel_loop3A_713 = tpu.vector_load %arg15[%parallel_loop3A_710, %parallel_loop3A_711, %parallel_loop3A_712] {strides = array<i32>} : memref<2x80x128xf32, #tpu.memory_space<vmem>>, vector<1x1x16xf32>,
        %parallel_loop3A_714 = vector.shape_cast %parallel_loop3A_713 : vector<1x1x16xf32> to vector<16xf32>
        %parallel_loop3A_715 = arith.mulf %parallel_loop3A_714, %parallel_loop3A_637 : vector<16xf32>
        %parallel_loop3A_716 = arith.index_cast %rem3A_546 : i32 to index
        %parallel_loop3A_717 = arith.index_cast %parallel_loop3A_626 : i32 to index
        %parallel_loop3A_718 = arith.constant 96 : index
        %parallel_loop3A_719 = tpu.vector_load %arg15[%parallel_loop3A_716, %parallel_loop3A_717, %parallel_loop3A_718] {strides = array<i32>} : memref<2x80x128xf32, #tpu.memory_space<vmem>>, vector<1x1x16xf32>,
        %parallel_loop3A_720 = vector.shape_cast %parallel_loop3A_719 : vector<1x1x16xf32> to vector<16xf32>
        %parallel_loop3A_721 = vector.shape_cast %parallel_loop3A_715 : vector<16xf32> to vector<1x1x16xf32>
        tpu.vector_store %arg15[%parallel_loop3A_716, %parallel_loop3A_717, %parallel_loop3A_718], %parallel_loop3A_721 {strides = array<i32>} : memref<2x80x128xf32, #tpu.memory_space<vmem>>, vector<1x1x16xf32>,
        %parallel_loop3A_722 = arith.index_cast %rem3A_546 : i32 to index
        %parallel_loop3A_723 = arith.index_cast %parallel_loop3A_626 : i32 to index
        %parallel_loop3A_724 = arith.constant 112 : index
        %parallel_loop3A_725 = tpu.vector_load %arg15[%parallel_loop3A_722, %parallel_loop3A_723, %parallel_loop3A_724] {strides = array<i32>} : memref<2x80x128xf32, #tpu.memory_space<vmem>>, vector<1x1x16xf32>,
        %parallel_loop3A_726 = vector.shape_cast %parallel_loop3A_725 : vector<1x1x16xf32> to vector<16xf32>
        %parallel_loop3A_727 = arith.mulf %parallel_loop3A_726, %parallel_loop3A_637 : vector<16xf32>
        %parallel_loop3A_728 = arith.index_cast %rem3A_546 : i32 to index
        %parallel_loop3A_729 = arith.index_cast %parallel_loop3A_626 : i32 to index
        %parallel_loop3A_730 = arith.constant 112 : index
        %parallel_loop3A_731 = tpu.vector_load %arg15[%parallel_loop3A_728, %parallel_loop3A_729, %parallel_loop3A_730] {strides = array<i32>} : memref<2x80x128xf32, #tpu.memory_space<vmem>>, vector<1x1x16xf32>,
        %parallel_loop3A_732 = vector.shape_cast %parallel_loop3A_731 : vector<1x1x16xf32> to vector<16xf32>
        %parallel_loop3A_733 = vector.shape_cast %parallel_loop3A_727 : vector<16xf32> to vector<1x1x16xf32>
        tpu.vector_store %arg15[%parallel_loop3A_728, %parallel_loop3A_729, %parallel_loop3A_730], %parallel_loop3A_733 {strides = array<i32>} : memref<2x80x128xf32, #tpu.memory_space<vmem>>, vector<1x1x16xf32>,
      } {sc.loop_unroll_factor = 2 : i64, sc.parallel_access}
      %dma_start3A_601 = arith.constant 0 : i32
      %dma_start3A_602 = arith.constant 0 : i32
      %dma_start3A_603 = tpu.memref_slice %arg15[%rem3A_546, %dma_start3A_601, %dma_start3A_602] : memref<2x80x128xf32, #tpu.memory_space<vmem>> -> memref<1x80x128xf32, #tpu.memory_space<vmem>>
      %dma_start3A_604 = tpu.memref_squeeze %dma_start3A_603 : memref<1x80x128xf32, #tpu.memory_space<vmem>> -> memref<80x128xf32, #tpu.memory_space<vmem>>
      %dma_start3A_605 = arith.constant 0 : i32
      %dma_start3A_606 = tpu.memref_slice %arg12[%rem3A_546, %dma_start3A_605] : memref<2x80xi32, #tpu.memory_space<vmem>> -> memref<1x80xi32, #tpu.memory_space<vmem>>
      %dma_start3A_607 = tpu.memref_squeeze %dma_start3A_606 : memref<1x80xi32, #tpu.memory_space<vmem>> -> memref<80xi32, #tpu.memory_space<vmem>>
      %dma_start3A_608 = arith.constant 0 : i32
      %dma_start3A_609 = arith.constant 0 : i32
      %dma_start3A_610 = tpu.memref_slice %arg8[%dma_start3A_608, %dma_start3A_609] : memref<10240x128xf32, #tpu.memory_space<vmem_shared>> -> memref<10240x128xf32, #tpu.memory_space<vmem_shared>>
      %dma_start3A_611 = tpu.memref_slice %arg20[%rem3A_546] : memref<2x!tpu.dma_semaphore, #tpu.memory_space<semaphore_mem>> -> memref<1x!tpu.dma_semaphore, #tpu.memory_space<semaphore_mem>>
      %dma_start3A_612 = tpu.memref_squeeze %dma_start3A_611 : memref<1x!tpu.dma_semaphore, #tpu.memory_space<semaphore_mem>> -> memref<!tpu.dma_semaphore, #tpu.memory_space<semaphore_mem>>
      tpu.enqueue_indirect_dma source(%dma_start3A_604 : memref<80x128xf32, #tpu.memory_space<vmem>>) target(%dma_start3A_610 : memref<10240x128xf32, #tpu.memory_space<vmem_shared>>) offsets(%dma_start3A_607 : memref<80xi32, #tpu.memory_space<vmem>>) semaphore(%dma_start3A_612 : memref<!tpu.dma_semaphore, #tpu.memory_space<semaphore_mem>>) {add = true}
      %dma_start3A_613 = arith.constant 0 : i32
      %dma_start3A_614 = arith.constant 0 : i32
      %dma_start3A_615 = tpu.memref_slice %arg16[%rem3A_546, %dma_start3A_613, %dma_start3A_614] : memref<2x80x16xf32, #tpu.memory_space<vmem>> -> memref<1x80x16xf32, #tpu.memory_space<vmem>>
      %dma_start3A_616 = tpu.memref_squeeze %dma_start3A_615 : memref<1x80x16xf32, #tpu.memory_space<vmem>> -> memref<80x16xf32, #tpu.memory_space<vmem>>
      %dma_start3A_617 = arith.constant 0 : i32
      %dma_start3A_618 = tpu.memref_slice %arg12[%rem3A_546, %dma_start3A_617] : memref<2x80xi32, #tpu.memory_space<vmem>> -> memref<1x80xi32, #tpu.memory_space<vmem>>
      %dma_start3A_619 = tpu.memref_squeeze %dma_start3A_618 : memref<1x80xi32, #tpu.memory_space<vmem>> -> memref<80xi32, #tpu.memory_space<vmem>>
      %dma_start3A_620 = arith.constant 0 : i32
      %dma_start3A_621 = arith.constant 0 : i32
      %dma_start3A_622 = tpu.memref_slice %arg9[%dma_start3A_620, %dma_start3A_621] : memref<10240x16xf32, #tpu.memory_space<vmem_shared>> -> memref<10240x16xf32, #tpu.memory_space<vmem_shared>>
      %dma_start3A_623 = tpu.memref_slice %arg21[%rem3A_546] : memref<2x!tpu.dma_semaphore, #tpu.memory_space<semaphore_mem>> -> memref<1x!tpu.dma_semaphore, #tpu.memory_space<semaphore_mem>>
      %dma_start3A_624 = tpu.memref_squeeze %dma_start3A_623 : memref<1x!tpu.dma_semaphore, #tpu.memory_space<semaphore_mem>> -> memref<!tpu.dma_semaphore, #tpu.memory_space<semaphore_mem>>
      tpu.enqueue_indirect_dma source(%dma_start3A_616 : memref<80x16xf32, #tpu.memory_space<vmem>>) target(%dma_start3A_622 : memref<10240x16xf32, #tpu.memory_space<vmem_shared>>) offsets(%dma_start3A_619 : memref<80xi32, #tpu.memory_space<vmem>>) semaphore(%dma_start3A_624 : memref<!tpu.dma_semaphore, #tpu.memory_space<semaphore_mem>>) {add = true}
      %scan3A_625 = arith.constant 0 : i32
      scf.yield %scan3A_625 : i32
    }
    %scan3A_260 = arith.constant 125 : i32
    %dma_wait3A = arith.constant 0 : i32
    %dma_wait3A_261 = arith.constant 0 : i32
    %dma_wait3A_262 = arith.constant 0 : i32
    %dma_wait3A_263 = arith.constant 0 : i32
    %dma_wait3A_264 = arith.constant 0 : i32
    %dma_wait3A_265 = tpu.memref_slice %arg15[%dma_wait3A, %dma_wait3A_263, %dma_wait3A_264] : memref<2x80x128xf32, #tpu.memory_space<vmem>> -> memref<1x80x128xf32, #tpu.memory_space<vmem>>
    %dma_wait3A_266 = tpu.memref_squeeze %dma_wait3A_265 : memref<1x80x128xf32, #tpu.memory_space<vmem>> -> memref<80x128xf32, #tpu.memory_space<vmem>>
    %dma_wait3A_267 = arith.constant 0 : i32
    %dma_wait3A_268 = tpu.memref_slice %arg12[%dma_wait3A_261, %dma_wait3A_267] : memref<2x80xi32, #tpu.memory_space<vmem>> -> memref<1x80xi32, #tpu.memory_space<vmem>>
    %dma_wait3A_269 = tpu.memref_squeeze %dma_wait3A_268 : memref<1x80xi32, #tpu.memory_space<vmem>> -> memref<80xi32, #tpu.memory_space<vmem>>
    %dma_wait3A_270 = arith.constant 0 : i32
    %dma_wait3A_271 = arith.constant 0 : i32
    %dma_wait3A_272 = tpu.memref_slice %arg8[%dma_wait3A_270, %dma_wait3A_271] : memref<10240x128xf32, #tpu.memory_space<vmem_shared>> -> memref<10240x128xf32, #tpu.memory_space<vmem_shared>>
    %dma_wait3A_273 = tpu.memref_slice %arg20[%dma_wait3A_262] : memref<2x!tpu.dma_semaphore, #tpu.memory_space<semaphore_mem>> -> memref<1x!tpu.dma_semaphore, #tpu.memory_space<semaphore_mem>>
    %dma_wait3A_274 = tpu.memref_squeeze %dma_wait3A_273 : memref<1x!tpu.dma_semaphore, #tpu.memory_space<semaphore_mem>> -> memref<!tpu.dma_semaphore, #tpu.memory_space<semaphore_mem>>
    tpu.wait_indirect_dma semaphore(%dma_wait3A_274 : memref<!tpu.dma_semaphore, #tpu.memory_space<semaphore_mem>>) src(%dma_wait3A_266 : memref<80x128xf32, #tpu.memory_space<vmem>>) dst(%dma_wait3A_272 : memref<10240x128xf32, #tpu.memory_space<vmem_shared>>)
    %dma_wait3A_275 = arith.constant 0 : i32
    %dma_wait3A_276 = arith.constant 0 : i32
    %dma_wait3A_277 = arith.constant 0 : i32
    %dma_wait3A_278 = arith.constant 0 : i32
    %dma_wait3A_279 = arith.constant 0 : i32
    %dma_wait3A_280 = tpu.memref_slice %arg16[%dma_wait3A_275, %dma_wait3A_278, %dma_wait3A_279] : memref<2x80x16xf32, #tpu.memory_space<vmem>> -> memref<1x80x16xf32, #tpu.memory_space<vmem>>
    %dma_wait3A_281 = tpu.memref_squeeze %dma_wait3A_280 : memref<1x80x16xf32, #tpu.memory_space<vmem>> -> memref<80x16xf32, #tpu.memory_space<vmem>>
    %dma_wait3A_282 = arith.constant 0 : i32
    %dma_wait3A_283 = tpu.memref_slice %arg12[%dma_wait3A_276, %dma_wait3A_282] : memref<2x80xi32, #tpu.memory_space<vmem>> -> memref<1x80xi32, #tpu.memory_space<vmem>>
    %dma_wait3A_284 = tpu.memref_squeeze %dma_wait3A_283 : memref<1x80xi32, #tpu.memory_space<vmem>> -> memref<80xi32, #tpu.memory_space<vmem>>
    %dma_wait3A_285 = arith.constant 0 : i32
    %dma_wait3A_286 = arith.constant 0 : i32
    %dma_wait3A_287 = tpu.memref_slice %arg9[%dma_wait3A_285, %dma_wait3A_286] : memref<10240x16xf32, #tpu.memory_space<vmem_shared>> -> memref<10240x16xf32, #tpu.memory_space<vmem_shared>>
    %dma_wait3A_288 = tpu.memref_slice %arg21[%dma_wait3A_277] : memref<2x!tpu.dma_semaphore, #tpu.memory_space<semaphore_mem>> -> memref<1x!tpu.dma_semaphore, #tpu.memory_space<semaphore_mem>>
    %dma_wait3A_289 = tpu.memref_squeeze %dma_wait3A_288 : memref<1x!tpu.dma_semaphore, #tpu.memory_space<semaphore_mem>> -> memref<!tpu.dma_semaphore, #tpu.memory_space<semaphore_mem>>
    tpu.wait_indirect_dma semaphore(%dma_wait3A_289 : memref<!tpu.dma_semaphore, #tpu.memory_space<semaphore_mem>>) src(%dma_wait3A_281 : memref<80x16xf32, #tpu.memory_space<vmem>>) dst(%dma_wait3A_287 : memref<10240x16xf32, #tpu.memory_space<vmem_shared>>)
    %barrier3A_290 = arith.constant 0 : index
    tpu.barrier barrier_id(%barrier3A_290)
    "tpu.region"() ({
      %run_scoped3A_544 = tpu.sem_alloc : memref<!tpu.dma_semaphore, #tpu.memory_space<semaphore_mem>>
      %dma_start3A_545 = arith.constant 0 : i32
      %dma_start3A_546 = tpu.memref_slice %arg6[%add3A_56, %mul3A_0, %dma_start3A_545] : memref<4x10240x128xf32, #tpu.memory_space<hbm>> -> memref<1x640x128xf32, #tpu.memory_space<hbm>>
      %dma_start3A_547 = tpu.memref_squeeze %dma_start3A_546 : memref<1x640x128xf32, #tpu.memory_space<hbm>> -> memref<640x128xf32, #tpu.memory_space<hbm>>
      %dma_start3A_548 = arith.constant 0 : i32
      %dma_start3A_549 = tpu.memref_slice %arg8[%mul3A_0, %dma_start3A_548] : memref<10240x128xf32, #tpu.memory_space<vmem_shared>> -> memref<640x128xf32, #tpu.memory_space<vmem_shared>>
      tpu.enqueue_dma source(%dma_start3A_549 : memref<640x128xf32, #tpu.memory_space<vmem_shared>>) target(%dma_start3A_547 : memref<640x128xf32, #tpu.memory_space<hbm>>) target_semaphore(%run_scoped3A_544 : memref<!tpu.dma_semaphore, #tpu.memory_space<semaphore_mem>>)
      %dma_wait3A_550 = arith.constant 0 : i32
      %dma_wait3A_551 = tpu.memref_slice %arg6[%add3A_56, %mul3A_0, %dma_wait3A_550] : memref<4x10240x128xf32, #tpu.memory_space<hbm>> -> memref<1x640x128xf32, #tpu.memory_space<hbm>>
      %dma_wait3A_552 = tpu.memref_squeeze %dma_wait3A_551 : memref<1x640x128xf32, #tpu.memory_space<hbm>> -> memref<640x128xf32, #tpu.memory_space<hbm>>
      %dma_wait3A_553 = arith.constant 0 : i32
      %dma_wait3A_554 = tpu.memref_slice %arg8[%mul3A_0, %dma_wait3A_553] : memref<10240x128xf32, #tpu.memory_space<vmem_shared>> -> memref<640x128xf32, #tpu.memory_space<vmem_shared>>
      tpu.wait_dma2 semaphore(%run_scoped3A_544 : memref<!tpu.dma_semaphore, #tpu.memory_space<semaphore_mem>>) src(%dma_wait3A_554 : memref<640x128xf32, #tpu.memory_space<vmem_shared>>) dst(%dma_wait3A_552 : memref<640x128xf32, #tpu.memory_space<hbm>>)
      tpu.yield
    }) : () -> ()
    %eq3A = arith.constant 0 : i32
    %eq3A_291 = arith.cmpi eq, %arg0, %eq3A : i32
    %convert_element_type3A = arith.extui %eq3A_291 : i1 to i32
    %cond3A = arith.constant 0 : i32
    %cond3A_292 = arith.cmpi ne, %convert_element_type3A, %cond3A : i32
    scf.if %cond3A_292 {
      "tpu.region"() ({
        %run_scoped3A_544 = tpu.sem_alloc : memref<!tpu.dma_semaphore, #tpu.memory_space<semaphore_mem>>
        %dma_start3A_545 = arith.constant 0 : i32
        %dma_start3A_546 = tpu.memref_slice %arg7[%mul3A_0, %dma_start3A_545] : memref<10240x16xf32, #tpu.memory_space<hbm>> -> memref<640x16xf32, #tpu.memory_space<hbm>>
        %dma_start3A_547 = arith.constant 0 : i32
        %dma_start3A_548 = tpu.memref_slice %arg9[%mul3A_0, %dma_start3A_547] : memref<10240x16xf32, #tpu.memory_space<vmem_shared>> -> memref<640x16xf32, #tpu.memory_space<vmem_shared>>
        tpu.enqueue_dma source(%dma_start3A_548 : memref<640x16xf32, #tpu.memory_space<vmem_shared>>) target(%dma_start3A_546 : memref<640x16xf32, #tpu.memory_space<hbm>>) target_semaphore(%run_scoped3A_544 : memref<!tpu.dma_semaphore, #tpu.memory_space<semaphore_mem>>)
        %dma_wait3A_549 = arith.constant 0 : i32
        %dma_wait3A_550 = tpu.memref_slice %arg7[%mul3A_0, %dma_wait3A_549] : memref<10240x16xf32, #tpu.memory_space<hbm>> -> memref<640x16xf32, #tpu.memory_space<hbm>>
        %dma_wait3A_551 = arith.constant 0 : i32
        %dma_wait3A_552 = tpu.memref_slice %arg9[%mul3A_0, %dma_wait3A_551] : memref<10240x16xf32, #tpu.memory_space<vmem_shared>> -> memref<640x16xf32, #tpu.memory_space<vmem_shared>>
        tpu.wait_dma2 semaphore(%run_scoped3A_544 : memref<!tpu.dma_semaphore, #tpu.memory_space<semaphore_mem>>) src(%dma_wait3A_552 : memref<640x16xf32, #tpu.memory_space<vmem_shared>>) dst(%dma_wait3A_550 : memref<640x16xf32, #tpu.memory_space<hbm>>)
        tpu.yield
      }) : () -> ()
    } else {
    }
    %add3A_293 = arith.constant 0 : i32
    %add3A_294 = arith.addi %mul3A_0, %add3A_293 : i32
    "tpu.region"() ({
      %run_scoped3A_544 = tpu.sem_alloc : memref<!tpu.dma_semaphore, #tpu.memory_space<semaphore_mem>>
      %dma_start3A_545 = arith.constant 0 : i32
      %dma_start3A_546 = tpu.memref_slice %arg8[%add3A_294, %dma_start3A_545] : memref<10240x128xf32, #tpu.memory_space<vmem_shared>> -> memref<64x128xf32, #tpu.memory_space<vmem_shared>>
      %dma_start3A_547 = arith.constant 0 : i32
      %dma_start3A_548 = tpu.memref_slice %arg8[%add3A_294, %dma_start3A_547] : memref<10240x128xf32, #tpu.memory_space<vmem_shared>> -> memref<64x128xf32, #tpu.memory_space<vmem_shared>>
      tpu.enqueue_dma source(%arg17 : memref<64x128xf32, #tpu.memory_space<vmem>>) target(%dma_start3A_548 : memref<64x128xf32, #tpu.memory_space<vmem_shared>>) target_semaphore(%run_scoped3A_544 : memref<!tpu.dma_semaphore, #tpu.memory_space<semaphore_mem>>)
      %dma_wait3A_549 = arith.constant 0 : i32
      %dma_wait3A_550 = tpu.memref_slice %arg8[%add3A_294, %dma_wait3A_549] : memref<10240x128xf32, #tpu.memory_space<vmem_shared>> -> memref<64x128xf32, #tpu.memory_space<vmem_shared>>
      %dma_wait3A_551 = arith.constant 0 : i32
      %dma_wait3A_552 = tpu.memref_slice %arg8[%add3A_294, %dma_wait3A_551] : memref<10240x128xf32, #tpu.memory_space<vmem_shared>> -> memref<64x128xf32, #tpu.memory_space<vmem_shared>>
      tpu.wait_dma2 semaphore(%run_scoped3A_544 : memref<!tpu.dma_semaphore, #tpu.memory_space<semaphore_mem>>) src(%arg17 : memref<64x128xf32, #tpu.memory_space<vmem>>) dst(%dma_wait3A_552 : memref<64x128xf32, #tpu.memory_space<vmem_shared>>)
      tpu.yield
    }) : () -> ()
    %add3A_295 = arith.constant 64 : i32
    %add3A_296 = arith.addi %mul3A_0, %add3A_295 : i32
    "tpu.region"() ({
      %run_scoped3A_544 = tpu.sem_alloc : memref<!tpu.dma_semaphore, #tpu.memory_space<semaphore_mem>>
      %dma_start3A_545 = arith.constant 0 : i32
      %dma_start3A_546 = tpu.memref_slice %arg8[%add3A_296, %dma_start3A_545] : memref<10240x128xf32, #tpu.memory_space<vmem_shared>> -> memref<64x128xf32, #tpu.memory_space<vmem_shared>>
      %dma_start3A_547 = arith.constant 0 : i32
      %dma_start3A_548 = tpu.memref_slice %arg8[%add3A_296, %dma_start3A_547] : memref<10240x128xf32, #tpu.memory_space<vmem_shared>> -> memref<64x128xf32, #tpu.memory_space<vmem_shared>>
      tpu.enqueue_dma source(%arg17 : memref<64x128xf32, #tpu.memory_space<vmem>>) target(%dma_start3A_548 : memref<64x128xf32, #tpu.memory_space<vmem_shared>>) target_semaphore(%run_scoped3A_544 : memref<!tpu.dma_semaphore, #tpu.memory_space<semaphore_mem>>)
      %dma_wait3A_549 = arith.constant 0 : i32
      %dma_wait3A_550 = tpu.memref_slice %arg8[%add3A_296, %dma_wait3A_549] : memref<10240x128xf32, #tpu.memory_space<vmem_shared>> -> memref<64x128xf32, #tpu.memory_space<vmem_shared>>
      %dma_wait3A_551 = arith.constant 0 : i32
      %dma_wait3A_552 = tpu.memref_slice %arg8[%add3A_296, %dma_wait3A_551] : memref<10240x128xf32, #tpu.memory_space<vmem_shared>> -> memref<64x128xf32, #tpu.memory_space<vmem_shared>>
      tpu.wait_dma2 semaphore(%run_scoped3A_544 : memref<!tpu.dma_semaphore, #tpu.memory_space<semaphore_mem>>) src(%arg17 : memref<64x128xf32, #tpu.memory_space<vmem>>) dst(%dma_wait3A_552 : memref<64x128xf32, #tpu.memory_space<vmem_shared>>)
      tpu.yield
    }) : () -> ()
    %add3A_297 = arith.constant 128 : i32
    %add3A_298 = arith.addi %mul3A_0, %add3A_297 : i32
    "tpu.region"() ({
      %run_scoped3A_544 = tpu.sem_alloc : memref<!tpu.dma_semaphore, #tpu.memory_space<semaphore_mem>>
      %dma_start3A_545 = arith.constant 0 : i32
      %dma_start3A_546 = tpu.memref_slice %arg8[%add3A_298, %dma_start3A_545] : memref<10240x128xf32, #tpu.memory_space<vmem_shared>> -> memref<64x128xf32, #tpu.memory_space<vmem_shared>>
      %dma_start3A_547 = arith.constant 0 : i32
      %dma_start3A_548 = tpu.memref_slice %arg8[%add3A_298, %dma_start3A_547] : memref<10240x128xf32, #tpu.memory_space<vmem_shared>> -> memref<64x128xf32, #tpu.memory_space<vmem_shared>>
      tpu.enqueue_dma source(%arg17 : memref<64x128xf32, #tpu.memory_space<vmem>>) target(%dma_start3A_548 : memref<64x128xf32, #tpu.memory_space<vmem_shared>>) target_semaphore(%run_scoped3A_544 : memref<!tpu.dma_semaphore, #tpu.memory_space<semaphore_mem>>)
      %dma_wait3A_549 = arith.constant 0 : i32
      %dma_wait3A_550 = tpu.memref_slice %arg8[%add3A_298, %dma_wait3A_549] : memref<10240x128xf32, #tpu.memory_space<vmem_shared>> -> memref<64x128xf32, #tpu.memory_space<vmem_shared>>
      %dma_wait3A_551 = arith.constant 0 : i32
      %dma_wait3A_552 = tpu.memref_slice %arg8[%add3A_298, %dma_wait3A_551] : memref<10240x128xf32, #tpu.memory_space<vmem_shared>> -> memref<64x128xf32, #tpu.memory_space<vmem_shared>>
      tpu.wait_dma2 semaphore(%run_scoped3A_544 : memref<!tpu.dma_semaphore, #tpu.memory_space<semaphore_mem>>) src(%arg17 : memref<64x128xf32, #tpu.memory_space<vmem>>) dst(%dma_wait3A_552 : memref<64x128xf32, #tpu.memory_space<vmem_shared>>)
      tpu.yield
    }) : () -> ()
    %add3A_299 = arith.constant 192 : i32
    %add3A_300 = arith.addi %mul3A_0, %add3A_299 : i32
    "tpu.region"() ({
      %run_scoped3A_544 = tpu.sem_alloc : memref<!tpu.dma_semaphore, #tpu.memory_space<semaphore_mem>>
      %dma_start3A_545 = arith.constant 0 : i32
      %dma_start3A_546 = tpu.memref_slice %arg8[%add3A_300, %dma_start3A_545] : memref<10240x128xf32, #tpu.memory_space<vmem_shared>> -> memref<64x128xf32, #tpu.memory_space<vmem_shared>>
      %dma_start3A_547 = arith.constant 0 : i32
      %dma_start3A_548 = tpu.memref_slice %arg8[%add3A_300, %dma_start3A_547] : memref<10240x128xf32, #tpu.memory_space<vmem_shared>> -> memref<64x128xf32, #tpu.memory_space<vmem_shared>>
      tpu.enqueue_dma source(%arg17 : memref<64x128xf32, #tpu.memory_space<vmem>>) target(%dma_start3A_548 : memref<64x128xf32, #tpu.memory_space<vmem_shared>>) target_semaphore(%run_scoped3A_544 : memref<!tpu.dma_semaphore, #tpu.memory_space<semaphore_mem>>)
      %dma_wait3A_549 = arith.constant 0 : i32
      %dma_wait3A_550 = tpu.memref_slice %arg8[%add3A_300, %dma_wait3A_549] : memref<10240x128xf32, #tpu.memory_space<vmem_shared>> -> memref<64x128xf32, #tpu.memory_space<vmem_shared>>
      %dma_wait3A_551 = arith.constant 0 : i32
      %dma_wait3A_552 = tpu.memref_slice %arg8[%add3A_300, %dma_wait3A_551] : memref<10240x128xf32, #tpu.memory_space<vmem_shared>> -> memref<64x128xf32, #tpu.memory_space<vmem_shared>>
      tpu.wait_dma2 semaphore(%run_scoped3A_544 : memref<!tpu.dma_semaphore, #tpu.memory_space<semaphore_mem>>) src(%arg17 : memref<64x128xf32, #tpu.memory_space<vmem>>) dst(%dma_wait3A_552 : memref<64x128xf32, #tpu.memory_space<vmem_shared>>)
      tpu.yield
    }) : () -> ()
    %add3A_301 = arith.constant 256 : i32
    %add3A_302 = arith.addi %mul3A_0, %add3A_301 : i32
    "tpu.region"() ({
      %run_scoped3A_544 = tpu.sem_alloc : memref<!tpu.dma_semaphore, #tpu.memory_space<semaphore_mem>>
      %dma_start3A_545 = arith.constant 0 : i32
      %dma_start3A_546 = tpu.memref_slice %arg8[%add3A_302, %dma_start3A_545] : memref<10240x128xf32, #tpu.memory_space<vmem_shared>> -> memref<64x128xf32, #tpu.memory_space<vmem_shared>>
      %dma_start3A_547 = arith.constant 0 : i32
      %dma_start3A_548 = tpu.memref_slice %arg8[%add3A_302, %dma_start3A_547] : memref<10240x128xf32, #tpu.memory_space<vmem_shared>> -> memref<64x128xf32, #tpu.memory_space<vmem_shared>>
      tpu.enqueue_dma source(%arg17 : memref<64x128xf32, #tpu.memory_space<vmem>>) target(%dma_start3A_548 : memref<64x128xf32, #tpu.memory_space<vmem_shared>>) target_semaphore(%run_scoped3A_544 : memref<!tpu.dma_semaphore, #tpu.memory_space<semaphore_mem>>)
      %dma_wait3A_549 = arith.constant 0 : i32
      %dma_wait3A_550 = tpu.memref_slice %arg8[%add3A_302, %dma_wait3A_549] : memref<10240x128xf32, #tpu.memory_space<vmem_shared>> -> memref<64x128xf32, #tpu.memory_space<vmem_shared>>
      %dma_wait3A_551 = arith.constant 0 : i32
      %dma_wait3A_552 = tpu.memref_slice %arg8[%add3A_302, %dma_wait3A_551] : memref<10240x128xf32, #tpu.memory_space<vmem_shared>> -> memref<64x128xf32, #tpu.memory_space<vmem_shared>>
      tpu.wait_dma2 semaphore(%run_scoped3A_544 : memref<!tpu.dma_semaphore, #tpu.memory_space<semaphore_mem>>) src(%arg17 : memref<64x128xf32, #tpu.memory_space<vmem>>) dst(%dma_wait3A_552 : memref<64x128xf32, #tpu.memory_space<vmem_shared>>)
      tpu.yield
    }) : () -> ()
    %add3A_303 = arith.constant 320 : i32
    %add3A_304 = arith.addi %mul3A_0, %add3A_303 : i32
    "tpu.region"() ({
      %run_scoped3A_544 = tpu.sem_alloc : memref<!tpu.dma_semaphore, #tpu.memory_space<semaphore_mem>>
      %dma_start3A_545 = arith.constant 0 : i32
      %dma_start3A_546 = tpu.memref_slice %arg8[%add3A_304, %dma_start3A_545] : memref<10240x128xf32, #tpu.memory_space<vmem_shared>> -> memref<64x128xf32, #tpu.memory_space<vmem_shared>>
      %dma_start3A_547 = arith.constant 0 : i32
      %dma_start3A_548 = tpu.memref_slice %arg8[%add3A_304, %dma_start3A_547] : memref<10240x128xf32, #tpu.memory_space<vmem_shared>> -> memref<64x128xf32, #tpu.memory_space<vmem_shared>>
      tpu.enqueue_dma source(%arg17 : memref<64x128xf32, #tpu.memory_space<vmem>>) target(%dma_start3A_548 : memref<64x128xf32, #tpu.memory_space<vmem_shared>>) target_semaphore(%run_scoped3A_544 : memref<!tpu.dma_semaphore, #tpu.memory_space<semaphore_mem>>)
      %dma_wait3A_549 = arith.constant 0 : i32
      %dma_wait3A_550 = tpu.memref_slice %arg8[%add3A_304, %dma_wait3A_549] : memref<10240x128xf32, #tpu.memory_space<vmem_shared>> -> memref<64x128xf32, #tpu.memory_space<vmem_shared>>
      %dma_wait3A_551 = arith.constant 0 : i32
      %dma_wait3A_552 = tpu.memref_slice %arg8[%add3A_304, %dma_wait3A_551] : memref<10240x128xf32, #tpu.memory_space<vmem_shared>> -> memref<64x128xf32, #tpu.memory_space<vmem_shared>>
      tpu.wait_dma2 semaphore(%run_scoped3A_544 : memref<!tpu.dma_semaphore, #tpu.memory_space<semaphore_mem>>) src(%arg17 : memref<64x128xf32, #tpu.memory_space<vmem>>) dst(%dma_wait3A_552 : memref<64x128xf32, #tpu.memory_space<vmem_shared>>)
      tpu.yield
    }) : () -> ()
    %add3A_305 = arith.constant 384 : i32
    %add3A_306 = arith.addi %mul3A_0, %add3A_305 : i32
    "tpu.region"() ({
      %run_scoped3A_544 = tpu.sem_alloc : memref<!tpu.dma_semaphore, #tpu.memory_space<semaphore_mem>>
      %dma_start3A_545 = arith.constant 0 : i32
      %dma_start3A_546 = tpu.memref_slice %arg8[%add3A_306, %dma_start3A_545] : memref<10240x128xf32, #tpu.memory_space<vmem_shared>> -> memref<64x128xf32, #tpu.memory_space<vmem_shared>>
      %dma_start3A_547 = arith.constant 0 : i32
      %dma_start3A_548 = tpu.memref_slice %arg8[%add3A_306, %dma_start3A_547] : memref<10240x128xf32, #tpu.memory_space<vmem_shared>> -> memref<64x128xf32, #tpu.memory_space<vmem_shared>>
      tpu.enqueue_dma source(%arg17 : memref<64x128xf32, #tpu.memory_space<vmem>>) target(%dma_start3A_548 : memref<64x128xf32, #tpu.memory_space<vmem_shared>>) target_semaphore(%run_scoped3A_544 : memref<!tpu.dma_semaphore, #tpu.memory_space<semaphore_mem>>)
      %dma_wait3A_549 = arith.constant 0 : i32
      %dma_wait3A_550 = tpu.memref_slice %arg8[%add3A_306, %dma_wait3A_549] : memref<10240x128xf32, #tpu.memory_space<vmem_shared>> -> memref<64x128xf32, #tpu.memory_space<vmem_shared>>
      %dma_wait3A_551 = arith.constant 0 : i32
      %dma_wait3A_552 = tpu.memref_slice %arg8[%add3A_306, %dma_wait3A_551] : memref<10240x128xf32, #tpu.memory_space<vmem_shared>> -> memref<64x128xf32, #tpu.memory_space<vmem_shared>>
      tpu.wait_dma2 semaphore(%run_scoped3A_544 : memref<!tpu.dma_semaphore, #tpu.memory_space<semaphore_mem>>) src(%arg17 : memref<64x128xf32, #tpu.memory_space<vmem>>) dst(%dma_wait3A_552 : memref<64x128xf32, #tpu.memory_space<vmem_shared>>)
      tpu.yield
    }) : () -> ()
    %add3A_307 = arith.constant 448 : i32
    %add3A_308 = arith.addi %mul3A_0, %add3A_307 : i32
    "tpu.region"() ({
      %run_scoped3A_544 = tpu.sem_alloc : memref<!tpu.dma_semaphore, #tpu.memory_space<semaphore_mem>>
      %dma_start3A_545 = arith.constant 0 : i32
      %dma_start3A_546 = tpu.memref_slice %arg8[%add3A_308, %dma_start3A_545] : memref<10240x128xf32, #tpu.memory_space<vmem_shared>> -> memref<64x128xf32, #tpu.memory_space<vmem_shared>>
      %dma_start3A_547 = arith.constant 0 : i32
      %dma_start3A_548 = tpu.memref_slice %arg8[%add3A_308, %dma_start3A_547] : memref<10240x128xf32, #tpu.memory_space<vmem_shared>> -> memref<64x128xf32, #tpu.memory_space<vmem_shared>>
      tpu.enqueue_dma source(%arg17 : memref<64x128xf32, #tpu.memory_space<vmem>>) target(%dma_start3A_548 : memref<64x128xf32, #tpu.memory_space<vmem_shared>>) target_semaphore(%run_scoped3A_544 : memref<!tpu.dma_semaphore, #tpu.memory_space<semaphore_mem>>)
      %dma_wait3A_549 = arith.constant 0 : i32
      %dma_wait3A_550 = tpu.memref_slice %arg8[%add3A_308, %dma_wait3A_549] : memref<10240x128xf32, #tpu.memory_space<vmem_shared>> -> memref<64x128xf32, #tpu.memory_space<vmem_shared>>
      %dma_wait3A_551 = arith.constant 0 : i32
      %dma_wait3A_552 = tpu.memref_slice %arg8[%add3A_308, %dma_wait3A_551] : memref<10240x128xf32, #tpu.memory_space<vmem_shared>> -> memref<64x128xf32, #tpu.memory_space<vmem_shared>>
      tpu.wait_dma2 semaphore(%run_scoped3A_544 : memref<!tpu.dma_semaphore, #tpu.memory_space<semaphore_mem>>) src(%arg17 : memref<64x128xf32, #tpu.memory_space<vmem>>) dst(%dma_wait3A_552 : memref<64x128xf32, #tpu.memory_space<vmem_shared>>)
      tpu.yield
    }) : () -> ()
    %add3A_309 = arith.constant 512 : i32
    %add3A_310 = arith.addi %mul3A_0, %add3A_309 : i32
    "tpu.region"() ({
      %run_scoped3A_544 = tpu.sem_alloc : memref<!tpu.dma_semaphore, #tpu.memory_space<semaphore_mem>>
      %dma_start3A_545 = arith.constant 0 : i32
      %dma_start3A_546 = tpu.memref_slice %arg8[%add3A_310, %dma_start3A_545] : memref<10240x128xf32, #tpu.memory_space<vmem_shared>> -> memref<64x128xf32, #tpu.memory_space<vmem_shared>>
      %dma_start3A_547 = arith.constant 0 : i32
      %dma_start3A_548 = tpu.memref_slice %arg8[%add3A_310, %dma_start3A_547] : memref<10240x128xf32, #tpu.memory_space<vmem_shared>> -> memref<64x128xf32, #tpu.memory_space<vmem_shared>>
      tpu.enqueue_dma source(%arg17 : memref<64x128xf32, #tpu.memory_space<vmem>>) target(%dma_start3A_548 : memref<64x128xf32, #tpu.memory_space<vmem_shared>>) target_semaphore(%run_scoped3A_544 : memref<!tpu.dma_semaphore, #tpu.memory_space<semaphore_mem>>)
      %dma_wait3A_549 = arith.constant 0 : i32
      %dma_wait3A_550 = tpu.memref_slice %arg8[%add3A_310, %dma_wait3A_549] : memref<10240x128xf32, #tpu.memory_space<vmem_shared>> -> memref<64x128xf32, #tpu.memory_space<vmem_shared>>
      %dma_wait3A_551 = arith.constant 0 : i32
      %dma_wait3A_552 = tpu.memref_slice %arg8[%add3A_310, %dma_wait3A_551] : memref<10240x128xf32, #tpu.memory_space<vmem_shared>> -> memref<64x128xf32, #tpu.memory_space<vmem_shared>>
      tpu.wait_dma2 semaphore(%run_scoped3A_544 : memref<!tpu.dma_semaphore, #tpu.memory_space<semaphore_mem>>) src(%arg17 : memref<64x128xf32, #tpu.memory_space<vmem>>) dst(%dma_wait3A_552 : memref<64x128xf32, #tpu.memory_space<vmem_shared>>)
      tpu.yield
    }) : () -> ()
    %add3A_311 = arith.constant 576 : i32
    %add3A_312 = arith.addi %mul3A_0, %add3A_311 : i32
    "tpu.region"() ({
      %run_scoped3A_544 = tpu.sem_alloc : memref<!tpu.dma_semaphore, #tpu.memory_space<semaphore_mem>>
      %dma_start3A_545 = arith.constant 0 : i32
      %dma_start3A_546 = tpu.memref_slice %arg8[%add3A_312, %dma_start3A_545] : memref<10240x128xf32, #tpu.memory_space<vmem_shared>> -> memref<64x128xf32, #tpu.memory_space<vmem_shared>>
      %dma_start3A_547 = arith.constant 0 : i32
      %dma_start3A_548 = tpu.memref_slice %arg8[%add3A_312, %dma_start3A_547] : memref<10240x128xf32, #tpu.memory_space<vmem_shared>> -> memref<64x128xf32, #tpu.memory_space<vmem_shared>>
      tpu.enqueue_dma source(%arg17 : memref<64x128xf32, #tpu.memory_space<vmem>>) target(%dma_start3A_548 : memref<64x128xf32, #tpu.memory_space<vmem_shared>>) target_semaphore(%run_scoped3A_544 : memref<!tpu.dma_semaphore, #tpu.memory_space<semaphore_mem>>)
      %dma_wait3A_549 = arith.constant 0 : i32
      %dma_wait3A_550 = tpu.memref_slice %arg8[%add3A_312, %dma_wait3A_549] : memref<10240x128xf32, #tpu.memory_space<vmem_shared>> -> memref<64x128xf32, #tpu.memory_space<vmem_shared>>
      %dma_wait3A_551 = arith.constant 0 : i32
      %dma_wait3A_552 = tpu.memref_slice %arg8[%add3A_312, %dma_wait3A_551] : memref<10240x128xf32, #tpu.memory_space<vmem_shared>> -> memref<64x128xf32, #tpu.memory_space<vmem_shared>>
      tpu.wait_dma2 semaphore(%run_scoped3A_544 : memref<!tpu.dma_semaphore, #tpu.memory_space<semaphore_mem>>) src(%arg17 : memref<64x128xf32, #tpu.memory_space<vmem>>) dst(%dma_wait3A_552 : memref<64x128xf32, #tpu.memory_space<vmem_shared>>)
      tpu.yield
    }) : () -> ()
    %barrier3A_313 = arith.constant 0 : index
    tpu.barrier barrier_id(%barrier3A_313)
    %mul3A_314 = arith.constant 2 : i32
    %mul3A_315 = arith.muli %mul3A_314, %arg0 : i32
    %add3A_316 = arith.constant 1 : i32
    %add3A_317 = arith.addi %mul3A_315, %add3A_316 : i32
    %mul3A_318 = arith.constant 2 : i32
    %mul3A_319 = arith.muli %mul3A_318, %add3A_317 : i32
    %broadcast_in_dim3A_320 = vector.broadcast %mul3A_319 : i32 to vector<16xi32>
    %mul3A_321 = arith.constant 2 : i32
    %mul3A_322 = arith.muli %mul3A_321, %add3A_317 : i32
    %add3A_323 = arith.constant 1 : i32
    %add3A_324 = arith.addi %mul3A_322, %add3A_323 : i32
    %broadcast_in_dim3A_325 = vector.broadcast %add3A_324 : i32 to vector<16xi32>
    %mul3A_326 = arith.constant 10240 : i32
    %mul3A_327 = arith.muli %add3A_317, %mul3A_326 : i32
    %mul3A_328 = arith.constant 10000 : i32
    %mul3A_329 = arith.muli %arg1, %mul3A_328 : i32
    %add3A_330 = arith.constant 0 : i32
    %add3A_331 = arith.addi %mul3A_329, %add3A_330 : i32
    %multiple_of3A_332 = tpu.assume_multiple %add3A_331, 8 : i32
    %run_scoped3A_333 = arith.constant 0 : i32
    "tpu.region"() ({
      %run_scoped3A_544 = tpu.sem_alloc : memref<!tpu.dma_semaphore, #tpu.memory_space<semaphore_mem>>
      %dma_start3A_545 = arith.constant 0 : i32
      %dma_start3A_546 = arith.constant 0 : i32
      %dma_start3A_547 = tpu.memref_slice %arg10[%run_scoped3A_333, %dma_start3A_545, %dma_start3A_546] : memref<2x2x80xi32, #tpu.memory_space<vmem>> -> memref<1x2x80xi32, #tpu.memory_space<vmem>>
      %dma_start3A_548 = tpu.memref_squeeze %dma_start3A_547 : memref<1x2x80xi32, #tpu.memory_space<vmem>> -> memref<2x80xi32, #tpu.memory_space<vmem>>
      %dma_start3A_549 = arith.constant 0 : i32
      %dma_start3A_550 = tpu.memref_slice %arg5[%dma_start3A_549, %multiple_of3A_332] : memref<2x160000xi32, #tpu.memory_space<hbm>> -> memref<2x80xi32, #tpu.memory_space<hbm>>
      %dma_start3A_551 = arith.constant 0 : i32
      %dma_start3A_552 = arith.constant 0 : i32
      %dma_start3A_553 = tpu.memref_slice %arg10[%run_scoped3A_333, %dma_start3A_551, %dma_start3A_552] : memref<2x2x80xi32, #tpu.memory_space<vmem>> -> memref<1x2x80xi32, #tpu.memory_space<vmem>>
      %dma_start3A_554 = tpu.memref_squeeze %dma_start3A_553 : memref<1x2x80xi32, #tpu.memory_space<vmem>> -> memref<2x80xi32, #tpu.memory_space<vmem>>
      %dma_start3A_555 = arith.constant 0 : i32
      %dma_start3A_556 = tpu.memref_slice %arg5[%dma_start3A_555, %multiple_of3A_332] : memref<2x160000xi32, #tpu.memory_space<hbm>> -> memref<2x80xi32, #tpu.memory_space<hbm>>
      tpu.enqueue_dma source(%dma_start3A_556 : memref<2x80xi32, #tpu.memory_space<hbm>>) target(%dma_start3A_554 : memref<2x80xi32, #tpu.memory_space<vmem>>) target_semaphore(%run_scoped3A_544 : memref<!tpu.dma_semaphore, #tpu.memory_space<semaphore_mem>>)
      %dma_wait3A_557 = arith.constant 0 : i32
      %dma_wait3A_558 = arith.constant 0 : i32
      %dma_wait3A_559 = tpu.memref_slice %arg10[%run_scoped3A_333, %dma_wait3A_557, %dma_wait3A_558] : memref<2x2x80xi32, #tpu.memory_space<vmem>> -> memref<1x2x80xi32, #tpu.memory_space<vmem>>
      %dma_wait3A_560 = tpu.memref_squeeze %dma_wait3A_559 : memref<1x2x80xi32, #tpu.memory_space<vmem>> -> memref<2x80xi32, #tpu.memory_space<vmem>>
      %dma_wait3A_561 = arith.constant 0 : i32
      %dma_wait3A_562 = tpu.memref_slice %arg5[%dma_wait3A_561, %multiple_of3A_332] : memref<2x160000xi32, #tpu.memory_space<hbm>> -> memref<2x80xi32, #tpu.memory_space<hbm>>
      %dma_wait3A_563 = arith.constant 0 : i32
      %dma_wait3A_564 = arith.constant 0 : i32
      %dma_wait3A_565 = tpu.memref_slice %arg10[%run_scoped3A_333, %dma_wait3A_563, %dma_wait3A_564] : memref<2x2x80xi32, #tpu.memory_space<vmem>> -> memref<1x2x80xi32, #tpu.memory_space<vmem>>
      %dma_wait3A_566 = tpu.memref_squeeze %dma_wait3A_565 : memref<1x2x80xi32, #tpu.memory_space<vmem>> -> memref<2x80xi32, #tpu.memory_space<vmem>>
      %dma_wait3A_567 = arith.constant 0 : i32
      %dma_wait3A_568 = tpu.memref_slice %arg5[%dma_wait3A_567, %multiple_of3A_332] : memref<2x160000xi32, #tpu.memory_space<hbm>> -> memref<2x80xi32, #tpu.memory_space<hbm>>
      tpu.wait_dma2 semaphore(%run_scoped3A_544 : memref<!tpu.dma_semaphore, #tpu.memory_space<semaphore_mem>>) src(%dma_wait3A_568 : memref<2x80xi32, #tpu.memory_space<hbm>>) dst(%dma_wait3A_566 : memref<2x80xi32, #tpu.memory_space<vmem>>)
      tpu.yield
    }) : () -> ()
    %get3A_334 = arith.constant 0 : i32
    %get3A_335 = arith.constant 0 : i32
    %get3A_336 = arith.index_cast %get3A_334 : i32 to index
    %get3A_337 = arith.index_cast %get3A_335 : i32 to index
    %get3A_338 = arith.constant 0 : index
    %get3A_339 = tpu.vector_load %arg10[%get3A_336, %get3A_337, %get3A_338] {strides = array<i32>} : memref<2x2x80xi32, #tpu.memory_space<vmem>>, vector<1x1x16xi32>,
    %get3A_340 = vector.shape_cast %get3A_339 : vector<1x1x16xi32> to vector<16xi32>
    %add3A_341 = vector.broadcast %mul3A_327 : i32 to vector<16xi32>
    %add3A_342 = arith.addi %get3A_340, %add3A_341 : vector<16xi32>
    %swap3A_343 = arith.constant 0 : i32
    %swap3A_344 = arith.index_cast %swap3A_343 : i32 to index
    %swap3A_345 = arith.constant 0 : index
    %swap3A_346 = tpu.vector_load %arg11[%swap3A_344, %swap3A_345] {strides = array<i32>} : memref<2x80xi32, #tpu.memory_space<vmem>>, vector<1x16xi32>,
    %swap3A_347 = vector.shape_cast %swap3A_346 : vector<1x16xi32> to vector<16xi32>
    %swap3A_348 = vector.shape_cast %add3A_342 : vector<16xi32> to vector<1x16xi32>
    tpu.vector_store %arg11[%swap3A_344, %swap3A_345], %swap3A_348 {strides = array<i32>} : memref<2x80xi32, #tpu.memory_space<vmem>>, vector<1x16xi32>,
    %get3A_349 = arith.constant 0 : i32
    %get3A_350 = arith.constant 1 : i32
    %get3A_351 = arith.index_cast %get3A_349 : i32 to index
    %get3A_352 = arith.index_cast %get3A_350 : i32 to index
    %get3A_353 = arith.constant 0 : index
    %get3A_354 = tpu.vector_load %arg10[%get3A_351, %get3A_352, %get3A_353] {strides = array<i32>} : memref<2x2x80xi32, #tpu.memory_space<vmem>>, vector<1x1x16xi32>,
    %get3A_355 = vector.shape_cast %get3A_354 : vector<1x1x16xi32> to vector<16xi32>
    %swap3A_356 = arith.constant 0 : i32
    %swap3A_357 = arith.index_cast %swap3A_356 : i32 to index
    %swap3A_358 = arith.constant 0 : index
    %swap3A_359 = tpu.vector_load %arg12[%swap3A_357, %swap3A_358] {strides = array<i32>} : memref<2x80xi32, #tpu.memory_space<vmem>>, vector<1x16xi32>,
    %swap3A_360 = vector.shape_cast %swap3A_359 : vector<1x16xi32> to vector<16xi32>
    %swap3A_361 = vector.shape_cast %get3A_355 : vector<16xi32> to vector<1x16xi32>
    tpu.vector_store %arg12[%swap3A_357, %swap3A_358], %swap3A_361 {strides = array<i32>} : memref<2x80xi32, #tpu.memory_space<vmem>>, vector<1x16xi32>,
    %get3A_362 = arith.constant 0 : i32
    %get3A_363 = arith.constant 0 : i32
    %get3A_364 = arith.index_cast %get3A_362 : i32 to index
    %get3A_365 = arith.index_cast %get3A_363 : i32 to index
    %get3A_366 = arith.constant 16 : index
    %get3A_367 = tpu.vector_load %arg10[%get3A_364, %get3A_365, %get3A_366] {strides = array<i32>} : memref<2x2x80xi32, #tpu.memory_space<vmem>>, vector<1x1x16xi32>,
    %get3A_368 = vector.shape_cast %get3A_367 : vector<1x1x16xi32> to vector<16xi32>
    %add3A_369 = vector.broadcast %mul3A_327 : i32 to vector<16xi32>
    %add3A_370 = arith.addi %get3A_368, %add3A_369 : vector<16xi32>
    %swap3A_371 = arith.constant 0 : i32
    %swap3A_372 = arith.index_cast %swap3A_371 : i32 to index
    %swap3A_373 = arith.constant 16 : index
    %swap3A_374 = tpu.vector_load %arg11[%swap3A_372, %swap3A_373] {strides = array<i32>} : memref<2x80xi32, #tpu.memory_space<vmem>>, vector<1x16xi32>,
    %swap3A_375 = vector.shape_cast %swap3A_374 : vector<1x16xi32> to vector<16xi32>
    %swap3A_376 = vector.shape_cast %add3A_370 : vector<16xi32> to vector<1x16xi32>
    tpu.vector_store %arg11[%swap3A_372, %swap3A_373], %swap3A_376 {strides = array<i32>} : memref<2x80xi32, #tpu.memory_space<vmem>>, vector<1x16xi32>,
    %get3A_377 = arith.constant 0 : i32
    %get3A_378 = arith.constant 1 : i32
    %get3A_379 = arith.index_cast %get3A_377 : i32 to index
    %get3A_380 = arith.index_cast %get3A_378 : i32 to index
    %get3A_381 = arith.constant 16 : index
    %get3A_382 = tpu.vector_load %arg10[%get3A_379, %get3A_380, %get3A_381] {strides = array<i32>} : memref<2x2x80xi32, #tpu.memory_space<vmem>>, vector<1x1x16xi32>,
    %get3A_383 = vector.shape_cast %get3A_382 : vector<1x1x16xi32> to vector<16xi32>
    %swap3A_384 = arith.constant 0 : i32
    %swap3A_385 = arith.index_cast %swap3A_384 : i32 to index
    %swap3A_386 = arith.constant 16 : index
    %swap3A_387 = tpu.vector_load %arg12[%swap3A_385, %swap3A_386] {strides = array<i32>} : memref<2x80xi32, #tpu.memory_space<vmem>>, vector<1x16xi32>,
    %swap3A_388 = vector.shape_cast %swap3A_387 : vector<1x16xi32> to vector<16xi32>
    %swap3A_389 = vector.shape_cast %get3A_383 : vector<16xi32> to vector<1x16xi32>
    tpu.vector_store %arg12[%swap3A_385, %swap3A_386], %swap3A_389 {strides = array<i32>} : memref<2x80xi32, #tpu.memory_space<vmem>>, vector<1x16xi32>,
    %get3A_390 = arith.constant 0 : i32
    %get3A_391 = arith.constant 0 : i32
    %get3A_392 = arith.index_cast %get3A_390 : i32 to index
    %get3A_393 = arith.index_cast %get3A_391 : i32 to index
    %get3A_394 = arith.constant 32 : index
    %get3A_395 = tpu.vector_load %arg10[%get3A_392, %get3A_393, %get3A_394] {strides = array<i32>} : memref<2x2x80xi32, #tpu.memory_space<vmem>>, vector<1x1x16xi32>,
    %get3A_396 = vector.shape_cast %get3A_395 : vector<1x1x16xi32> to vector<16xi32>
    %add3A_397 = vector.broadcast %mul3A_327 : i32 to vector<16xi32>
    %add3A_398 = arith.addi %get3A_396, %add3A_397 : vector<16xi32>
    %swap3A_399 = arith.constant 0 : i32
    %swap3A_400 = arith.index_cast %swap3A_399 : i32 to index
    %swap3A_401 = arith.constant 32 : index
    %swap3A_402 = tpu.vector_load %arg11[%swap3A_400, %swap3A_401] {strides = array<i32>} : memref<2x80xi32, #tpu.memory_space<vmem>>, vector<1x16xi32>,
    %swap3A_403 = vector.shape_cast %swap3A_402 : vector<1x16xi32> to vector<16xi32>
    %swap3A_404 = vector.shape_cast %add3A_398 : vector<16xi32> to vector<1x16xi32>
    tpu.vector_store %arg11[%swap3A_400, %swap3A_401], %swap3A_404 {strides = array<i32>} : memref<2x80xi32, #tpu.memory_space<vmem>>, vector<1x16xi32>,
    %get3A_405 = arith.constant 0 : i32
    %get3A_406 = arith.constant 1 : i32
    %get3A_407 = arith.index_cast %get3A_405 : i32 to index
    %get3A_408 = arith.index_cast %get3A_406 : i32 to index
    %get3A_409 = arith.constant 32 : index
    %get3A_410 = tpu.vector_load %arg10[%get3A_407, %get3A_408, %get3A_409] {strides = array<i32>} : memref<2x2x80xi32, #tpu.memory_space<vmem>>, vector<1x1x16xi32>,
    %get3A_411 = vector.shape_cast %get3A_410 : vector<1x1x16xi32> to vector<16xi32>
    %swap3A_412 = arith.constant 0 : i32
    %swap3A_413 = arith.index_cast %swap3A_412 : i32 to index
    %swap3A_414 = arith.constant 32 : index
    %swap3A_415 = tpu.vector_load %arg12[%swap3A_413, %swap3A_414] {strides = array<i32>} : memref<2x80xi32, #tpu.memory_space<vmem>>, vector<1x16xi32>,
    %swap3A_416 = vector.shape_cast %swap3A_415 : vector<1x16xi32> to vector<16xi32>
    %swap3A_417 = vector.shape_cast %get3A_411 : vector<16xi32> to vector<1x16xi32>
    tpu.vector_store %arg12[%swap3A_413, %swap3A_414], %swap3A_417 {strides = array<i32>} : memref<2x80xi32, #tpu.memory_space<vmem>>, vector<1x16xi32>,
    %get3A_418 = arith.constant 0 : i32
    %get3A_419 = arith.constant 0 : i32
    %get3A_420 = arith.index_cast %get3A_418 : i32 to index
    %get3A_421 = arith.index_cast %get3A_419 : i32 to index
    %get3A_422 = arith.constant 48 : index
    %get3A_423 = tpu.vector_load %arg10[%get3A_420, %get3A_421, %get3A_422] {strides = array<i32>} : memref<2x2x80xi32, #tpu.memory_space<vmem>>, vector<1x1x16xi32>,
    %get3A_424 = vector.shape_cast %get3A_423 : vector<1x1x16xi32> to vector<16xi32>
    %add3A_425 = vector.broadcast %mul3A_327 : i32 to vector<16xi32>
    %add3A_426 = arith.addi %get3A_424, %add3A_425 : vector<16xi32>
    %swap3A_427 = arith.constant 0 : i32
    %swap3A_428 = arith.index_cast %swap3A_427 : i32 to index
    %swap3A_429 = arith.constant 48 : index
    %swap3A_430 = tpu.vector_load %arg11[%swap3A_428, %swap3A_429] {strides = array<i32>} : memref<2x80xi32, #tpu.memory_space<vmem>>, vector<1x16xi32>,
    %swap3A_431 = vector.shape_cast %swap3A_430 : vector<1x16xi32> to vector<16xi32>
    %swap3A_432 = vector.shape_cast %add3A_426 : vector<16xi32> to vector<1x16xi32>
    tpu.vector_store %arg11[%swap3A_428, %swap3A_429], %swap3A_432 {strides = array<i32>} : memref<2x80xi32, #tpu.memory_space<vmem>>, vector<1x16xi32>,
    %get3A_433 = arith.constant 0 : i32
    %get3A_434 = arith.constant 1 : i32
    %get3A_435 = arith.index_cast %get3A_433 : i32 to index
    %get3A_436 = arith.index_cast %get3A_434 : i32 to index
    %get3A_437 = arith.constant 48 : index
    %get3A_438 = tpu.vector_load %arg10[%get3A_435, %get3A_436, %get3A_437] {strides = array<i32>} : memref<2x2x80xi32, #tpu.memory_space<vmem>>, vector<1x1x16xi32>,
    %get3A_439 = vector.shape_cast %get3A_438 : vector<1x1x16xi32> to vector<16xi32>
    %swap3A_440 = arith.constant 0 : i32
    %swap3A_441 = arith.index_cast %swap3A_440 : i32 to index
    %swap3A_442 = arith.constant 48 : index
    %swap3A_443 = tpu.vector_load %arg12[%swap3A_441, %swap3A_442] {strides = array<i32>} : memref<2x80xi32, #tpu.memory_space<vmem>>, vector<1x16xi32>,
    %swap3A_444 = vector.shape_cast %swap3A_443 : vector<1x16xi32> to vector<16xi32>
    %swap3A_445 = vector.shape_cast %get3A_439 : vector<16xi32> to vector<1x16xi32>
    tpu.vector_store %arg12[%swap3A_441, %swap3A_442], %swap3A_445 {strides = array<i32>} : memref<2x80xi32, #tpu.memory_space<vmem>>, vector<1x16xi32>,
    %get3A_446 = arith.constant 0 : i32
    %get3A_447 = arith.constant 0 : i32
    %get3A_448 = arith.index_cast %get3A_446 : i32 to index
    %get3A_449 = arith.index_cast %get3A_447 : i32 to index
    %get3A_450 = arith.constant 64 : index
    %get3A_451 = tpu.vector_load %arg10[%get3A_448, %get3A_449, %get3A_450] {strides = array<i32>} : memref<2x2x80xi32, #tpu.memory_space<vmem>>, vector<1x1x16xi32>,
    %get3A_452 = vector.shape_cast %get3A_451 : vector<1x1x16xi32> to vector<16xi32>
    %add3A_453 = vector.broadcast %mul3A_327 : i32 to vector<16xi32>
    %add3A_454 = arith.addi %get3A_452, %add3A_453 : vector<16xi32>
    %swap3A_455 = arith.constant 0 : i32
    %swap3A_456 = arith.index_cast %swap3A_455 : i32 to index
    %swap3A_457 = arith.constant 64 : index
    %swap3A_458 = tpu.vector_load %arg11[%swap3A_456, %swap3A_457] {strides = array<i32>} : memref<2x80xi32, #tpu.memory_space<vmem>>, vector<1x16xi32>,
    %swap3A_459 = vector.shape_cast %swap3A_458 : vector<1x16xi32> to vector<16xi32>
    %swap3A_460 = vector.shape_cast %add3A_454 : vector<16xi32> to vector<1x16xi32>
    tpu.vector_store %arg11[%swap3A_456, %swap3A_457], %swap3A_460 {strides = array<i32>} : memref<2x80xi32, #tpu.memory_space<vmem>>, vector<1x16xi32>,
    %get3A_461 = arith.constant 0 : i32
    %get3A_462 = arith.constant 1 : i32
    %get3A_463 = arith.index_cast %get3A_461 : i32 to index
    %get3A_464 = arith.index_cast %get3A_462 : i32 to index
    %get3A_465 = arith.constant 64 : index
    %get3A_466 = tpu.vector_load %arg10[%get3A_463, %get3A_464, %get3A_465] {strides = array<i32>} : memref<2x2x80xi32, #tpu.memory_space<vmem>>, vector<1x1x16xi32>,
    %get3A_467 = vector.shape_cast %get3A_466 : vector<1x1x16xi32> to vector<16xi32>
    %swap3A_468 = arith.constant 0 : i32
    %swap3A_469 = arith.index_cast %swap3A_468 : i32 to index
    %swap3A_470 = arith.constant 64 : index
    %swap3A_471 = tpu.vector_load %arg12[%swap3A_469, %swap3A_470] {strides = array<i32>} : memref<2x80xi32, #tpu.memory_space<vmem>>, vector<1x16xi32>,
    %swap3A_472 = vector.shape_cast %swap3A_471 : vector<1x16xi32> to vector<16xi32>
    %swap3A_473 = vector.shape_cast %get3A_467 : vector<16xi32> to vector<1x16xi32>
    tpu.vector_store %arg12[%swap3A_469, %swap3A_470], %swap3A_473 {strides = array<i32>} : memref<2x80xi32, #tpu.memory_space<vmem>>, vector<1x16xi32>,
    %dma_start3A_474 = arith.constant 0 : i32
    %dma_start3A_475 = arith.constant 0 : i32
    %dma_start3A_476 = arith.constant 0 : i32
    %dma_start3A_477 = arith.constant 0 : i32
    %dma_start3A_478 = arith.constant 0 : i32
    %dma_start3A_479 = arith.constant 0 : i32
    %dma_start3A_480 = tpu.memref_slice %arg13[%dma_start3A_476, %dma_start3A_478, %dma_start3A_479] : memref<2x80x16xf32, #tpu.memory_space<vmem>> -> memref<1x80x16xf32, #tpu.memory_space<vmem>>
    %dma_start3A_481 = tpu.memref_squeeze %dma_start3A_480 : memref<1x80x16xf32, #tpu.memory_space<vmem>> -> memref<80x16xf32, #tpu.memory_space<vmem>>
    %dma_start3A_482 = arith.constant 0 : i32
    %dma_start3A_483 = tpu.memref_slice %arg10[%dma_start3A_474, %dma_start3A_475, %dma_start3A_482] : memref<2x2x80xi32, #tpu.memory_space<vmem>> -> memref<1x1x80xi32, #tpu.memory_space<vmem>>
    %dma_start3A_484 = tpu.memref_squeeze %dma_start3A_483 : memref<1x1x80xi32, #tpu.memory_space<vmem>> -> memref<80xi32, #tpu.memory_space<vmem>>
    %dma_start3A_485 = arith.constant 0 : i32
    %dma_start3A_486 = arith.constant 0 : i32
    %dma_start3A_487 = tpu.memref_slice %arg3[%dma_start3A_485, %dma_start3A_486] : memref<10240x16xf32, #tpu.memory_space<hbm>> -> memref<10240x16xf32, #tpu.memory_space<hbm>>
    %dma_start3A_488 = tpu.memref_slice %arg19[%dma_start3A_477] : memref<2x!tpu.dma_semaphore, #tpu.memory_space<semaphore_mem>> -> memref<1x!tpu.dma_semaphore, #tpu.memory_space<semaphore_mem>>
    %dma_start3A_489 = tpu.memref_squeeze %dma_start3A_488 : memref<1x!tpu.dma_semaphore, #tpu.memory_space<semaphore_mem>> -> memref<!tpu.dma_semaphore, #tpu.memory_space<semaphore_mem>>
    tpu.enqueue_indirect_dma source(%dma_start3A_487 : memref<10240x16xf32, #tpu.memory_space<hbm>>) target(%dma_start3A_481 : memref<80x16xf32, #tpu.memory_space<vmem>>) offsets(%dma_start3A_484 : memref<80xi32, #tpu.memory_space<vmem>>) semaphore(%dma_start3A_489 : memref<!tpu.dma_semaphore, #tpu.memory_space<semaphore_mem>>)
    %dma_start3A_490 = arith.constant 0 : i32
    %dma_start3A_491 = arith.constant 1 : i32
    %dma_start3A_492 = arith.constant 0 : i32
    %dma_start3A_493 = arith.constant 0 : i32
    %dma_start3A_494 = arith.constant 0 : i32
    %dma_start3A_495 = arith.constant 0 : i32
    %dma_start3A_496 = tpu.memref_slice %arg14[%dma_start3A_492, %dma_start3A_494, %dma_start3A_495] : memref<2x80x16xf32, #tpu.memory_space<vmem>> -> memref<1x80x16xf32, #tpu.memory_space<vmem>>
    %dma_start3A_497 = tpu.memref_squeeze %dma_start3A_496 : memref<1x80x16xf32, #tpu.memory_space<vmem>> -> memref<80x16xf32, #tpu.memory_space<vmem>>
    %dma_start3A_498 = arith.constant 0 : i32
    %dma_start3A_499 = tpu.memref_slice %arg10[%dma_start3A_490, %dma_start3A_491, %dma_start3A_498] : memref<2x2x80xi32, #tpu.memory_space<vmem>> -> memref<1x1x80xi32, #tpu.memory_space<vmem>>
    %dma_start3A_500 = tpu.memref_squeeze %dma_start3A_499 : memref<1x1x80xi32, #tpu.memory_space<vmem>> -> memref<80xi32, #tpu.memory_space<vmem>>
    %dma_start3A_501 = arith.constant 0 : i32
    %dma_start3A_502 = arith.constant 0 : i32
    %dma_start3A_503 = tpu.memref_slice %arg4[%dma_start3A_501, %dma_start3A_502] : memref<10240x16xf32, #tpu.memory_space<hbm>> -> memref<10240x16xf32, #tpu.memory_space<hbm>>
    %dma_start3A_504 = tpu.memref_slice %arg19[%dma_start3A_493] : memref<2x!tpu.dma_semaphore, #tpu.memory_space<semaphore_mem>> -> memref<1x!tpu.dma_semaphore, #tpu.memory_space<semaphore_mem>>
    %dma_start3A_505 = tpu.memref_squeeze %dma_start3A_504 : memref<1x!tpu.dma_semaphore, #tpu.memory_space<semaphore_mem>> -> memref<!tpu.dma_semaphore, #tpu.memory_space<semaphore_mem>>
    tpu.enqueue_indirect_dma source(%dma_start3A_503 : memref<10240x16xf32, #tpu.memory_space<hbm>>) target(%dma_start3A_497 : memref<80x16xf32, #tpu.memory_space<vmem>>) offsets(%dma_start3A_500 : memref<80xi32, #tpu.memory_space<vmem>>) semaphore(%dma_start3A_505 : memref<!tpu.dma_semaphore, #tpu.memory_space<semaphore_mem>>)
    %dma_start3A_506 = arith.constant 0 : i32
    %dma_start3A_507 = arith.constant 0 : i32
    %dma_start3A_508 = arith.constant 0 : i32
    %dma_start3A_509 = arith.constant 0 : i32
    %dma_start3A_510 = arith.constant 0 : i32
    %dma_start3A_511 = tpu.memref_slice %arg15[%dma_start3A_507, %dma_start3A_509, %dma_start3A_510] : memref<2x80x128xf32, #tpu.memory_space<vmem>> -> memref<1x80x128xf32, #tpu.memory_space<vmem>>
    %dma_start3A_512 = tpu.memref_squeeze %dma_start3A_511 : memref<1x80x128xf32, #tpu.memory_space<vmem>> -> memref<80x128xf32, #tpu.memory_space<vmem>>
    %dma_start3A_513 = arith.constant 0 : i32
    %dma_start3A_514 = tpu.memref_slice %arg11[%dma_start3A_506, %dma_start3A_513] : memref<2x80xi32, #tpu.memory_space<vmem>> -> memref<1x80xi32, #tpu.memory_space<vmem>>
    %dma_start3A_515 = tpu.memref_squeeze %dma_start3A_514 : memref<1x80xi32, #tpu.memory_space<vmem>> -> memref<80xi32, #tpu.memory_space<vmem>>
    %dma_start3A_516 = arith.constant 0 : i32
    %dma_start3A_517 = arith.constant 0 : i32
    %dma_start3A_518 = tpu.memref_slice %arg2[%dma_start3A_516, %dma_start3A_517] : memref<40960x128xf32, #tpu.memory_space<hbm>> -> memref<40960x128xf32, #tpu.memory_space<hbm>>
    %dma_start3A_519 = tpu.memref_slice %arg19[%dma_start3A_508] : memref<2x!tpu.dma_semaphore, #tpu.memory_space<semaphore_mem>> -> memref<1x!tpu.dma_semaphore, #tpu.memory_space<semaphore_mem>>
    %dma_start3A_520 = tpu.memref_squeeze %dma_start3A_519 : memref<1x!tpu.dma_semaphore, #tpu.memory_space<semaphore_mem>> -> memref<!tpu.dma_semaphore, #tpu.memory_space<semaphore_mem>>
    tpu.enqueue_indirect_dma source(%dma_start3A_518 : memref<40960x128xf32, #tpu.memory_space<hbm>>) target(%dma_start3A_512 : memref<80x128xf32, #tpu.memory_space<vmem>>) offsets(%dma_start3A_515 : memref<80xi32, #tpu.memory_space<vmem>>) semaphore(%dma_start3A_520 : memref<!tpu.dma_semaphore, #tpu.memory_space<semaphore_mem>>)
    %scan3A_521 = arith.constant 0 : i32
    %scan3A_522 = arith.constant 0 : i32
    %scan3A_523 = arith.constant 125 : i32
    %scan3A_524 = arith.addi %scan3A_522, %scan3A_523 : i32
    %scan3A_525 = arith.constant 1 : i32
    %scan3A_526 = scf.for %scan3A_544 = %scan3A_522 to %scan3A_524 step %scan3A_525 iter_args(%scan3A_545 = %scan3A_521) -> (i32)  : i32 {
      %rem3A = arith.constant 2 : i32
      %rem3A_546 = arith.remsi %scan3A_544, %rem3A : i32
      %sub3A = arith.constant 1 : i32
      %sub3A_547 = arith.subi %sub3A, %rem3A_546 : i32
      %ge3A = arith.constant 1 : i32
      %ge3A_548 = arith.cmpi sge, %scan3A_544, %ge3A : i32
      %convert_element_type3A_549 = arith.extui %ge3A_548 : i1 to i32
      %cond3A_550 = arith.constant 0 : i32
      %cond3A_551 = arith.cmpi ne, %convert_element_type3A_549, %cond3A_550 : i32
      scf.if %cond3A_551 {
        %dma_wait3A_614 = arith.constant 0 : i32
        %dma_wait3A_615 = arith.constant 0 : i32
        %dma_wait3A_616 = tpu.memref_slice %arg15[%sub3A_547, %dma_wait3A_614, %dma_wait3A_615] : memref<2x80x128xf32, #tpu.memory_space<vmem>> -> memref<1x80x128xf32, #tpu.memory_space<vmem>>
        %dma_wait3A_617 = tpu.memref_squeeze %dma_wait3A_616 : memref<1x80x128xf32, #tpu.memory_space<vmem>> -> memref<80x128xf32, #tpu.memory_space<vmem>>
        %dma_wait3A_618 = arith.constant 0 : i32
        %dma_wait3A_619 = tpu.memref_slice %arg12[%sub3A_547, %dma_wait3A_618] : memref<2x80xi32, #tpu.memory_space<vmem>> -> memref<1x80xi32, #tpu.memory_space<vmem>>
        %dma_wait3A_620 = tpu.memref_squeeze %dma_wait3A_619 : memref<1x80xi32, #tpu.memory_space<vmem>> -> memref<80xi32, #tpu.memory_space<vmem>>
        %dma_wait3A_621 = arith.constant 0 : i32
        %dma_wait3A_622 = arith.constant 0 : i32
        %dma_wait3A_623 = tpu.memref_slice %arg8[%dma_wait3A_621, %dma_wait3A_622] : memref<10240x128xf32, #tpu.memory_space<vmem_shared>> -> memref<10240x128xf32, #tpu.memory_space<vmem_shared>>
        %dma_wait3A_624 = tpu.memref_slice %arg20[%sub3A_547] : memref<2x!tpu.dma_semaphore, #tpu.memory_space<semaphore_mem>> -> memref<1x!tpu.dma_semaphore, #tpu.memory_space<semaphore_mem>>
        %dma_wait3A_625 = tpu.memref_squeeze %dma_wait3A_624 : memref<1x!tpu.dma_semaphore, #tpu.memory_space<semaphore_mem>> -> memref<!tpu.dma_semaphore, #tpu.memory_space<semaphore_mem>>
        tpu.wait_indirect_dma semaphore(%dma_wait3A_625 : memref<!tpu.dma_semaphore, #tpu.memory_space<semaphore_mem>>) src(%dma_wait3A_617 : memref<80x128xf32, #tpu.memory_space<vmem>>) dst(%dma_wait3A_623 : memref<10240x128xf32, #tpu.memory_space<vmem_shared>>)
      } else {
      }
      %add3A_552 = arith.constant 1 : i32
      %add3A_553 = arith.addi %scan3A_544, %add3A_552 : i32
      %lt3A = arith.constant 125 : i32
      %lt3A_554 = arith.cmpi slt, %add3A_553, %lt3A : i32
      %convert_element_type3A_555 = arith.extui %lt3A_554 : i1 to i32
      %cond3A_556 = arith.constant 0 : i32
      %cond3A_557 = arith.cmpi ne, %convert_element_type3A_555, %cond3A_556 : i32
      scf.if %cond3A_557 {
        %add3A_614 = arith.constant 1 : i32
        %add3A_615 = arith.addi %scan3A_544, %add3A_614 : i32
        %mul3A_616 = arith.constant 10000 : i32
        %mul3A_617 = arith.muli %arg1, %mul3A_616 : i32
        %mul3A_618 = arith.constant 80 : i32
        %mul3A_619 = arith.muli %add3A_615, %mul3A_618 : i32
        %add3A_620 = arith.addi %mul3A_617, %mul3A_619 : i32
        %multiple_of3A_621 = tpu.assume_multiple %add3A_620, 8 : i32
        "tpu.region"() ({
          %run_scoped3A_780 = tpu.sem_alloc : memref<!tpu.dma_semaphore, #tpu.memory_space<semaphore_mem>>
          %dma_start3A_781 = arith.constant 0 : i32
          %dma_start3A_782 = arith.constant 0 : i32
          %dma_start3A_783 = tpu.memref_slice %arg10[%sub3A_547, %dma_start3A_781, %dma_start3A_782] : memref<2x2x80xi32, #tpu.memory_space<vmem>> -> memref<1x2x80xi32, #tpu.memory_space<vmem>>
          %dma_start3A_784 = tpu.memref_squeeze %dma_start3A_783 : memref<1x2x80xi32, #tpu.memory_space<vmem>> -> memref<2x80xi32, #tpu.memory_space<vmem>>
          %dma_start3A_785 = arith.constant 0 : i32
          %dma_start3A_786 = tpu.memref_slice %arg5[%dma_start3A_785, %multiple_of3A_621] : memref<2x160000xi32, #tpu.memory_space<hbm>> -> memref<2x80xi32, #tpu.memory_space<hbm>>
          %dma_start3A_787 = arith.constant 0 : i32
          %dma_start3A_788 = arith.constant 0 : i32
          %dma_start3A_789 = tpu.memref_slice %arg10[%sub3A_547, %dma_start3A_787, %dma_start3A_788] : memref<2x2x80xi32, #tpu.memory_space<vmem>> -> memref<1x2x80xi32, #tpu.memory_space<vmem>>
          %dma_start3A_790 = tpu.memref_squeeze %dma_start3A_789 : memref<1x2x80xi32, #tpu.memory_space<vmem>> -> memref<2x80xi32, #tpu.memory_space<vmem>>
          %dma_start3A_791 = arith.constant 0 : i32
          %dma_start3A_792 = tpu.memref_slice %arg5[%dma_start3A_791, %multiple_of3A_621] : memref<2x160000xi32, #tpu.memory_space<hbm>> -> memref<2x80xi32, #tpu.memory_space<hbm>>
          tpu.enqueue_dma source(%dma_start3A_792 : memref<2x80xi32, #tpu.memory_space<hbm>>) target(%dma_start3A_790 : memref<2x80xi32, #tpu.memory_space<vmem>>) target_semaphore(%run_scoped3A_780 : memref<!tpu.dma_semaphore, #tpu.memory_space<semaphore_mem>>)
          %dma_wait3A_793 = arith.constant 0 : i32
          %dma_wait3A_794 = arith.constant 0 : i32
          %dma_wait3A_795 = tpu.memref_slice %arg10[%sub3A_547, %dma_wait3A_793, %dma_wait3A_794] : memref<2x2x80xi32, #tpu.memory_space<vmem>> -> memref<1x2x80xi32, #tpu.memory_space<vmem>>
          %dma_wait3A_796 = tpu.memref_squeeze %dma_wait3A_795 : memref<1x2x80xi32, #tpu.memory_space<vmem>> -> memref<2x80xi32, #tpu.memory_space<vmem>>
          %dma_wait3A_797 = arith.constant 0 : i32
          %dma_wait3A_798 = tpu.memref_slice %arg5[%dma_wait3A_797, %multiple_of3A_621] : memref<2x160000xi32, #tpu.memory_space<hbm>> -> memref<2x80xi32, #tpu.memory_space<hbm>>
          %dma_wait3A_799 = arith.constant 0 : i32
          %dma_wait3A_800 = arith.constant 0 : i32
          %dma_wait3A_801 = tpu.memref_slice %arg10[%sub3A_547, %dma_wait3A_799, %dma_wait3A_800] : memref<2x2x80xi32, #tpu.memory_space<vmem>> -> memref<1x2x80xi32, #tpu.memory_space<vmem>>
          %dma_wait3A_802 = tpu.memref_squeeze %dma_wait3A_801 : memref<1x2x80xi32, #tpu.memory_space<vmem>> -> memref<2x80xi32, #tpu.memory_space<vmem>>
          %dma_wait3A_803 = arith.constant 0 : i32
          %dma_wait3A_804 = tpu.memref_slice %arg5[%dma_wait3A_803, %multiple_of3A_621] : memref<2x160000xi32, #tpu.memory_space<hbm>> -> memref<2x80xi32, #tpu.memory_space<hbm>>
          tpu.wait_dma2 semaphore(%run_scoped3A_780 : memref<!tpu.dma_semaphore, #tpu.memory_space<semaphore_mem>>) src(%dma_wait3A_804 : memref<2x80xi32, #tpu.memory_space<hbm>>) dst(%dma_wait3A_802 : memref<2x80xi32, #tpu.memory_space<vmem>>)
          tpu.yield
        }) : () -> ()
        %get3A_622 = arith.constant 0 : i32
        %get3A_623 = arith.index_cast %sub3A_547 : i32 to index
        %get3A_624 = arith.index_cast %get3A_622 : i32 to index
        %get3A_625 = arith.constant 0 : index
        %get3A_626 = tpu.vector_load %arg10[%get3A_623, %get3A_624, %get3A_625] {strides = array<i32>} : memref<2x2x80xi32, #tpu.memory_space<vmem>>, vector<1x1x16xi32>,
        %get3A_627 = vector.shape_cast %get3A_626 : vector<1x1x16xi32> to vector<16xi32>
        %add3A_628 = vector.broadcast %mul3A_327 : i32 to vector<16xi32>
        %add3A_629 = arith.addi %get3A_627, %add3A_628 : vector<16xi32>
        %swap3A_630 = arith.index_cast %sub3A_547 : i32 to index
        %swap3A_631 = arith.constant 0 : index
        %swap3A_632 = tpu.vector_load %arg11[%swap3A_630, %swap3A_631] {strides = array<i32>} : memref<2x80xi32, #tpu.memory_space<vmem>>, vector<1x16xi32>,
        %swap3A_633 = vector.shape_cast %swap3A_632 : vector<1x16xi32> to vector<16xi32>
        %swap3A_634 = vector.shape_cast %add3A_629 : vector<16xi32> to vector<1x16xi32>
        tpu.vector_store %arg11[%swap3A_630, %swap3A_631], %swap3A_634 {strides = array<i32>} : memref<2x80xi32, #tpu.memory_space<vmem>>, vector<1x16xi32>,
        %get3A_635 = arith.constant 1 : i32
        %get3A_636 = arith.index_cast %sub3A_547 : i32 to index
        %get3A_637 = arith.index_cast %get3A_635 : i32 to index
        %get3A_638 = arith.constant 0 : index
        %get3A_639 = tpu.vector_load %arg10[%get3A_636, %get3A_637, %get3A_638] {strides = array<i32>} : memref<2x2x80xi32, #tpu.memory_space<vmem>>, vector<1x1x16xi32>,
        %get3A_640 = vector.shape_cast %get3A_639 : vector<1x1x16xi32> to vector<16xi32>
        %swap3A_641 = arith.index_cast %sub3A_547 : i32 to index
        %swap3A_642 = arith.constant 0 : index
        %swap3A_643 = tpu.vector_load %arg12[%swap3A_641, %swap3A_642] {strides = array<i32>} : memref<2x80xi32, #tpu.memory_space<vmem>>, vector<1x16xi32>,
        %swap3A_644 = vector.shape_cast %swap3A_643 : vector<1x16xi32> to vector<16xi32>
        %swap3A_645 = vector.shape_cast %get3A_640 : vector<16xi32> to vector<1x16xi32>
        tpu.vector_store %arg12[%swap3A_641, %swap3A_642], %swap3A_645 {strides = array<i32>} : memref<2x80xi32, #tpu.memory_space<vmem>>, vector<1x16xi32>,
        %get3A_646 = arith.constant 0 : i32
        %get3A_647 = arith.index_cast %sub3A_547 : i32 to index
        %get3A_648 = arith.index_cast %get3A_646 : i32 to index
        %get3A_649 = arith.constant 16 : index
        %get3A_650 = tpu.vector_load %arg10[%get3A_647, %get3A_648, %get3A_649] {strides = array<i32>} : memref<2x2x80xi32, #tpu.memory_space<vmem>>, vector<1x1x16xi32>,
        %get3A_651 = vector.shape_cast %get3A_650 : vector<1x1x16xi32> to vector<16xi32>
        %add3A_652 = vector.broadcast %mul3A_327 : i32 to vector<16xi32>
        %add3A_653 = arith.addi %get3A_651, %add3A_652 : vector<16xi32>
        %swap3A_654 = arith.index_cast %sub3A_547 : i32 to index
        %swap3A_655 = arith.constant 16 : index
        %swap3A_656 = tpu.vector_load %arg11[%swap3A_654, %swap3A_655] {strides = array<i32>} : memref<2x80xi32, #tpu.memory_space<vmem>>, vector<1x16xi32>,
        %swap3A_657 = vector.shape_cast %swap3A_656 : vector<1x16xi32> to vector<16xi32>
        %swap3A_658 = vector.shape_cast %add3A_653 : vector<16xi32> to vector<1x16xi32>
        tpu.vector_store %arg11[%swap3A_654, %swap3A_655], %swap3A_658 {strides = array<i32>} : memref<2x80xi32, #tpu.memory_space<vmem>>, vector<1x16xi32>,
        %get3A_659 = arith.constant 1 : i32
        %get3A_660 = arith.index_cast %sub3A_547 : i32 to index
        %get3A_661 = arith.index_cast %get3A_659 : i32 to index
        %get3A_662 = arith.constant 16 : index
        %get3A_663 = tpu.vector_load %arg10[%get3A_660, %get3A_661, %get3A_662] {strides = array<i32>} : memref<2x2x80xi32, #tpu.memory_space<vmem>>, vector<1x1x16xi32>,
        %get3A_664 = vector.shape_cast %get3A_663 : vector<1x1x16xi32> to vector<16xi32>
        %swap3A_665 = arith.index_cast %sub3A_547 : i32 to index
        %swap3A_666 = arith.constant 16 : index
        %swap3A_667 = tpu.vector_load %arg12[%swap3A_665, %swap3A_666] {strides = array<i32>} : memref<2x80xi32, #tpu.memory_space<vmem>>, vector<1x16xi32>,
        %swap3A_668 = vector.shape_cast %swap3A_667 : vector<1x16xi32> to vector<16xi32>
        %swap3A_669 = vector.shape_cast %get3A_664 : vector<16xi32> to vector<1x16xi32>
        tpu.vector_store %arg12[%swap3A_665, %swap3A_666], %swap3A_669 {strides = array<i32>} : memref<2x80xi32, #tpu.memory_space<vmem>>, vector<1x16xi32>,
        %get3A_670 = arith.constant 0 : i32
        %get3A_671 = arith.index_cast %sub3A_547 : i32 to index
        %get3A_672 = arith.index_cast %get3A_670 : i32 to index
        %get3A_673 = arith.constant 32 : index
        %get3A_674 = tpu.vector_load %arg10[%get3A_671, %get3A_672, %get3A_673] {strides = array<i32>} : memref<2x2x80xi32, #tpu.memory_space<vmem>>, vector<1x1x16xi32>,
        %get3A_675 = vector.shape_cast %get3A_674 : vector<1x1x16xi32> to vector<16xi32>
        %add3A_676 = vector.broadcast %mul3A_327 : i32 to vector<16xi32>
        %add3A_677 = arith.addi %get3A_675, %add3A_676 : vector<16xi32>
        %swap3A_678 = arith.index_cast %sub3A_547 : i32 to index
        %swap3A_679 = arith.constant 32 : index
        %swap3A_680 = tpu.vector_load %arg11[%swap3A_678, %swap3A_679] {strides = array<i32>} : memref<2x80xi32, #tpu.memory_space<vmem>>, vector<1x16xi32>,
        %swap3A_681 = vector.shape_cast %swap3A_680 : vector<1x16xi32> to vector<16xi32>
        %swap3A_682 = vector.shape_cast %add3A_677 : vector<16xi32> to vector<1x16xi32>
        tpu.vector_store %arg11[%swap3A_678, %swap3A_679], %swap3A_682 {strides = array<i32>} : memref<2x80xi32, #tpu.memory_space<vmem>>, vector<1x16xi32>,
        %get3A_683 = arith.constant 1 : i32
        %get3A_684 = arith.index_cast %sub3A_547 : i32 to index
        %get3A_685 = arith.index_cast %get3A_683 : i32 to index
        %get3A_686 = arith.constant 32 : index
        %get3A_687 = tpu.vector_load %arg10[%get3A_684, %get3A_685, %get3A_686] {strides = array<i32>} : memref<2x2x80xi32, #tpu.memory_space<vmem>>, vector<1x1x16xi32>,
        %get3A_688 = vector.shape_cast %get3A_687 : vector<1x1x16xi32> to vector<16xi32>
        %swap3A_689 = arith.index_cast %sub3A_547 : i32 to index
        %swap3A_690 = arith.constant 32 : index
        %swap3A_691 = tpu.vector_load %arg12[%swap3A_689, %swap3A_690] {strides = array<i32>} : memref<2x80xi32, #tpu.memory_space<vmem>>, vector<1x16xi32>,
        %swap3A_692 = vector.shape_cast %swap3A_691 : vector<1x16xi32> to vector<16xi32>
        %swap3A_693 = vector.shape_cast %get3A_688 : vector<16xi32> to vector<1x16xi32>
        tpu.vector_store %arg12[%swap3A_689, %swap3A_690], %swap3A_693 {strides = array<i32>} : memref<2x80xi32, #tpu.memory_space<vmem>>, vector<1x16xi32>,
        %get3A_694 = arith.constant 0 : i32
        %get3A_695 = arith.index_cast %sub3A_547 : i32 to index
        %get3A_696 = arith.index_cast %get3A_694 : i32 to index
        %get3A_697 = arith.constant 48 : index
        %get3A_698 = tpu.vector_load %arg10[%get3A_695, %get3A_696, %get3A_697] {strides = array<i32>} : memref<2x2x80xi32, #tpu.memory_space<vmem>>, vector<1x1x16xi32>,
        %get3A_699 = vector.shape_cast %get3A_698 : vector<1x1x16xi32> to vector<16xi32>
        %add3A_700 = vector.broadcast %mul3A_327 : i32 to vector<16xi32>
        %add3A_701 = arith.addi %get3A_699, %add3A_700 : vector<16xi32>
        %swap3A_702 = arith.index_cast %sub3A_547 : i32 to index
        %swap3A_703 = arith.constant 48 : index
        %swap3A_704 = tpu.vector_load %arg11[%swap3A_702, %swap3A_703] {strides = array<i32>} : memref<2x80xi32, #tpu.memory_space<vmem>>, vector<1x16xi32>,
        %swap3A_705 = vector.shape_cast %swap3A_704 : vector<1x16xi32> to vector<16xi32>
        %swap3A_706 = vector.shape_cast %add3A_701 : vector<16xi32> to vector<1x16xi32>
        tpu.vector_store %arg11[%swap3A_702, %swap3A_703], %swap3A_706 {strides = array<i32>} : memref<2x80xi32, #tpu.memory_space<vmem>>, vector<1x16xi32>,
        %get3A_707 = arith.constant 1 : i32
        %get3A_708 = arith.index_cast %sub3A_547 : i32 to index
        %get3A_709 = arith.index_cast %get3A_707 : i32 to index
        %get3A_710 = arith.constant 48 : index
        %get3A_711 = tpu.vector_load %arg10[%get3A_708, %get3A_709, %get3A_710] {strides = array<i32>} : memref<2x2x80xi32, #tpu.memory_space<vmem>>, vector<1x1x16xi32>,
        %get3A_712 = vector.shape_cast %get3A_711 : vector<1x1x16xi32> to vector<16xi32>
        %swap3A_713 = arith.index_cast %sub3A_547 : i32 to index
        %swap3A_714 = arith.constant 48 : index
        %swap3A_715 = tpu.vector_load %arg12[%swap3A_713, %swap3A_714] {strides = array<i32>} : memref<2x80xi32, #tpu.memory_space<vmem>>, vector<1x16xi32>,
        %swap3A_716 = vector.shape_cast %swap3A_715 : vector<1x16xi32> to vector<16xi32>
        %swap3A_717 = vector.shape_cast %get3A_712 : vector<16xi32> to vector<1x16xi32>
        tpu.vector_store %arg12[%swap3A_713, %swap3A_714], %swap3A_717 {strides = array<i32>} : memref<2x80xi32, #tpu.memory_space<vmem>>, vector<1x16xi32>,
        %get3A_718 = arith.constant 0 : i32
        %get3A_719 = arith.index_cast %sub3A_547 : i32 to index
        %get3A_720 = arith.index_cast %get3A_718 : i32 to index
        %get3A_721 = arith.constant 64 : index
        %get3A_722 = tpu.vector_load %arg10[%get3A_719, %get3A_720, %get3A_721] {strides = array<i32>} : memref<2x2x80xi32, #tpu.memory_space<vmem>>, vector<1x1x16xi32>,
        %get3A_723 = vector.shape_cast %get3A_722 : vector<1x1x16xi32> to vector<16xi32>
        %add3A_724 = vector.broadcast %mul3A_327 : i32 to vector<16xi32>
        %add3A_725 = arith.addi %get3A_723, %add3A_724 : vector<16xi32>
        %swap3A_726 = arith.index_cast %sub3A_547 : i32 to index
        %swap3A_727 = arith.constant 64 : index
        %swap3A_728 = tpu.vector_load %arg11[%swap3A_726, %swap3A_727] {strides = array<i32>} : memref<2x80xi32, #tpu.memory_space<vmem>>, vector<1x16xi32>,
        %swap3A_729 = vector.shape_cast %swap3A_728 : vector<1x16xi32> to vector<16xi32>
        %swap3A_730 = vector.shape_cast %add3A_725 : vector<16xi32> to vector<1x16xi32>
        tpu.vector_store %arg11[%swap3A_726, %swap3A_727], %swap3A_730 {strides = array<i32>} : memref<2x80xi32, #tpu.memory_space<vmem>>, vector<1x16xi32>,
        %get3A_731 = arith.constant 1 : i32
        %get3A_732 = arith.index_cast %sub3A_547 : i32 to index
        %get3A_733 = arith.index_cast %get3A_731 : i32 to index
        %get3A_734 = arith.constant 64 : index
        %get3A_735 = tpu.vector_load %arg10[%get3A_732, %get3A_733, %get3A_734] {strides = array<i32>} : memref<2x2x80xi32, #tpu.memory_space<vmem>>, vector<1x1x16xi32>,
        %get3A_736 = vector.shape_cast %get3A_735 : vector<1x1x16xi32> to vector<16xi32>
        %swap3A_737 = arith.index_cast %sub3A_547 : i32 to index
        %swap3A_738 = arith.constant 64 : index
        %swap3A_739 = tpu.vector_load %arg12[%swap3A_737, %swap3A_738] {strides = array<i32>} : memref<2x80xi32, #tpu.memory_space<vmem>>, vector<1x16xi32>,
        %swap3A_740 = vector.shape_cast %swap3A_739 : vector<1x16xi32> to vector<16xi32>
        %swap3A_741 = vector.shape_cast %get3A_736 : vector<16xi32> to vector<1x16xi32>
        tpu.vector_store %arg12[%swap3A_737, %swap3A_738], %swap3A_741 {strides = array<i32>} : memref<2x80xi32, #tpu.memory_space<vmem>>, vector<1x16xi32>,
        %dma_start3A_742 = arith.constant 0 : i32
        %dma_start3A_743 = arith.constant 0 : i32
        %dma_start3A_744 = arith.constant 0 : i32
        %dma_start3A_745 = tpu.memref_slice %arg13[%sub3A_547, %dma_start3A_743, %dma_start3A_744] : memref<2x80x16xf32, #tpu.memory_space<vmem>> -> memref<1x80x16xf32, #tpu.memory_space<vmem>>
        %dma_start3A_746 = tpu.memref_squeeze %dma_start3A_745 : memref<1x80x16xf32, #tpu.memory_space<vmem>> -> memref<80x16xf32, #tpu.memory_space<vmem>>
        %dma_start3A_747 = arith.constant 0 : i32
        %dma_start3A_748 = tpu.memref_slice %arg10[%sub3A_547, %dma_start3A_742, %dma_start3A_747] : memref<2x2x80xi32, #tpu.memory_space<vmem>> -> memref<1x1x80xi32, #tpu.memory_space<vmem>>
        %dma_start3A_749 = tpu.memref_squeeze %dma_start3A_748 : memref<1x1x80xi32, #tpu.memory_space<vmem>> -> memref<80xi32, #tpu.memory_space<vmem>>
        %dma_start3A_750 = arith.constant 0 : i32
        %dma_start3A_751 = arith.constant 0 : i32
        %dma_start3A_752 = tpu.memref_slice %arg3[%dma_start3A_750, %dma_start3A_751] : memref<10240x16xf32, #tpu.memory_space<hbm>> -> memref<10240x16xf32, #tpu.memory_space<hbm>>
        %dma_start3A_753 = tpu.memref_slice %arg19[%sub3A_547] : memref<2x!tpu.dma_semaphore, #tpu.memory_space<semaphore_mem>> -> memref<1x!tpu.dma_semaphore, #tpu.memory_space<semaphore_mem>>
        %dma_start3A_754 = tpu.memref_squeeze %dma_start3A_753 : memref<1x!tpu.dma_semaphore, #tpu.memory_space<semaphore_mem>> -> memref<!tpu.dma_semaphore, #tpu.memory_space<semaphore_mem>>
        tpu.enqueue_indirect_dma source(%dma_start3A_752 : memref<10240x16xf32, #tpu.memory_space<hbm>>) target(%dma_start3A_746 : memref<80x16xf32, #tpu.memory_space<vmem>>) offsets(%dma_start3A_749 : memref<80xi32, #tpu.memory_space<vmem>>) semaphore(%dma_start3A_754 : memref<!tpu.dma_semaphore, #tpu.memory_space<semaphore_mem>>)
        %dma_start3A_755 = arith.constant 1 : i32
        %dma_start3A_756 = arith.constant 0 : i32
        %dma_start3A_757 = arith.constant 0 : i32
        %dma_start3A_758 = tpu.memref_slice %arg14[%sub3A_547, %dma_start3A_756, %dma_start3A_757] : memref<2x80x16xf32, #tpu.memory_space<vmem>> -> memref<1x80x16xf32, #tpu.memory_space<vmem>>
        %dma_start3A_759 = tpu.memref_squeeze %dma_start3A_758 : memref<1x80x16xf32, #tpu.memory_space<vmem>> -> memref<80x16xf32, #tpu.memory_space<vmem>>
        %dma_start3A_760 = arith.constant 0 : i32
        %dma_start3A_761 = tpu.memref_slice %arg10[%sub3A_547, %dma_start3A_755, %dma_start3A_760] : memref<2x2x80xi32, #tpu.memory_space<vmem>> -> memref<1x1x80xi32, #tpu.memory_space<vmem>>
        %dma_start3A_762 = tpu.memref_squeeze %dma_start3A_761 : memref<1x1x80xi32, #tpu.memory_space<vmem>> -> memref<80xi32, #tpu.memory_space<vmem>>
        %dma_start3A_763 = arith.constant 0 : i32
        %dma_start3A_764 = arith.constant 0 : i32
        %dma_start3A_765 = tpu.memref_slice %arg4[%dma_start3A_763, %dma_start3A_764] : memref<10240x16xf32, #tpu.memory_space<hbm>> -> memref<10240x16xf32, #tpu.memory_space<hbm>>
        %dma_start3A_766 = tpu.memref_slice %arg19[%sub3A_547] : memref<2x!tpu.dma_semaphore, #tpu.memory_space<semaphore_mem>> -> memref<1x!tpu.dma_semaphore, #tpu.memory_space<semaphore_mem>>
        %dma_start3A_767 = tpu.memref_squeeze %dma_start3A_766 : memref<1x!tpu.dma_semaphore, #tpu.memory_space<semaphore_mem>> -> memref<!tpu.dma_semaphore, #tpu.memory_space<semaphore_mem>>
        tpu.enqueue_indirect_dma source(%dma_start3A_765 : memref<10240x16xf32, #tpu.memory_space<hbm>>) target(%dma_start3A_759 : memref<80x16xf32, #tpu.memory_space<vmem>>) offsets(%dma_start3A_762 : memref<80xi32, #tpu.memory_space<vmem>>) semaphore(%dma_start3A_767 : memref<!tpu.dma_semaphore, #tpu.memory_space<semaphore_mem>>)
        %dma_start3A_768 = arith.constant 0 : i32
        %dma_start3A_769 = arith.constant 0 : i32
        %dma_start3A_770 = tpu.memref_slice %arg15[%sub3A_547, %dma_start3A_768, %dma_start3A_769] : memref<2x80x128xf32, #tpu.memory_space<vmem>> -> memref<1x80x128xf32, #tpu.memory_space<vmem>>
        %dma_start3A_771 = tpu.memref_squeeze %dma_start3A_770 : memref<1x80x128xf32, #tpu.memory_space<vmem>> -> memref<80x128xf32, #tpu.memory_space<vmem>>
        %dma_start3A_772 = arith.constant 0 : i32
        %dma_start3A_773 = tpu.memref_slice %arg11[%sub3A_547, %dma_start3A_772] : memref<2x80xi32, #tpu.memory_space<vmem>> -> memref<1x80xi32, #tpu.memory_space<vmem>>
        %dma_start3A_774 = tpu.memref_squeeze %dma_start3A_773 : memref<1x80xi32, #tpu.memory_space<vmem>> -> memref<80xi32, #tpu.memory_space<vmem>>
        %dma_start3A_775 = arith.constant 0 : i32
        %dma_start3A_776 = arith.constant 0 : i32
        %dma_start3A_777 = tpu.memref_slice %arg2[%dma_start3A_775, %dma_start3A_776] : memref<40960x128xf32, #tpu.memory_space<hbm>> -> memref<40960x128xf32, #tpu.memory_space<hbm>>
        %dma_start3A_778 = tpu.memref_slice %arg19[%sub3A_547] : memref<2x!tpu.dma_semaphore, #tpu.memory_space<semaphore_mem>> -> memref<1x!tpu.dma_semaphore, #tpu.memory_space<semaphore_mem>>
        %dma_start3A_779 = tpu.memref_squeeze %dma_start3A_778 : memref<1x!tpu.dma_semaphore, #tpu.memory_space<semaphore_mem>> -> memref<!tpu.dma_semaphore, #tpu.memory_space<semaphore_mem>>
        tpu.enqueue_indirect_dma source(%dma_start3A_777 : memref<40960x128xf32, #tpu.memory_space<hbm>>) target(%dma_start3A_771 : memref<80x128xf32, #tpu.memory_space<vmem>>) offsets(%dma_start3A_774 : memref<80xi32, #tpu.memory_space<vmem>>) semaphore(%dma_start3A_779 : memref<!tpu.dma_semaphore, #tpu.memory_space<semaphore_mem>>)
      } else {
      }
      %dma_wait3A_558 = arith.constant 0 : i32
      %dma_wait3A_559 = arith.constant 0 : i32
      %dma_wait3A_560 = arith.constant 0 : i32
      %dma_wait3A_561 = tpu.memref_slice %arg13[%rem3A_546, %dma_wait3A_559, %dma_wait3A_560] : memref<2x80x16xf32, #tpu.memory_space<vmem>> -> memref<1x80x16xf32, #tpu.memory_space<vmem>>
      %dma_wait3A_562 = tpu.memref_squeeze %dma_wait3A_561 : memref<1x80x16xf32, #tpu.memory_space<vmem>> -> memref<80x16xf32, #tpu.memory_space<vmem>>
      %dma_wait3A_563 = arith.constant 0 : i32
      %dma_wait3A_564 = tpu.memref_slice %arg10[%rem3A_546, %dma_wait3A_558, %dma_wait3A_563] : memref<2x2x80xi32, #tpu.memory_space<vmem>> -> memref<1x1x80xi32, #tpu.memory_space<vmem>>
      %dma_wait3A_565 = tpu.memref_squeeze %dma_wait3A_564 : memref<1x1x80xi32, #tpu.memory_space<vmem>> -> memref<80xi32, #tpu.memory_space<vmem>>
      %dma_wait3A_566 = arith.constant 0 : i32
      %dma_wait3A_567 = arith.constant 0 : i32
      %dma_wait3A_568 = tpu.memref_slice %arg3[%dma_wait3A_566, %dma_wait3A_567] : memref<10240x16xf32, #tpu.memory_space<hbm>> -> memref<10240x16xf32, #tpu.memory_space<hbm>>
      %dma_wait3A_569 = tpu.memref_slice %arg19[%rem3A_546] : memref<2x!tpu.dma_semaphore, #tpu.memory_space<semaphore_mem>> -> memref<1x!tpu.dma_semaphore, #tpu.memory_space<semaphore_mem>>
      %dma_wait3A_570 = tpu.memref_squeeze %dma_wait3A_569 : memref<1x!tpu.dma_semaphore, #tpu.memory_space<semaphore_mem>> -> memref<!tpu.dma_semaphore, #tpu.memory_space<semaphore_mem>>
      tpu.wait_indirect_dma semaphore(%dma_wait3A_570 : memref<!tpu.dma_semaphore, #tpu.memory_space<semaphore_mem>>) src(%dma_wait3A_568 : memref<10240x16xf32, #tpu.memory_space<hbm>>) dst(%dma_wait3A_562 : memref<80x16xf32, #tpu.memory_space<vmem>>)
      %dma_wait3A_571 = arith.constant 1 : i32
      %dma_wait3A_572 = arith.constant 0 : i32
      %dma_wait3A_573 = arith.constant 0 : i32
      %dma_wait3A_574 = tpu.memref_slice %arg14[%rem3A_546, %dma_wait3A_572, %dma_wait3A_573] : memref<2x80x16xf32, #tpu.memory_space<vmem>> -> memref<1x80x16xf32, #tpu.memory_space<vmem>>
      %dma_wait3A_575 = tpu.memref_squeeze %dma_wait3A_574 : memref<1x80x16xf32, #tpu.memory_space<vmem>> -> memref<80x16xf32, #tpu.memory_space<vmem>>
      %dma_wait3A_576 = arith.constant 0 : i32
      %dma_wait3A_577 = tpu.memref_slice %arg10[%rem3A_546, %dma_wait3A_571, %dma_wait3A_576] : memref<2x2x80xi32, #tpu.memory_space<vmem>> -> memref<1x1x80xi32, #tpu.memory_space<vmem>>
      %dma_wait3A_578 = tpu.memref_squeeze %dma_wait3A_577 : memref<1x1x80xi32, #tpu.memory_space<vmem>> -> memref<80xi32, #tpu.memory_space<vmem>>
      %dma_wait3A_579 = arith.constant 0 : i32
      %dma_wait3A_580 = arith.constant 0 : i32
      %dma_wait3A_581 = tpu.memref_slice %arg4[%dma_wait3A_579, %dma_wait3A_580] : memref<10240x16xf32, #tpu.memory_space<hbm>> -> memref<10240x16xf32, #tpu.memory_space<hbm>>
      %dma_wait3A_582 = tpu.memref_slice %arg19[%rem3A_546] : memref<2x!tpu.dma_semaphore, #tpu.memory_space<semaphore_mem>> -> memref<1x!tpu.dma_semaphore, #tpu.memory_space<semaphore_mem>>
      %dma_wait3A_583 = tpu.memref_squeeze %dma_wait3A_582 : memref<1x!tpu.dma_semaphore, #tpu.memory_space<semaphore_mem>> -> memref<!tpu.dma_semaphore, #tpu.memory_space<semaphore_mem>>
      tpu.wait_indirect_dma semaphore(%dma_wait3A_583 : memref<!tpu.dma_semaphore, #tpu.memory_space<semaphore_mem>>) src(%dma_wait3A_581 : memref<10240x16xf32, #tpu.memory_space<hbm>>) dst(%dma_wait3A_575 : memref<80x16xf32, #tpu.memory_space<vmem>>)
      %parallel_loop3A = arith.constant 0 : i32
      %parallel_loop3A_584 = arith.constant 80 : i32
      %parallel_loop3A_585 = arith.constant 1 : i32
      scf.for %parallel_loop3A_614 = %parallel_loop3A to %parallel_loop3A_584 step %parallel_loop3A_585  : i32 {
        %parallel_loop3A_615 = arith.index_cast %rem3A_546 : i32 to index
        %parallel_loop3A_616 = arith.index_cast %parallel_loop3A_614 : i32 to index
        %parallel_loop3A_617 = arith.constant 0 : index
        %parallel_loop3A_618 = tpu.vector_load %arg13[%parallel_loop3A_615, %parallel_loop3A_616, %parallel_loop3A_617] {strides = array<i32>} : memref<2x80x16xf32, #tpu.memory_space<vmem>>, vector<1x1x16xf32>,
        %parallel_loop3A_619 = vector.shape_cast %parallel_loop3A_618 : vector<1x1x16xf32> to vector<16xf32>
        %parallel_loop3A_620 = arith.index_cast %rem3A_546 : i32 to index
        %parallel_loop3A_621 = arith.index_cast %parallel_loop3A_614 : i32 to index
        %parallel_loop3A_622 = arith.constant 0 : index
        %parallel_loop3A_623 = tpu.vector_load %arg14[%parallel_loop3A_620, %parallel_loop3A_621, %parallel_loop3A_622] {strides = array<i32>} : memref<2x80x16xf32, #tpu.memory_space<vmem>>, vector<1x1x16xf32>,
        %parallel_loop3A_624 = vector.shape_cast %parallel_loop3A_623 : vector<1x1x16xf32> to vector<16xf32>
        %parallel_loop3A_625 = arith.addf %parallel_loop3A_619, %parallel_loop3A_624 : vector<16xf32>
        %parallel_loop3A_626 = arith.constant 2.000000e-01 : f32
        %parallel_loop3A_627 = vector.broadcast %parallel_loop3A_626 : f32 to vector<16xf32>
        %parallel_loop3A_628 = arith.mulf %parallel_loop3A_627, %parallel_loop3A_625 : vector<16xf32>
        %parallel_loop3A_629 = arith.maximumf %parallel_loop3A_625, %parallel_loop3A_628 : vector<16xf32>
        %parallel_loop3A_630 = math.exp %parallel_loop3A_629 : vector<16xf32>
        %parallel_loop3A_631 = arith.index_cast %rem3A_546 : i32 to index
        %parallel_loop3A_632 = arith.index_cast %parallel_loop3A_614 : i32 to index
        %parallel_loop3A_633 = arith.constant 0 : index
        %parallel_loop3A_634 = tpu.vector_load %arg16[%parallel_loop3A_631, %parallel_loop3A_632, %parallel_loop3A_633] {strides = array<i32>} : memref<2x80x16xf32, #tpu.memory_space<vmem>>, vector<1x1x16xf32>,
        %parallel_loop3A_635 = vector.shape_cast %parallel_loop3A_634 : vector<1x1x16xf32> to vector<16xf32>
        %parallel_loop3A_636 = vector.shape_cast %parallel_loop3A_630 : vector<16xf32> to vector<1x1x16xf32>
        tpu.vector_store %arg16[%parallel_loop3A_631, %parallel_loop3A_632, %parallel_loop3A_633], %parallel_loop3A_636 {strides = array<i32>} : memref<2x80x16xf32, #tpu.memory_space<vmem>>, vector<1x1x16xf32>,
      } {sc.loop_unroll_factor = 4 : i64, sc.parallel_access}
      %dma_wait3A_586 = arith.constant 0 : i32
      %dma_wait3A_587 = arith.constant 0 : i32
      %dma_wait3A_588 = tpu.memref_slice %arg15[%rem3A_546, %dma_wait3A_586, %dma_wait3A_587] : memref<2x80x128xf32, #tpu.memory_space<vmem>> -> memref<1x80x128xf32, #tpu.memory_space<vmem>>
      %dma_wait3A_589 = tpu.memref_squeeze %dma_wait3A_588 : memref<1x80x128xf32, #tpu.memory_space<vmem>> -> memref<80x128xf32, #tpu.memory_space<vmem>>
      %dma_wait3A_590 = arith.constant 0 : i32
      %dma_wait3A_591 = tpu.memref_slice %arg11[%rem3A_546, %dma_wait3A_590] : memref<2x80xi32, #tpu.memory_space<vmem>> -> memref<1x80xi32, #tpu.memory_space<vmem>>
      %dma_wait3A_592 = tpu.memref_squeeze %dma_wait3A_591 : memref<1x80xi32, #tpu.memory_space<vmem>> -> memref<80xi32, #tpu.memory_space<vmem>>
      %dma_wait3A_593 = arith.constant 0 : i32
      %dma_wait3A_594 = arith.constant 0 : i32
      %dma_wait3A_595 = tpu.memref_slice %arg2[%dma_wait3A_593, %dma_wait3A_594] : memref<40960x128xf32, #tpu.memory_space<hbm>> -> memref<40960x128xf32, #tpu.memory_space<hbm>>
      %dma_wait3A_596 = tpu.memref_slice %arg19[%rem3A_546] : memref<2x!tpu.dma_semaphore, #tpu.memory_space<semaphore_mem>> -> memref<1x!tpu.dma_semaphore, #tpu.memory_space<semaphore_mem>>
      %dma_wait3A_597 = tpu.memref_squeeze %dma_wait3A_596 : memref<1x!tpu.dma_semaphore, #tpu.memory_space<semaphore_mem>> -> memref<!tpu.dma_semaphore, #tpu.memory_space<semaphore_mem>>
      tpu.wait_indirect_dma semaphore(%dma_wait3A_597 : memref<!tpu.dma_semaphore, #tpu.memory_space<semaphore_mem>>) src(%dma_wait3A_595 : memref<40960x128xf32, #tpu.memory_space<hbm>>) dst(%dma_wait3A_589 : memref<80x128xf32, #tpu.memory_space<vmem>>)
      %parallel_loop3A_598 = arith.constant 0 : i32
      %parallel_loop3A_599 = arith.constant 80 : i32
      %parallel_loop3A_600 = arith.constant 1 : i32
      scf.for %parallel_loop3A_614 = %parallel_loop3A_598 to %parallel_loop3A_599 step %parallel_loop3A_600  : i32 {
        %parallel_loop3A_615 = arith.index_cast %rem3A_546 : i32 to index
        %parallel_loop3A_616 = arith.index_cast %parallel_loop3A_614 : i32 to index
        %parallel_loop3A_617 = arith.constant 0 : index
        %parallel_loop3A_618 = tpu.vector_load %arg16[%parallel_loop3A_615, %parallel_loop3A_616, %parallel_loop3A_617] {strides = array<i32>} : memref<2x80x16xf32, #tpu.memory_space<vmem>>, vector<1x1x16xf32>,
        %parallel_loop3A_619 = vector.shape_cast %parallel_loop3A_618 : vector<1x1x16xf32> to vector<16xf32>
        %parallel_loop3A_620 = vector.shape_cast %broadcast_in_dim3A_320 : vector<16xi32> to vector<16x1xi32>
        %parallel_loop3A_621 = vector.shape_cast %parallel_loop3A_620 : vector<16x1xi32> to vector<16xi32>
        %parallel_loop3A_622 = tpu.dynamic_gather %parallel_loop3A_619[%parallel_loop3A_621] in [0] : vector<16xf32>, vector<16xi32> -> vector<16xf32>
        %parallel_loop3A_623 = vector.shape_cast %broadcast_in_dim3A_325 : vector<16xi32> to vector<16x1xi32>
        %parallel_loop3A_624 = vector.shape_cast %parallel_loop3A_623 : vector<16x1xi32> to vector<16xi32>
        %parallel_loop3A_625 = tpu.dynamic_gather %parallel_loop3A_619[%parallel_loop3A_624] in [0] : vector<16xf32>, vector<16xi32> -> vector<16xf32>
        %parallel_loop3A_626 = arith.index_cast %rem3A_546 : i32 to index
        %parallel_loop3A_627 = arith.index_cast %parallel_loop3A_614 : i32 to index
        %parallel_loop3A_628 = arith.constant 0 : index
        %parallel_loop3A_629 = tpu.vector_load %arg15[%parallel_loop3A_626, %parallel_loop3A_627, %parallel_loop3A_628] {strides = array<i32>} : memref<2x80x128xf32, #tpu.memory_space<vmem>>, vector<1x1x16xf32>,
        %parallel_loop3A_630 = vector.shape_cast %parallel_loop3A_629 : vector<1x1x16xf32> to vector<16xf32>
        %parallel_loop3A_631 = arith.mulf %parallel_loop3A_630, %parallel_loop3A_622 : vector<16xf32>
        %parallel_loop3A_632 = arith.index_cast %rem3A_546 : i32 to index
        %parallel_loop3A_633 = arith.index_cast %parallel_loop3A_614 : i32 to index
        %parallel_loop3A_634 = arith.constant 0 : index
        %parallel_loop3A_635 = tpu.vector_load %arg15[%parallel_loop3A_632, %parallel_loop3A_633, %parallel_loop3A_634] {strides = array<i32>} : memref<2x80x128xf32, #tpu.memory_space<vmem>>, vector<1x1x16xf32>,
        %parallel_loop3A_636 = vector.shape_cast %parallel_loop3A_635 : vector<1x1x16xf32> to vector<16xf32>
        %parallel_loop3A_637 = vector.shape_cast %parallel_loop3A_631 : vector<16xf32> to vector<1x1x16xf32>
        tpu.vector_store %arg15[%parallel_loop3A_632, %parallel_loop3A_633, %parallel_loop3A_634], %parallel_loop3A_637 {strides = array<i32>} : memref<2x80x128xf32, #tpu.memory_space<vmem>>, vector<1x1x16xf32>,
        %parallel_loop3A_638 = arith.index_cast %rem3A_546 : i32 to index
        %parallel_loop3A_639 = arith.index_cast %parallel_loop3A_614 : i32 to index
        %parallel_loop3A_640 = arith.constant 16 : index
        %parallel_loop3A_641 = tpu.vector_load %arg15[%parallel_loop3A_638, %parallel_loop3A_639, %parallel_loop3A_640] {strides = array<i32>} : memref<2x80x128xf32, #tpu.memory_space<vmem>>, vector<1x1x16xf32>,
        %parallel_loop3A_642 = vector.shape_cast %parallel_loop3A_641 : vector<1x1x16xf32> to vector<16xf32>
        %parallel_loop3A_643 = arith.mulf %parallel_loop3A_642, %parallel_loop3A_622 : vector<16xf32>
        %parallel_loop3A_644 = arith.index_cast %rem3A_546 : i32 to index
        %parallel_loop3A_645 = arith.index_cast %parallel_loop3A_614 : i32 to index
        %parallel_loop3A_646 = arith.constant 16 : index
        %parallel_loop3A_647 = tpu.vector_load %arg15[%parallel_loop3A_644, %parallel_loop3A_645, %parallel_loop3A_646] {strides = array<i32>} : memref<2x80x128xf32, #tpu.memory_space<vmem>>, vector<1x1x16xf32>,
        %parallel_loop3A_648 = vector.shape_cast %parallel_loop3A_647 : vector<1x1x16xf32> to vector<16xf32>
        %parallel_loop3A_649 = vector.shape_cast %parallel_loop3A_643 : vector<16xf32> to vector<1x1x16xf32>
        tpu.vector_store %arg15[%parallel_loop3A_644, %parallel_loop3A_645, %parallel_loop3A_646], %parallel_loop3A_649 {strides = array<i32>} : memref<2x80x128xf32, #tpu.memory_space<vmem>>, vector<1x1x16xf32>,
        %parallel_loop3A_650 = arith.index_cast %rem3A_546 : i32 to index
        %parallel_loop3A_651 = arith.index_cast %parallel_loop3A_614 : i32 to index
        %parallel_loop3A_652 = arith.constant 32 : index
        %parallel_loop3A_653 = tpu.vector_load %arg15[%parallel_loop3A_650, %parallel_loop3A_651, %parallel_loop3A_652] {strides = array<i32>} : memref<2x80x128xf32, #tpu.memory_space<vmem>>, vector<1x1x16xf32>,
        %parallel_loop3A_654 = vector.shape_cast %parallel_loop3A_653 : vector<1x1x16xf32> to vector<16xf32>
        %parallel_loop3A_655 = arith.mulf %parallel_loop3A_654, %parallel_loop3A_622 : vector<16xf32>
        %parallel_loop3A_656 = arith.index_cast %rem3A_546 : i32 to index
        %parallel_loop3A_657 = arith.index_cast %parallel_loop3A_614 : i32 to index
        %parallel_loop3A_658 = arith.constant 32 : index
        %parallel_loop3A_659 = tpu.vector_load %arg15[%parallel_loop3A_656, %parallel_loop3A_657, %parallel_loop3A_658] {strides = array<i32>} : memref<2x80x128xf32, #tpu.memory_space<vmem>>, vector<1x1x16xf32>,
        %parallel_loop3A_660 = vector.shape_cast %parallel_loop3A_659 : vector<1x1x16xf32> to vector<16xf32>
        %parallel_loop3A_661 = vector.shape_cast %parallel_loop3A_655 : vector<16xf32> to vector<1x1x16xf32>
        tpu.vector_store %arg15[%parallel_loop3A_656, %parallel_loop3A_657, %parallel_loop3A_658], %parallel_loop3A_661 {strides = array<i32>} : memref<2x80x128xf32, #tpu.memory_space<vmem>>, vector<1x1x16xf32>,
        %parallel_loop3A_662 = arith.index_cast %rem3A_546 : i32 to index
        %parallel_loop3A_663 = arith.index_cast %parallel_loop3A_614 : i32 to index
        %parallel_loop3A_664 = arith.constant 48 : index
        %parallel_loop3A_665 = tpu.vector_load %arg15[%parallel_loop3A_662, %parallel_loop3A_663, %parallel_loop3A_664] {strides = array<i32>} : memref<2x80x128xf32, #tpu.memory_space<vmem>>, vector<1x1x16xf32>,
        %parallel_loop3A_666 = vector.shape_cast %parallel_loop3A_665 : vector<1x1x16xf32> to vector<16xf32>
        %parallel_loop3A_667 = arith.mulf %parallel_loop3A_666, %parallel_loop3A_622 : vector<16xf32>
        %parallel_loop3A_668 = arith.index_cast %rem3A_546 : i32 to index
        %parallel_loop3A_669 = arith.index_cast %parallel_loop3A_614 : i32 to index
        %parallel_loop3A_670 = arith.constant 48 : index
        %parallel_loop3A_671 = tpu.vector_load %arg15[%parallel_loop3A_668, %parallel_loop3A_669, %parallel_loop3A_670] {strides = array<i32>} : memref<2x80x128xf32, #tpu.memory_space<vmem>>, vector<1x1x16xf32>,
        %parallel_loop3A_672 = vector.shape_cast %parallel_loop3A_671 : vector<1x1x16xf32> to vector<16xf32>
        %parallel_loop3A_673 = vector.shape_cast %parallel_loop3A_667 : vector<16xf32> to vector<1x1x16xf32>
        tpu.vector_store %arg15[%parallel_loop3A_668, %parallel_loop3A_669, %parallel_loop3A_670], %parallel_loop3A_673 {strides = array<i32>} : memref<2x80x128xf32, #tpu.memory_space<vmem>>, vector<1x1x16xf32>,
        %parallel_loop3A_674 = arith.index_cast %rem3A_546 : i32 to index
        %parallel_loop3A_675 = arith.index_cast %parallel_loop3A_614 : i32 to index
        %parallel_loop3A_676 = arith.constant 64 : index
        %parallel_loop3A_677 = tpu.vector_load %arg15[%parallel_loop3A_674, %parallel_loop3A_675, %parallel_loop3A_676] {strides = array<i32>} : memref<2x80x128xf32, #tpu.memory_space<vmem>>, vector<1x1x16xf32>,
        %parallel_loop3A_678 = vector.shape_cast %parallel_loop3A_677 : vector<1x1x16xf32> to vector<16xf32>
        %parallel_loop3A_679 = arith.mulf %parallel_loop3A_678, %parallel_loop3A_625 : vector<16xf32>
        %parallel_loop3A_680 = arith.index_cast %rem3A_546 : i32 to index
        %parallel_loop3A_681 = arith.index_cast %parallel_loop3A_614 : i32 to index
        %parallel_loop3A_682 = arith.constant 64 : index
        %parallel_loop3A_683 = tpu.vector_load %arg15[%parallel_loop3A_680, %parallel_loop3A_681, %parallel_loop3A_682] {strides = array<i32>} : memref<2x80x128xf32, #tpu.memory_space<vmem>>, vector<1x1x16xf32>,
        %parallel_loop3A_684 = vector.shape_cast %parallel_loop3A_683 : vector<1x1x16xf32> to vector<16xf32>
        %parallel_loop3A_685 = vector.shape_cast %parallel_loop3A_679 : vector<16xf32> to vector<1x1x16xf32>
        tpu.vector_store %arg15[%parallel_loop3A_680, %parallel_loop3A_681, %parallel_loop3A_682], %parallel_loop3A_685 {strides = array<i32>} : memref<2x80x128xf32, #tpu.memory_space<vmem>>, vector<1x1x16xf32>,
        %parallel_loop3A_686 = arith.index_cast %rem3A_546 : i32 to index
        %parallel_loop3A_687 = arith.index_cast %parallel_loop3A_614 : i32 to index
        %parallel_loop3A_688 = arith.constant 80 : index
        %parallel_loop3A_689 = tpu.vector_load %arg15[%parallel_loop3A_686, %parallel_loop3A_687, %parallel_loop3A_688] {strides = array<i32>} : memref<2x80x128xf32, #tpu.memory_space<vmem>>, vector<1x1x16xf32>,
        %parallel_loop3A_690 = vector.shape_cast %parallel_loop3A_689 : vector<1x1x16xf32> to vector<16xf32>
        %parallel_loop3A_691 = arith.mulf %parallel_loop3A_690, %parallel_loop3A_625 : vector<16xf32>
        %parallel_loop3A_692 = arith.index_cast %rem3A_546 : i32 to index
        %parallel_loop3A_693 = arith.index_cast %parallel_loop3A_614 : i32 to index
        %parallel_loop3A_694 = arith.constant 80 : index
        %parallel_loop3A_695 = tpu.vector_load %arg15[%parallel_loop3A_692, %parallel_loop3A_693, %parallel_loop3A_694] {strides = array<i32>} : memref<2x80x128xf32, #tpu.memory_space<vmem>>, vector<1x1x16xf32>,
        %parallel_loop3A_696 = vector.shape_cast %parallel_loop3A_695 : vector<1x1x16xf32> to vector<16xf32>
        %parallel_loop3A_697 = vector.shape_cast %parallel_loop3A_691 : vector<16xf32> to vector<1x1x16xf32>
        tpu.vector_store %arg15[%parallel_loop3A_692, %parallel_loop3A_693, %parallel_loop3A_694], %parallel_loop3A_697 {strides = array<i32>} : memref<2x80x128xf32, #tpu.memory_space<vmem>>, vector<1x1x16xf32>,
        %parallel_loop3A_698 = arith.index_cast %rem3A_546 : i32 to index
        %parallel_loop3A_699 = arith.index_cast %parallel_loop3A_614 : i32 to index
        %parallel_loop3A_700 = arith.constant 96 : index
        %parallel_loop3A_701 = tpu.vector_load %arg15[%parallel_loop3A_698, %parallel_loop3A_699, %parallel_loop3A_700] {strides = array<i32>} : memref<2x80x128xf32, #tpu.memory_space<vmem>>, vector<1x1x16xf32>,
        %parallel_loop3A_702 = vector.shape_cast %parallel_loop3A_701 : vector<1x1x16xf32> to vector<16xf32>
        %parallel_loop3A_703 = arith.mulf %parallel_loop3A_702, %parallel_loop3A_625 : vector<16xf32>
        %parallel_loop3A_704 = arith.index_cast %rem3A_546 : i32 to index
        %parallel_loop3A_705 = arith.index_cast %parallel_loop3A_614 : i32 to index
        %parallel_loop3A_706 = arith.constant 96 : index
        %parallel_loop3A_707 = tpu.vector_load %arg15[%parallel_loop3A_704, %parallel_loop3A_705, %parallel_loop3A_706] {strides = array<i32>} : memref<2x80x128xf32, #tpu.memory_space<vmem>>, vector<1x1x16xf32>,
        %parallel_loop3A_708 = vector.shape_cast %parallel_loop3A_707 : vector<1x1x16xf32> to vector<16xf32>
        %parallel_loop3A_709 = vector.shape_cast %parallel_loop3A_703 : vector<16xf32> to vector<1x1x16xf32>
        tpu.vector_store %arg15[%parallel_loop3A_704, %parallel_loop3A_705, %parallel_loop3A_706], %parallel_loop3A_709 {strides = array<i32>} : memref<2x80x128xf32, #tpu.memory_space<vmem>>, vector<1x1x16xf32>,
        %parallel_loop3A_710 = arith.index_cast %rem3A_546 : i32 to index
        %parallel_loop3A_711 = arith.index_cast %parallel_loop3A_614 : i32 to index
        %parallel_loop3A_712 = arith.constant 112 : index
        %parallel_loop3A_713 = tpu.vector_load %arg15[%parallel_loop3A_710, %parallel_loop3A_711, %parallel_loop3A_712] {strides = array<i32>} : memref<2x80x128xf32, #tpu.memory_space<vmem>>, vector<1x1x16xf32>,
        %parallel_loop3A_714 = vector.shape_cast %parallel_loop3A_713 : vector<1x1x16xf32> to vector<16xf32>
        %parallel_loop3A_715 = arith.mulf %parallel_loop3A_714, %parallel_loop3A_625 : vector<16xf32>
        %parallel_loop3A_716 = arith.index_cast %rem3A_546 : i32 to index
        %parallel_loop3A_717 = arith.index_cast %parallel_loop3A_614 : i32 to index
        %parallel_loop3A_718 = arith.constant 112 : index
        %parallel_loop3A_719 = tpu.vector_load %arg15[%parallel_loop3A_716, %parallel_loop3A_717, %parallel_loop3A_718] {strides = array<i32>} : memref<2x80x128xf32, #tpu.memory_space<vmem>>, vector<1x1x16xf32>,
        %parallel_loop3A_720 = vector.shape_cast %parallel_loop3A_719 : vector<1x1x16xf32> to vector<16xf32>
        %parallel_loop3A_721 = vector.shape_cast %parallel_loop3A_715 : vector<16xf32> to vector<1x1x16xf32>
        tpu.vector_store %arg15[%parallel_loop3A_716, %parallel_loop3A_717, %parallel_loop3A_718], %parallel_loop3A_721 {strides = array<i32>} : memref<2x80x128xf32, #tpu.memory_space<vmem>>, vector<1x1x16xf32>,
      } {sc.loop_unroll_factor = 2 : i64, sc.parallel_access}
      %dma_start3A_601 = arith.constant 0 : i32
      %dma_start3A_602 = arith.constant 0 : i32
      %dma_start3A_603 = tpu.memref_slice %arg15[%rem3A_546, %dma_start3A_601, %dma_start3A_602] : memref<2x80x128xf32, #tpu.memory_space<vmem>> -> memref<1x80x128xf32, #tpu.memory_space<vmem>>
      %dma_start3A_604 = tpu.memref_squeeze %dma_start3A_603 : memref<1x80x128xf32, #tpu.memory_space<vmem>> -> memref<80x128xf32, #tpu.memory_space<vmem>>
      %dma_start3A_605 = arith.constant 0 : i32
      %dma_start3A_606 = tpu.memref_slice %arg12[%rem3A_546, %dma_start3A_605] : memref<2x80xi32, #tpu.memory_space<vmem>> -> memref<1x80xi32, #tpu.memory_space<vmem>>
      %dma_start3A_607 = tpu.memref_squeeze %dma_start3A_606 : memref<1x80xi32, #tpu.memory_space<vmem>> -> memref<80xi32, #tpu.memory_space<vmem>>
      %dma_start3A_608 = arith.constant 0 : i32
      %dma_start3A_609 = arith.constant 0 : i32
      %dma_start3A_610 = tpu.memref_slice %arg8[%dma_start3A_608, %dma_start3A_609] : memref<10240x128xf32, #tpu.memory_space<vmem_shared>> -> memref<10240x128xf32, #tpu.memory_space<vmem_shared>>
      %dma_start3A_611 = tpu.memref_slice %arg20[%rem3A_546] : memref<2x!tpu.dma_semaphore, #tpu.memory_space<semaphore_mem>> -> memref<1x!tpu.dma_semaphore, #tpu.memory_space<semaphore_mem>>
      %dma_start3A_612 = tpu.memref_squeeze %dma_start3A_611 : memref<1x!tpu.dma_semaphore, #tpu.memory_space<semaphore_mem>> -> memref<!tpu.dma_semaphore, #tpu.memory_space<semaphore_mem>>
      tpu.enqueue_indirect_dma source(%dma_start3A_604 : memref<80x128xf32, #tpu.memory_space<vmem>>) target(%dma_start3A_610 : memref<10240x128xf32, #tpu.memory_space<vmem_shared>>) offsets(%dma_start3A_607 : memref<80xi32, #tpu.memory_space<vmem>>) semaphore(%dma_start3A_612 : memref<!tpu.dma_semaphore, #tpu.memory_space<semaphore_mem>>) {add = true}
      %scan3A_613 = arith.constant 0 : i32
      scf.yield %scan3A_613 : i32
    }
    %scan3A_527 = arith.constant 125 : i32
    %dma_wait3A_528 = arith.constant 0 : i32
    %dma_wait3A_529 = arith.constant 0 : i32
    %dma_wait3A_530 = arith.constant 0 : i32
    %dma_wait3A_531 = arith.constant 0 : i32
    %dma_wait3A_532 = arith.constant 0 : i32
    %dma_wait3A_533 = tpu.memref_slice %arg15[%dma_wait3A_528, %dma_wait3A_531, %dma_wait3A_532] : memref<2x80x128xf32, #tpu.memory_space<vmem>> -> memref<1x80x128xf32, #tpu.memory_space<vmem>>
    %dma_wait3A_534 = tpu.memref_squeeze %dma_wait3A_533 : memref<1x80x128xf32, #tpu.memory_space<vmem>> -> memref<80x128xf32, #tpu.memory_space<vmem>>
    %dma_wait3A_535 = arith.constant 0 : i32
    %dma_wait3A_536 = tpu.memref_slice %arg12[%dma_wait3A_529, %dma_wait3A_535] : memref<2x80xi32, #tpu.memory_space<vmem>> -> memref<1x80xi32, #tpu.memory_space<vmem>>
    %dma_wait3A_537 = tpu.memref_squeeze %dma_wait3A_536 : memref<1x80xi32, #tpu.memory_space<vmem>> -> memref<80xi32, #tpu.memory_space<vmem>>
    %dma_wait3A_538 = arith.constant 0 : i32
    %dma_wait3A_539 = arith.constant 0 : i32
    %dma_wait3A_540 = tpu.memref_slice %arg8[%dma_wait3A_538, %dma_wait3A_539] : memref<10240x128xf32, #tpu.memory_space<vmem_shared>> -> memref<10240x128xf32, #tpu.memory_space<vmem_shared>>
    %dma_wait3A_541 = tpu.memref_slice %arg20[%dma_wait3A_530] : memref<2x!tpu.dma_semaphore, #tpu.memory_space<semaphore_mem>> -> memref<1x!tpu.dma_semaphore, #tpu.memory_space<semaphore_mem>>
    %dma_wait3A_542 = tpu.memref_squeeze %dma_wait3A_541 : memref<1x!tpu.dma_semaphore, #tpu.memory_space<semaphore_mem>> -> memref<!tpu.dma_semaphore, #tpu.memory_space<semaphore_mem>>
    tpu.wait_indirect_dma semaphore(%dma_wait3A_542 : memref<!tpu.dma_semaphore, #tpu.memory_space<semaphore_mem>>) src(%dma_wait3A_534 : memref<80x128xf32, #tpu.memory_space<vmem>>) dst(%dma_wait3A_540 : memref<10240x128xf32, #tpu.memory_space<vmem_shared>>)
    %barrier3A_543 = arith.constant 0 : index
    tpu.barrier barrier_id(%barrier3A_543)
    "tpu.region"() ({
      %run_scoped3A_544 = tpu.sem_alloc : memref<!tpu.dma_semaphore, #tpu.memory_space<semaphore_mem>>
      %dma_start3A_545 = arith.constant 0 : i32
      %dma_start3A_546 = tpu.memref_slice %arg6[%add3A_317, %mul3A_0, %dma_start3A_545] : memref<4x10240x128xf32, #tpu.memory_space<hbm>> -> memref<1x640x128xf32, #tpu.memory_space<hbm>>
      %dma_start3A_547 = tpu.memref_squeeze %dma_start3A_546 : memref<1x640x128xf32, #tpu.memory_space<hbm>> -> memref<640x128xf32, #tpu.memory_space<hbm>>
      %dma_start3A_548 = arith.constant 0 : i32
      %dma_start3A_549 = tpu.memref_slice %arg8[%mul3A_0, %dma_start3A_548] : memref<10240x128xf32, #tpu.memory_space<vmem_shared>> -> memref<640x128xf32, #tpu.memory_space<vmem_shared>>
      tpu.enqueue_dma source(%dma_start3A_549 : memref<640x128xf32, #tpu.memory_space<vmem_shared>>) target(%dma_start3A_547 : memref<640x128xf32, #tpu.memory_space<hbm>>) target_semaphore(%run_scoped3A_544 : memref<!tpu.dma_semaphore, #tpu.memory_space<semaphore_mem>>)
      %dma_wait3A_550 = arith.constant 0 : i32
      %dma_wait3A_551 = tpu.memref_slice %arg6[%add3A_317, %mul3A_0, %dma_wait3A_550] : memref<4x10240x128xf32, #tpu.memory_space<hbm>> -> memref<1x640x128xf32, #tpu.memory_space<hbm>>
      %dma_wait3A_552 = tpu.memref_squeeze %dma_wait3A_551 : memref<1x640x128xf32, #tpu.memory_space<hbm>> -> memref<640x128xf32, #tpu.memory_space<hbm>>
      %dma_wait3A_553 = arith.constant 0 : i32
      %dma_wait3A_554 = tpu.memref_slice %arg8[%mul3A_0, %dma_wait3A_553] : memref<10240x128xf32, #tpu.memory_space<vmem_shared>> -> memref<640x128xf32, #tpu.memory_space<vmem_shared>>
      tpu.wait_dma2 semaphore(%run_scoped3A_544 : memref<!tpu.dma_semaphore, #tpu.memory_space<semaphore_mem>>) src(%dma_wait3A_554 : memref<640x128xf32, #tpu.memory_space<vmem_shared>>) dst(%dma_wait3A_552 : memref<640x128xf32, #tpu.memory_space<hbm>>)
      tpu.yield
    }) : () -> ()
    return
  }
}

#map = affine_map<(d0, d1) -> (0, 0)>
#map1 = affine_map<(d0, d1) -> (0, 0, 0)>
module attributes {stable_mosaic.version = 14 : i64} {
  func.func @_sc_l2_body(%arg0: i32, %arg1: i32, %arg2: memref<10240x16xf32, #tpu.memory_space<hbm>>, %arg3: memref<10240x16xf32, #tpu.memory_space<hbm>>, %arg4: memref<10240x16xf32, #tpu.memory_space<hbm>>, %arg5: memref<2x160000xi32, #tpu.memory_space<hbm>>, %arg6: memref<2x10240x16xf32, #tpu.memory_space<hbm>>, %arg7: memref<10240x16xf32, #tpu.memory_space<vmem_shared>>, %arg8: memref<2x2x40xi32, #tpu.memory_space<vmem>>, %arg9: memref<2x40xi32, #tpu.memory_space<vmem>>, %arg10: memref<2x40x16xf32, #tpu.memory_space<vmem>>, %arg11: memref<2x40x16xf32, #tpu.memory_space<vmem>>, %arg12: memref<2x40x16xf32, #tpu.memory_space<vmem>>, %arg13: memref<2x40x16xf32, #tpu.memory_space<vmem>>, %arg14: memref<64x16xf32, #tpu.memory_space<vmem>>, %arg15: memref<2x!tpu.dma_semaphore, #tpu.memory_space<semaphore_mem>>, %arg16: memref<2x!tpu.dma_semaphore, #tpu.memory_space<semaphore_mem>>) attributes {dimension_semantics = [#tpu.dimension_semantics<core_parallel>, #tpu.dimension_semantics<subcore_parallel>], iteration_bounds = array<i64: 2, 16>, scalar_prefetch = 0 : i64, scratch_operands = 10 : i64, tpu.core_type = #tpu.core_type<sc_vector_subcore>, window_params = [{transform_indices = #map}, {transform_indices = #map}, {transform_indices = #map}, {transform_indices = #map}, {transform_indices = #map1}]} {
    %mul3A = arith.constant 640 : i32
    %mul3A_0 = arith.muli %arg1, %mul3A : i32
    %scan3A = arith.constant 0 : i32
    %scan3A_1 = arith.constant 0 : i32
    %scan3A_2 = arith.constant 64 : i32
    %scan3A_3 = arith.addi %scan3A_1, %scan3A_2 : i32
    %scan3A_4 = arith.constant 1 : i32
    %scan3A_5 = scf.for %scan3A_139 = %scan3A_1 to %scan3A_3 step %scan3A_4 iter_args(%scan3A_140 = %scan3A) -> (i32)  : i32 {
      %broadcast_in_dim3A = arith.constant 0.000000e+00 : f32
      %broadcast_in_dim3A_141 = vector.broadcast %broadcast_in_dim3A : f32 to vector<16xf32>
      %swap3A_142 = arith.index_cast %scan3A_139 : i32 to index
      %swap3A_143 = arith.constant 0 : index
      %swap3A_144 = tpu.vector_load %arg14[%swap3A_142, %swap3A_143] {strides = array<i32>} : memref<64x16xf32, #tpu.memory_space<vmem>>, vector<1x16xf32>,
      %swap3A_145 = vector.shape_cast %swap3A_144 : vector<1x16xf32> to vector<16xf32>
      %swap3A_146 = vector.shape_cast %broadcast_in_dim3A_141 : vector<16xf32> to vector<1x16xf32>
      tpu.vector_store %arg14[%swap3A_142, %swap3A_143], %swap3A_146 {strides = array<i32>} : memref<64x16xf32, #tpu.memory_space<vmem>>, vector<1x16xf32>,
      %scan3A_147 = arith.constant 0 : i32
      scf.yield %scan3A_147 : i32
    }
    %scan3A_6 = arith.constant 64 : i32
    %add3A = arith.constant 0 : i32
    %add3A_7 = arith.addi %mul3A_0, %add3A : i32
    "tpu.region"() ({
      %run_scoped3A_139 = tpu.sem_alloc : memref<!tpu.dma_semaphore, #tpu.memory_space<semaphore_mem>>
      %dma_start3A_140 = arith.constant 0 : i32
      %dma_start3A_141 = tpu.memref_slice %arg7[%add3A_7, %dma_start3A_140] : memref<10240x16xf32, #tpu.memory_space<vmem_shared>> -> memref<64x16xf32, #tpu.memory_space<vmem_shared>>
      %dma_start3A_142 = arith.constant 0 : i32
      %dma_start3A_143 = tpu.memref_slice %arg7[%add3A_7, %dma_start3A_142] : memref<10240x16xf32, #tpu.memory_space<vmem_shared>> -> memref<64x16xf32, #tpu.memory_space<vmem_shared>>
      tpu.enqueue_dma source(%arg14 : memref<64x16xf32, #tpu.memory_space<vmem>>) target(%dma_start3A_143 : memref<64x16xf32, #tpu.memory_space<vmem_shared>>) target_semaphore(%run_scoped3A_139 : memref<!tpu.dma_semaphore, #tpu.memory_space<semaphore_mem>>)
      %dma_wait3A_144 = arith.constant 0 : i32
      %dma_wait3A_145 = tpu.memref_slice %arg7[%add3A_7, %dma_wait3A_144] : memref<10240x16xf32, #tpu.memory_space<vmem_shared>> -> memref<64x16xf32, #tpu.memory_space<vmem_shared>>
      %dma_wait3A_146 = arith.constant 0 : i32
      %dma_wait3A_147 = tpu.memref_slice %arg7[%add3A_7, %dma_wait3A_146] : memref<10240x16xf32, #tpu.memory_space<vmem_shared>> -> memref<64x16xf32, #tpu.memory_space<vmem_shared>>
      tpu.wait_dma2 semaphore(%run_scoped3A_139 : memref<!tpu.dma_semaphore, #tpu.memory_space<semaphore_mem>>) src(%arg14 : memref<64x16xf32, #tpu.memory_space<vmem>>) dst(%dma_wait3A_147 : memref<64x16xf32, #tpu.memory_space<vmem_shared>>)
      tpu.yield
    }) : () -> ()
    %add3A_8 = arith.constant 64 : i32
    %add3A_9 = arith.addi %mul3A_0, %add3A_8 : i32
    "tpu.region"() ({
      %run_scoped3A_139 = tpu.sem_alloc : memref<!tpu.dma_semaphore, #tpu.memory_space<semaphore_mem>>
      %dma_start3A_140 = arith.constant 0 : i32
      %dma_start3A_141 = tpu.memref_slice %arg7[%add3A_9, %dma_start3A_140] : memref<10240x16xf32, #tpu.memory_space<vmem_shared>> -> memref<64x16xf32, #tpu.memory_space<vmem_shared>>
      %dma_start3A_142 = arith.constant 0 : i32
      %dma_start3A_143 = tpu.memref_slice %arg7[%add3A_9, %dma_start3A_142] : memref<10240x16xf32, #tpu.memory_space<vmem_shared>> -> memref<64x16xf32, #tpu.memory_space<vmem_shared>>
      tpu.enqueue_dma source(%arg14 : memref<64x16xf32, #tpu.memory_space<vmem>>) target(%dma_start3A_143 : memref<64x16xf32, #tpu.memory_space<vmem_shared>>) target_semaphore(%run_scoped3A_139 : memref<!tpu.dma_semaphore, #tpu.memory_space<semaphore_mem>>)
      %dma_wait3A_144 = arith.constant 0 : i32
      %dma_wait3A_145 = tpu.memref_slice %arg7[%add3A_9, %dma_wait3A_144] : memref<10240x16xf32, #tpu.memory_space<vmem_shared>> -> memref<64x16xf32, #tpu.memory_space<vmem_shared>>
      %dma_wait3A_146 = arith.constant 0 : i32
      %dma_wait3A_147 = tpu.memref_slice %arg7[%add3A_9, %dma_wait3A_146] : memref<10240x16xf32, #tpu.memory_space<vmem_shared>> -> memref<64x16xf32, #tpu.memory_space<vmem_shared>>
      tpu.wait_dma2 semaphore(%run_scoped3A_139 : memref<!tpu.dma_semaphore, #tpu.memory_space<semaphore_mem>>) src(%arg14 : memref<64x16xf32, #tpu.memory_space<vmem>>) dst(%dma_wait3A_147 : memref<64x16xf32, #tpu.memory_space<vmem_shared>>)
      tpu.yield
    }) : () -> ()
    %add3A_10 = arith.constant 128 : i32
    %add3A_11 = arith.addi %mul3A_0, %add3A_10 : i32
    "tpu.region"() ({
      %run_scoped3A_139 = tpu.sem_alloc : memref<!tpu.dma_semaphore, #tpu.memory_space<semaphore_mem>>
      %dma_start3A_140 = arith.constant 0 : i32
      %dma_start3A_141 = tpu.memref_slice %arg7[%add3A_11, %dma_start3A_140] : memref<10240x16xf32, #tpu.memory_space<vmem_shared>> -> memref<64x16xf32, #tpu.memory_space<vmem_shared>>
      %dma_start3A_142 = arith.constant 0 : i32
      %dma_start3A_143 = tpu.memref_slice %arg7[%add3A_11, %dma_start3A_142] : memref<10240x16xf32, #tpu.memory_space<vmem_shared>> -> memref<64x16xf32, #tpu.memory_space<vmem_shared>>
      tpu.enqueue_dma source(%arg14 : memref<64x16xf32, #tpu.memory_space<vmem>>) target(%dma_start3A_143 : memref<64x16xf32, #tpu.memory_space<vmem_shared>>) target_semaphore(%run_scoped3A_139 : memref<!tpu.dma_semaphore, #tpu.memory_space<semaphore_mem>>)
      %dma_wait3A_144 = arith.constant 0 : i32
      %dma_wait3A_145 = tpu.memref_slice %arg7[%add3A_11, %dma_wait3A_144] : memref<10240x16xf32, #tpu.memory_space<vmem_shared>> -> memref<64x16xf32, #tpu.memory_space<vmem_shared>>
      %dma_wait3A_146 = arith.constant 0 : i32
      %dma_wait3A_147 = tpu.memref_slice %arg7[%add3A_11, %dma_wait3A_146] : memref<10240x16xf32, #tpu.memory_space<vmem_shared>> -> memref<64x16xf32, #tpu.memory_space<vmem_shared>>
      tpu.wait_dma2 semaphore(%run_scoped3A_139 : memref<!tpu.dma_semaphore, #tpu.memory_space<semaphore_mem>>) src(%arg14 : memref<64x16xf32, #tpu.memory_space<vmem>>) dst(%dma_wait3A_147 : memref<64x16xf32, #tpu.memory_space<vmem_shared>>)
      tpu.yield
    }) : () -> ()
    %add3A_12 = arith.constant 192 : i32
    %add3A_13 = arith.addi %mul3A_0, %add3A_12 : i32
    "tpu.region"() ({
      %run_scoped3A_139 = tpu.sem_alloc : memref<!tpu.dma_semaphore, #tpu.memory_space<semaphore_mem>>
      %dma_start3A_140 = arith.constant 0 : i32
      %dma_start3A_141 = tpu.memref_slice %arg7[%add3A_13, %dma_start3A_140] : memref<10240x16xf32, #tpu.memory_space<vmem_shared>> -> memref<64x16xf32, #tpu.memory_space<vmem_shared>>
      %dma_start3A_142 = arith.constant 0 : i32
      %dma_start3A_143 = tpu.memref_slice %arg7[%add3A_13, %dma_start3A_142] : memref<10240x16xf32, #tpu.memory_space<vmem_shared>> -> memref<64x16xf32, #tpu.memory_space<vmem_shared>>
      tpu.enqueue_dma source(%arg14 : memref<64x16xf32, #tpu.memory_space<vmem>>) target(%dma_start3A_143 : memref<64x16xf32, #tpu.memory_space<vmem_shared>>) target_semaphore(%run_scoped3A_139 : memref<!tpu.dma_semaphore, #tpu.memory_space<semaphore_mem>>)
      %dma_wait3A_144 = arith.constant 0 : i32
      %dma_wait3A_145 = tpu.memref_slice %arg7[%add3A_13, %dma_wait3A_144] : memref<10240x16xf32, #tpu.memory_space<vmem_shared>> -> memref<64x16xf32, #tpu.memory_space<vmem_shared>>
      %dma_wait3A_146 = arith.constant 0 : i32
      %dma_wait3A_147 = tpu.memref_slice %arg7[%add3A_13, %dma_wait3A_146] : memref<10240x16xf32, #tpu.memory_space<vmem_shared>> -> memref<64x16xf32, #tpu.memory_space<vmem_shared>>
      tpu.wait_dma2 semaphore(%run_scoped3A_139 : memref<!tpu.dma_semaphore, #tpu.memory_space<semaphore_mem>>) src(%arg14 : memref<64x16xf32, #tpu.memory_space<vmem>>) dst(%dma_wait3A_147 : memref<64x16xf32, #tpu.memory_space<vmem_shared>>)
      tpu.yield
    }) : () -> ()
    %add3A_14 = arith.constant 256 : i32
    %add3A_15 = arith.addi %mul3A_0, %add3A_14 : i32
    "tpu.region"() ({
      %run_scoped3A_139 = tpu.sem_alloc : memref<!tpu.dma_semaphore, #tpu.memory_space<semaphore_mem>>
      %dma_start3A_140 = arith.constant 0 : i32
      %dma_start3A_141 = tpu.memref_slice %arg7[%add3A_15, %dma_start3A_140] : memref<10240x16xf32, #tpu.memory_space<vmem_shared>> -> memref<64x16xf32, #tpu.memory_space<vmem_shared>>
      %dma_start3A_142 = arith.constant 0 : i32
      %dma_start3A_143 = tpu.memref_slice %arg7[%add3A_15, %dma_start3A_142] : memref<10240x16xf32, #tpu.memory_space<vmem_shared>> -> memref<64x16xf32, #tpu.memory_space<vmem_shared>>
      tpu.enqueue_dma source(%arg14 : memref<64x16xf32, #tpu.memory_space<vmem>>) target(%dma_start3A_143 : memref<64x16xf32, #tpu.memory_space<vmem_shared>>) target_semaphore(%run_scoped3A_139 : memref<!tpu.dma_semaphore, #tpu.memory_space<semaphore_mem>>)
      %dma_wait3A_144 = arith.constant 0 : i32
      %dma_wait3A_145 = tpu.memref_slice %arg7[%add3A_15, %dma_wait3A_144] : memref<10240x16xf32, #tpu.memory_space<vmem_shared>> -> memref<64x16xf32, #tpu.memory_space<vmem_shared>>
      %dma_wait3A_146 = arith.constant 0 : i32
      %dma_wait3A_147 = tpu.memref_slice %arg7[%add3A_15, %dma_wait3A_146] : memref<10240x16xf32, #tpu.memory_space<vmem_shared>> -> memref<64x16xf32, #tpu.memory_space<vmem_shared>>
      tpu.wait_dma2 semaphore(%run_scoped3A_139 : memref<!tpu.dma_semaphore, #tpu.memory_space<semaphore_mem>>) src(%arg14 : memref<64x16xf32, #tpu.memory_space<vmem>>) dst(%dma_wait3A_147 : memref<64x16xf32, #tpu.memory_space<vmem_shared>>)
      tpu.yield
    }) : () -> ()
    %add3A_16 = arith.constant 320 : i32
    %add3A_17 = arith.addi %mul3A_0, %add3A_16 : i32
    "tpu.region"() ({
      %run_scoped3A_139 = tpu.sem_alloc : memref<!tpu.dma_semaphore, #tpu.memory_space<semaphore_mem>>
      %dma_start3A_140 = arith.constant 0 : i32
      %dma_start3A_141 = tpu.memref_slice %arg7[%add3A_17, %dma_start3A_140] : memref<10240x16xf32, #tpu.memory_space<vmem_shared>> -> memref<64x16xf32, #tpu.memory_space<vmem_shared>>
      %dma_start3A_142 = arith.constant 0 : i32
      %dma_start3A_143 = tpu.memref_slice %arg7[%add3A_17, %dma_start3A_142] : memref<10240x16xf32, #tpu.memory_space<vmem_shared>> -> memref<64x16xf32, #tpu.memory_space<vmem_shared>>
      tpu.enqueue_dma source(%arg14 : memref<64x16xf32, #tpu.memory_space<vmem>>) target(%dma_start3A_143 : memref<64x16xf32, #tpu.memory_space<vmem_shared>>) target_semaphore(%run_scoped3A_139 : memref<!tpu.dma_semaphore, #tpu.memory_space<semaphore_mem>>)
      %dma_wait3A_144 = arith.constant 0 : i32
      %dma_wait3A_145 = tpu.memref_slice %arg7[%add3A_17, %dma_wait3A_144] : memref<10240x16xf32, #tpu.memory_space<vmem_shared>> -> memref<64x16xf32, #tpu.memory_space<vmem_shared>>
      %dma_wait3A_146 = arith.constant 0 : i32
      %dma_wait3A_147 = tpu.memref_slice %arg7[%add3A_17, %dma_wait3A_146] : memref<10240x16xf32, #tpu.memory_space<vmem_shared>> -> memref<64x16xf32, #tpu.memory_space<vmem_shared>>
      tpu.wait_dma2 semaphore(%run_scoped3A_139 : memref<!tpu.dma_semaphore, #tpu.memory_space<semaphore_mem>>) src(%arg14 : memref<64x16xf32, #tpu.memory_space<vmem>>) dst(%dma_wait3A_147 : memref<64x16xf32, #tpu.memory_space<vmem_shared>>)
      tpu.yield
    }) : () -> ()
    %add3A_18 = arith.constant 384 : i32
    %add3A_19 = arith.addi %mul3A_0, %add3A_18 : i32
    "tpu.region"() ({
      %run_scoped3A_139 = tpu.sem_alloc : memref<!tpu.dma_semaphore, #tpu.memory_space<semaphore_mem>>
      %dma_start3A_140 = arith.constant 0 : i32
      %dma_start3A_141 = tpu.memref_slice %arg7[%add3A_19, %dma_start3A_140] : memref<10240x16xf32, #tpu.memory_space<vmem_shared>> -> memref<64x16xf32, #tpu.memory_space<vmem_shared>>
      %dma_start3A_142 = arith.constant 0 : i32
      %dma_start3A_143 = tpu.memref_slice %arg7[%add3A_19, %dma_start3A_142] : memref<10240x16xf32, #tpu.memory_space<vmem_shared>> -> memref<64x16xf32, #tpu.memory_space<vmem_shared>>
      tpu.enqueue_dma source(%arg14 : memref<64x16xf32, #tpu.memory_space<vmem>>) target(%dma_start3A_143 : memref<64x16xf32, #tpu.memory_space<vmem_shared>>) target_semaphore(%run_scoped3A_139 : memref<!tpu.dma_semaphore, #tpu.memory_space<semaphore_mem>>)
      %dma_wait3A_144 = arith.constant 0 : i32
      %dma_wait3A_145 = tpu.memref_slice %arg7[%add3A_19, %dma_wait3A_144] : memref<10240x16xf32, #tpu.memory_space<vmem_shared>> -> memref<64x16xf32, #tpu.memory_space<vmem_shared>>
      %dma_wait3A_146 = arith.constant 0 : i32
      %dma_wait3A_147 = tpu.memref_slice %arg7[%add3A_19, %dma_wait3A_146] : memref<10240x16xf32, #tpu.memory_space<vmem_shared>> -> memref<64x16xf32, #tpu.memory_space<vmem_shared>>
      tpu.wait_dma2 semaphore(%run_scoped3A_139 : memref<!tpu.dma_semaphore, #tpu.memory_space<semaphore_mem>>) src(%arg14 : memref<64x16xf32, #tpu.memory_space<vmem>>) dst(%dma_wait3A_147 : memref<64x16xf32, #tpu.memory_space<vmem_shared>>)
      tpu.yield
    }) : () -> ()
    %add3A_20 = arith.constant 448 : i32
    %add3A_21 = arith.addi %mul3A_0, %add3A_20 : i32
    "tpu.region"() ({
      %run_scoped3A_139 = tpu.sem_alloc : memref<!tpu.dma_semaphore, #tpu.memory_space<semaphore_mem>>
      %dma_start3A_140 = arith.constant 0 : i32
      %dma_start3A_141 = tpu.memref_slice %arg7[%add3A_21, %dma_start3A_140] : memref<10240x16xf32, #tpu.memory_space<vmem_shared>> -> memref<64x16xf32, #tpu.memory_space<vmem_shared>>
      %dma_start3A_142 = arith.constant 0 : i32
      %dma_start3A_143 = tpu.memref_slice %arg7[%add3A_21, %dma_start3A_142] : memref<10240x16xf32, #tpu.memory_space<vmem_shared>> -> memref<64x16xf32, #tpu.memory_space<vmem_shared>>
      tpu.enqueue_dma source(%arg14 : memref<64x16xf32, #tpu.memory_space<vmem>>) target(%dma_start3A_143 : memref<64x16xf32, #tpu.memory_space<vmem_shared>>) target_semaphore(%run_scoped3A_139 : memref<!tpu.dma_semaphore, #tpu.memory_space<semaphore_mem>>)
      %dma_wait3A_144 = arith.constant 0 : i32
      %dma_wait3A_145 = tpu.memref_slice %arg7[%add3A_21, %dma_wait3A_144] : memref<10240x16xf32, #tpu.memory_space<vmem_shared>> -> memref<64x16xf32, #tpu.memory_space<vmem_shared>>
      %dma_wait3A_146 = arith.constant 0 : i32
      %dma_wait3A_147 = tpu.memref_slice %arg7[%add3A_21, %dma_wait3A_146] : memref<10240x16xf32, #tpu.memory_space<vmem_shared>> -> memref<64x16xf32, #tpu.memory_space<vmem_shared>>
      tpu.wait_dma2 semaphore(%run_scoped3A_139 : memref<!tpu.dma_semaphore, #tpu.memory_space<semaphore_mem>>) src(%arg14 : memref<64x16xf32, #tpu.memory_space<vmem>>) dst(%dma_wait3A_147 : memref<64x16xf32, #tpu.memory_space<vmem_shared>>)
      tpu.yield
    }) : () -> ()
    %add3A_22 = arith.constant 512 : i32
    %add3A_23 = arith.addi %mul3A_0, %add3A_22 : i32
    "tpu.region"() ({
      %run_scoped3A_139 = tpu.sem_alloc : memref<!tpu.dma_semaphore, #tpu.memory_space<semaphore_mem>>
      %dma_start3A_140 = arith.constant 0 : i32
      %dma_start3A_141 = tpu.memref_slice %arg7[%add3A_23, %dma_start3A_140] : memref<10240x16xf32, #tpu.memory_space<vmem_shared>> -> memref<64x16xf32, #tpu.memory_space<vmem_shared>>
      %dma_start3A_142 = arith.constant 0 : i32
      %dma_start3A_143 = tpu.memref_slice %arg7[%add3A_23, %dma_start3A_142] : memref<10240x16xf32, #tpu.memory_space<vmem_shared>> -> memref<64x16xf32, #tpu.memory_space<vmem_shared>>
      tpu.enqueue_dma source(%arg14 : memref<64x16xf32, #tpu.memory_space<vmem>>) target(%dma_start3A_143 : memref<64x16xf32, #tpu.memory_space<vmem_shared>>) target_semaphore(%run_scoped3A_139 : memref<!tpu.dma_semaphore, #tpu.memory_space<semaphore_mem>>)
      %dma_wait3A_144 = arith.constant 0 : i32
      %dma_wait3A_145 = tpu.memref_slice %arg7[%add3A_23, %dma_wait3A_144] : memref<10240x16xf32, #tpu.memory_space<vmem_shared>> -> memref<64x16xf32, #tpu.memory_space<vmem_shared>>
      %dma_wait3A_146 = arith.constant 0 : i32
      %dma_wait3A_147 = tpu.memref_slice %arg7[%add3A_23, %dma_wait3A_146] : memref<10240x16xf32, #tpu.memory_space<vmem_shared>> -> memref<64x16xf32, #tpu.memory_space<vmem_shared>>
      tpu.wait_dma2 semaphore(%run_scoped3A_139 : memref<!tpu.dma_semaphore, #tpu.memory_space<semaphore_mem>>) src(%arg14 : memref<64x16xf32, #tpu.memory_space<vmem>>) dst(%dma_wait3A_147 : memref<64x16xf32, #tpu.memory_space<vmem_shared>>)
      tpu.yield
    }) : () -> ()
    %add3A_24 = arith.constant 576 : i32
    %add3A_25 = arith.addi %mul3A_0, %add3A_24 : i32
    "tpu.region"() ({
      %run_scoped3A_139 = tpu.sem_alloc : memref<!tpu.dma_semaphore, #tpu.memory_space<semaphore_mem>>
      %dma_start3A_140 = arith.constant 0 : i32
      %dma_start3A_141 = tpu.memref_slice %arg7[%add3A_25, %dma_start3A_140] : memref<10240x16xf32, #tpu.memory_space<vmem_shared>> -> memref<64x16xf32, #tpu.memory_space<vmem_shared>>
      %dma_start3A_142 = arith.constant 0 : i32
      %dma_start3A_143 = tpu.memref_slice %arg7[%add3A_25, %dma_start3A_142] : memref<10240x16xf32, #tpu.memory_space<vmem_shared>> -> memref<64x16xf32, #tpu.memory_space<vmem_shared>>
      tpu.enqueue_dma source(%arg14 : memref<64x16xf32, #tpu.memory_space<vmem>>) target(%dma_start3A_143 : memref<64x16xf32, #tpu.memory_space<vmem_shared>>) target_semaphore(%run_scoped3A_139 : memref<!tpu.dma_semaphore, #tpu.memory_space<semaphore_mem>>)
      %dma_wait3A_144 = arith.constant 0 : i32
      %dma_wait3A_145 = tpu.memref_slice %arg7[%add3A_25, %dma_wait3A_144] : memref<10240x16xf32, #tpu.memory_space<vmem_shared>> -> memref<64x16xf32, #tpu.memory_space<vmem_shared>>
      %dma_wait3A_146 = arith.constant 0 : i32
      %dma_wait3A_147 = tpu.memref_slice %arg7[%add3A_25, %dma_wait3A_146] : memref<10240x16xf32, #tpu.memory_space<vmem_shared>> -> memref<64x16xf32, #tpu.memory_space<vmem_shared>>
      tpu.wait_dma2 semaphore(%run_scoped3A_139 : memref<!tpu.dma_semaphore, #tpu.memory_space<semaphore_mem>>) src(%arg14 : memref<64x16xf32, #tpu.memory_space<vmem>>) dst(%dma_wait3A_147 : memref<64x16xf32, #tpu.memory_space<vmem_shared>>)
      tpu.yield
    }) : () -> ()
    %barrier3A = arith.constant 0 : index
    tpu.barrier barrier_id(%barrier3A)
    %mul3A_26 = arith.constant 16 : i32
    %mul3A_27 = arith.muli %arg0, %mul3A_26 : i32
    %add3A_28 = arith.addi %mul3A_27, %arg1 : i32
    %mul3A_29 = arith.constant 5000 : i32
    %mul3A_30 = arith.muli %add3A_28, %mul3A_29 : i32
    %add3A_31 = arith.constant 0 : i32
    %add3A_32 = arith.addi %mul3A_30, %add3A_31 : i32
    %multiple_of3A = tpu.assume_multiple %add3A_32, 8 : i32
    %run_scoped3A = arith.constant 0 : i32
    "tpu.region"() ({
      %run_scoped3A_139 = tpu.sem_alloc : memref<!tpu.dma_semaphore, #tpu.memory_space<semaphore_mem>>
      %dma_start3A_140 = arith.constant 0 : i32
      %dma_start3A_141 = arith.constant 0 : i32
      %dma_start3A_142 = tpu.memref_slice %arg8[%run_scoped3A, %dma_start3A_140, %dma_start3A_141] : memref<2x2x40xi32, #tpu.memory_space<vmem>> -> memref<1x2x40xi32, #tpu.memory_space<vmem>>
      %dma_start3A_143 = tpu.memref_squeeze %dma_start3A_142 : memref<1x2x40xi32, #tpu.memory_space<vmem>> -> memref<2x40xi32, #tpu.memory_space<vmem>>
      %dma_start3A_144 = arith.constant 0 : i32
      %dma_start3A_145 = tpu.memref_slice %arg5[%dma_start3A_144, %multiple_of3A] : memref<2x160000xi32, #tpu.memory_space<hbm>> -> memref<2x40xi32, #tpu.memory_space<hbm>>
      %dma_start3A_146 = arith.constant 0 : i32
      %dma_start3A_147 = arith.constant 0 : i32
      %dma_start3A_148 = tpu.memref_slice %arg8[%run_scoped3A, %dma_start3A_146, %dma_start3A_147] : memref<2x2x40xi32, #tpu.memory_space<vmem>> -> memref<1x2x40xi32, #tpu.memory_space<vmem>>
      %dma_start3A_149 = tpu.memref_squeeze %dma_start3A_148 : memref<1x2x40xi32, #tpu.memory_space<vmem>> -> memref<2x40xi32, #tpu.memory_space<vmem>>
      %dma_start3A_150 = arith.constant 0 : i32
      %dma_start3A_151 = tpu.memref_slice %arg5[%dma_start3A_150, %multiple_of3A] : memref<2x160000xi32, #tpu.memory_space<hbm>> -> memref<2x40xi32, #tpu.memory_space<hbm>>
      tpu.enqueue_dma source(%dma_start3A_151 : memref<2x40xi32, #tpu.memory_space<hbm>>) target(%dma_start3A_149 : memref<2x40xi32, #tpu.memory_space<vmem>>) target_semaphore(%run_scoped3A_139 : memref<!tpu.dma_semaphore, #tpu.memory_space<semaphore_mem>>)
      %dma_wait3A_152 = arith.constant 0 : i32
      %dma_wait3A_153 = arith.constant 0 : i32
      %dma_wait3A_154 = tpu.memref_slice %arg8[%run_scoped3A, %dma_wait3A_152, %dma_wait3A_153] : memref<2x2x40xi32, #tpu.memory_space<vmem>> -> memref<1x2x40xi32, #tpu.memory_space<vmem>>
      %dma_wait3A_155 = tpu.memref_squeeze %dma_wait3A_154 : memref<1x2x40xi32, #tpu.memory_space<vmem>> -> memref<2x40xi32, #tpu.memory_space<vmem>>
      %dma_wait3A_156 = arith.constant 0 : i32
      %dma_wait3A_157 = tpu.memref_slice %arg5[%dma_wait3A_156, %multiple_of3A] : memref<2x160000xi32, #tpu.memory_space<hbm>> -> memref<2x40xi32, #tpu.memory_space<hbm>>
      %dma_wait3A_158 = arith.constant 0 : i32
      %dma_wait3A_159 = arith.constant 0 : i32
      %dma_wait3A_160 = tpu.memref_slice %arg8[%run_scoped3A, %dma_wait3A_158, %dma_wait3A_159] : memref<2x2x40xi32, #tpu.memory_space<vmem>> -> memref<1x2x40xi32, #tpu.memory_space<vmem>>
      %dma_wait3A_161 = tpu.memref_squeeze %dma_wait3A_160 : memref<1x2x40xi32, #tpu.memory_space<vmem>> -> memref<2x40xi32, #tpu.memory_space<vmem>>
      %dma_wait3A_162 = arith.constant 0 : i32
      %dma_wait3A_163 = tpu.memref_slice %arg5[%dma_wait3A_162, %multiple_of3A] : memref<2x160000xi32, #tpu.memory_space<hbm>> -> memref<2x40xi32, #tpu.memory_space<hbm>>
      tpu.wait_dma2 semaphore(%run_scoped3A_139 : memref<!tpu.dma_semaphore, #tpu.memory_space<semaphore_mem>>) src(%dma_wait3A_163 : memref<2x40xi32, #tpu.memory_space<hbm>>) dst(%dma_wait3A_161 : memref<2x40xi32, #tpu.memory_space<vmem>>)
      tpu.yield
    }) : () -> ()
    %get3A = arith.constant 0 : i32
    %get3A_33 = arith.constant 1 : i32
    %get3A_34 = arith.index_cast %get3A : i32 to index
    %get3A_35 = arith.index_cast %get3A_33 : i32 to index
    %get3A_36 = arith.constant 0 : index
    %get3A_37 = tpu.vector_load %arg8[%get3A_34, %get3A_35, %get3A_36] {strides = array<i32>} : memref<2x2x40xi32, #tpu.memory_space<vmem>>, vector<1x1x16xi32>,
    %get3A_38 = vector.shape_cast %get3A_37 : vector<1x1x16xi32> to vector<16xi32>
    %swap3A = arith.constant 0 : i32
    %swap3A_39 = arith.index_cast %swap3A : i32 to index
    %swap3A_40 = arith.constant 0 : index
    %swap3A_41 = tpu.vector_load %arg9[%swap3A_39, %swap3A_40] {strides = array<i32>} : memref<2x40xi32, #tpu.memory_space<vmem>>, vector<1x16xi32>,
    %swap3A_42 = vector.shape_cast %swap3A_41 : vector<1x16xi32> to vector<16xi32>
    %swap3A_43 = vector.shape_cast %get3A_38 : vector<16xi32> to vector<1x16xi32>
    tpu.vector_store %arg9[%swap3A_39, %swap3A_40], %swap3A_43 {strides = array<i32>} : memref<2x40xi32, #tpu.memory_space<vmem>>, vector<1x16xi32>,
    %get3A_44 = arith.constant 0 : i32
    %get3A_45 = arith.constant 1 : i32
    %get3A_46 = arith.index_cast %get3A_44 : i32 to index
    %get3A_47 = arith.index_cast %get3A_45 : i32 to index
    %get3A_48 = arith.constant 16 : index
    %get3A_49 = tpu.vector_load %arg8[%get3A_46, %get3A_47, %get3A_48] {strides = array<i32>} : memref<2x2x40xi32, #tpu.memory_space<vmem>>, vector<1x1x16xi32>,
    %get3A_50 = vector.shape_cast %get3A_49 : vector<1x1x16xi32> to vector<16xi32>
    %swap3A_51 = arith.constant 0 : i32
    %swap3A_52 = arith.index_cast %swap3A_51 : i32 to index
    %swap3A_53 = arith.constant 16 : index
    %swap3A_54 = tpu.vector_load %arg9[%swap3A_52, %swap3A_53] {strides = array<i32>} : memref<2x40xi32, #tpu.memory_space<vmem>>, vector<1x16xi32>,
    %swap3A_55 = vector.shape_cast %swap3A_54 : vector<1x16xi32> to vector<16xi32>
    %swap3A_56 = vector.shape_cast %get3A_50 : vector<16xi32> to vector<1x16xi32>
    tpu.vector_store %arg9[%swap3A_52, %swap3A_53], %swap3A_56 {strides = array<i32>} : memref<2x40xi32, #tpu.memory_space<vmem>>, vector<1x16xi32>,
    %get3A_57 = arith.constant 0 : i32
    %get3A_58 = arith.constant 1 : i32
    %get3A_59 = arith.index_cast %get3A_57 : i32 to index
    %get3A_60 = arith.index_cast %get3A_58 : i32 to index
    %get3A_61 = arith.constant 24 : index
    %get3A_62 = tpu.vector_load %arg8[%get3A_59, %get3A_60, %get3A_61] {strides = array<i32>} : memref<2x2x40xi32, #tpu.memory_space<vmem>>, vector<1x1x16xi32>,
    %get3A_63 = vector.shape_cast %get3A_62 : vector<1x1x16xi32> to vector<16xi32>
    %swap3A_64 = arith.constant 0 : i32
    %swap3A_65 = arith.index_cast %swap3A_64 : i32 to index
    %swap3A_66 = arith.constant 24 : index
    %swap3A_67 = tpu.vector_load %arg9[%swap3A_65, %swap3A_66] {strides = array<i32>} : memref<2x40xi32, #tpu.memory_space<vmem>>, vector<1x16xi32>,
    %swap3A_68 = vector.shape_cast %swap3A_67 : vector<1x16xi32> to vector<16xi32>
    %swap3A_69 = vector.shape_cast %get3A_63 : vector<16xi32> to vector<1x16xi32>
    tpu.vector_store %arg9[%swap3A_65, %swap3A_66], %swap3A_69 {strides = array<i32>} : memref<2x40xi32, #tpu.memory_space<vmem>>, vector<1x16xi32>,
    %dma_start3A = arith.constant 0 : i32
    %dma_start3A_70 = arith.constant 0 : i32
    %dma_start3A_71 = arith.constant 0 : i32
    %dma_start3A_72 = arith.constant 0 : i32
    %dma_start3A_73 = arith.constant 0 : i32
    %dma_start3A_74 = arith.constant 0 : i32
    %dma_start3A_75 = tpu.memref_slice %arg10[%dma_start3A_71, %dma_start3A_73, %dma_start3A_74] : memref<2x40x16xf32, #tpu.memory_space<vmem>> -> memref<1x40x16xf32, #tpu.memory_space<vmem>>
    %dma_start3A_76 = tpu.memref_squeeze %dma_start3A_75 : memref<1x40x16xf32, #tpu.memory_space<vmem>> -> memref<40x16xf32, #tpu.memory_space<vmem>>
    %dma_start3A_77 = arith.constant 0 : i32
    %dma_start3A_78 = tpu.memref_slice %arg8[%dma_start3A, %dma_start3A_70, %dma_start3A_77] : memref<2x2x40xi32, #tpu.memory_space<vmem>> -> memref<1x1x40xi32, #tpu.memory_space<vmem>>
    %dma_start3A_79 = tpu.memref_squeeze %dma_start3A_78 : memref<1x1x40xi32, #tpu.memory_space<vmem>> -> memref<40xi32, #tpu.memory_space<vmem>>
    %dma_start3A_80 = arith.constant 0 : i32
    %dma_start3A_81 = arith.constant 0 : i32
    %dma_start3A_82 = tpu.memref_slice %arg2[%dma_start3A_80, %dma_start3A_81] : memref<10240x16xf32, #tpu.memory_space<hbm>> -> memref<10240x16xf32, #tpu.memory_space<hbm>>
    %dma_start3A_83 = tpu.memref_slice %arg15[%dma_start3A_72] : memref<2x!tpu.dma_semaphore, #tpu.memory_space<semaphore_mem>> -> memref<1x!tpu.dma_semaphore, #tpu.memory_space<semaphore_mem>>
    %dma_start3A_84 = tpu.memref_squeeze %dma_start3A_83 : memref<1x!tpu.dma_semaphore, #tpu.memory_space<semaphore_mem>> -> memref<!tpu.dma_semaphore, #tpu.memory_space<semaphore_mem>>
    tpu.enqueue_indirect_dma source(%dma_start3A_82 : memref<10240x16xf32, #tpu.memory_space<hbm>>) target(%dma_start3A_76 : memref<40x16xf32, #tpu.memory_space<vmem>>) offsets(%dma_start3A_79 : memref<40xi32, #tpu.memory_space<vmem>>) semaphore(%dma_start3A_84 : memref<!tpu.dma_semaphore, #tpu.memory_space<semaphore_mem>>)
    %dma_start3A_85 = arith.constant 0 : i32
    %dma_start3A_86 = arith.constant 0 : i32
    %dma_start3A_87 = arith.constant 0 : i32
    %dma_start3A_88 = arith.constant 0 : i32
    %dma_start3A_89 = arith.constant 0 : i32
    %dma_start3A_90 = arith.constant 0 : i32
    %dma_start3A_91 = tpu.memref_slice %arg11[%dma_start3A_87, %dma_start3A_89, %dma_start3A_90] : memref<2x40x16xf32, #tpu.memory_space<vmem>> -> memref<1x40x16xf32, #tpu.memory_space<vmem>>
    %dma_start3A_92 = tpu.memref_squeeze %dma_start3A_91 : memref<1x40x16xf32, #tpu.memory_space<vmem>> -> memref<40x16xf32, #tpu.memory_space<vmem>>
    %dma_start3A_93 = arith.constant 0 : i32
    %dma_start3A_94 = tpu.memref_slice %arg8[%dma_start3A_85, %dma_start3A_86, %dma_start3A_93] : memref<2x2x40xi32, #tpu.memory_space<vmem>> -> memref<1x1x40xi32, #tpu.memory_space<vmem>>
    %dma_start3A_95 = tpu.memref_squeeze %dma_start3A_94 : memref<1x1x40xi32, #tpu.memory_space<vmem>> -> memref<40xi32, #tpu.memory_space<vmem>>
    %dma_start3A_96 = arith.constant 0 : i32
    %dma_start3A_97 = arith.constant 0 : i32
    %dma_start3A_98 = tpu.memref_slice %arg3[%dma_start3A_96, %dma_start3A_97] : memref<10240x16xf32, #tpu.memory_space<hbm>> -> memref<10240x16xf32, #tpu.memory_space<hbm>>
    %dma_start3A_99 = tpu.memref_slice %arg15[%dma_start3A_88] : memref<2x!tpu.dma_semaphore, #tpu.memory_space<semaphore_mem>> -> memref<1x!tpu.dma_semaphore, #tpu.memory_space<semaphore_mem>>
    %dma_start3A_100 = tpu.memref_squeeze %dma_start3A_99 : memref<1x!tpu.dma_semaphore, #tpu.memory_space<semaphore_mem>> -> memref<!tpu.dma_semaphore, #tpu.memory_space<semaphore_mem>>
    tpu.enqueue_indirect_dma source(%dma_start3A_98 : memref<10240x16xf32, #tpu.memory_space<hbm>>) target(%dma_start3A_92 : memref<40x16xf32, #tpu.memory_space<vmem>>) offsets(%dma_start3A_95 : memref<40xi32, #tpu.memory_space<vmem>>) semaphore(%dma_start3A_100 : memref<!tpu.dma_semaphore, #tpu.memory_space<semaphore_mem>>)
    %dma_start3A_101 = arith.constant 0 : i32
    %dma_start3A_102 = arith.constant 1 : i32
    %dma_start3A_103 = arith.constant 0 : i32
    %dma_start3A_104 = arith.constant 0 : i32
    %dma_start3A_105 = arith.constant 0 : i32
    %dma_start3A_106 = arith.constant 0 : i32
    %dma_start3A_107 = tpu.memref_slice %arg12[%dma_start3A_103, %dma_start3A_105, %dma_start3A_106] : memref<2x40x16xf32, #tpu.memory_space<vmem>> -> memref<1x40x16xf32, #tpu.memory_space<vmem>>
    %dma_start3A_108 = tpu.memref_squeeze %dma_start3A_107 : memref<1x40x16xf32, #tpu.memory_space<vmem>> -> memref<40x16xf32, #tpu.memory_space<vmem>>
    %dma_start3A_109 = arith.constant 0 : i32
    %dma_start3A_110 = tpu.memref_slice %arg8[%dma_start3A_101, %dma_start3A_102, %dma_start3A_109] : memref<2x2x40xi32, #tpu.memory_space<vmem>> -> memref<1x1x40xi32, #tpu.memory_space<vmem>>
    %dma_start3A_111 = tpu.memref_squeeze %dma_start3A_110 : memref<1x1x40xi32, #tpu.memory_space<vmem>> -> memref<40xi32, #tpu.memory_space<vmem>>
    %dma_start3A_112 = arith.constant 0 : i32
    %dma_start3A_113 = arith.constant 0 : i32
    %dma_start3A_114 = tpu.memref_slice %arg4[%dma_start3A_112, %dma_start3A_113] : memref<10240x16xf32, #tpu.memory_space<hbm>> -> memref<10240x16xf32, #tpu.memory_space<hbm>>
    %dma_start3A_115 = tpu.memref_slice %arg15[%dma_start3A_104] : memref<2x!tpu.dma_semaphore, #tpu.memory_space<semaphore_mem>> -> memref<1x!tpu.dma_semaphore, #tpu.memory_space<semaphore_mem>>
    %dma_start3A_116 = tpu.memref_squeeze %dma_start3A_115 : memref<1x!tpu.dma_semaphore, #tpu.memory_space<semaphore_mem>> -> memref<!tpu.dma_semaphore, #tpu.memory_space<semaphore_mem>>
    tpu.enqueue_indirect_dma source(%dma_start3A_114 : memref<10240x16xf32, #tpu.memory_space<hbm>>) target(%dma_start3A_108 : memref<40x16xf32, #tpu.memory_space<vmem>>) offsets(%dma_start3A_111 : memref<40xi32, #tpu.memory_space<vmem>>) semaphore(%dma_start3A_116 : memref<!tpu.dma_semaphore, #tpu.memory_space<semaphore_mem>>)
    %scan3A_117 = arith.constant 0 : i32
    %scan3A_118 = arith.constant 0 : i32
    %scan3A_119 = arith.constant 125 : i32
    %scan3A_120 = arith.addi %scan3A_118, %scan3A_119 : i32
    %scan3A_121 = arith.constant 1 : i32
    %scan3A_122 = scf.for %scan3A_139 = %scan3A_118 to %scan3A_120 step %scan3A_121 iter_args(%scan3A_140 = %scan3A_117) -> (i32)  : i32 {
      %rem3A = arith.constant 2 : i32
      %rem3A_141 = arith.remsi %scan3A_139, %rem3A : i32
      %sub3A = arith.constant 1 : i32
      %sub3A_142 = arith.subi %sub3A, %rem3A_141 : i32
      %ge3A = arith.constant 1 : i32
      %ge3A_143 = arith.cmpi sge, %scan3A_139, %ge3A : i32
      %convert_element_type3A = arith.extui %ge3A_143 : i1 to i32
      %cond3A = arith.constant 0 : i32
      %cond3A_144 = arith.cmpi ne, %convert_element_type3A, %cond3A : i32
      scf.if %cond3A_144 {
        %dma_wait3A_205 = arith.constant 0 : i32
        %dma_wait3A_206 = arith.constant 0 : i32
        %dma_wait3A_207 = tpu.memref_slice %arg13[%sub3A_142, %dma_wait3A_205, %dma_wait3A_206] : memref<2x40x16xf32, #tpu.memory_space<vmem>> -> memref<1x40x16xf32, #tpu.memory_space<vmem>>
        %dma_wait3A_208 = tpu.memref_squeeze %dma_wait3A_207 : memref<1x40x16xf32, #tpu.memory_space<vmem>> -> memref<40x16xf32, #tpu.memory_space<vmem>>
        %dma_wait3A_209 = arith.constant 0 : i32
        %dma_wait3A_210 = tpu.memref_slice %arg9[%sub3A_142, %dma_wait3A_209] : memref<2x40xi32, #tpu.memory_space<vmem>> -> memref<1x40xi32, #tpu.memory_space<vmem>>
        %dma_wait3A_211 = tpu.memref_squeeze %dma_wait3A_210 : memref<1x40xi32, #tpu.memory_space<vmem>> -> memref<40xi32, #tpu.memory_space<vmem>>
        %dma_wait3A_212 = arith.constant 0 : i32
        %dma_wait3A_213 = arith.constant 0 : i32
        %dma_wait3A_214 = tpu.memref_slice %arg7[%dma_wait3A_212, %dma_wait3A_213] : memref<10240x16xf32, #tpu.memory_space<vmem_shared>> -> memref<10240x16xf32, #tpu.memory_space<vmem_shared>>
        %dma_wait3A_215 = tpu.memref_slice %arg16[%sub3A_142] : memref<2x!tpu.dma_semaphore, #tpu.memory_space<semaphore_mem>> -> memref<1x!tpu.dma_semaphore, #tpu.memory_space<semaphore_mem>>
        %dma_wait3A_216 = tpu.memref_squeeze %dma_wait3A_215 : memref<1x!tpu.dma_semaphore, #tpu.memory_space<semaphore_mem>> -> memref<!tpu.dma_semaphore, #tpu.memory_space<semaphore_mem>>
        tpu.wait_indirect_dma semaphore(%dma_wait3A_216 : memref<!tpu.dma_semaphore, #tpu.memory_space<semaphore_mem>>) src(%dma_wait3A_208 : memref<40x16xf32, #tpu.memory_space<vmem>>) dst(%dma_wait3A_214 : memref<10240x16xf32, #tpu.memory_space<vmem_shared>>)
      } else {
      }
      %add3A_145 = arith.constant 1 : i32
      %add3A_146 = arith.addi %scan3A_139, %add3A_145 : i32
      %lt3A = arith.constant 125 : i32
      %lt3A_147 = arith.cmpi slt, %add3A_146, %lt3A : i32
      %convert_element_type3A_148 = arith.extui %lt3A_147 : i1 to i32
      %cond3A_149 = arith.constant 0 : i32
      %cond3A_150 = arith.cmpi ne, %convert_element_type3A_148, %cond3A_149 : i32
      scf.if %cond3A_150 {
        %add3A_205 = arith.constant 1 : i32
        %add3A_206 = arith.addi %scan3A_139, %add3A_205 : i32
        %mul3A_207 = arith.constant 5000 : i32
        %mul3A_208 = arith.muli %add3A_28, %mul3A_207 : i32
        %mul3A_209 = arith.constant 40 : i32
        %mul3A_210 = arith.muli %add3A_206, %mul3A_209 : i32
        %add3A_211 = arith.addi %mul3A_208, %mul3A_210 : i32
        %multiple_of3A_212 = tpu.assume_multiple %add3A_211, 8 : i32
        "tpu.region"() ({
          %run_scoped3A_285 = tpu.sem_alloc : memref<!tpu.dma_semaphore, #tpu.memory_space<semaphore_mem>>
          %dma_start3A_286 = arith.constant 0 : i32
          %dma_start3A_287 = arith.constant 0 : i32
          %dma_start3A_288 = tpu.memref_slice %arg8[%sub3A_142, %dma_start3A_286, %dma_start3A_287] : memref<2x2x40xi32, #tpu.memory_space<vmem>> -> memref<1x2x40xi32, #tpu.memory_space<vmem>>
          %dma_start3A_289 = tpu.memref_squeeze %dma_start3A_288 : memref<1x2x40xi32, #tpu.memory_space<vmem>> -> memref<2x40xi32, #tpu.memory_space<vmem>>
          %dma_start3A_290 = arith.constant 0 : i32
          %dma_start3A_291 = tpu.memref_slice %arg5[%dma_start3A_290, %multiple_of3A_212] : memref<2x160000xi32, #tpu.memory_space<hbm>> -> memref<2x40xi32, #tpu.memory_space<hbm>>
          %dma_start3A_292 = arith.constant 0 : i32
          %dma_start3A_293 = arith.constant 0 : i32
          %dma_start3A_294 = tpu.memref_slice %arg8[%sub3A_142, %dma_start3A_292, %dma_start3A_293] : memref<2x2x40xi32, #tpu.memory_space<vmem>> -> memref<1x2x40xi32, #tpu.memory_space<vmem>>
          %dma_start3A_295 = tpu.memref_squeeze %dma_start3A_294 : memref<1x2x40xi32, #tpu.memory_space<vmem>> -> memref<2x40xi32, #tpu.memory_space<vmem>>
          %dma_start3A_296 = arith.constant 0 : i32
          %dma_start3A_297 = tpu.memref_slice %arg5[%dma_start3A_296, %multiple_of3A_212] : memref<2x160000xi32, #tpu.memory_space<hbm>> -> memref<2x40xi32, #tpu.memory_space<hbm>>
          tpu.enqueue_dma source(%dma_start3A_297 : memref<2x40xi32, #tpu.memory_space<hbm>>) target(%dma_start3A_295 : memref<2x40xi32, #tpu.memory_space<vmem>>) target_semaphore(%run_scoped3A_285 : memref<!tpu.dma_semaphore, #tpu.memory_space<semaphore_mem>>)
          %dma_wait3A_298 = arith.constant 0 : i32
          %dma_wait3A_299 = arith.constant 0 : i32
          %dma_wait3A_300 = tpu.memref_slice %arg8[%sub3A_142, %dma_wait3A_298, %dma_wait3A_299] : memref<2x2x40xi32, #tpu.memory_space<vmem>> -> memref<1x2x40xi32, #tpu.memory_space<vmem>>
          %dma_wait3A_301 = tpu.memref_squeeze %dma_wait3A_300 : memref<1x2x40xi32, #tpu.memory_space<vmem>> -> memref<2x40xi32, #tpu.memory_space<vmem>>
          %dma_wait3A_302 = arith.constant 0 : i32
          %dma_wait3A_303 = tpu.memref_slice %arg5[%dma_wait3A_302, %multiple_of3A_212] : memref<2x160000xi32, #tpu.memory_space<hbm>> -> memref<2x40xi32, #tpu.memory_space<hbm>>
          %dma_wait3A_304 = arith.constant 0 : i32
          %dma_wait3A_305 = arith.constant 0 : i32
          %dma_wait3A_306 = tpu.memref_slice %arg8[%sub3A_142, %dma_wait3A_304, %dma_wait3A_305] : memref<2x2x40xi32, #tpu.memory_space<vmem>> -> memref<1x2x40xi32, #tpu.memory_space<vmem>>
          %dma_wait3A_307 = tpu.memref_squeeze %dma_wait3A_306 : memref<1x2x40xi32, #tpu.memory_space<vmem>> -> memref<2x40xi32, #tpu.memory_space<vmem>>
          %dma_wait3A_308 = arith.constant 0 : i32
          %dma_wait3A_309 = tpu.memref_slice %arg5[%dma_wait3A_308, %multiple_of3A_212] : memref<2x160000xi32, #tpu.memory_space<hbm>> -> memref<2x40xi32, #tpu.memory_space<hbm>>
          tpu.wait_dma2 semaphore(%run_scoped3A_285 : memref<!tpu.dma_semaphore, #tpu.memory_space<semaphore_mem>>) src(%dma_wait3A_309 : memref<2x40xi32, #tpu.memory_space<hbm>>) dst(%dma_wait3A_307 : memref<2x40xi32, #tpu.memory_space<vmem>>)
          tpu.yield
        }) : () -> ()
        %get3A_213 = arith.constant 1 : i32
        %get3A_214 = arith.index_cast %sub3A_142 : i32 to index
        %get3A_215 = arith.index_cast %get3A_213 : i32 to index
        %get3A_216 = arith.constant 0 : index
        %get3A_217 = tpu.vector_load %arg8[%get3A_214, %get3A_215, %get3A_216] {strides = array<i32>} : memref<2x2x40xi32, #tpu.memory_space<vmem>>, vector<1x1x16xi32>,
        %get3A_218 = vector.shape_cast %get3A_217 : vector<1x1x16xi32> to vector<16xi32>
        %swap3A_219 = arith.index_cast %sub3A_142 : i32 to index
        %swap3A_220 = arith.constant 0 : index
        %swap3A_221 = tpu.vector_load %arg9[%swap3A_219, %swap3A_220] {strides = array<i32>} : memref<2x40xi32, #tpu.memory_space<vmem>>, vector<1x16xi32>,
        %swap3A_222 = vector.shape_cast %swap3A_221 : vector<1x16xi32> to vector<16xi32>
        %swap3A_223 = vector.shape_cast %get3A_218 : vector<16xi32> to vector<1x16xi32>
        tpu.vector_store %arg9[%swap3A_219, %swap3A_220], %swap3A_223 {strides = array<i32>} : memref<2x40xi32, #tpu.memory_space<vmem>>, vector<1x16xi32>,
        %get3A_224 = arith.constant 1 : i32
        %get3A_225 = arith.index_cast %sub3A_142 : i32 to index
        %get3A_226 = arith.index_cast %get3A_224 : i32 to index
        %get3A_227 = arith.constant 16 : index
        %get3A_228 = tpu.vector_load %arg8[%get3A_225, %get3A_226, %get3A_227] {strides = array<i32>} : memref<2x2x40xi32, #tpu.memory_space<vmem>>, vector<1x1x16xi32>,
        %get3A_229 = vector.shape_cast %get3A_228 : vector<1x1x16xi32> to vector<16xi32>
        %swap3A_230 = arith.index_cast %sub3A_142 : i32 to index
        %swap3A_231 = arith.constant 16 : index
        %swap3A_232 = tpu.vector_load %arg9[%swap3A_230, %swap3A_231] {strides = array<i32>} : memref<2x40xi32, #tpu.memory_space<vmem>>, vector<1x16xi32>,
        %swap3A_233 = vector.shape_cast %swap3A_232 : vector<1x16xi32> to vector<16xi32>
        %swap3A_234 = vector.shape_cast %get3A_229 : vector<16xi32> to vector<1x16xi32>
        tpu.vector_store %arg9[%swap3A_230, %swap3A_231], %swap3A_234 {strides = array<i32>} : memref<2x40xi32, #tpu.memory_space<vmem>>, vector<1x16xi32>,
        %get3A_235 = arith.constant 1 : i32
        %get3A_236 = arith.index_cast %sub3A_142 : i32 to index
        %get3A_237 = arith.index_cast %get3A_235 : i32 to index
        %get3A_238 = arith.constant 24 : index
        %get3A_239 = tpu.vector_load %arg8[%get3A_236, %get3A_237, %get3A_238] {strides = array<i32>} : memref<2x2x40xi32, #tpu.memory_space<vmem>>, vector<1x1x16xi32>,
        %get3A_240 = vector.shape_cast %get3A_239 : vector<1x1x16xi32> to vector<16xi32>
        %swap3A_241 = arith.index_cast %sub3A_142 : i32 to index
        %swap3A_242 = arith.constant 24 : index
        %swap3A_243 = tpu.vector_load %arg9[%swap3A_241, %swap3A_242] {strides = array<i32>} : memref<2x40xi32, #tpu.memory_space<vmem>>, vector<1x16xi32>,
        %swap3A_244 = vector.shape_cast %swap3A_243 : vector<1x16xi32> to vector<16xi32>
        %swap3A_245 = vector.shape_cast %get3A_240 : vector<16xi32> to vector<1x16xi32>
        tpu.vector_store %arg9[%swap3A_241, %swap3A_242], %swap3A_245 {strides = array<i32>} : memref<2x40xi32, #tpu.memory_space<vmem>>, vector<1x16xi32>,
        %dma_start3A_246 = arith.constant 0 : i32
        %dma_start3A_247 = arith.constant 0 : i32
        %dma_start3A_248 = arith.constant 0 : i32
        %dma_start3A_249 = tpu.memref_slice %arg10[%sub3A_142, %dma_start3A_247, %dma_start3A_248] : memref<2x40x16xf32, #tpu.memory_space<vmem>> -> memref<1x40x16xf32, #tpu.memory_space<vmem>>
        %dma_start3A_250 = tpu.memref_squeeze %dma_start3A_249 : memref<1x40x16xf32, #tpu.memory_space<vmem>> -> memref<40x16xf32, #tpu.memory_space<vmem>>
        %dma_start3A_251 = arith.constant 0 : i32
        %dma_start3A_252 = tpu.memref_slice %arg8[%sub3A_142, %dma_start3A_246, %dma_start3A_251] : memref<2x2x40xi32, #tpu.memory_space<vmem>> -> memref<1x1x40xi32, #tpu.memory_space<vmem>>
        %dma_start3A_253 = tpu.memref_squeeze %dma_start3A_252 : memref<1x1x40xi32, #tpu.memory_space<vmem>> -> memref<40xi32, #tpu.memory_space<vmem>>
        %dma_start3A_254 = arith.constant 0 : i32
        %dma_start3A_255 = arith.constant 0 : i32
        %dma_start3A_256 = tpu.memref_slice %arg2[%dma_start3A_254, %dma_start3A_255] : memref<10240x16xf32, #tpu.memory_space<hbm>> -> memref<10240x16xf32, #tpu.memory_space<hbm>>
        %dma_start3A_257 = tpu.memref_slice %arg15[%sub3A_142] : memref<2x!tpu.dma_semaphore, #tpu.memory_space<semaphore_mem>> -> memref<1x!tpu.dma_semaphore, #tpu.memory_space<semaphore_mem>>
        %dma_start3A_258 = tpu.memref_squeeze %dma_start3A_257 : memref<1x!tpu.dma_semaphore, #tpu.memory_space<semaphore_mem>> -> memref<!tpu.dma_semaphore, #tpu.memory_space<semaphore_mem>>
        tpu.enqueue_indirect_dma source(%dma_start3A_256 : memref<10240x16xf32, #tpu.memory_space<hbm>>) target(%dma_start3A_250 : memref<40x16xf32, #tpu.memory_space<vmem>>) offsets(%dma_start3A_253 : memref<40xi32, #tpu.memory_space<vmem>>) semaphore(%dma_start3A_258 : memref<!tpu.dma_semaphore, #tpu.memory_space<semaphore_mem>>)
        %dma_start3A_259 = arith.constant 0 : i32
        %dma_start3A_260 = arith.constant 0 : i32
        %dma_start3A_261 = arith.constant 0 : i32
        %dma_start3A_262 = tpu.memref_slice %arg11[%sub3A_142, %dma_start3A_260, %dma_start3A_261] : memref<2x40x16xf32, #tpu.memory_space<vmem>> -> memref<1x40x16xf32, #tpu.memory_space<vmem>>
        %dma_start3A_263 = tpu.memref_squeeze %dma_start3A_262 : memref<1x40x16xf32, #tpu.memory_space<vmem>> -> memref<40x16xf32, #tpu.memory_space<vmem>>
        %dma_start3A_264 = arith.constant 0 : i32
        %dma_start3A_265 = tpu.memref_slice %arg8[%sub3A_142, %dma_start3A_259, %dma_start3A_264] : memref<2x2x40xi32, #tpu.memory_space<vmem>> -> memref<1x1x40xi32, #tpu.memory_space<vmem>>
        %dma_start3A_266 = tpu.memref_squeeze %dma_start3A_265 : memref<1x1x40xi32, #tpu.memory_space<vmem>> -> memref<40xi32, #tpu.memory_space<vmem>>
        %dma_start3A_267 = arith.constant 0 : i32
        %dma_start3A_268 = arith.constant 0 : i32
        %dma_start3A_269 = tpu.memref_slice %arg3[%dma_start3A_267, %dma_start3A_268] : memref<10240x16xf32, #tpu.memory_space<hbm>> -> memref<10240x16xf32, #tpu.memory_space<hbm>>
        %dma_start3A_270 = tpu.memref_slice %arg15[%sub3A_142] : memref<2x!tpu.dma_semaphore, #tpu.memory_space<semaphore_mem>> -> memref<1x!tpu.dma_semaphore, #tpu.memory_space<semaphore_mem>>
        %dma_start3A_271 = tpu.memref_squeeze %dma_start3A_270 : memref<1x!tpu.dma_semaphore, #tpu.memory_space<semaphore_mem>> -> memref<!tpu.dma_semaphore, #tpu.memory_space<semaphore_mem>>
        tpu.enqueue_indirect_dma source(%dma_start3A_269 : memref<10240x16xf32, #tpu.memory_space<hbm>>) target(%dma_start3A_263 : memref<40x16xf32, #tpu.memory_space<vmem>>) offsets(%dma_start3A_266 : memref<40xi32, #tpu.memory_space<vmem>>) semaphore(%dma_start3A_271 : memref<!tpu.dma_semaphore, #tpu.memory_space<semaphore_mem>>)
        %dma_start3A_272 = arith.constant 1 : i32
        %dma_start3A_273 = arith.constant 0 : i32
        %dma_start3A_274 = arith.constant 0 : i32
        %dma_start3A_275 = tpu.memref_slice %arg12[%sub3A_142, %dma_start3A_273, %dma_start3A_274] : memref<2x40x16xf32, #tpu.memory_space<vmem>> -> memref<1x40x16xf32, #tpu.memory_space<vmem>>
        %dma_start3A_276 = tpu.memref_squeeze %dma_start3A_275 : memref<1x40x16xf32, #tpu.memory_space<vmem>> -> memref<40x16xf32, #tpu.memory_space<vmem>>
        %dma_start3A_277 = arith.constant 0 : i32
        %dma_start3A_278 = tpu.memref_slice %arg8[%sub3A_142, %dma_start3A_272, %dma_start3A_277] : memref<2x2x40xi32, #tpu.memory_space<vmem>> -> memref<1x1x40xi32, #tpu.memory_space<vmem>>
        %dma_start3A_279 = tpu.memref_squeeze %dma_start3A_278 : memref<1x1x40xi32, #tpu.memory_space<vmem>> -> memref<40xi32, #tpu.memory_space<vmem>>
        %dma_start3A_280 = arith.constant 0 : i32
        %dma_start3A_281 = arith.constant 0 : i32
        %dma_start3A_282 = tpu.memref_slice %arg4[%dma_start3A_280, %dma_start3A_281] : memref<10240x16xf32, #tpu.memory_space<hbm>> -> memref<10240x16xf32, #tpu.memory_space<hbm>>
        %dma_start3A_283 = tpu.memref_slice %arg15[%sub3A_142] : memref<2x!tpu.dma_semaphore, #tpu.memory_space<semaphore_mem>> -> memref<1x!tpu.dma_semaphore, #tpu.memory_space<semaphore_mem>>
        %dma_start3A_284 = tpu.memref_squeeze %dma_start3A_283 : memref<1x!tpu.dma_semaphore, #tpu.memory_space<semaphore_mem>> -> memref<!tpu.dma_semaphore, #tpu.memory_space<semaphore_mem>>
        tpu.enqueue_indirect_dma source(%dma_start3A_282 : memref<10240x16xf32, #tpu.memory_space<hbm>>) target(%dma_start3A_276 : memref<40x16xf32, #tpu.memory_space<vmem>>) offsets(%dma_start3A_279 : memref<40xi32, #tpu.memory_space<vmem>>) semaphore(%dma_start3A_284 : memref<!tpu.dma_semaphore, #tpu.memory_space<semaphore_mem>>)
      } else {
      }
      %dma_wait3A_151 = arith.constant 0 : i32
      %dma_wait3A_152 = arith.constant 0 : i32
      %dma_wait3A_153 = arith.constant 0 : i32
      %dma_wait3A_154 = tpu.memref_slice %arg10[%rem3A_141, %dma_wait3A_152, %dma_wait3A_153] : memref<2x40x16xf32, #tpu.memory_space<vmem>> -> memref<1x40x16xf32, #tpu.memory_space<vmem>>
      %dma_wait3A_155 = tpu.memref_squeeze %dma_wait3A_154 : memref<1x40x16xf32, #tpu.memory_space<vmem>> -> memref<40x16xf32, #tpu.memory_space<vmem>>
      %dma_wait3A_156 = arith.constant 0 : i32
      %dma_wait3A_157 = tpu.memref_slice %arg8[%rem3A_141, %dma_wait3A_151, %dma_wait3A_156] : memref<2x2x40xi32, #tpu.memory_space<vmem>> -> memref<1x1x40xi32, #tpu.memory_space<vmem>>
      %dma_wait3A_158 = tpu.memref_squeeze %dma_wait3A_157 : memref<1x1x40xi32, #tpu.memory_space<vmem>> -> memref<40xi32, #tpu.memory_space<vmem>>
      %dma_wait3A_159 = arith.constant 0 : i32
      %dma_wait3A_160 = arith.constant 0 : i32
      %dma_wait3A_161 = tpu.memref_slice %arg2[%dma_wait3A_159, %dma_wait3A_160] : memref<10240x16xf32, #tpu.memory_space<hbm>> -> memref<10240x16xf32, #tpu.memory_space<hbm>>
      %dma_wait3A_162 = tpu.memref_slice %arg15[%rem3A_141] : memref<2x!tpu.dma_semaphore, #tpu.memory_space<semaphore_mem>> -> memref<1x!tpu.dma_semaphore, #tpu.memory_space<semaphore_mem>>
      %dma_wait3A_163 = tpu.memref_squeeze %dma_wait3A_162 : memref<1x!tpu.dma_semaphore, #tpu.memory_space<semaphore_mem>> -> memref<!tpu.dma_semaphore, #tpu.memory_space<semaphore_mem>>
      tpu.wait_indirect_dma semaphore(%dma_wait3A_163 : memref<!tpu.dma_semaphore, #tpu.memory_space<semaphore_mem>>) src(%dma_wait3A_161 : memref<10240x16xf32, #tpu.memory_space<hbm>>) dst(%dma_wait3A_155 : memref<40x16xf32, #tpu.memory_space<vmem>>)
      %dma_wait3A_164 = arith.constant 0 : i32
      %dma_wait3A_165 = arith.constant 0 : i32
      %dma_wait3A_166 = arith.constant 0 : i32
      %dma_wait3A_167 = tpu.memref_slice %arg11[%rem3A_141, %dma_wait3A_165, %dma_wait3A_166] : memref<2x40x16xf32, #tpu.memory_space<vmem>> -> memref<1x40x16xf32, #tpu.memory_space<vmem>>
      %dma_wait3A_168 = tpu.memref_squeeze %dma_wait3A_167 : memref<1x40x16xf32, #tpu.memory_space<vmem>> -> memref<40x16xf32, #tpu.memory_space<vmem>>
      %dma_wait3A_169 = arith.constant 0 : i32
      %dma_wait3A_170 = tpu.memref_slice %arg8[%rem3A_141, %dma_wait3A_164, %dma_wait3A_169] : memref<2x2x40xi32, #tpu.memory_space<vmem>> -> memref<1x1x40xi32, #tpu.memory_space<vmem>>
      %dma_wait3A_171 = tpu.memref_squeeze %dma_wait3A_170 : memref<1x1x40xi32, #tpu.memory_space<vmem>> -> memref<40xi32, #tpu.memory_space<vmem>>
      %dma_wait3A_172 = arith.constant 0 : i32
      %dma_wait3A_173 = arith.constant 0 : i32
      %dma_wait3A_174 = tpu.memref_slice %arg3[%dma_wait3A_172, %dma_wait3A_173] : memref<10240x16xf32, #tpu.memory_space<hbm>> -> memref<10240x16xf32, #tpu.memory_space<hbm>>
      %dma_wait3A_175 = tpu.memref_slice %arg15[%rem3A_141] : memref<2x!tpu.dma_semaphore, #tpu.memory_space<semaphore_mem>> -> memref<1x!tpu.dma_semaphore, #tpu.memory_space<semaphore_mem>>
      %dma_wait3A_176 = tpu.memref_squeeze %dma_wait3A_175 : memref<1x!tpu.dma_semaphore, #tpu.memory_space<semaphore_mem>> -> memref<!tpu.dma_semaphore, #tpu.memory_space<semaphore_mem>>
      tpu.wait_indirect_dma semaphore(%dma_wait3A_176 : memref<!tpu.dma_semaphore, #tpu.memory_space<semaphore_mem>>) src(%dma_wait3A_174 : memref<10240x16xf32, #tpu.memory_space<hbm>>) dst(%dma_wait3A_168 : memref<40x16xf32, #tpu.memory_space<vmem>>)
      %dma_wait3A_177 = arith.constant 1 : i32
      %dma_wait3A_178 = arith.constant 0 : i32
      %dma_wait3A_179 = arith.constant 0 : i32
      %dma_wait3A_180 = tpu.memref_slice %arg12[%rem3A_141, %dma_wait3A_178, %dma_wait3A_179] : memref<2x40x16xf32, #tpu.memory_space<vmem>> -> memref<1x40x16xf32, #tpu.memory_space<vmem>>
      %dma_wait3A_181 = tpu.memref_squeeze %dma_wait3A_180 : memref<1x40x16xf32, #tpu.memory_space<vmem>> -> memref<40x16xf32, #tpu.memory_space<vmem>>
      %dma_wait3A_182 = arith.constant 0 : i32
      %dma_wait3A_183 = tpu.memref_slice %arg8[%rem3A_141, %dma_wait3A_177, %dma_wait3A_182] : memref<2x2x40xi32, #tpu.memory_space<vmem>> -> memref<1x1x40xi32, #tpu.memory_space<vmem>>
      %dma_wait3A_184 = tpu.memref_squeeze %dma_wait3A_183 : memref<1x1x40xi32, #tpu.memory_space<vmem>> -> memref<40xi32, #tpu.memory_space<vmem>>
      %dma_wait3A_185 = arith.constant 0 : i32
      %dma_wait3A_186 = arith.constant 0 : i32
      %dma_wait3A_187 = tpu.memref_slice %arg4[%dma_wait3A_185, %dma_wait3A_186] : memref<10240x16xf32, #tpu.memory_space<hbm>> -> memref<10240x16xf32, #tpu.memory_space<hbm>>
      %dma_wait3A_188 = tpu.memref_slice %arg15[%rem3A_141] : memref<2x!tpu.dma_semaphore, #tpu.memory_space<semaphore_mem>> -> memref<1x!tpu.dma_semaphore, #tpu.memory_space<semaphore_mem>>
      %dma_wait3A_189 = tpu.memref_squeeze %dma_wait3A_188 : memref<1x!tpu.dma_semaphore, #tpu.memory_space<semaphore_mem>> -> memref<!tpu.dma_semaphore, #tpu.memory_space<semaphore_mem>>
      tpu.wait_indirect_dma semaphore(%dma_wait3A_189 : memref<!tpu.dma_semaphore, #tpu.memory_space<semaphore_mem>>) src(%dma_wait3A_187 : memref<10240x16xf32, #tpu.memory_space<hbm>>) dst(%dma_wait3A_181 : memref<40x16xf32, #tpu.memory_space<vmem>>)
      %parallel_loop3A = arith.constant 0 : i32
      %parallel_loop3A_190 = arith.constant 40 : i32
      %parallel_loop3A_191 = arith.constant 1 : i32
      scf.for %parallel_loop3A_205 = %parallel_loop3A to %parallel_loop3A_190 step %parallel_loop3A_191  : i32 {
        %parallel_loop3A_206 = arith.index_cast %rem3A_141 : i32 to index
        %parallel_loop3A_207 = arith.index_cast %parallel_loop3A_205 : i32 to index
        %parallel_loop3A_208 = arith.constant 0 : index
        %parallel_loop3A_209 = tpu.vector_load %arg11[%parallel_loop3A_206, %parallel_loop3A_207, %parallel_loop3A_208] {strides = array<i32>} : memref<2x40x16xf32, #tpu.memory_space<vmem>>, vector<1x1x16xf32>,
        %parallel_loop3A_210 = vector.shape_cast %parallel_loop3A_209 : vector<1x1x16xf32> to vector<16xf32>
        %parallel_loop3A_211 = arith.index_cast %rem3A_141 : i32 to index
        %parallel_loop3A_212 = arith.index_cast %parallel_loop3A_205 : i32 to index
        %parallel_loop3A_213 = arith.constant 0 : index
        %parallel_loop3A_214 = tpu.vector_load %arg12[%parallel_loop3A_211, %parallel_loop3A_212, %parallel_loop3A_213] {strides = array<i32>} : memref<2x40x16xf32, #tpu.memory_space<vmem>>, vector<1x1x16xf32>,
        %parallel_loop3A_215 = vector.shape_cast %parallel_loop3A_214 : vector<1x1x16xf32> to vector<16xf32>
        %parallel_loop3A_216 = arith.addf %parallel_loop3A_210, %parallel_loop3A_215 : vector<16xf32>
        %parallel_loop3A_217 = arith.constant 2.000000e-01 : f32
        %parallel_loop3A_218 = vector.broadcast %parallel_loop3A_217 : f32 to vector<16xf32>
        %parallel_loop3A_219 = arith.mulf %parallel_loop3A_218, %parallel_loop3A_216 : vector<16xf32>
        %parallel_loop3A_220 = arith.maximumf %parallel_loop3A_216, %parallel_loop3A_219 : vector<16xf32>
        %parallel_loop3A_221 = math.exp %parallel_loop3A_220 : vector<16xf32>
        %parallel_loop3A_222 = arith.index_cast %rem3A_141 : i32 to index
        %parallel_loop3A_223 = arith.index_cast %parallel_loop3A_205 : i32 to index
        %parallel_loop3A_224 = arith.constant 0 : index
        %parallel_loop3A_225 = tpu.vector_load %arg10[%parallel_loop3A_222, %parallel_loop3A_223, %parallel_loop3A_224] {strides = array<i32>} : memref<2x40x16xf32, #tpu.memory_space<vmem>>, vector<1x1x16xf32>,
        %parallel_loop3A_226 = vector.shape_cast %parallel_loop3A_225 : vector<1x1x16xf32> to vector<16xf32>
        %parallel_loop3A_227 = arith.mulf %parallel_loop3A_226, %parallel_loop3A_221 : vector<16xf32>
        %parallel_loop3A_228 = arith.index_cast %rem3A_141 : i32 to index
        %parallel_loop3A_229 = arith.index_cast %parallel_loop3A_205 : i32 to index
        %parallel_loop3A_230 = arith.constant 0 : index
        %parallel_loop3A_231 = tpu.vector_load %arg13[%parallel_loop3A_228, %parallel_loop3A_229, %parallel_loop3A_230] {strides = array<i32>} : memref<2x40x16xf32, #tpu.memory_space<vmem>>, vector<1x1x16xf32>,
        %parallel_loop3A_232 = vector.shape_cast %parallel_loop3A_231 : vector<1x1x16xf32> to vector<16xf32>
        %parallel_loop3A_233 = vector.shape_cast %parallel_loop3A_227 : vector<16xf32> to vector<1x1x16xf32>
        tpu.vector_store %arg13[%parallel_loop3A_228, %parallel_loop3A_229, %parallel_loop3A_230], %parallel_loop3A_233 {strides = array<i32>} : memref<2x40x16xf32, #tpu.memory_space<vmem>>, vector<1x1x16xf32>,
      } {sc.loop_unroll_factor = 4 : i64, sc.parallel_access}
      %dma_start3A_192 = arith.constant 0 : i32
      %dma_start3A_193 = arith.constant 0 : i32
      %dma_start3A_194 = tpu.memref_slice %arg13[%rem3A_141, %dma_start3A_192, %dma_start3A_193] : memref<2x40x16xf32, #tpu.memory_space<vmem>> -> memref<1x40x16xf32, #tpu.memory_space<vmem>>
      %dma_start3A_195 = tpu.memref_squeeze %dma_start3A_194 : memref<1x40x16xf32, #tpu.memory_space<vmem>> -> memref<40x16xf32, #tpu.memory_space<vmem>>
      %dma_start3A_196 = arith.constant 0 : i32
      %dma_start3A_197 = tpu.memref_slice %arg9[%rem3A_141, %dma_start3A_196] : memref<2x40xi32, #tpu.memory_space<vmem>> -> memref<1x40xi32, #tpu.memory_space<vmem>>
      %dma_start3A_198 = tpu.memref_squeeze %dma_start3A_197 : memref<1x40xi32, #tpu.memory_space<vmem>> -> memref<40xi32, #tpu.memory_space<vmem>>
      %dma_start3A_199 = arith.constant 0 : i32
      %dma_start3A_200 = arith.constant 0 : i32
      %dma_start3A_201 = tpu.memref_slice %arg7[%dma_start3A_199, %dma_start3A_200] : memref<10240x16xf32, #tpu.memory_space<vmem_shared>> -> memref<10240x16xf32, #tpu.memory_space<vmem_shared>>
      %dma_start3A_202 = tpu.memref_slice %arg16[%rem3A_141] : memref<2x!tpu.dma_semaphore, #tpu.memory_space<semaphore_mem>> -> memref<1x!tpu.dma_semaphore, #tpu.memory_space<semaphore_mem>>
      %dma_start3A_203 = tpu.memref_squeeze %dma_start3A_202 : memref<1x!tpu.dma_semaphore, #tpu.memory_space<semaphore_mem>> -> memref<!tpu.dma_semaphore, #tpu.memory_space<semaphore_mem>>
      tpu.enqueue_indirect_dma source(%dma_start3A_195 : memref<40x16xf32, #tpu.memory_space<vmem>>) target(%dma_start3A_201 : memref<10240x16xf32, #tpu.memory_space<vmem_shared>>) offsets(%dma_start3A_198 : memref<40xi32, #tpu.memory_space<vmem>>) semaphore(%dma_start3A_203 : memref<!tpu.dma_semaphore, #tpu.memory_space<semaphore_mem>>) {add = true}
      %scan3A_204 = arith.constant 0 : i32
      scf.yield %scan3A_204 : i32
    }
    %scan3A_123 = arith.constant 125 : i32
    %dma_wait3A = arith.constant 0 : i32
    %dma_wait3A_124 = arith.constant 0 : i32
    %dma_wait3A_125 = arith.constant 0 : i32
    %dma_wait3A_126 = arith.constant 0 : i32
    %dma_wait3A_127 = arith.constant 0 : i32
    %dma_wait3A_128 = tpu.memref_slice %arg13[%dma_wait3A, %dma_wait3A_126, %dma_wait3A_127] : memref<2x40x16xf32, #tpu.memory_space<vmem>> -> memref<1x40x16xf32, #tpu.memory_space<vmem>>
    %dma_wait3A_129 = tpu.memref_squeeze %dma_wait3A_128 : memref<1x40x16xf32, #tpu.memory_space<vmem>> -> memref<40x16xf32, #tpu.memory_space<vmem>>
    %dma_wait3A_130 = arith.constant 0 : i32
    %dma_wait3A_131 = tpu.memref_slice %arg9[%dma_wait3A_124, %dma_wait3A_130] : memref<2x40xi32, #tpu.memory_space<vmem>> -> memref<1x40xi32, #tpu.memory_space<vmem>>
    %dma_wait3A_132 = tpu.memref_squeeze %dma_wait3A_131 : memref<1x40xi32, #tpu.memory_space<vmem>> -> memref<40xi32, #tpu.memory_space<vmem>>
    %dma_wait3A_133 = arith.constant 0 : i32
    %dma_wait3A_134 = arith.constant 0 : i32
    %dma_wait3A_135 = tpu.memref_slice %arg7[%dma_wait3A_133, %dma_wait3A_134] : memref<10240x16xf32, #tpu.memory_space<vmem_shared>> -> memref<10240x16xf32, #tpu.memory_space<vmem_shared>>
    %dma_wait3A_136 = tpu.memref_slice %arg16[%dma_wait3A_125] : memref<2x!tpu.dma_semaphore, #tpu.memory_space<semaphore_mem>> -> memref<1x!tpu.dma_semaphore, #tpu.memory_space<semaphore_mem>>
    %dma_wait3A_137 = tpu.memref_squeeze %dma_wait3A_136 : memref<1x!tpu.dma_semaphore, #tpu.memory_space<semaphore_mem>> -> memref<!tpu.dma_semaphore, #tpu.memory_space<semaphore_mem>>
    tpu.wait_indirect_dma semaphore(%dma_wait3A_137 : memref<!tpu.dma_semaphore, #tpu.memory_space<semaphore_mem>>) src(%dma_wait3A_129 : memref<40x16xf32, #tpu.memory_space<vmem>>) dst(%dma_wait3A_135 : memref<10240x16xf32, #tpu.memory_space<vmem_shared>>)
    %barrier3A_138 = arith.constant 0 : index
    tpu.barrier barrier_id(%barrier3A_138)
    "tpu.region"() ({
      %run_scoped3A_139 = tpu.sem_alloc : memref<!tpu.dma_semaphore, #tpu.memory_space<semaphore_mem>>
      %dma_start3A_140 = arith.constant 0 : i32
      %dma_start3A_141 = tpu.memref_slice %arg6[%arg0, %mul3A_0, %dma_start3A_140] : memref<2x10240x16xf32, #tpu.memory_space<hbm>> -> memref<1x640x16xf32, #tpu.memory_space<hbm>>
      %dma_start3A_142 = tpu.memref_squeeze %dma_start3A_141 : memref<1x640x16xf32, #tpu.memory_space<hbm>> -> memref<640x16xf32, #tpu.memory_space<hbm>>
      %dma_start3A_143 = arith.constant 0 : i32
      %dma_start3A_144 = tpu.memref_slice %arg7[%mul3A_0, %dma_start3A_143] : memref<10240x16xf32, #tpu.memory_space<vmem_shared>> -> memref<640x16xf32, #tpu.memory_space<vmem_shared>>
      tpu.enqueue_dma source(%dma_start3A_144 : memref<640x16xf32, #tpu.memory_space<vmem_shared>>) target(%dma_start3A_142 : memref<640x16xf32, #tpu.memory_space<hbm>>) target_semaphore(%run_scoped3A_139 : memref<!tpu.dma_semaphore, #tpu.memory_space<semaphore_mem>>)
      %dma_wait3A_145 = arith.constant 0 : i32
      %dma_wait3A_146 = tpu.memref_slice %arg6[%arg0, %mul3A_0, %dma_wait3A_145] : memref<2x10240x16xf32, #tpu.memory_space<hbm>> -> memref<1x640x16xf32, #tpu.memory_space<hbm>>
      %dma_wait3A_147 = tpu.memref_squeeze %dma_wait3A_146 : memref<1x640x16xf32, #tpu.memory_space<hbm>> -> memref<640x16xf32, #tpu.memory_space<hbm>>
      %dma_wait3A_148 = arith.constant 0 : i32
      %dma_wait3A_149 = tpu.memref_slice %arg7[%mul3A_0, %dma_wait3A_148] : memref<10240x16xf32, #tpu.memory_space<vmem_shared>> -> memref<640x16xf32, #tpu.memory_space<vmem_shared>>
      tpu.wait_dma2 semaphore(%run_scoped3A_139 : memref<!tpu.dma_semaphore, #tpu.memory_space<semaphore_mem>>) src(%dma_wait3A_149 : memref<640x16xf32, #tpu.memory_space<vmem_shared>>) dst(%dma_wait3A_147 : memref<640x16xf32, #tpu.memory_space<hbm>>)
      tpu.yield
    }) : () -> ()
    return
  }
}

module attributes {stable_mosaic.version = 14 : i64} {
  func.func @_tc_feats_body(%arg0: i32, %arg1: memref<1024x128xf32, #tpu.memory_space<vmem>>, %arg2: memref<128x512xf32, #tpu.memory_space<vmem>>, %arg3: memref<512x16xf32, #tpu.memory_space<vmem>>, %arg4: memref<512x16xf32, #tpu.memory_space<vmem>>, %arg5: memref<4x1024x128xf32, #tpu.memory_space<vmem>>, %arg6: memref<1024x16xf32, #tpu.memory_space<vmem>>, %arg7: memref<1024x16xf32, #tpu.memory_space<vmem>>) attributes {dimension_semantics = [#tpu.dimension_semantics<arbitrary>], iteration_bounds = array<i64: 10>, scalar_prefetch = 0 : i64, scratch_operands = 0 : i64, tpu.core_type = #tpu.core_type<tc>, window_params = [{transform_indices = @transform_0, window_bounds = array<i64: 1024, 128>}, {pipeline_mode = #tpu.pipeline_mode<synchronous>, transform_indices = @transform_1, window_bounds = array<i64: 128, 512>}, {pipeline_mode = #tpu.pipeline_mode<synchronous>, transform_indices = @transform_2, window_bounds = array<i64: 512, 16>}, {pipeline_mode = #tpu.pipeline_mode<synchronous>, transform_indices = @transform_3, window_bounds = array<i64: 512, 16>}, {transform_indices = @transform_4, window_bounds = array<i64: 4, 1024, 128>}, {transform_indices = @transform_5, window_bounds = array<i64: 1024, 16>}, {transform_indices = @transform_6, window_bounds = array<i64: 1024, 16>}]} {
    %get3A = arith.constant 0 : index
    %get3A_0 = arith.constant 0 : index
    %get3A_1 = vector.load %arg1[%get3A, %get3A_0] : memref<1024x128xf32, #tpu.memory_space<vmem>>, vector<1024x128xf32>
    %get3A_2 = arith.constant 0 : index
    %get3A_3 = arith.constant 0 : index
    %get3A_4 = vector.load %arg2[%get3A_2, %get3A_3] : memref<128x512xf32, #tpu.memory_space<vmem>>, vector<128x512xf32>
    %dot_general3A = arith.constant dense<0.000000e+00> : vector<1024x512xf32>
    %dot_general3A_5 = tpu.matmul %get3A_1, %get3A_4, %dot_general3A {dimension_numbers = #tpu.dot_dimension_numbers<[1], [0], [0], [1], [0, 0, 1, 1], [], []>, transpose_lhs_hint = false} : vector<1024x128xf32>, vector<128x512xf32>, vector<1024x512xf32> -> vector<1024x512xf32>
    %get3A_6 = arith.constant 0 : index
    %get3A_7 = arith.constant 0 : index
    %get3A_8 = vector.load %arg3[%get3A_6, %get3A_7] : memref<512x16xf32, #tpu.memory_space<vmem>>, vector<512x16xf32>
    %dot_general3A_9 = arith.constant dense<0.000000e+00> : vector<1024x16xf32>
    %dot_general3A_10 = tpu.matmul %dot_general3A_5, %get3A_8, %dot_general3A_9 {dimension_numbers = #tpu.dot_dimension_numbers<[1], [0], [0], [1], [0, 0, 1, 1], [], []>, transpose_lhs_hint = false} : vector<1024x512xf32>, vector<512x16xf32>, vector<1024x16xf32> -> vector<1024x16xf32>
    %swap3A = arith.constant 0 : index
    %swap3A_11 = arith.constant 0 : index
    %swap3A_12 = vector.load %arg6[%swap3A, %swap3A_11] : memref<1024x16xf32, #tpu.memory_space<vmem>>, vector<1024x16xf32>
    tpu.vector_store %arg6[%swap3A, %swap3A_11], %dot_general3A_10 {strides = array<i32>} : memref<1024x16xf32, #tpu.memory_space<vmem>>, vector<1024x16xf32>,
    %get3A_13 = arith.constant 0 : index
    %get3A_14 = arith.constant 0 : index
    %get3A_15 = vector.load %arg4[%get3A_13, %get3A_14] : memref<512x16xf32, #tpu.memory_space<vmem>>, vector<512x16xf32>
    %dot_general3A_16 = arith.constant dense<0.000000e+00> : vector<1024x16xf32>
    %dot_general3A_17 = tpu.matmul %dot_general3A_5, %get3A_15, %dot_general3A_16 {dimension_numbers = #tpu.dot_dimension_numbers<[1], [0], [0], [1], [0, 0, 1, 1], [], []>, transpose_lhs_hint = false} : vector<1024x512xf32>, vector<512x16xf32>, vector<1024x16xf32> -> vector<1024x16xf32>
    %swap3A_18 = arith.constant 0 : index
    %swap3A_19 = arith.constant 0 : index
    %swap3A_20 = vector.load %arg7[%swap3A_18, %swap3A_19] : memref<1024x16xf32, #tpu.memory_space<vmem>>, vector<1024x16xf32>
    tpu.vector_store %arg7[%swap3A_18, %swap3A_19], %dot_general3A_17 {strides = array<i32>} : memref<1024x16xf32, #tpu.memory_space<vmem>>, vector<1024x16xf32>,
    %slice3A = vector.extract_strided_slice %dot_general3A_5 {offsets = [0, 0], sizes = [1024, 128], strides = [1, 1]} : vector<1024x512xf32> to vector<1024x128xf32>
    %swap3A_21 = arith.constant 0 : index
    %swap3A_22 = arith.constant 0 : index
    %swap3A_23 = arith.constant 0 : index
    %swap3A_24 = vector.load %arg5[%swap3A_21, %swap3A_22, %swap3A_23] : memref<4x1024x128xf32, #tpu.memory_space<vmem>>, vector<1x1024x128xf32>
    %swap3A_25 = vector.shape_cast %swap3A_24 : vector<1x1024x128xf32> to vector<1024x128xf32>
    %swap3A_26 = vector.shape_cast %slice3A : vector<1024x128xf32> to vector<1x1024x128xf32>
    tpu.vector_store %arg5[%swap3A_21, %swap3A_22, %swap3A_23], %swap3A_26 {strides = array<i32>} : memref<4x1024x128xf32, #tpu.memory_space<vmem>>, vector<1x1024x128xf32>,
    %slice3A_27 = vector.extract_strided_slice %dot_general3A_5 {offsets = [0, 128], sizes = [1024, 128], strides = [1, 1]} : vector<1024x512xf32> to vector<1024x128xf32>
    %swap3A_28 = arith.constant 1 : index
    %swap3A_29 = arith.constant 0 : index
    %swap3A_30 = arith.constant 0 : index
    %swap3A_31 = vector.load %arg5[%swap3A_28, %swap3A_29, %swap3A_30] : memref<4x1024x128xf32, #tpu.memory_space<vmem>>, vector<1x1024x128xf32>
    %swap3A_32 = vector.shape_cast %swap3A_31 : vector<1x1024x128xf32> to vector<1024x128xf32>
    %swap3A_33 = vector.shape_cast %slice3A_27 : vector<1024x128xf32> to vector<1x1024x128xf32>
    tpu.vector_store %arg5[%swap3A_28, %swap3A_29, %swap3A_30], %swap3A_33 {strides = array<i32>} : memref<4x1024x128xf32, #tpu.memory_space<vmem>>, vector<1x1024x128xf32>,
    %slice3A_34 = vector.extract_strided_slice %dot_general3A_5 {offsets = [0, 256], sizes = [1024, 128], strides = [1, 1]} : vector<1024x512xf32> to vector<1024x128xf32>
    %swap3A_35 = arith.constant 2 : index
    %swap3A_36 = arith.constant 0 : index
    %swap3A_37 = arith.constant 0 : index
    %swap3A_38 = vector.load %arg5[%swap3A_35, %swap3A_36, %swap3A_37] : memref<4x1024x128xf32, #tpu.memory_space<vmem>>, vector<1x1024x128xf32>
    %swap3A_39 = vector.shape_cast %swap3A_38 : vector<1x1024x128xf32> to vector<1024x128xf32>
    %swap3A_40 = vector.shape_cast %slice3A_34 : vector<1024x128xf32> to vector<1x1024x128xf32>
    tpu.vector_store %arg5[%swap3A_35, %swap3A_36, %swap3A_37], %swap3A_40 {strides = array<i32>} : memref<4x1024x128xf32, #tpu.memory_space<vmem>>, vector<1x1024x128xf32>,
    %slice3A_41 = vector.extract_strided_slice %dot_general3A_5 {offsets = [0, 384], sizes = [1024, 128], strides = [1, 1]} : vector<1024x512xf32> to vector<1024x128xf32>
    %swap3A_42 = arith.constant 3 : index
    %swap3A_43 = arith.constant 0 : index
    %swap3A_44 = arith.constant 0 : index
    %swap3A_45 = vector.load %arg5[%swap3A_42, %swap3A_43, %swap3A_44] : memref<4x1024x128xf32, #tpu.memory_space<vmem>>, vector<1x1024x128xf32>
    %swap3A_46 = vector.shape_cast %swap3A_45 : vector<1x1024x128xf32> to vector<1024x128xf32>
    %swap3A_47 = vector.shape_cast %slice3A_41 : vector<1024x128xf32> to vector<1x1024x128xf32>
    tpu.vector_store %arg5[%swap3A_42, %swap3A_43, %swap3A_44], %swap3A_47 {strides = array<i32>} : memref<4x1024x128xf32, #tpu.memory_space<vmem>>, vector<1x1024x128xf32>,
    return
  }
  func.func @transform_0(%arg0: i32) -> (i32, i32) {
    %c0_i32 = arith.constant 0 : i32
    %c0_i32_0 = arith.constant 0 : i32
    return %arg0, %c0_i32 : i32, i32
  }
  func.func @transform_1(%arg0: i32) -> (i32, i32) {
    %c0_i32 = arith.constant 0 : i32
    %c0_i32_0 = arith.constant 0 : i32
    %c0_i32_1 = arith.constant 0 : i32
    return %c0_i32, %c0_i32_0 : i32, i32
  }
  func.func @transform_2(%arg0: i32) -> (i32, i32) {
    %c0_i32 = arith.constant 0 : i32
    %c0_i32_0 = arith.constant 0 : i32
    %c0_i32_1 = arith.constant 0 : i32
    return %c0_i32, %c0_i32_0 : i32, i32
  }
  func.func @transform_3(%arg0: i32) -> (i32, i32) {
    %c0_i32 = arith.constant 0 : i32
    %c0_i32_0 = arith.constant 0 : i32
    %c0_i32_1 = arith.constant 0 : i32
    return %c0_i32, %c0_i32_0 : i32, i32
  }
  func.func @transform_4(%arg0: i32) -> (i32, i32, i32) {
    %c0_i32 = arith.constant 0 : i32
    %c0_i32_0 = arith.constant 0 : i32
    %c0_i32_1 = arith.constant 0 : i32
    return %c0_i32, %arg0, %c0_i32_0 : i32, i32, i32
  }
  func.func @transform_5(%arg0: i32) -> (i32, i32) {
    %c0_i32 = arith.constant 0 : i32
    %c0_i32_0 = arith.constant 0 : i32
    return %arg0, %c0_i32 : i32, i32
  }
  func.func @transform_6(%arg0: i32) -> (i32, i32) {
    %c0_i32 = arith.constant 0 : i32
    %c0_i32_0 = arith.constant 0 : i32
    return %arg0, %c0_i32 : i32, i32
  }
}

module attributes {stable_mosaic.version = 14 : i64} {
  func.func @_tc_mid_body(%arg0: i32, %arg1: memref<4x1024x128xf32, #tpu.memory_space<vmem>>, %arg2: memref<1024x16xf32, #tpu.memory_space<vmem>>, %arg3: memref<1x512xf32, #tpu.memory_space<vmem>>, %arg4: memref<512x128xf32, #tpu.memory_space<vmem>>, %arg5: memref<1x128xf32, #tpu.memory_space<vmem>>, %arg6: memref<1x128xf32, #tpu.memory_space<vmem>>, %arg7: memref<1024x16xf32, #tpu.memory_space<vmem>>, %arg8: memref<1024x16xf32, #tpu.memory_space<vmem>>, %arg9: memref<1024x16xf32, #tpu.memory_space<vmem>>) attributes {dimension_semantics = [#tpu.dimension_semantics<arbitrary>], iteration_bounds = array<i64: 10>, scalar_prefetch = 0 : i64, scratch_operands = 0 : i64, tpu.core_type = #tpu.core_type<tc>, window_params = [{transform_indices = @transform_0, window_bounds = array<i64: 4, 1024, 128>}, {transform_indices = @transform_1, window_bounds = array<i64: 1024, 16>}, {pipeline_mode = #tpu.pipeline_mode<synchronous>, transform_indices = @transform_2, window_bounds = array<i64: 1, 512>}, {pipeline_mode = #tpu.pipeline_mode<synchronous>, transform_indices = @transform_3, window_bounds = array<i64: 512, 128>}, {pipeline_mode = #tpu.pipeline_mode<synchronous>, transform_indices = @transform_4, window_bounds = array<i64: 1, 128>}, {pipeline_mode = #tpu.pipeline_mode<synchronous>, transform_indices = @transform_5, window_bounds = array<i64: 1, 128>}, {transform_indices = @transform_6, window_bounds = array<i64: 1024, 16>}, {transform_indices = @transform_7, window_bounds = array<i64: 1024, 16>}, {transform_indices = @transform_8, window_bounds = array<i64: 1024, 16>}]} {
    %get3A = arith.constant 0 : index
    %get3A_0 = arith.constant 0 : index
    %get3A_1 = vector.load %arg2[%get3A, %get3A_0] : memref<1024x16xf32, #tpu.memory_space<vmem>>, vector<1024x16xf32>
    %broadcast_in_dim3A = arith.constant 0.000000e+00 : f32
    %broadcast_in_dim3A_2 = vector.broadcast %broadcast_in_dim3A : f32 to vector<1024x128xf32>
    %slice3A = vector.extract_strided_slice %get3A_1 {offsets = [0, 0], sizes = [1024, 1], strides = [1, 1]} : vector<1024x16xf32> to vector<1024x1xf32>
    %broadcast_in_dim3A_3 = vector.shape_cast %slice3A : vector<1024x1xf32> to vector<1024x1xf32>
    %broadcast_in_dim3A_4 = vector.broadcast %broadcast_in_dim3A_3 : vector<1024x1xf32> to vector<1024x64xf32>
    %slice3A_5 = vector.extract_strided_slice %get3A_1 {offsets = [0, 1], sizes = [1024, 1], strides = [1, 1]} : vector<1024x16xf32> to vector<1024x1xf32>
    %broadcast_in_dim3A_6 = vector.shape_cast %slice3A_5 : vector<1024x1xf32> to vector<1024x1xf32>
    %broadcast_in_dim3A_7 = vector.broadcast %broadcast_in_dim3A_6 : vector<1024x1xf32> to vector<1024x64xf32>
    %concatenate3A = tpu.concatenate %broadcast_in_dim3A_4, %broadcast_in_dim3A_7 in 1 : vector<1024x64xf32>, vector<1024x64xf32> -> vector<1024x128xf32>
    %get3A_8 = arith.constant 0 : index
    %get3A_9 = arith.constant 0 : index
    %get3A_10 = arith.constant 0 : index
    %get3A_11 = vector.load %arg1[%get3A_8, %get3A_9, %get3A_10] : memref<4x1024x128xf32, #tpu.memory_space<vmem>>, vector<1x1024x128xf32>
    %get3A_12 = vector.shape_cast %get3A_11 : vector<1x1024x128xf32> to vector<1024x128xf32>
    %add3A = arith.constant 1.000000e-16 : f32
    %add3A_13 = vector.broadcast %add3A : f32 to vector<1024x128xf32>
    %add3A_14 = arith.addf %concatenate3A, %add3A_13 : vector<1024x128xf32>
    %div3A = arith.divf %get3A_12, %add3A_14 : vector<1024x128xf32>
    %get3A_15 = arith.constant 0 : index
    %get3A_16 = arith.constant 0 : index
    %get3A_17 = vector.load %arg3[%get3A_15, %get3A_16] : memref<1x512xf32, #tpu.memory_space<vmem>>, vector<1x128xf32>
    %add3A_18 = vector.broadcast %get3A_17 : vector<1x128xf32> to vector<1024x128xf32>
    %add3A_19 = arith.addf %div3A, %add3A_18 : vector<1024x128xf32>
    %gt3A = arith.constant 0.000000e+00 : f32
    %gt3A_20 = vector.broadcast %gt3A : f32 to vector<1024x128xf32>
    %gt3A_21 = arith.cmpf ogt, %add3A_19, %gt3A_20 : vector<1024x128xf32>
    %exp3A = math.exp %add3A_19 : vector<1024x128xf32>
    %sub3A = arith.constant 1.000000e+00 : f32
    %sub3A_22 = vector.broadcast %sub3A : f32 to vector<1024x128xf32>
    %sub3A_23 = arith.subf %exp3A, %sub3A_22 : vector<1024x128xf32>
    %select_n3A = arith.select %gt3A_21, %add3A_19, %sub3A_23 : vector<1024x128xi1>, vector<1024x128xf32>
    %get3A_24 = arith.constant 0 : index
    %get3A_25 = arith.constant 0 : index
    %get3A_26 = vector.load %arg4[%get3A_24, %get3A_25] : memref<512x128xf32, #tpu.memory_space<vmem>>, vector<128x128xf32>
    %dot_general3A = arith.constant dense<0.000000e+00> : vector<1024x128xf32>
    %dot_general3A_27 = tpu.matmul %select_n3A, %get3A_26, %dot_general3A {dimension_numbers = #tpu.dot_dimension_numbers<[1], [0], [0], [1], [0, 0, 1, 1], [], []>, transpose_lhs_hint = false} : vector<1024x128xf32>, vector<128x128xf32>, vector<1024x128xf32> -> vector<1024x128xf32>
    %add3A_28 = arith.addf %broadcast_in_dim3A_2, %dot_general3A_27 : vector<1024x128xf32>
    %slice3A_29 = vector.extract_strided_slice %get3A_1 {offsets = [0, 2], sizes = [1024, 1], strides = [1, 1]} : vector<1024x16xf32> to vector<1024x1xf32>
    %broadcast_in_dim3A_30 = vector.shape_cast %slice3A_29 : vector<1024x1xf32> to vector<1024x1xf32>
    %broadcast_in_dim3A_31 = vector.broadcast %broadcast_in_dim3A_30 : vector<1024x1xf32> to vector<1024x64xf32>
    %slice3A_32 = vector.extract_strided_slice %get3A_1 {offsets = [0, 3], sizes = [1024, 1], strides = [1, 1]} : vector<1024x16xf32> to vector<1024x1xf32>
    %broadcast_in_dim3A_33 = vector.shape_cast %slice3A_32 : vector<1024x1xf32> to vector<1024x1xf32>
    %broadcast_in_dim3A_34 = vector.broadcast %broadcast_in_dim3A_33 : vector<1024x1xf32> to vector<1024x64xf32>
    %concatenate3A_35 = tpu.concatenate %broadcast_in_dim3A_31, %broadcast_in_dim3A_34 in 1 : vector<1024x64xf32>, vector<1024x64xf32> -> vector<1024x128xf32>
    %get3A_36 = arith.constant 1 : index
    %get3A_37 = arith.constant 0 : index
    %get3A_38 = arith.constant 0 : index
    %get3A_39 = vector.load %arg1[%get3A_36, %get3A_37, %get3A_38] : memref<4x1024x128xf32, #tpu.memory_space<vmem>>, vector<1x1024x128xf32>
    %get3A_40 = vector.shape_cast %get3A_39 : vector<1x1024x128xf32> to vector<1024x128xf32>
    %add3A_41 = arith.constant 1.000000e-16 : f32
    %add3A_42 = vector.broadcast %add3A_41 : f32 to vector<1024x128xf32>
    %add3A_43 = arith.addf %concatenate3A_35, %add3A_42 : vector<1024x128xf32>
    %div3A_44 = arith.divf %get3A_40, %add3A_43 : vector<1024x128xf32>
    %get3A_45 = arith.constant 0 : index
    %get3A_46 = arith.constant 128 : index
    %get3A_47 = vector.load %arg3[%get3A_45, %get3A_46] : memref<1x512xf32, #tpu.memory_space<vmem>>, vector<1x128xf32>
    %add3A_48 = vector.broadcast %get3A_47 : vector<1x128xf32> to vector<1024x128xf32>
    %add3A_49 = arith.addf %div3A_44, %add3A_48 : vector<1024x128xf32>
    %gt3A_50 = arith.constant 0.000000e+00 : f32
    %gt3A_51 = vector.broadcast %gt3A_50 : f32 to vector<1024x128xf32>
    %gt3A_52 = arith.cmpf ogt, %add3A_49, %gt3A_51 : vector<1024x128xf32>
    %exp3A_53 = math.exp %add3A_49 : vector<1024x128xf32>
    %sub3A_54 = arith.constant 1.000000e+00 : f32
    %sub3A_55 = vector.broadcast %sub3A_54 : f32 to vector<1024x128xf32>
    %sub3A_56 = arith.subf %exp3A_53, %sub3A_55 : vector<1024x128xf32>
    %select_n3A_57 = arith.select %gt3A_52, %add3A_49, %sub3A_56 : vector<1024x128xi1>, vector<1024x128xf32>
    %get3A_58 = arith.constant 128 : index
    %get3A_59 = arith.constant 0 : index
    %get3A_60 = vector.load %arg4[%get3A_58, %get3A_59] : memref<512x128xf32, #tpu.memory_space<vmem>>, vector<128x128xf32>
    %dot_general3A_61 = arith.constant dense<0.000000e+00> : vector<1024x128xf32>
    %dot_general3A_62 = tpu.matmul %select_n3A_57, %get3A_60, %dot_general3A_61 {dimension_numbers = #tpu.dot_dimension_numbers<[1], [0], [0], [1], [0, 0, 1, 1], [], []>, transpose_lhs_hint = false} : vector<1024x128xf32>, vector<128x128xf32>, vector<1024x128xf32> -> vector<1024x128xf32>
    %add3A_63 = arith.addf %add3A_28, %dot_general3A_62 : vector<1024x128xf32>
    %slice3A_64 = vector.extract_strided_slice %get3A_1 {offsets = [0, 4], sizes = [1024, 1], strides = [1, 1]} : vector<1024x16xf32> to vector<1024x1xf32>
    %broadcast_in_dim3A_65 = vector.shape_cast %slice3A_64 : vector<1024x1xf32> to vector<1024x1xf32>
    %broadcast_in_dim3A_66 = vector.broadcast %broadcast_in_dim3A_65 : vector<1024x1xf32> to vector<1024x64xf32>
    %slice3A_67 = vector.extract_strided_slice %get3A_1 {offsets = [0, 5], sizes = [1024, 1], strides = [1, 1]} : vector<1024x16xf32> to vector<1024x1xf32>
    %broadcast_in_dim3A_68 = vector.shape_cast %slice3A_67 : vector<1024x1xf32> to vector<1024x1xf32>
    %broadcast_in_dim3A_69 = vector.broadcast %broadcast_in_dim3A_68 : vector<1024x1xf32> to vector<1024x64xf32>
    %concatenate3A_70 = tpu.concatenate %broadcast_in_dim3A_66, %broadcast_in_dim3A_69 in 1 : vector<1024x64xf32>, vector<1024x64xf32> -> vector<1024x128xf32>
    %get3A_71 = arith.constant 2 : index
    %get3A_72 = arith.constant 0 : index
    %get3A_73 = arith.constant 0 : index
    %get3A_74 = vector.load %arg1[%get3A_71, %get3A_72, %get3A_73] : memref<4x1024x128xf32, #tpu.memory_space<vmem>>, vector<1x1024x128xf32>
    %get3A_75 = vector.shape_cast %get3A_74 : vector<1x1024x128xf32> to vector<1024x128xf32>
    %add3A_76 = arith.constant 1.000000e-16 : f32
    %add3A_77 = vector.broadcast %add3A_76 : f32 to vector<1024x128xf32>
    %add3A_78 = arith.addf %concatenate3A_70, %add3A_77 : vector<1024x128xf32>
    %div3A_79 = arith.divf %get3A_75, %add3A_78 : vector<1024x128xf32>
    %get3A_80 = arith.constant 0 : index
    %get3A_81 = arith.constant 256 : index
    %get3A_82 = vector.load %arg3[%get3A_80, %get3A_81] : memref<1x512xf32, #tpu.memory_space<vmem>>, vector<1x128xf32>
    %add3A_83 = vector.broadcast %get3A_82 : vector<1x128xf32> to vector<1024x128xf32>
    %add3A_84 = arith.addf %div3A_79, %add3A_83 : vector<1024x128xf32>
    %gt3A_85 = arith.constant 0.000000e+00 : f32
    %gt3A_86 = vector.broadcast %gt3A_85 : f32 to vector<1024x128xf32>
    %gt3A_87 = arith.cmpf ogt, %add3A_84, %gt3A_86 : vector<1024x128xf32>
    %exp3A_88 = math.exp %add3A_84 : vector<1024x128xf32>
    %sub3A_89 = arith.constant 1.000000e+00 : f32
    %sub3A_90 = vector.broadcast %sub3A_89 : f32 to vector<1024x128xf32>
    %sub3A_91 = arith.subf %exp3A_88, %sub3A_90 : vector<1024x128xf32>
    %select_n3A_92 = arith.select %gt3A_87, %add3A_84, %sub3A_91 : vector<1024x128xi1>, vector<1024x128xf32>
    %get3A_93 = arith.constant 256 : index
    %get3A_94 = arith.constant 0 : index
    %get3A_95 = vector.load %arg4[%get3A_93, %get3A_94] : memref<512x128xf32, #tpu.memory_space<vmem>>, vector<128x128xf32>
    %dot_general3A_96 = arith.constant dense<0.000000e+00> : vector<1024x128xf32>
    %dot_general3A_97 = tpu.matmul %select_n3A_92, %get3A_95, %dot_general3A_96 {dimension_numbers = #tpu.dot_dimension_numbers<[1], [0], [0], [1], [0, 0, 1, 1], [], []>, transpose_lhs_hint = false} : vector<1024x128xf32>, vector<128x128xf32>, vector<1024x128xf32> -> vector<1024x128xf32>
    %add3A_98 = arith.addf %add3A_63, %dot_general3A_97 : vector<1024x128xf32>
    %slice3A_99 = vector.extract_strided_slice %get3A_1 {offsets = [0, 6], sizes = [1024, 1], strides = [1, 1]} : vector<1024x16xf32> to vector<1024x1xf32>
    %broadcast_in_dim3A_100 = vector.shape_cast %slice3A_99 : vector<1024x1xf32> to vector<1024x1xf32>
    %broadcast_in_dim3A_101 = vector.broadcast %broadcast_in_dim3A_100 : vector<1024x1xf32> to vector<1024x64xf32>
    %slice3A_102 = vector.extract_strided_slice %get3A_1 {offsets = [0, 7], sizes = [1024, 1], strides = [1, 1]} : vector<1024x16xf32> to vector<1024x1xf32>
    %broadcast_in_dim3A_103 = vector.shape_cast %slice3A_102 : vector<1024x1xf32> to vector<1024x1xf32>
    %broadcast_in_dim3A_104 = vector.broadcast %broadcast_in_dim3A_103 : vector<1024x1xf32> to vector<1024x64xf32>
    %concatenate3A_105 = tpu.concatenate %broadcast_in_dim3A_101, %broadcast_in_dim3A_104 in 1 : vector<1024x64xf32>, vector<1024x64xf32> -> vector<1024x128xf32>
    %get3A_106 = arith.constant 3 : index
    %get3A_107 = arith.constant 0 : index
    %get3A_108 = arith.constant 0 : index
    %get3A_109 = vector.load %arg1[%get3A_106, %get3A_107, %get3A_108] : memref<4x1024x128xf32, #tpu.memory_space<vmem>>, vector<1x1024x128xf32>
    %get3A_110 = vector.shape_cast %get3A_109 : vector<1x1024x128xf32> to vector<1024x128xf32>
    %add3A_111 = arith.constant 1.000000e-16 : f32
    %add3A_112 = vector.broadcast %add3A_111 : f32 to vector<1024x128xf32>
    %add3A_113 = arith.addf %concatenate3A_105, %add3A_112 : vector<1024x128xf32>
    %div3A_114 = arith.divf %get3A_110, %add3A_113 : vector<1024x128xf32>
    %get3A_115 = arith.constant 0 : index
    %get3A_116 = arith.constant 384 : index
    %get3A_117 = vector.load %arg3[%get3A_115, %get3A_116] : memref<1x512xf32, #tpu.memory_space<vmem>>, vector<1x128xf32>
    %add3A_118 = vector.broadcast %get3A_117 : vector<1x128xf32> to vector<1024x128xf32>
    %add3A_119 = arith.addf %div3A_114, %add3A_118 : vector<1024x128xf32>
    %gt3A_120 = arith.constant 0.000000e+00 : f32
    %gt3A_121 = vector.broadcast %gt3A_120 : f32 to vector<1024x128xf32>
    %gt3A_122 = arith.cmpf ogt, %add3A_119, %gt3A_121 : vector<1024x128xf32>
    %exp3A_123 = math.exp %add3A_119 : vector<1024x128xf32>
    %sub3A_124 = arith.constant 1.000000e+00 : f32
    %sub3A_125 = vector.broadcast %sub3A_124 : f32 to vector<1024x128xf32>
    %sub3A_126 = arith.subf %exp3A_123, %sub3A_125 : vector<1024x128xf32>
    %select_n3A_127 = arith.select %gt3A_122, %add3A_119, %sub3A_126 : vector<1024x128xi1>, vector<1024x128xf32>
    %get3A_128 = arith.constant 384 : index
    %get3A_129 = arith.constant 0 : index
    %get3A_130 = vector.load %arg4[%get3A_128, %get3A_129] : memref<512x128xf32, #tpu.memory_space<vmem>>, vector<128x128xf32>
    %dot_general3A_131 = arith.constant dense<0.000000e+00> : vector<1024x128xf32>
    %dot_general3A_132 = tpu.matmul %select_n3A_127, %get3A_130, %dot_general3A_131 {dimension_numbers = #tpu.dot_dimension_numbers<[1], [0], [0], [1], [0, 0, 1, 1], [], []>, transpose_lhs_hint = false} : vector<1024x128xf32>, vector<128x128xf32>, vector<1024x128xf32> -> vector<1024x128xf32>
    %add3A_133 = arith.addf %add3A_98, %dot_general3A_132 : vector<1024x128xf32>
    %get3A_134 = arith.constant 0 : index
    %get3A_135 = arith.constant 0 : index
    %get3A_136 = vector.load %arg5[%get3A_134, %get3A_135] : memref<1x128xf32, #tpu.memory_space<vmem>>, vector<1x128xf32>
    %mul3A = vector.broadcast %get3A_136 : vector<1x128xf32> to vector<1024x128xf32>
    %mul3A_137 = arith.mulf %add3A_133, %mul3A : vector<1024x128xf32>
    %reduce_sum3A = arith.constant dense<0.000000e+00> : vector<1024xf32>
    %reduce_sum3A_138 = vector.multi_reduction <add>, %mul3A_137, %reduce_sum3A [1] : vector<1024x128xf32> to vector<1024xf32>
    %broadcast_in_dim3A_139 = vector.shape_cast %reduce_sum3A_138 : vector<1024xf32> to vector<1024x1xf32>
    %get3A_140 = arith.constant 0 : index
    %get3A_141 = arith.constant 0 : index
    %get3A_142 = vector.load %arg6[%get3A_140, %get3A_141] : memref<1x128xf32, #tpu.memory_space<vmem>>, vector<1x128xf32>
    %mul3A_143 = vector.broadcast %get3A_142 : vector<1x128xf32> to vector<1024x128xf32>
    %mul3A_144 = arith.mulf %add3A_133, %mul3A_143 : vector<1024x128xf32>
    %reduce_sum3A_145 = arith.constant dense<0.000000e+00> : vector<1024xf32>
    %reduce_sum3A_146 = vector.multi_reduction <add>, %mul3A_144, %reduce_sum3A_145 [1] : vector<1024x128xf32> to vector<1024xf32>
    %broadcast_in_dim3A_147 = vector.shape_cast %reduce_sum3A_146 : vector<1024xf32> to vector<1024x1xf32>
    %slice3A_148 = vector.extract_strided_slice %add3A_133 {offsets = [0, 0], sizes = [1024, 2], strides = [1, 1]} : vector<1024x128xf32> to vector<1024x2xf32>
    %broadcast_in_dim3A_149 = arith.constant 1.000000e+00 : f32
    %broadcast_in_dim3A_150 = vector.broadcast %broadcast_in_dim3A_149 : f32 to vector<1024x1xf32>
    %broadcast_in_dim3A_151 = arith.constant 0.000000e+00 : f32
    %broadcast_in_dim3A_152 = vector.broadcast %broadcast_in_dim3A_151 : f32 to vector<1024x13xf32>
    %concatenate3A_153 = tpu.concatenate %slice3A_148, %broadcast_in_dim3A_150, %broadcast_in_dim3A_152 in 1 : vector<1024x2xf32>, vector<1024x1xf32>, vector<1024x13xf32> -> vector<1024x16xf32>
    %swap3A = arith.constant 0 : index
    %swap3A_154 = arith.constant 0 : index
    %swap3A_155 = vector.load %arg7[%swap3A, %swap3A_154] : memref<1024x16xf32, #tpu.memory_space<vmem>>, vector<1024x16xf32>
    tpu.vector_store %arg7[%swap3A, %swap3A_154], %concatenate3A_153 {strides = array<i32>} : memref<1024x16xf32, #tpu.memory_space<vmem>>, vector<1024x16xf32>,
    %broadcast_in_dim3A_156 = vector.shape_cast %broadcast_in_dim3A_139 : vector<1024x1xf32> to vector<1024x1xf32>
    %broadcast_in_dim3A_157 = vector.broadcast %broadcast_in_dim3A_156 : vector<1024x1xf32> to vector<1024x16xf32>
    %swap3A_158 = arith.constant 0 : index
    %swap3A_159 = arith.constant 0 : index
    %swap3A_160 = vector.load %arg8[%swap3A_158, %swap3A_159] : memref<1024x16xf32, #tpu.memory_space<vmem>>, vector<1024x16xf32>
    tpu.vector_store %arg8[%swap3A_158, %swap3A_159], %broadcast_in_dim3A_157 {strides = array<i32>} : memref<1024x16xf32, #tpu.memory_space<vmem>>, vector<1024x16xf32>,
    %broadcast_in_dim3A_161 = vector.shape_cast %broadcast_in_dim3A_147 : vector<1024x1xf32> to vector<1024x1xf32>
    %broadcast_in_dim3A_162 = vector.broadcast %broadcast_in_dim3A_161 : vector<1024x1xf32> to vector<1024x16xf32>
    %swap3A_163 = arith.constant 0 : index
    %swap3A_164 = arith.constant 0 : index
    %swap3A_165 = vector.load %arg9[%swap3A_163, %swap3A_164] : memref<1024x16xf32, #tpu.memory_space<vmem>>, vector<1024x16xf32>
    tpu.vector_store %arg9[%swap3A_163, %swap3A_164], %broadcast_in_dim3A_162 {strides = array<i32>} : memref<1024x16xf32, #tpu.memory_space<vmem>>, vector<1024x16xf32>,
    return
  }
  func.func @transform_0(%arg0: i32) -> (i32, i32, i32) {
    %c0_i32 = arith.constant 0 : i32
    %c0_i32_0 = arith.constant 0 : i32
    %c0_i32_1 = arith.constant 0 : i32
    return %c0_i32, %arg0, %c0_i32_0 : i32, i32, i32
  }
  func.func @transform_1(%arg0: i32) -> (i32, i32) {
    %c0_i32 = arith.constant 0 : i32
    %c0_i32_0 = arith.constant 0 : i32
    return %arg0, %c0_i32 : i32, i32
  }
  func.func @transform_2(%arg0: i32) -> (i32, i32) {
    %c0_i32 = arith.constant 0 : i32
    %c0_i32_0 = arith.constant 0 : i32
    %c0_i32_1 = arith.constant 0 : i32
    return %c0_i32, %c0_i32_0 : i32, i32
  }
  func.func @transform_3(%arg0: i32) -> (i32, i32) {
    %c0_i32 = arith.constant 0 : i32
    %c0_i32_0 = arith.constant 0 : i32
    %c0_i32_1 = arith.constant 0 : i32
    return %c0_i32, %c0_i32_0 : i32, i32
  }
  func.func @transform_4(%arg0: i32) -> (i32, i32) {
    %c0_i32 = arith.constant 0 : i32
    %c0_i32_0 = arith.constant 0 : i32
    %c0_i32_1 = arith.constant 0 : i32
    return %c0_i32, %c0_i32_0 : i32, i32
  }
  func.func @transform_5(%arg0: i32) -> (i32, i32) {
    %c0_i32 = arith.constant 0 : i32
    %c0_i32_0 = arith.constant 0 : i32
    %c0_i32_1 = arith.constant 0 : i32
    return %c0_i32, %c0_i32_0 : i32, i32
  }
  func.func @transform_6(%arg0: i32) -> (i32, i32) {
    %c0_i32 = arith.constant 0 : i32
    %c0_i32_0 = arith.constant 0 : i32
    return %arg0, %c0_i32 : i32, i32
  }
  func.func @transform_7(%arg0: i32) -> (i32, i32) {
    %c0_i32 = arith.constant 0 : i32
    %c0_i32_0 = arith.constant 0 : i32
    return %arg0, %c0_i32 : i32, i32
  }
  func.func @transform_8(%arg0: i32) -> (i32, i32) {
    %c0_i32 = arith.constant 0 : i32
    %c0_i32_0 = arith.constant 0 : i32
    return %arg0, %c0_i32 : i32, i32
  }
}

module attributes {stable_mosaic.version = 14 : i64} {
  func.func @_tc_fin_body(%arg0: i32, %arg1: memref<2x1024x16xf32, #tpu.memory_space<vmem>>, %arg2: memref<1x16xf32, #tpu.memory_space<vmem>>, %arg3: memref<1024x16xf32, #tpu.memory_space<vmem>>) attributes {dimension_semantics = [#tpu.dimension_semantics<arbitrary>], iteration_bounds = array<i64: 10>, scalar_prefetch = 0 : i64, scratch_operands = 0 : i64, tpu.core_type = #tpu.core_type<tc>, window_params = [{transform_indices = @transform_0, window_bounds = array<i64: 2, 1024, 16>}, {pipeline_mode = #tpu.pipeline_mode<synchronous>, transform_indices = @transform_1, window_bounds = array<i64: 1, 16>}, {transform_indices = @transform_2, window_bounds = array<i64: 1024, 16>}]} {
    %get3A = arith.constant 0 : index
    %get3A_0 = arith.constant 0 : index
    %get3A_1 = arith.constant 0 : index
    %get3A_2 = vector.load %arg1[%get3A, %get3A_0, %get3A_1] : memref<2x1024x16xf32, #tpu.memory_space<vmem>>, vector<1x1024x16xf32>
    %get3A_3 = vector.shape_cast %get3A_2 : vector<1x1024x16xf32> to vector<1024x16xf32>
    %get3A_4 = arith.constant 1 : index
    %get3A_5 = arith.constant 0 : index
    %get3A_6 = arith.constant 0 : index
    %get3A_7 = vector.load %arg1[%get3A_4, %get3A_5, %get3A_6] : memref<2x1024x16xf32, #tpu.memory_space<vmem>>, vector<1x1024x16xf32>
    %get3A_8 = vector.shape_cast %get3A_7 : vector<1x1024x16xf32> to vector<1024x16xf32>
    %add3A = arith.addf %get3A_3, %get3A_8 : vector<1024x16xf32>
    %slice3A = vector.extract_strided_slice %add3A {offsets = [0, 2], sizes = [1024, 1], strides = [1, 1]} : vector<1024x16xf32> to vector<1024x1xf32>
    %add3A_9 = arith.constant 1.000000e-16 : f32
    %add3A_10 = vector.broadcast %add3A_9 : f32 to vector<1024x1xf32>
    %add3A_11 = arith.addf %slice3A, %add3A_10 : vector<1024x1xf32>
    %div3A = vector.broadcast %add3A_11 : vector<1024x1xf32> to vector<1024x16xf32>
    %div3A_12 = arith.divf %add3A, %div3A : vector<1024x16xf32>
    %get3A_13 = arith.constant 0 : index
    %get3A_14 = arith.constant 0 : index
    %get3A_15 = vector.load %arg2[%get3A_13, %get3A_14] : memref<1x16xf32, #tpu.memory_space<vmem>>, vector<1x16xf32>
    %add3A_16 = vector.broadcast %get3A_15 : vector<1x16xf32> to vector<1024x16xf32>
    %add3A_17 = arith.addf %div3A_12, %add3A_16 : vector<1024x16xf32>
    %swap3A = arith.constant 0 : index
    %swap3A_18 = arith.constant 0 : index
    %swap3A_19 = vector.load %arg3[%swap3A, %swap3A_18] : memref<1024x16xf32, #tpu.memory_space<vmem>>, vector<1024x16xf32>
    tpu.vector_store %arg3[%swap3A, %swap3A_18], %add3A_17 {strides = array<i32>} : memref<1024x16xf32, #tpu.memory_space<vmem>>, vector<1024x16xf32>,
    return
  }
  func.func @transform_0(%arg0: i32) -> (i32, i32, i32) {
    %c0_i32 = arith.constant 0 : i32
    %c0_i32_0 = arith.constant 0 : i32
    %c0_i32_1 = arith.constant 0 : i32
    return %c0_i32, %arg0, %c0_i32_0 : i32, i32, i32
  }
  func.func @transform_1(%arg0: i32) -> (i32, i32) {
    %c0_i32 = arith.constant 0 : i32
    %c0_i32_0 = arith.constant 0 : i32
    %c0_i32_1 = arith.constant 0 : i32
    return %c0_i32, %c0_i32_0 : i32, i32
  }
  func.func @transform_2(%arg0: i32) -> (i32, i32) {
    %c0_i32 = arith.constant 0 : i32
    %c0_i32_0 = arith.constant 0 : i32
    return %arg0, %c0_i32 : i32, i32
  }
}

</mosaic_0001>

<sc_bundles>
// kernel: kernel.10.cloned.1.call-start
scs
__scs_entry_jumppad:
0x0: {  	(pc) =	sbr.rel $0x88, $3  }
0x1: {  	(tag) =	ssettag $0x0;
	lr =	simm.s32 $0x1  }
0x2: {  	[smem:$0x3F97] =	sst lr;
	_ =	strace $0xD0000000  }
0x3: {  	_ = 	snop  }
0x4: {  	_ = 	snop  }
0x5: {  	_ = 	snop  }
0x6: {  	_ = 	snop  }
0x7: {  	_ = 	snop  }
__scs_overlays_trampoline_lowered:
0x8: {  	[smem:$0x3FA6] =	sst s0  }
0x9: {  	[smem:$0x3FA7] =	sst s1  }
0xa: {  	[smem:$0x3FA8] =	sst s2  }
0xb: {  	[smem:$0x3FA9] =	sst s3  }
0xc: {  	[smem:$0x3FAA] =	sst s4  }
0xd: {  	[smem:$0x3FAB] =	sst s5  }
0xe: {  	[smem:$0x3FAC] =	sst s6  }
0xf: {  	[smem:$0x3FAD] =	sst s7  }
0x10: {  	[smem:$0x3FAE] =	sst s8  }
0x11: {  	[smem:$0x3FAF] =	sst s9;
	s0 =	simm.s32 @!p0 $0x0  }
0x12: {  	s1 =	sld [smem:$0x3F95];
	s0 =	simm.s32 @p0 $0x1  }
0x13: {  	[smem:$0x3FB0] =	sst s0;
	s0 =	simm.s32 @!p1 $0x0  }
0x14: {  	s2 =	sld [smem:$0x3F94];
	s0 =	simm.s32 @p1 $0x1  }
0x15: {  	[smem:$0x3FB1] =	sst s0;
	s0 =	simm.s32 @!p2 $0x0  }
0x16: {  	s3 =	sld [smem:$0x3FDB];
	s0 =	simm.s32 @p2 $0x1  }
0x17: {  	s4 =	simm.s32 $0x1BF5;
	[smem:$0x3FB3] =	sst s0  }
0x18: {  	s0 =	sld [smem:$0x3F96];
	_ =	swait.ge [sflag:s4], $0x0  }
0x19: {  	s7 =	sld [smem:$0x3F97]  }
0x1a: {  	s8 =	sadd.s32 $0xFFFFE003, lr  }
0x1b: {  	s9 =	sadd.s32 $0xFFFFFEF7, lr;
	s5 =	simm.s32 $0xFFFFFFFF;
	p2 =	slt.u32 s8, $0xFFFFF086  }
0x1c: {  	p1 =	slt.u32 s9, $0xF7A;
	s5 =	simm.s32 @!p2 $0x0  }
0x1d: {  	s5 =	simm.s32 @p1 $0x1;
	p0 =	seq.s32 s7, s2  }
0x1e: {  	s7 =	smul.u32 @!p0 $0xF7A, s2;
	p2 =	seq.s32 @!p0 s5, $0x0  }
0x1f: {  	s9 =	smul.u32 $0xF7A, s1;
	s8 =	simm.s32 @!p0 $0x1BF5;
	p2 =	por !p2, p0  }
0x20: {  	[sflag:s8] =	ssyncset.s32 @!p0 $0xFFFFF086;
	s6 =	sadd.s32 @!p0 s3, s7;
	s7 =	simm.s32 @!p0 $0x108  }
0x21: {  	s3 =	sadd.s32 s3, s9;
	s6 =	sadd.s32 @!p0 $0x88, s6;
	s7 =	simm.s32 @p2 $0x1082  }
0x22: {  	[simem:s7], [sflag:s8] =	dma.local @!p0 [hbm:s6], $0xF7A  }
0x23: {  	s9 =	sor.u32 $0xD0000000, s2;
	s6 =	simm.s32 $0x108;
	_ =	swait.ge @!p0 [sflag:s8], $0x0  }
0x24: {  	s3 =	sadd.s32 $0x88, s3;
	s6 =	simm.s32 @!p1 $0x1082;
	[sflag:s4] =	ssyncset.s32 $0xFFFFF086  }
0x25: {  	[simem:s6], [sflag:s4] =	dma.local [hbm:s3], $0xF7A  }
0x26: {  	[smem:$0x3F97] =	sst s1;
	(tag) =	ssettag s2;
	_ =	strace s9  }
0x27: {  	s1 =	sld [smem:$0x3FA7]  }
0x28: {  	s2 =	sld [smem:$0x3FA8]  }
0x29: {  	s4 =	sld [smem:$0x3FAA]  }
0x2a: {  	p0 =	seq.s32 s5, $0x0;
	s5 =	sld [smem:$0x3FAB]  }
0x2b: {  	s6 =	sld [smem:$0x3FAC]  }
0x2c: {  	s7 =	sld [smem:$0x3FAD]  }
0x2d: {  	s3 =	simm.s32 $0x108;
	s8 =	sld [smem:$0x3FAE]  }
0x2e: {  	s3 =	simm.s32 @!p0 $0x1082;
	s9 =	sld [smem:$0x3FAF]  }
0x2f: {  	lr =	sadd.s32 s0, s3;
	s0 =	sld [smem:$0x3FA6]  }
0x30: {  	s3 =	sld [smem:$0x3FA9]  }
0x31: {  	[smem:$0x3FB2] =	sst s10  }
0x32: {  	s10 =	sld [smem:$0x3FB0];
	_ =	sdelay $0x3  }
0x33: {  	p0 =	seq.s32 s10, $0x1;
	s10 =	sld [smem:$0x3FB2];
	_ =	sdelay $0x3  }
0x34: {  	[smem:$0x3FB2] =	sst s10  }
0x35: {  	s10 =	sld [smem:$0x3FB1];
	_ =	sdelay $0x3  }
0x36: {  	p1 =	seq.s32 s10, $0x1;
	s10 =	sld [smem:$0x3FB2];
	_ =	sdelay $0x3  }
0x37: {  	[smem:$0x3FB2] =	sst s10  }
0x38: {  	s10 =	sld [smem:$0x3FB3]  }
0x39: {  	_ = 	snop;
	(pc) =	sbr.ind lr, $3  }
0x3a: {  	_ = 	snop  }
0x3b: {  	_ = 	snop  }
0x3c: {  	p2 =	seq.s32 s10, $0x1;
	s10 =	sld [smem:$0x3FB2]  }
0x3d: {  	_ =	shalt  }
0x3e: {  	_ =	shalt  }
0x3f: {  	_ =	shalt  }
0x40: {  	_ =	shalt  }
0x41: {  	_ =	shalt  }
0x42: {  	_ =	shalt  }
0x43: {  	_ =	shalt  }
0x44: {  	_ =	shalt  }
0x45: {  	_ =	shalt  }
0x46: {  	_ =	shalt  }
0x47: {  	_ =	shalt  }
0x48: {  	_ =	shalt  }
0x49: {  	_ =	shalt  }
0x4a: {  	_ =	shalt  }
0x4b: {  	_ =	shalt  }
0x4c: {  	_ =	shalt  }
0x4d: {  	_ =	shalt  }
0x4e: {  	_ =	shalt  }
0x4f: {  	_ =	shalt  }
0x50: {  	_ =	shalt  }
0x51: {  	_ =	shalt  }
0x52: {  	_ =	shalt  }
0x53: {  	_ =	shalt  }
0x54: {  	_ =	shalt  }
0x55: {  	_ =	shalt  }
0x56: {  	_ =	shalt  }
0x57: {  	_ =	shalt  }
0x58: {  	_ =	shalt  }
0x59: {  	_ =	shalt  }
0x5a: {  	_ =	shalt  }
0x5b: {  	_ =	shalt  }
0x5c: {  	_ =	shalt  }
0x5d: {  	_ =	shalt  }
0x5e: {  	_ =	shalt  }
0x5f: {  	_ =	shalt  }
0x60: {  	_ =	shalt  }
0x61: {  	_ =	shalt  }
0x62: {  	_ =	shalt  }
0x63: {  	_ =	shalt  }
0x64: {  	_ =	shalt  }
0x65: {  	_ =	shalt  }
0x66: {  	_ =	shalt  }
0x67: {  	_ =	shalt  }
0x68: {  	_ =	shalt  }
0x69: {  	_ =	shalt  }
0x6a: {  	_ =	shalt  }
0x6b: {  	_ =	shalt  }
0x6c: {  	_ =	shalt  }
0x6d: {  	_ =	shalt  }
0x6e: {  	_ =	shalt  }
0x6f: {  	_ =	shalt  }
0x70: {  	_ =	shalt  }
0x71: {  	_ =	shalt  }
0x72: {  	_ =	shalt  }
0x73: {  	_ =	shalt  }
0x74: {  	_ =	shalt  }
0x75: {  	_ =	shalt  }
0x76: {  	_ =	shalt  }
0x77: {  	_ =	shalt  }
0x78: {  	_ =	shalt  }
0x79: {  	_ =	shalt  }
0x7a: {  	_ =	shalt  }
0x7b: {  	_ =	shalt  }
0x7c: {  	_ =	shalt  }
0x7d: {  	_ =	shalt  }
0x7e: {  	_ =	shalt  }
0x7f: {  	_ =	shalt  }
0x80: {  	_ =	shalt  }
0x81: {  	_ =	shalt  }
0x82: {  	_ =	shalt  }
0x83: {  	_ =	shalt  }
0x84: {  	_ =	shalt  }
0x85: {  	_ =	shalt  }
0x86: {  	_ =	shalt  }
0x87: {  	_ =	shalt  }
.Lfunc_end0:
.L_simem_size_0:
called_computation.1_lowered:
.L_overlay_start_0:
0x88: {  	s2 =	sld [smem:$0x3FD9]  }
0x89: {  	s3 =	sld [smem:$0x3FFE];
	_ =	sdelay $0x1  }
0x8a: {  	s1 =	srdreg.scid  }
0x8b: {  	s0 =	sand.u32 $0x1, s1  }
0x8c: {  	s16 =	sshll.u32 s0, $0xA;
	s2 =	sadd.s32 s3, s2  }
0x8d: {  	s2 =	sadd.s32 s2, s16  }
0x8e: {  	[smem:$0x3FBE] =	sst s2  }
0x8f: {  	_ = 	snop  }
0x90: {  	(tm) =	ssettm $0x1  }
0x91: {  	s17 =	sld [smem:$0x3FFB];
	_ =	sdelay $0x3  }
0x92: {  	_ =	strace s17  }
0x93: {  	s2 =	sld [smem:$0x3FFC];
	_ =	sdelay $0x3  }
0x94: {  	_ =	strace s2  }
0x95: {  	s2 =	sld [smem:$0x3FFD];
	_ =	sdelay $0x3  }
0x96: {  	_ =	strace s2  }
0x97: {  	_ =	strace $0x8FFFFFFF  }
0x98: {  	s18 =	sld [smem:$0x3FDB];
	_ =	sdelay $0x1  }
0x99: {  	s19 =	simm.s32 $_scs_section_size  }
0x9a: {  	s4 =	simm.s32 $_size__tile_overlayer_lowered;
	s5 =	simm.s32 $_tile_overlayer_lowered  }
0x9b: {  	s22 =	simm.s32 $0x1BFF;
	s21 =	sshll.u32 s5, $0x1;
	s2 =	sadd.s32 s19, s18  }
0x9c: {  	s6 =	simm.s32 $0x0;
	s20 =	sshll.u32 s4, $0x1;
	s4 =	sadd.s32 s21, s2  }
0x9d: {  	[timem:s6], [sflag:s22] =	dma.local [hbm:s4], s20  }
0x9e: {  	_ =	swait.ge [sflag:s22], s20  }
0x9f: {  	s3 =	ssub.s32 $0x0, s20;
	[sflag:s22] =	ssyncset.done $0x0  }
0xa0: {  	[sflag:s22] =	ssyncadd.s32 s3;
	_ =	sdelay $0x1  }
0xa1: {  	s23 =	simm.s32 $0x1B8B  }
0xa2: {  	_ =	swait.ge [sflag:s23], $0x1  }
0xa3: {  	[sflag:s23] =	ssyncset.done $0x0  }
0xa4: {  	s25 =	simm.s32 $0x1B8E;
	s24 =	sld [smem:$0x3FFE];
	[sflag:s23] =	ssyncadd.s32 $0xFFFFFFFF  }
0xa5: {  	s26 =	simm.s32 $execute0_lowered;
	[smem:$0x3FD2] =	sst s25  }
0xa6: {  	s4 =	sshll.u32 s26, $0x1;
	_ =	strace $0x80000049;
	[dreg:$0x1] =	wrdreg $0xFFFFFFFF  }
0xa7: {  	s28 =	simm.s32 $_size_execute0_lowered;
	s2 =	sadd.s32 s2, s4;
	[dreg:$0x0] =	wrdreg $0x0  }
0xa8: {  	s4 =	sshll.u32 s28, $0x1;
	[dreg:$0x2] =	wrdreg s2  }
0xa9: {  	[dreg:$0x3] =	wrdreg s4  }
0xaa: {  	[dreg:$0x4] =	wrdreg $0xC0  }
0xab: {  	_ =	task [dreg:s6], $0x5FFFF  }
0xac: {  	[dreg:$0x1] =	wrdreg $0xFFFFFFFF  }
0xad: {  	[dreg:$0x0] =	wrdreg $0x60  }
0xae: {  	[dreg:$0x2] =	wrdreg s24  }
0xaf: {  	[dreg:$0x3] =	wrdreg $0x0  }
0xb0: {  	[dreg:$0x4] =	wrdreg $0x9  }
0xb1: {  	_ =	task.clear_ibuf [dreg:s6], $0x5FFFF;
	_ =	strace $0x90000049  }
0xb2: {  	s29 =	simm.s32 $0x9;
	_ =	strace $0x8000004B  }
0xb3: {  	_ =	swait.ge [sflag:s29], $0x1  }
0xb4: {  	[sflag:s29] =	ssyncadd.s32 $0xFFFFFFFF  }
0xb5: {  	_ =	strace $0x9000004B  }
0xb6: {  	_ =	sfence  }
0xb7: {  	s30 =	sld [smem:$0x0];
	_ =	sdelay $0x2  }
0xb8: {  	s31 =	sshll.u32 s1, $0xD;
	s1 =	sshrl.u32 s1, $0x2  }
0xb9: {  	s3 =	sand.u32 $0x4000, s31;
	s1 =	sadd.s32 s1, s30  }
0xba: {  	s0 =	sor.u32 s3, s0;
	s1 =	sshll.u32 s1, $0x11  }
0xbb: {  	s0 =	sor.u32 s1, s0  }
0xbc: {  	s0 =	sadd.s32 $0x8F2B, s0  }
0xbd: {  	[sflag:s0] =	ssyncadd.remote.s32 $0x1  }
0xbe: {  	_ =	sfence.sel $0xFFFF  }
0xbf: {  	[dreg:$0x0] =	wrdreg $0xFFFFFFFF;
	(pc) =	sbr.abs _section_cstart, $3  }
0xc0: {  	[dreg:$0x1] =	wrdreg $0xFFFFFFFF  }
0xc1: {  	_ =	task.clear_ibuf [dreg:s6], $0x2FFFF;
	_ =	strace $0x9FFFFFFF  }
0xc2: {  	(tm) =	ssettm $0x7FFFFFFF  }
0xc3: {  	_ =	shalt  }
tec
execute0_lowered:
.L_overlay_start_1:
0x0: {  	(tag) =	ssettag $0x1  }
0x1: {  	s0 =	rddreg [dreg:$0x0]  }
0x2: {  	s2 =	rddreg [dreg:$0x1]  }
0x3: {  	s1 =	srdreg.scid;
	s12 =	stileid.u32;
	s3 =	simm.s32 $0x0  }
0x4: {  	s22 =	simm.s32 $0x3CF0;
	s23 =	simm.s32 $0x5;
	s1 =	sand.u32 $0x1, s1  }
0x5: {  	s8 =	smul.u32 $0x2800, s12;
	[smem:$0x7FF] =	sst s3;
	s4 =	sadd.s32 $0xC000, s0  }
0x6: {  	s5 =	sadd.s32 $0x7000, s0;
	s6 =	sadd.s32 $0x2000, s0;
	s11 =	smul.u32 $0xA000, s12  }
0x7: {  	s7 =	smul.u32 $0x28000, s1;
	_ =	strace $0x8000004A;
	s10 =	ssub.s32 $0x2, s1  }
0x8: {  	s1 =	sshll.u32 s1, $0x4;
	s24 =	sshrl.u32 s10, $0x1;
	s25 =	sshrl.u32 s11, $0x2  }
0x9: {  	s1 =	sor.u32 s12, s1;
	s7 =	sadd.s32 s8, s7;
	s8 =	sadd.s32 s8, s2  }
0xa: {  	s11 =	smul.u32 $0x1388, s1;
	s9 =	sshrl.u32 s7, $0x3;
	s7 =	sadd.s32 $0xAC000, s0  }
0xb: {  	s0 =	sadd.s32 s9, s0;
	s9 =	ssub.s32 s10, s24;
	s10 =	sadd.s32 s25, s2  }
0xc: {  	s31 =	sshrl.u32 s11, $0x3;
	s24 =	simm.s32 $0x28;
	s25 =	simm.s32 $0x27100  }
0xd: {  	s26 =	sadd.s32 $0x400, s10;
	s28 =	sadd.s32 $0x800, s10;
	s29 =	sadd.s32 $0xC00, s10  }
0xe: {  	s30 =	sadd.s32 $0x1000, s10;
	s14 =	sadd.s32 $0x1400, s10;
	s15 =	sadd.s32 $0x1800, s10  }
0xf: {  	s16 =	sadd.s32 $0x1C00, s10;
	s17 =	sadd.s32 $0x2000, s10;
	[dreg:$0x3] =	wrdreg s26  }
0x10: {  	s18 =	sadd.s32 $0x2400, s10;
	s19 =	sadd.s32 s7, s31;
	[dreg:$0x4] =	wrdreg s28  }
0x11: {  	s20 =	sadd.s32 $0x11000, s0;
	s21 =	smax.u32 s9, $0x1;
	[dreg:$0x5] =	wrdreg s29  }
0x12: {  	v0 =	vimm.f32 $0.0e+00;
	s0 =	simm.s32 $0x3;
	[dreg:$0x6] =	wrdreg s30;
	s26 =	simm.s32 $0x2800  }
.LBB2_1:
0x13: {  	s1 =	simm.s32 $0x40;
	s9 =	simm.s32 $0x0  }
.LBB2_2:
0x14: {  	p0 =	sne.s32 s1, $0xFC0;
	[tilespmem:s9+$0x3CF0] =	vst v0;
	s9 =	smov.u32 s1;
	s1 =	sadd.s32 $0x40, s1  }
.Ltmp0:
0x15: {  	(pc) =	sbr.rel @p0 .LBB2_2-.Ltmp0, $2  }
0x16: {  	_ =	sdelay $0x2  }
0x17: {  	s9 =	sshra.s32 s9, $0x2  }
0x18: {  	[tilespmem:s9+$0x3CF0] =	vst v0  }
0x19: {  	[spmem:s8] =	stream.linear.scatter [tilespmem:s22], [sflag:$0x5], $0x400, $0x38;
	[tilespmem:$0x40F0] =	vst v63  }
0x1a: {  	_ =	swait.ge [sflag:s23], $0x400  }
0x1b: {  	[sflag:s23] =	ssyncset.done $0x0  }
0x1c: {  	s1 =	rddreg [dreg:$0x3];
	[sflag:s23] =	ssyncadd.s32 $0xFFFFFC00  }
0x1d: {  	[spmem:s1] =	stream.linear.scatter [tilespmem:s22], [sflag:$0x5], $0x400, $0x38;
	[tilespmem:$0x40F0] =	vst v63  }
0x1e: {  	_ =	swait.ge [sflag:s23], $0x400  }
0x1f: {  	[sflag:s23] =	ssyncset.done $0x0  }
0x20: {  	s10 =	rddreg [dreg:$0x4];
	[sflag:s23] =	ssyncadd.s32 $0xFFFFFC00  }
0x21: {  	[spmem:s10] =	stream.linear.scatter [tilespmem:s22], [sflag:$0x5], $0x400, $0x38;
	[tilespmem:$0x40F0] =	vst v63  }
0x22: {  	_ =	swait.ge [sflag:s23], $0x400  }
0x23: {  	[sflag:s23] =	ssyncset.done $0x0  }
0x24: {  	s12 =	rddreg [dreg:$0x5];
	[sflag:s23] =	ssyncadd.s32 $0xFFFFFC00  }
0x25: {  	[spmem:s12] =	stream.linear.scatter [tilespmem:s22], [sflag:$0x5], $0x400, $0x38;
	[tilespmem:$0x40F0] =	vst v63  }
0x26: {  	_ =	swait.ge [sflag:s23], $0x400  }
0x27: {  	[sflag:s23] =	ssyncset.done $0x0  }
0x28: {  	s13 =	rddreg [dreg:$0x6];
	[sflag:s23] =	ssyncadd.s32 $0xFFFFFC00  }
0x29: {  	[spmem:s13] =	stream.linear.scatter [tilespmem:s22], [sflag:$0x5], $0x400, $0x38;
	[tilespmem:$0x40F0] =	vst v63  }
0x2a: {  	_ =	swait.ge [sflag:s23], $0x400  }
0x2b: {  	[sflag:s23] =	ssyncset.done $0x0  }
0x2c: {  	[sflag:s23] =	ssyncadd.s32 $0xFFFFFC00  }
0x2d: {  	[spmem:s14] =	stream.linear.scatter [tilespmem:s22], [sflag:$0x5], $0x400, $0x38;
	[tilespmem:$0x40F0] =	vst v63  }
0x2e: {  	_ =	swait.ge [sflag:s23], $0x400  }
0x2f: {  	[sflag:s23] =	ssyncset.done $0x0  }
0x30: {  	[sflag:s23] =	ssyncadd.s32 $0xFFFFFC00  }
0x31: {  	[spmem:s15] =	stream.linear.scatter [tilespmem:s22], [sflag:$0x5], $0x400, $0x38;
	[tilespmem:$0x40F0] =	vst v63  }
0x32: {  	_ =	swait.ge [sflag:s23], $0x400  }
0x33: {  	[sflag:s23] =	ssyncset.done $0x0  }
0x34: {  	[sflag:s23] =	ssyncadd.s32 $0xFFFFFC00  }
0x35: {  	[spmem:s16] =	stream.linear.scatter [tilespmem:s22], [sflag:$0x5], $0x400, $0x38;
	[tilespmem:$0x40F0] =	vst v63  }
0x36: {  	_ =	swait.ge [sflag:s23], $0x400  }
0x37: {  	[sflag:s23] =	ssyncset.done $0x0  }
0x38: {  	[sflag:s23] =	ssyncadd.s32 $0xFFFFFC00  }
0x39: {  	[spmem:s17] =	stream.linear.scatter [tilespmem:s22], [sflag:$0x5], $0x400, $0x38;
	[tilespmem:$0x40F0] =	vst v63  }
0x3a: {  	_ =	swait.ge [sflag:s23], $0x400  }
0x3b: {  	[sflag:s23] =	ssyncset.done $0x0  }
0x3c: {  	[sflag:s23] =	ssyncadd.s32 $0xFFFFFC00  }
0x3d: {  	[spmem:s18] =	stream.linear.scatter [tilespmem:s22], [sflag:$0x5], $0x400, $0x38;
	[tilespmem:$0x40F0] =	vst v63  }
0x3e: {  	_ =	swait.ge [sflag:s23], $0x400  }
0x3f: {  	[sflag:s23] =	ssyncset.done $0x0  }
0x40: {  	[sflag:s23] =	ssyncadd.s32 $0xFFFFFC00  }
0x41: {  	[bflag:$0x0] =	sbarrier.arrive $0xFFFF  }
0x42: {  	[tilespmem:s26], [sflag:$0x5] =	stream.strided.gather [hbm4b:s19+s24], $0x50, s25, s24, $0x38;
	[tilespmem:$0x40F0] =	vst v63  }
0x43: {  	_ =	swait.ge [sflag:s23], $0x50  }
0x44: {  	[sflag:s23] =	ssyncset.done $0x0  }
0x45: {  	[sflag:s23] =	ssyncadd.s32 $0xFFFFFFB0  }
0x46: {  	v1 =	vld [tilespmem:$0x2828]  }
0x47: {  	v2 =	vld [tilespmem:$0x2838]  }
0x48: {  	v3 =	vld [tilespmem:$0x2840];
	_ =	sdelay $0x2  }
0x49: {  	[tilespmem:$0x28A0] =	vst v1  }
0x4a: {  	[tilespmem:$0x28B0] =	vst v2  }
0x4b: {  	s28 =	simm.s32 $0x28F0;
	[tilespmem:$0x28B8] =	vst v3  }
0x4c: {  	[tilespmem:s28], [sflag:$0x1] =	stream.indirect.gather [hbm4b:s4+s24], $0x10, s26, s24, $0xb8;
	[tilespmem:$0x40F0] =	vst v63  }
0x4d: {  	s29 =	simm.s32 $0x2DF0  }
0x4e: {  	[tilespmem:s29], [sflag:$0x1] =	stream.indirect.gather [hbm4b:s5+s24], $0x10, s26, s24, $0xb8;
	[tilespmem:$0x40F0] =	vst v63  }
0x4f: {  	s30 =	simm.s32 $0x2828;
	s31 =	simm.s32 $0x32F0;
	s9 =	simm.s32 $0x0  }
0x50: {  	[tilespmem:s31], [sflag:$0x1] =	stream.indirect.gather [hbm4b:s6+s24], $0x10, s30, s24, $0xb8;
	[tilespmem:$0x40F0] =	vst v63  }
.LBB2_4:
0x51: {  	p0 =	seq.s32 s9, $0x0  }
0x52: {  	p1 =	seq.s32 @!p0 s9, $0x7C  }
0x53: {  	s28 =	sand.u32 $0x1, s9;
	p1 =	por p0, !p1  }
.Ltmp1:
0x54: {  	s1 =	sxor.u32 $0x1, s28;
	(pc) =	sbr.rel @!p1 .LBB2_6-.Ltmp1, $4  }
0x55: {  	s10 =	sadd.s32 @!p0 $0x3, s1  }
0x56: {  	_ =	swait.ge @!p0 [sflag:s10], $0x280  }
0x57: {  	[sflag:s10] =	ssyncset.done @!p0 $0x0  }
0x58: {  	s29 =	simm.s32 @!p0 $0x7D;
	[sflag:s10] =	ssyncadd.s32 @!p0 $0xFFFFFD80  }
0x59: {  	s29 =	sadd.s32 @!p0 $0x1, s9  }
0x5a: {  	s29 =	simm.s32 @p0 $0x1  }
0x5b: {  	s30 =	smul.u32 $0x28, s29  }
0x5c: {  	s10 =	smul.u32 $0x140, s1  }
0x5d: {  	s9 =	sadd.s32 s11, s30  }
0x5e: {  	s10 =	sshrl.u32 s10, $0x2;
	s9 =	sshrl.u32 s9, $0x3  }
0x5f: {  	s12 =	sor.u32 $0x2800, s10;
	s9 =	sadd.s32 s7, s9  }
0x60: {  	[tilespmem:s12], [sflag:$0x5] =	stream.strided.gather [hbm4b:s9+s24], $0x50, s25, s24, $0x38;
	[tilespmem:$0x40F0] =	vst v63  }
0x61: {  	_ =	swait.ge [sflag:s23], $0x50  }
0x62: {  	[sflag:s23] =	ssyncset.done $0x0  }
0x63: {  	[sflag:s23] =	ssyncadd.s32 $0xFFFFFFB0  }
0x64: {  	v1 =	vld [tilespmem:s10+$0x2828];
	_ =	sdelay $0x1  }
0x65: {  	s31 =	smul.u32 $0xA0, s1;
	_ =	sdelay $0x1  }
0x66: {  	s9 =	sshrl.u32 s31, $0x2  }
0x67: {  	[tilespmem:s9+$0x28A0] =	vst v1  }
0x68: {  	v1 =	vld [tilespmem:s10+$0x2838];
	_ =	sdelay $0x4  }
0x69: {  	[tilespmem:s9+$0x28B0] =	vst v1  }
0x6a: {  	v1 =	vld [tilespmem:s10+$0x2840];
	_ =	sdelay $0x2  }
0x6b: {  	s30 =	smul.u32 $0x280, s1;
	_ =	sdelay $0x1  }
0x6c: {  	s1 =	sadd.s32 $0x1, s1;
	s13 =	sadd.s32 $0x28F0, s30;
	[tilespmem:s9+$0x28B8] =	vst v1  }
0x6d: {  	[tilespmem:s13], [sflag:s1] =	stream.indirect.gather [hbm4b:s4+s24], $0x10, s12, s24, $0xb8;
	[tilespmem:$0x40F0] =	vst v63  }
0x6e: {  	s31 =	sadd.s32 $0x2DF0, s30  }
0x6f: {  	[tilespmem:s31], [sflag:s1] =	stream.indirect.gather [hbm4b:s5+s24], $0x10, s12, s24, $0xb8;
	[tilespmem:$0x40F0] =	vst v63  }
0x70: {  	s13 =	sadd.s32 $0x2828, s10;
	s31 =	sadd.s32 $0x32F0, s30  }
0x71: {  	[tilespmem:s31], [sflag:s1] =	stream.indirect.gather [hbm4b:s6+s24], $0x10, s13, s24, $0xb8;
	[tilespmem:$0x40F0] =	vst v63  }
.LBB2_6:
0x72: {  	s9 =	sadd.s32 $0x1, s28  }
0x73: {  	_ =	swait.ge [sflag:s9], $0x280  }
0x74: {  	[sflag:s9] =	ssyncset.done $0x0  }
0x75: {  	[sflag:s9] =	ssyncadd.s32 $0xFFFFFD80  }
0x76: {  	_ =	swait.ge [sflag:s9], $0x280  }
0x77: {  	[sflag:s9] =	ssyncset.done $0x0  }
0x78: {  	s1 =	smul.u32 $0xA00, s28;
	[sflag:s9] =	ssyncadd.s32 $0xFFFFFD80  }
0x79: {  	_ =	swait.ge [sflag:s9], $0x280  }
0x7a: {  	s1 =	sshrl.u32 s1, $0x2;
	[sflag:s9] =	ssyncset.done $0x0  }
0x7b: {  	s13 =	sadd.s32 $0x2E10, s1;
	[sflag:s9] =	ssyncadd.s32 $0xFFFFFD80  }
0x7c: {  	s10 =	sadd.s32 $0x3310, s1;
	v1 =	vld [tilespmem:s13+$0x10]  }
0x7d: {  	v2 =	vld [tilespmem:s10+$0x10]  }
0x7e: {  	v3 =	vld [tilespmem:s10+$0xFFFFFFE0]  }
0x7f: {  	v4 =	vld [tilespmem:s13+$0xFFFFFFF0]  }
0x80: {  	v5 =	vld [tilespmem:s10+$0xFFFFFFF0]  }
0x81: {  	v6 =	vld [tilespmem:s13+$0x0]  }
0x82: {  	v7 =	vld [tilespmem:s10+$0x0]  }
0x83: {  	v8 =	vld [tilespmem:s13+$0xFFFFFFE0]  }
0x84: {  	v1 =	vadd.f32 v2, v1  }
0x85: {  	s10 =	sadd.s32 $0x40, s10  }
0x86: {  	s9 =	sadd.s32 $0x40, s13;
	v9 =	vld [tilespmem:s10+$0x10];
	v2 =	vadd.f32 v5, v4;
	v5 =	vmul.f32 $2.000000030e-01, v1  }
0x87: {  	v4 =	vld [tilespmem:s9+$0x10];
	v6 =	vadd.f32 v7, v6  }
0x88: {  	v3 =	vadd.f32 v3, v8;
	v10 =	vmul.f32 $2.000000030e-01, v2;
	v1 =	vmax.f32 v1, v5  }
0x89: {  	v12 =	vld [tilespmem:s9+$0x0];
	v8 =	vmul.f32 $2.000000030e-01, v6;
	v1 =	vmul.f32 $1.442695020e+00, v1  }
0x8a: {  	v11 =	vmul.f32 $2.000000030e-01, v3;
	v5 =	vld [tilespmem:s9+$0xFFFFFFF0];
	v2 =	vmax.f32 v2, v10  }
0x8b: {  	v10 =	vld [tilespmem:s10+$0xFFFFFFF0];
	v2 =	vmul.f32 $1.442695020e+00, v2;
	(erf) = vpow2.f32 v1;
	v1 =	vmax.f32 v6, v8  }
0x8c: {  	v7 =	vld [tilespmem:s10+$0xFFFFFFE0];
	v3 =	vmax.f32 v3, v11;
	v4 =	vadd.f32 v9, v4;
	v1 =	vmul.f32 $1.442695020e+00, v1  }
0x8d: {  	v3 =	vmul.f32 $1.442695020e+00, v3;
	v8 =	vld [tilespmem:s9+$0xFFFFFFE0];
	(erf) = vpow2.f32 v2  }
0x8e: {  	s12 =	sadd.s32 $0x2910, s1;
	v9 =	vmul.f32 $2.000000030e-01, v4;
	v2 =	vld [tilespmem:s10+$0x0];
	(erf) = vpow2.f32 v1  }
0x8f: {  	s13 =	sadd.s32 $0x40, s9;
	v6 =	vld [tilespmem:s12+$0x10];
	(erf) = vpow2.f32 v3  }
0x90: {  	s30 =	sadd.s32 $0x40, s10;
	v1 =	vmax.f32 v4, v9;
	v4 =	vadd.f32 v10, v5;
	v5 =	vld [tilespmem:s13+$0x10]  }
0x91: {  	v10 =	vld [tilespmem:s30+$0x10]  }
0x92: {  	v3 =	vld [tilespmem:s12+$0xFFFFFFF0];
	v1 =	vmul.f32 $1.442695020e+00, v1;
	v60 =	vmul.f32 $2.000000030e-01, v4;
	v7 =	vadd.f32 v7, v8  }
0x93: {  	v14 =	vld [tilespmem:s13+$0xFFFFFFF0];
	v2 =	vadd.f32 v2, v12  }
0x94: {  	v11 =	vld [tilespmem:s12+$0xFFFFFFE0];
	(erf) = vpow2.f32 v1;
	v4 =	vmax.f32 v4, v60;
	v61 =	vmul.f32 $2.000000030e-01, v7  }
0x95: {  	v15 =	vld [tilespmem:s30+$0xFFFFFFF0];
	v13 =	vmul.f32 $2.000000030e-01, v2;
	v16 =	vmul.f32 $1.442695020e+00, v4;
	v8 =	vpop (erf)  }
0x96: {  	s9 =	sadd.s32 $0x40, s12;
	v9 =	vld [tilespmem:s12+$0x0];
	v5 =	vadd.f32 v10, v5;
	v7 =	vmax.f32 v7, v61;
	v6 =	vmul.f32 v8, v6;
	v8 =	vpop (erf)  }
0x97: {  	v62 =	vld [tilespmem:s9+$0x10];
	v2 =	vmax.f32 v2, v13;
	(erf) = vpow2.f32 v16;
	v3 =	vmul.f32 v8, v3;
	v8 =	vpop (erf)  }
0x98: {  	v1 =	vld [tilespmem:s30+$0xFFFFFFE0];
	v63 =	vmul.f32 $1.442695020e+00, v7;
	v2 =	vmul.f32 $1.442695020e+00, v2;
	v10 =	vpop (erf)  }
0x99: {  	s31 =	sor.u32 $0x3810, s1;
	v4 =	vld [tilespmem:s13+$0x0];
	v10 =	vmul.f32 v10, v11;
	v11 =	vmul.f32 $2.000000030e-01, v5  }
0x9a: {  	v7 =	vld [tilespmem:s30+$0x0];
	[tilespmem:s31+$0x10] =	vst v6;
	(erf) = vpow2.f32 v2  }
0x9b: {  	v6 =	vld [tilespmem:s13+$0xFFFFFFE0];
	[tilespmem:s31+$0xFFFFFFF0] =	vst v3;
	v3 =	vmul.f32 v8, v9;
	(erf) = vpow2.f32 v63  }
0x9c: {  	v2 =	vld [tilespmem:s9+$0xFFFFFFE0]  }
0x9d: {  	v8 =	vadd.f32 v15, v14;
	[tilespmem:s31+$0x0] =	vst v3;
	v3 =	vld [tilespmem:s9+$0x0];
	v9 =	vmax.f32 v5, v11;
	v11 =	vpop (erf)  }
0x9e: {  	s10 =	simm.s32 $0x8;
	s12 =	sadd.s32 $0x40, s13;
	[tilespmem:s31+$0xFFFFFFE0] =	vst v10;
	v5 =	vld [tilespmem:s9+$0xFFFFFFF0];
	v10 =	vmul.f32 $1.442695020e+00, v9;
	v9 =	vmul.f32 v11, v62  }
.LBB2_7:
0x9f: {  	v11 =	vld [tilespmem:s12+$0x10];
	v12 =	vmul.f32 $2.000000030e-01, v8;
	v4 =	vadd.f32 v7, v4;
	s30 =	sadd.s32 $0x40, s30;
	s31 =	sadd.s32 $0x40, s31  }
0xa0: {  	s10 =	sadd.s32 $0x4, s10;
	v7 =	vld [tilespmem:s30+$0x10];
	v6 =	vadd.f32 v1, v6;
	(erf) = vpow2.f32 v10;
	[tilespmem:s31+$0x10] =	vst v9  }
0xa1: {  	p0 =	slt.u32 s10, $0x24;
	v1 =	vld [tilespmem:s30+$0xFFFFFFE0];
	v8 =	vmax.f32 v8, v12;
	v9 =	vmul.f32 $2.000000030e-01, v4;
	v10 =	vpop (erf)  }
0xa2: {  	v12 =	vld [tilespmem:s12+$0xFFFFFFF0];
	v13 =	vmul.f32 $2.000000030e-01, v6;
	v15 =	vmul.f32 $1.442695020e+00, v8  }
0xa3: {  	v5 =	vmul.f32 v10, v5;
	v14 =	vld [tilespmem:s30+$0xFFFFFFF0];
	v9 =	vmax.f32 v4, v9;
	v10 =	vpop (erf)  }
0xa4: {  	s9 =	sadd.s32 $0x40, s9;
	v4 =	vld [tilespmem:s12+$0x0];
	v6 =	vmax.f32 v6, v13;
	v9 =	vmul.f32 $1.442695020e+00, v9;
	(erf) = vpow2.f32 v15;
	v8 =	vpop (erf)  }
0xa5: {  	v11 =	vadd.f32 v7, v11;
	v13 =	vmul.f32 $1.442695020e+00, v6;
	v15 =	vld [tilespmem:s9+$0x10];
	v2 =	vmul.f32 v8, v2;
	[tilespmem:s31+$0xFFFFFFF0] =	vst v5  }
.Ltmp2:
0xa6: {  	v3 =	vmul.f32 v10, v3;
	v7 =	vld [tilespmem:s30+$0x0];
	(erf) = vpow2.f32 v9;
	(pc) =	sbr.rel @p0 .LBB2_7-.Ltmp2, $4  }
0xa7: {  	v6 =	vld [tilespmem:s12+$0xFFFFFFE0];
	v5 =	vmul.f32 $2.000000030e-01, v11;
	(erf) = vpow2.f32 v13;
	[tilespmem:s31+$0xFFFFFFE0] =	vst v2  }
0xa8: {  	v8 =	vadd.f32 v14, v12;
	v2 =	vld [tilespmem:s9+$0xFFFFFFE0];
	[tilespmem:s31+$0x0] =	vst v3  }
0xa9: {  	v3 =	vmax.f32 v11, v5;
	v5 =	vld [tilespmem:s9+$0xFFFFFFF0];
	v9 =	vpop (erf)  }
0xaa: {  	s12 =	sadd.s32 $0x40, s12;
	v10 =	vmul.f32 $1.442695020e+00, v3;
	v3 =	vld [tilespmem:s9+$0x0];
	v9 =	vmul.f32 v9, v15  }
0xab: {  	v4 =	vadd.f32 v7, v4;
	v53 =	vmul.f32 $2.000000030e-01, v8  }
0xac: {  	v1 =	vadd.f32 v1, v6  }
0xad: {  	v54 =	vmul.f32 $2.000000030e-01, v4;
	v7 =	vmax.f32 v8, v53  }
0xae: {  	v55 =	vmul.f32 $2.000000030e-01, v1;
	v7 =	vmul.f32 $1.442695020e+00, v7  }
0xaf: {  	(erf) = vpow2.f32 v10;
	v4 =	vmax.f32 v4, v54  }
0xb0: {  	v1 =	vmax.f32 v1, v55;
	v4 =	vmul.f32 $1.442695020e+00, v4;
	(erf) = vpow2.f32 v7  }
0xb1: {  	v1 =	vmul.f32 $1.442695020e+00, v1  }
0xb2: {  	(erf) = vpow2.f32 v4  }
0xb3: {  	(erf) = vpow2.f32 v1  }
0xb4: {  	s9 =	sadd.s32 $0x40, s9  }
0xb5: {  	v58 =	vld [tilespmem:s9+$0xFFFFFFF0];
	v1 =	vpop (erf)  }
0xb6: {  	v56 =	vld [tilespmem:s9+$0x10];
	v57 =	vpop (erf);
	v1 =	vmul.f32 v1, v5  }
0xb7: {  	s10 =	sadd.s32 $0x40, s31;
	v62 =	vld [tilespmem:s9+$0x0];
	v59 =	vpop (erf)  }
0xb8: {  	v60 =	vld [tilespmem:s9+$0xFFFFFFE0];
	v61 =	vpop (erf);
	[tilespmem:s10+$0xFFFFFFF0] =	vst v1;
	v1 =	vmul.f32 v57, v3  }
0xb9: {  	[tilespmem:s10+$0x10] =	vst v9;
	v2 =	vmul.f32 v59, v2;
	v3 =	vpop (erf)  }
0xba: {  	[tilespmem:s10+$0x0] =	vst v1;
	v1 =	vmul.f32 v3, v58  }
0xbb: {  	s13 =	smul.u32 $0xA0, s28;
	p0 =	slt.u32 s29, $0x7D;
	s12 =	sadd.s32 $0x40, s10;
	[tilespmem:s10+$0xFFFFFFE0] =	vst v2;
	v2 =	vmul.f32 v61, v56;
	v63 =	vpop (erf)  }
.Ltmp3:
0xbc: {  	v3 =	vpop (erf);
	[tilespmem:s12+$0xFFFFFFF0] =	vst v1;
	v1 =	vmul.f32 v63, v62;
	(pc) =	sbr.rel @p0 .LBB2_4-.Ltmp3, $4  }
0xbd: {  	[tilespmem:s12+$0x10] =	vst v2;
	v2 =	vmul.f32 v3, v60  }
0xbe: {  	s1 =	sadd.s32 $0x37F0, s1;
	s10 =	sshrl.u32 s13, $0x2;
	[tilespmem:s12+$0x0] =	vst v1  }
0xbf: {  	s31 =	sadd.s32 $0x3, s28;
	s9 =	smov.u32 s29;
	s30 =	sadd.s32 $0x28A0, s10;
	[tilespmem:s12+$0xFFFFFFE0] =	vst v2  }
0xc0: {  	[spmem:s2] =	stream.indirect.scatter.add.f32 [tilespmem:s1], [sflag:s31], $0x10, s30, s24, $0xb8;
	[tilespmem:$0x40F0] =	vst v63  }
0xc1: {  	_ =	swait.ge [sflag:s0], $0x280;
	s1 =	stileid.u32  }
0xc2: {  	s9 =	sshrl.u32 s8, $0x3;
	s3 =	sadd.s32 $0x1, s3;
	[sflag:s0] =	ssyncset.done $0x0  }
0xc3: {  	s1 =	sshll.u32 s1, $0x6;
	p0 =	sne.s32 s3, s21;
	[sflag:s0] =	ssyncadd.s32 $0xFFFFFD80  }
.Ltmp4:
0xc4: {  	s1 =	sor.u32 $0x1C05, s1;
	[bflag:$0x0] =	sbarrier.arrive $0xFFFF;
	(pc) =	sbr.rel @p0 .LBB2_1-.Ltmp4, $4  }
0xc5: {  	[hbm:s20], [sflag:s1] =	dma.local [spmem:s9], $0x500  }
0xc6: {  	_ =	swait.ge [sflag:s23], $0x500  }
0xc7: {  	[sflag:s23] =	ssyncset.done $0x0  }
0xc8: {  	[sflag:s23] =	ssyncadd.s32 $0xFFFFFB00  }
0xc9: {  	_ =	sfence.sel $0x180000  }
0xca: {  	[bflag:$0x0] =	sbarrier.arrive $0xFFFF  }
0xcb: {  	_ =	strace $0x9000004A  }
0xcc: {  	s0 =	stileid.u32;
	[bflag:$0x2] =	sbarrier.arrive $0xFFFF  }
0xcd: {  	p0 =	sne.s32 s0, $0x0;
	s0 =	rddreg [dreg:$0x2]  }
0xce: {  	s0 =	sadd.s32 @!p0 $0x100000, s0  }
0xcf: {  	[sflag:s0] =	ssyncadd.tile.s32 @!p0 $0x1;
	_ =	shalt  }
.Lfunc_end2:
_tile_overlayer_lowered:
.L_overlay_start_2:
0xd0: {  	(tag) =	ssettag $0x2  }
0xd1: {  	s0 =	rddreg [dreg:$0x0];
	s2 =	stileid.u32  }
0xd2: {  	s1 =	rddreg [dreg:$0x1];
	p0 =	sne.s32 s2, $0x0  }
0xd3: {  	s3 =	rddreg [dreg:$0x2];
	[bflag:$0x3] =	sbarrier.arrive $0xFFFF;
	s2 =	simm.s32 @!p0 $0x1C05  }
0xd4: {  	[timem:s3], [sflag:s2] =	dma.local @!p0 [hbm:s0], s1  }
0xd5: {  	s0 =	simm.s32 @!p0 $0x5  }
0xd6: {  	_ =	swait.ge @!p0 [sflag:s0], s1  }
0xd7: {  	s1 =	ssub.s32 @!p0 $0x0, s1;
	[sflag:s0] =	ssyncset.done @!p0 $0x0  }
0xd8: {  	[sflag:s0] =	ssyncadd.s32 @!p0 s1  }
0xd9: {  	[bflag:$0x3] =	sbarrier.arrive $0xFFFF  }
0xda: {  	_ =	shalt  }

// kernel: kernel.7.cloned.1.call-start
scs
__scs_entry_jumppad:
0x0: {  	(pc) =	sbr.rel $0x88, $3  }
0x1: {  	(tag) =	ssettag $0x0;
	lr =	simm.s32 $0x1  }
0x2: {  	[smem:$0x3F97] =	sst lr;
	_ =	strace $0xD0000000  }
0x3: {  	_ = 	snop  }
0x4: {  	_ = 	snop  }
0x5: {  	_ = 	snop  }
0x6: {  	_ = 	snop  }
0x7: {  	_ = 	snop  }
__scs_overlays_trampoline_lowered:
0x8: {  	[smem:$0x3FA6] =	sst s0  }
0x9: {  	[smem:$0x3FA7] =	sst s1  }
0xa: {  	[smem:$0x3FA8] =	sst s2  }
0xb: {  	[smem:$0x3FA9] =	sst s3  }
0xc: {  	[smem:$0x3FAA] =	sst s4  }
0xd: {  	[smem:$0x3FAB] =	sst s5  }
0xe: {  	[smem:$0x3FAC] =	sst s6  }
0xf: {  	[smem:$0x3FAD] =	sst s7  }
0x10: {  	[smem:$0x3FAE] =	sst s8  }
0x11: {  	[smem:$0x3FAF] =	sst s9;
	s0 =	simm.s32 @!p0 $0x0  }
0x12: {  	s1 =	sld [smem:$0x3F95];
	s0 =	simm.s32 @p0 $0x1  }
0x13: {  	[smem:$0x3FB0] =	sst s0;
	s0 =	simm.s32 @!p1 $0x0  }
0x14: {  	s2 =	sld [smem:$0x3F94];
	s0 =	simm.s32 @p1 $0x1  }
0x15: {  	[smem:$0x3FB1] =	sst s0;
	s0 =	simm.s32 @!p2 $0x0  }
0x16: {  	s3 =	sld [smem:$0x3FDB];
	s0 =	simm.s32 @p2 $0x1  }
0x17: {  	s4 =	simm.s32 $0x1BF5;
	[smem:$0x3FB3] =	sst s0  }
0x18: {  	s0 =	sld [smem:$0x3F96];
	_ =	swait.ge [sflag:s4], $0x0  }
0x19: {  	s7 =	sld [smem:$0x3F97]  }
0x1a: {  	s8 =	sadd.s32 $0xFFFFE003, lr  }
0x1b: {  	s9 =	sadd.s32 $0xFFFFFEF7, lr;
	s5 =	simm.s32 $0xFFFFFFFF;
	p2 =	slt.u32 s8, $0xFFFFF086  }
0x1c: {  	p1 =	slt.u32 s9, $0xF7A;
	s5 =	simm.s32 @!p2 $0x0  }
0x1d: {  	s5 =	simm.s32 @p1 $0x1;
	p0 =	seq.s32 s7, s2  }
0x1e: {  	s7 =	smul.u32 @!p0 $0xF7A, s2;
	p2 =	seq.s32 @!p0 s5, $0x0  }
0x1f: {  	s9 =	smul.u32 $0xF7A, s1;
	s8 =	simm.s32 @!p0 $0x1BF5;
	p2 =	por !p2, p0  }
0x20: {  	[sflag:s8] =	ssyncset.s32 @!p0 $0xFFFFF086;
	s6 =	sadd.s32 @!p0 s3, s7;
	s7 =	simm.s32 @!p0 $0x108  }
0x21: {  	s3 =	sadd.s32 s3, s9;
	s6 =	sadd.s32 @!p0 $0x88, s6;
	s7 =	simm.s32 @p2 $0x1082  }
0x22: {  	[simem:s7], [sflag:s8] =	dma.local @!p0 [hbm:s6], $0xF7A  }
0x23: {  	s9 =	sor.u32 $0xD0000000, s2;
	s6 =	simm.s32 $0x108;
	_ =	swait.ge @!p0 [sflag:s8], $0x0  }
0x24: {  	s3 =	sadd.s32 $0x88, s3;
	s6 =	simm.s32 @!p1 $0x1082;
	[sflag:s4] =	ssyncset.s32 $0xFFFFF086  }
0x25: {  	[simem:s6], [sflag:s4] =	dma.local [hbm:s3], $0xF7A  }
0x26: {  	[smem:$0x3F97] =	sst s1;
	(tag) =	ssettag s2;
	_ =	strace s9  }
0x27: {  	s1 =	sld [smem:$0x3FA7]  }
0x28: {  	s2 =	sld [smem:$0x3FA8]  }
0x29: {  	s4 =	sld [smem:$0x3FAA]  }
0x2a: {  	p0 =	seq.s32 s5, $0x0;
	s5 =	sld [smem:$0x3FAB]  }
0x2b: {  	s6 =	sld [smem:$0x3FAC]  }
0x2c: {  	s7 =	sld [smem:$0x3FAD]  }
0x2d: {  	s3 =	simm.s32 $0x108;
	s8 =	sld [smem:$0x3FAE]  }
0x2e: {  	s3 =	simm.s32 @!p0 $0x1082;
	s9 =	sld [smem:$0x3FAF]  }
0x2f: {  	lr =	sadd.s32 s0, s3;
	s0 =	sld [smem:$0x3FA6]  }
0x30: {  	s3 =	sld [smem:$0x3FA9]  }
0x31: {  	[smem:$0x3FB2] =	sst s10  }
0x32: {  	s10 =	sld [smem:$0x3FB0];
	_ =	sdelay $0x3  }
0x33: {  	p0 =	seq.s32 s10, $0x1;
	s10 =	sld [smem:$0x3FB2];
	_ =	sdelay $0x3  }
0x34: {  	[smem:$0x3FB2] =	sst s10  }
0x35: {  	s10 =	sld [smem:$0x3FB1];
	_ =	sdelay $0x3  }
0x36: {  	p1 =	seq.s32 s10, $0x1;
	s10 =	sld [smem:$0x3FB2];
	_ =	sdelay $0x3  }
0x37: {  	[smem:$0x3FB2] =	sst s10  }
0x38: {  	s10 =	sld [smem:$0x3FB3]  }
0x39: {  	_ = 	snop;
	(pc) =	sbr.ind lr, $3  }
0x3a: {  	_ = 	snop  }
0x3b: {  	_ = 	snop  }
0x3c: {  	p2 =	seq.s32 s10, $0x1;
	s10 =	sld [smem:$0x3FB2]  }
0x3d: {  	_ =	shalt  }
0x3e: {  	_ =	shalt  }
0x3f: {  	_ =	shalt  }
0x40: {  	_ =	shalt  }
0x41: {  	_ =	shalt  }
0x42: {  	_ =	shalt  }
0x43: {  	_ =	shalt  }
0x44: {  	_ =	shalt  }
0x45: {  	_ =	shalt  }
0x46: {  	_ =	shalt  }
0x47: {  	_ =	shalt  }
0x48: {  	_ =	shalt  }
0x49: {  	_ =	shalt  }
0x4a: {  	_ =	shalt  }
0x4b: {  	_ =	shalt  }
0x4c: {  	_ =	shalt  }
0x4d: {  	_ =	shalt  }
0x4e: {  	_ =	shalt  }
0x4f: {  	_ =	shalt  }
0x50: {  	_ =	shalt  }
0x51: {  	_ =	shalt  }
0x52: {  	_ =	shalt  }
0x53: {  	_ =	shalt  }
0x54: {  	_ =	shalt  }
0x55: {  	_ =	shalt  }
0x56: {  	_ =	shalt  }
0x57: {  	_ =	shalt  }
0x58: {  	_ =	shalt  }
0x59: {  	_ =	shalt  }
0x5a: {  	_ =	shalt  }
0x5b: {  	_ =	shalt  }
0x5c: {  	_ =	shalt  }
0x5d: {  	_ =	shalt  }
0x5e: {  	_ =	shalt  }
0x5f: {  	_ =	shalt  }
0x60: {  	_ =	shalt  }
0x61: {  	_ =	shalt  }
0x62: {  	_ =	shalt  }
0x63: {  	_ =	shalt  }
0x64: {  	_ =	shalt  }
0x65: {  	_ =	shalt  }
0x66: {  	_ =	shalt  }
0x67: {  	_ =	shalt  }
0x68: {  	_ =	shalt  }
0x69: {  	_ =	shalt  }
0x6a: {  	_ =	shalt  }
0x6b: {  	_ =	shalt  }
0x6c: {  	_ =	shalt  }
0x6d: {  	_ =	shalt  }
0x6e: {  	_ =	shalt  }
0x6f: {  	_ =	shalt  }
0x70: {  	_ =	shalt  }
0x71: {  	_ =	shalt  }
0x72: {  	_ =	shalt  }
0x73: {  	_ =	shalt  }
0x74: {  	_ =	shalt  }
0x75: {  	_ =	shalt  }
0x76: {  	_ =	shalt  }
0x77: {  	_ =	shalt  }
0x78: {  	_ =	shalt  }
0x79: {  	_ =	shalt  }
0x7a: {  	_ =	shalt  }
0x7b: {  	_ =	shalt  }
0x7c: {  	_ =	shalt  }
0x7d: {  	_ =	shalt  }
0x7e: {  	_ =	shalt  }
0x7f: {  	_ =	shalt  }
0x80: {  	_ =	shalt  }
0x81: {  	_ =	shalt  }
0x82: {  	_ =	shalt  }
0x83: {  	_ =	shalt  }
0x84: {  	_ =	shalt  }
0x85: {  	_ =	shalt  }
0x86: {  	_ =	shalt  }
0x87: {  	_ =	shalt  }
.Lfunc_end0:
.L_simem_size_0:
called_computation_lowered:
.L_overlay_start_0:
0x88: {  	s2 =	sld [smem:$0x3FD9]  }
0x89: {  	s3 =	sld [smem:$0x3FFE];
	_ =	sdelay $0x1  }
0x8a: {  	s1 =	srdreg.scid  }
0x8b: {  	s0 =	sand.u32 $0x1, s1  }
0x8c: {  	s16 =	sshll.u32 s0, $0xA;
	s2 =	sadd.s32 s3, s2  }
0x8d: {  	s2 =	sadd.s32 s2, s16  }
0x8e: {  	[smem:$0x3FBE] =	sst s2  }
0x8f: {  	_ = 	snop  }
0x90: {  	(tm) =	ssettm $0x1  }
0x91: {  	s17 =	sld [smem:$0x3FFB];
	_ =	sdelay $0x3  }
0x92: {  	_ =	strace s17  }
0x93: {  	s2 =	sld [smem:$0x3FFC];
	_ =	sdelay $0x3  }
0x94: {  	_ =	strace s2  }
0x95: {  	s2 =	sld [smem:$0x3FFD];
	_ =	sdelay $0x3  }
0x96: {  	_ =	strace s2  }
0x97: {  	_ =	strace $0x8FFFFFFF  }
0x98: {  	s18 =	sld [smem:$0x3FDB];
	_ =	sdelay $0x1  }
0x99: {  	s19 =	simm.s32 $_scs_section_size  }
0x9a: {  	s4 =	simm.s32 $_size__tile_overlayer_lowered;
	s5 =	simm.s32 $_tile_overlayer_lowered  }
0x9b: {  	s22 =	simm.s32 $0x1BFF;
	s21 =	sshll.u32 s5, $0x1;
	s2 =	sadd.s32 s19, s18  }
0x9c: {  	s6 =	simm.s32 $0x0;
	s20 =	sshll.u32 s4, $0x1;
	s4 =	sadd.s32 s21, s2  }
0x9d: {  	[timem:s6], [sflag:s22] =	dma.local [hbm:s4], s20  }
0x9e: {  	_ =	swait.ge [sflag:s22], s20  }
0x9f: {  	s3 =	ssub.s32 $0x0, s20;
	[sflag:s22] =	ssyncset.done $0x0  }
0xa0: {  	[sflag:s22] =	ssyncadd.s32 s3;
	_ =	sdelay $0x1  }
0xa1: {  	s23 =	simm.s32 $0x1B8B  }
0xa2: {  	_ =	swait.ge [sflag:s23], $0x1  }
0xa3: {  	[sflag:s23] =	ssyncset.done $0x0  }
0xa4: {  	s25 =	simm.s32 $0x1B8E;
	s24 =	sld [smem:$0x3FFE];
	[sflag:s23] =	ssyncadd.s32 $0xFFFFFFFF  }
0xa5: {  	s26 =	simm.s32 $execute0_lowered;
	[smem:$0x3FD2] =	sst s25  }
0xa6: {  	s4 =	sshll.u32 s26, $0x1;
	_ =	strace $0x80000046;
	[dreg:$0x1] =	wrdreg $0xFFFFFFFF  }
0xa7: {  	s28 =	simm.s32 $_size_execute0_lowered;
	s2 =	sadd.s32 s2, s4;
	[dreg:$0x0] =	wrdreg $0x0  }
0xa8: {  	s4 =	sshll.u32 s28, $0x1;
	[dreg:$0x2] =	wrdreg s2  }
0xa9: {  	[dreg:$0x3] =	wrdreg s4  }
0xaa: {  	[dreg:$0x4] =	wrdreg $0xC0  }
0xab: {  	_ =	task [dreg:s6], $0x5FFFF  }
0xac: {  	[dreg:$0x1] =	wrdreg $0xFFFFFFFF  }
0xad: {  	[dreg:$0x0] =	wrdreg $0x60  }
0xae: {  	[dreg:$0x2] =	wrdreg s24  }
0xaf: {  	[dreg:$0x3] =	wrdreg $0x0  }
0xb0: {  	[dreg:$0x4] =	wrdreg $0x140000  }
0xb1: {  	[dreg:$0x5] =	wrdreg $0x9  }
0xb2: {  	_ =	task.clear_ibuf [dreg:s6], $0x6FFFF;
	_ =	strace $0x90000046  }
0xb3: {  	s29 =	simm.s32 $0x9;
	_ =	strace $0x80000048  }
0xb4: {  	_ =	swait.ge [sflag:s29], $0x1  }
0xb5: {  	[sflag:s29] =	ssyncadd.s32 $0xFFFFFFFF  }
0xb6: {  	_ =	strace $0x90000048  }
0xb7: {  	_ =	sfence  }
0xb8: {  	s30 =	sld [smem:$0x0];
	_ =	sdelay $0x2  }
0xb9: {  	s31 =	sshll.u32 s1, $0xD;
	s1 =	sshrl.u32 s1, $0x2  }
0xba: {  	s3 =	sand.u32 $0x4000, s31;
	s1 =	sadd.s32 s1, s30  }
0xbb: {  	s0 =	sor.u32 s3, s0;
	s1 =	sshll.u32 s1, $0x11  }
0xbc: {  	s0 =	sor.u32 s1, s0  }
0xbd: {  	s0 =	sadd.s32 $0x8F2B, s0  }
0xbe: {  	[sflag:s0] =	ssyncadd.remote.s32 $0x1  }
0xbf: {  	_ =	sfence.sel $0xFFFF  }
0xc0: {  	[dreg:$0x0] =	wrdreg $0xFFFFFFFF;
	(pc) =	sbr.abs _section_cstart, $3  }
0xc1: {  	[dreg:$0x1] =	wrdreg $0xFFFFFFFF  }
0xc2: {  	_ =	task.clear_ibuf [dreg:s6], $0x2FFFF;
	_ =	strace $0x9FFFFFFF  }
0xc3: {  	(tm) =	ssettm $0x7FFFFFFF  }
tec
execute0_lowered:
.L_overlay_start_1:
0x0: {  	(tag) =	ssettag $0x1  }
0x1: {  	s4 =	rddreg [dreg:$0x0]  }
0x2: {  	s1 =	rddreg [dreg:$0x1]  }
0x3: {  	s2 =	rddreg [dreg:$0x2]  }
0x4: {  	s3 =	simm.s32 $0x0;
	s26 =	stileid.u32;
	s0 =	srdreg.scid  }
0x5: {  	s28 =	simm.s32 $0x16800;
	[smem:$0x7FF] =	sst s3;
	s12 =	smul.u32 $0x2800, s26  }
0x6: {  	s5 =	sadd.s32 $0x2000, s4;
	s6 =	sadd.s32 $0xA7000, s4;
	s14 =	smul.u32 $0x280, s26  }
0x7: {  	s7 =	sadd.s32 $0xA2000, s4;
	s8 =	sadd.s32 $0xAC000, s4;
	s15 =	smul.u32 $0x14000, s26  }
0x8: {  	s13 =	sadd.s32 $0xBAE00, s4;
	s0 =	sand.u32 $0x1, s0;
	s29 =	smul.u32 $0x2710, s26  }
0x9: {  	_ =	strace $0x80000047;
	s10 =	ssub.s32 $0x2, s0;
	s18 =	smul.u32 $0x280000, s0  }
0xa: {  	s22 =	sshllo.u32 s0, $0x1;
	p0 =	sne.s32 s0, $0x0;
	s9 =	sshrl.u32 s12, $0x3  }
0xb: {  	s23 =	sshrl.u32 s10, $0x1;
	s16 =	sor.u32 $0x40, s14;
	s17 =	sadd.s32 $0x80, s14  }
0xc: {  	s20 =	smul.u32 $0x140000, s22;
	s26 =	sshllo.u32 s22, $0x1;
	s11 =	sadd.s32 s9, s4  }
0xd: {  	s10 =	ssub.s32 s10, s23;
	s9 =	sadd.s32 s15, s1;
	s24 =	sshll.u32 s16, $0x7  }
0xe: {  	s19 =	sshll.u32 s17, $0x7;
	s23 =	sadd.s32 $0xC0, s14;
	s31 =	sadd.s32 s15, s18  }
0xf: {  	v5 =	vmov s26;
	s26 =	simm.s32 $0x27100;
	s4 =	sadd.s32 s24, s1;
	s25 =	sadd.s32 s19, s1  }
0x10: {  	s30 =	sshll.u32 s23, $0x7;
	s15 =	sadd.s32 s15, s20;
	[dreg:$0x4] =	wrdreg s4  }
0x11: {  	s24 =	sadd.s32 $0x100, s14;
	s11 =	sadd.s32 $0xB5E00, s11;
	[dreg:$0x5] =	wrdreg s25  }
0x12: {  	s10 =	smax.u32 s10, $0x1;
	s4 =	sadd.s32 s30, s1;
	[dreg:$0x16] =	wrdreg s11  }
0x13: {  	s15 =	sshrl.u32 s15, $0x3;
	[dreg:$0x6] =	wrdreg s4;
	s4 =	sshrl.u32 s31, $0x3  }
0x14: {  	s25 =	sadd.s32 $0x180, s14;
	[dreg:$0x17] =	wrdreg s10;
	s4 =	sadd.s32 s13, s4  }
0x15: {  	s20 =	sshll.u32 s25, $0x7;
	s13 =	sadd.s32 s13, s15;
	[dreg:$0x7] =	wrdreg s4  }
0x16: {  	s15 =	sshll.u32 s24, $0x7;
	[dreg:$0x8] =	wrdreg s13;
	s4 =	sadd.s32 $0x140, s14  }
0x17: {  	s13 =	sadd.s32 s15, s1;
	s15 =	sadd.s32 $0x200, s14;
	s18 =	sshll.u32 s4, $0x7  }
0x18: {  	[dreg:$0x9] =	wrdreg s13;
	s13 =	sadd.s32 s20, s1;
	s30 =	sshll.u32 s15, $0x7  }
0x19: {  	s4 =	sshll.u32 s4, $0x4;
	s19 =	sadd.s32 s18, s1;
	[dreg:$0xb] =	wrdreg s13  }
0x1a: {  	s13 =	sadd.s32 $0x1C0, s14;
	s14 =	sadd.s32 $0x240, s14;
	s4 =	sadd.s32 s4, s2  }
0x1b: {  	[dreg:$0xa] =	wrdreg s19;
	s21 =	sshll.u32 s13, $0x7;
	s19 =	sadd.s32 s30, s1  }
0x1c: {  	s31 =	sshll.u32 s14, $0x7;
	s30 =	sshll.u32 s17, $0x4;
	[dreg:$0x11] =	wrdreg s4  }
0x1d: {  	s18 =	sadd.s32 s21, s1;
	s20 =	sadd.s32 s31, s1;
	s21 =	sadd.s32 s12, s2  }
0x1e: {  	s31 =	sshll.u32 s23, $0x4;
	s23 =	sshll.u32 s25, $0x4;
	s25 =	sshll.u32 s13, $0x4  }
0x1f: {  	[dreg:$0xc] =	wrdreg s18;
	s18 =	sshll.u32 s16, $0x4;
	s17 =	sadd.s32 s31, s2  }
0x20: {  	s31 =	sshll.u32 s14, $0x4;
	s4 =	sadd.s32 s25, s2;
	s16 =	sshll.u32 s0, $0x2  }
0x21: {  	s0 =	smul.u32 $0x5000, s0;
	s25 =	simm.s32 $0x50;
	[dreg:$0xf] =	wrdreg s17  }
0x22: {  	s12 =	sadd.s32 s18, s2;
	s18 =	sshll.u32 s24, $0x4;
	[dreg:$0x13] =	wrdreg s4  }
0x23: {  	s24 =	sadd.s32 s23, s2;
	s17 =	sshrl.u32 s29, $0x3;
	[dreg:$0xd] =	wrdreg s12  }
0x24: {  	s23 =	simm.s32 $0x7;
	s12 =	sadd.s32 s30, s2;
	[dreg:$0x12] =	wrdreg s24  }
0x25: {  	s30 =	sshll.u32 s15, $0x4;
	s15 =	sadd.s32 s31, s2;
	s31 =	sor.u32 $0x1, s16  }
0x26: {  	v6 =	vimm.f32 $0.0e+00;
	v5 =	vand.u32 $0xF, v5;
	[dreg:$0xe] =	wrdreg s12;
	s12 =	sadd.s32 s18, s2;
	s14 =	sadd.s32 s30, s2  }
0x27: {  	v5 =	vbroadcast v5, $0x0;
	v2 =	vmov s16;
	v0 =	vmov s0;
	[dreg:$0x15] =	wrdreg s15;
	s18 =	sshll.u32 s22, $0x1;
	s30 =	smul.u32 $0x2800, s22  }
0x28: {  	s4 =	sadd.s32 s8, s17;
	s24 =	simm.s32 $0x1F880;
	v2 =	vbroadcast v2, $0x0;
	v3 =	vmov s31;
	[dreg:$0x10] =	wrdreg s12;
	v4 =	vmov s18  }
0x29: {  	s22 =	simm.s32 $0x1D880;
	[dreg:$0x14] =	wrdreg s14;
	v3 =	vbroadcast v3, $0x0;
	s14 =	simm.s32 $0x3;
	v1 =	vmov s30;
	v4 =	vbroadcast v4, $0x0  }
.LBB2_1:
0x2a: {  	s0 =	simm.s32 $0x0;
	s10 =	simm.s32 $0x200  }
.LBB2_2:
0x2b: {  	p1 =	sne.s32 s10, $0x7E00;
	[tilespmem:s0+$0x1D8F0] =	vst v6  }
0x2c: {  	[tilespmem:s0+$0x1D880] =	vst v6  }
0x2d: {  	[tilespmem:s0+$0x1D890] =	vst v6  }
.Ltmp0:
0x2e: {  	[tilespmem:s0+$0x1D8A0] =	vst v6;
	(pc) =	sbr.rel @p1 .LBB2_2-.Ltmp0, $4  }
0x2f: {  	[tilespmem:s0+$0x1D8B0] =	vst v6  }
0x30: {  	[tilespmem:s0+$0x1D8C0] =	vst v6  }
0x31: {  	[tilespmem:s0+$0x1D8D0] =	vst v6  }
0x32: {  	[tilespmem:s0+$0x1D8E0] =	vst v6;
	s0 =	sshra.s32 s10, $0x2;
	s10 =	sadd.s32 $0x200, s10  }
0x33: {  	[tilespmem:s0+$0x1D8F0] =	vst v6  }
0x34: {  	[tilespmem:s0+$0x1D880] =	vst v6  }
0x35: {  	[tilespmem:s0+$0x1D890] =	vst v6  }
0x36: {  	[tilespmem:s0+$0x1D8A0] =	vst v6  }
0x37: {  	[tilespmem:s0+$0x1D8B0] =	vst v6  }
0x38: {  	[tilespmem:s0+$0x1D8C0] =	vst v6  }
0x39: {  	[tilespmem:s0+$0x1D8D0] =	vst v6  }
0x3a: {  	[tilespmem:s0+$0x1D8E0] =	vst v6;
	s0 =	simm.s32 $0x40;
	s10 =	simm.s32 $0x0  }
.LBB2_4:
0x3b: {  	p1 =	sne.s32 s0, $0xFC0;
	[tilespmem:s10+$0x1F880] =	vst v6;
	s10 =	smov.u32 s0;
	s0 =	sadd.s32 $0x40, s0  }
.Ltmp1:
0x3c: {  	(pc) =	sbr.rel @p1 .LBB2_4-.Ltmp1, $2  }
0x3d: {  	_ =	sdelay $0x2  }
0x3e: {  	s10 =	sshra.s32 s10, $0x2  }
0x3f: {  	[tilespmem:s10+$0x1F880] =	vst v6  }
0x40: {  	[spmem:s9] =	stream.linear.scatter [tilespmem:s22], [sflag:$0x7], $0x2000, $0x38;
	[tilespmem:$0x1FC80] =	vst v63  }
0x41: {  	_ =	swait.ge [sflag:s23], $0x2000  }
0x42: {  	[sflag:s23] =	ssyncset.done $0x0  }
0x43: {  	s0 =	rddreg [dreg:$0x4];
	[sflag:s23] =	ssyncadd.s32 $0xFFFFE000  }
0x44: {  	[spmem:s0] =	stream.linear.scatter [tilespmem:s22], [sflag:$0x7], $0x2000, $0x38;
	[tilespmem:$0x1FC80] =	vst v63  }
0x45: {  	_ =	swait.ge [sflag:s23], $0x2000  }
0x46: {  	[sflag:s23] =	ssyncset.done $0x0  }
0x47: {  	s10 =	rddreg [dreg:$0x5];
	[sflag:s23] =	ssyncadd.s32 $0xFFFFE000  }
0x48: {  	[spmem:s10] =	stream.linear.scatter [tilespmem:s22], [sflag:$0x7], $0x2000, $0x38;
	[tilespmem:$0x1FC80] =	vst v63  }
0x49: {  	_ =	swait.ge [sflag:s23], $0x2000  }
0x4a: {  	[sflag:s23] =	ssyncset.done $0x0  }
0x4b: {  	s11 =	rddreg [dreg:$0x6];
	[sflag:s23] =	ssyncadd.s32 $0xFFFFE000  }
0x4c: {  	[spmem:s11] =	stream.linear.scatter [tilespmem:s22], [sflag:$0x7], $0x2000, $0x38;
	[tilespmem:$0x1FC80] =	vst v63  }
0x4d: {  	_ =	swait.ge [sflag:s23], $0x2000  }
0x4e: {  	[sflag:s23] =	ssyncset.done $0x0  }
0x4f: {  	s12 =	rddreg [dreg:$0x9];
	[sflag:s23] =	ssyncadd.s32 $0xFFFFE000  }
0x50: {  	[spmem:s12] =	stream.linear.scatter [tilespmem:s22], [sflag:$0x7], $0x2000, $0x38;
	[tilespmem:$0x1FC80] =	vst v63  }
0x51: {  	_ =	swait.ge [sflag:s23], $0x2000  }
0x52: {  	[sflag:s23] =	ssyncset.done $0x0  }
0x53: {  	s13 =	rddreg [dreg:$0xa];
	[sflag:s23] =	ssyncadd.s32 $0xFFFFE000  }
0x54: {  	[spmem:s13] =	stream.linear.scatter [tilespmem:s22], [sflag:$0x7], $0x2000, $0x38;
	[tilespmem:$0x1FC80] =	vst v63  }
0x55: {  	_ =	swait.ge [sflag:s23], $0x2000  }
0x56: {  	[sflag:s23] =	ssyncset.done $0x0  }
0x57: {  	s15 =	rddreg [dreg:$0xb];
	[sflag:s23] =	ssyncadd.s32 $0xFFFFE000  }
0x58: {  	[spmem:s15] =	stream.linear.scatter [tilespmem:s22], [sflag:$0x7], $0x2000, $0x38;
	[tilespmem:$0x1FC80] =	vst v63  }
0x59: {  	_ =	swait.ge [sflag:s23], $0x2000  }
0x5a: {  	[sflag:s23] =	ssyncset.done $0x0  }
0x5b: {  	s16 =	rddreg [dreg:$0xc];
	[sflag:s23] =	ssyncadd.s32 $0xFFFFE000  }
0x5c: {  	[spmem:s16] =	stream.linear.scatter [tilespmem:s22], [sflag:$0x7], $0x2000, $0x38;
	[tilespmem:$0x1FC80] =	vst v63  }
0x5d: {  	_ =	swait.ge [sflag:s23], $0x2000  }
0x5e: {  	[sflag:s23] =	ssyncset.done $0x0  }
0x5f: {  	[sflag:s23] =	ssyncadd.s32 $0xFFFFE000  }
0x60: {  	[spmem:s19] =	stream.linear.scatter [tilespmem:s22], [sflag:$0x7], $0x2000, $0x38;
	[tilespmem:$0x1FC80] =	vst v63  }
0x61: {  	_ =	swait.ge [sflag:s23], $0x2000  }
0x62: {  	[sflag:s23] =	ssyncset.done $0x0  }
0x63: {  	[sflag:s23] =	ssyncadd.s32 $0xFFFFE000  }
0x64: {  	[spmem:s20] =	stream.linear.scatter [tilespmem:s22], [sflag:$0x7], $0x2000, $0x38;
	[tilespmem:$0x1FC80] =	vst v63  }
0x65: {  	_ =	swait.ge [sflag:s23], $0x2000  }
0x66: {  	[sflag:s23] =	ssyncset.done $0x0  }
0x67: {  	[sflag:s23] =	ssyncadd.s32 $0xFFFFE000  }
0x68: {  	[spmem:s21] =	stream.linear.scatter [tilespmem:s24], [sflag:$0x7], $0x400, $0x38;
	[tilespmem:$0x1FC80] =	vst v63  }
0x69: {  	_ =	swait.ge [sflag:s23], $0x400  }
0x6a: {  	[sflag:s23] =	ssyncset.done $0x0  }
0x6b: {  	s17 =	rddreg [dreg:$0xd];
	[sflag:s23] =	ssyncadd.s32 $0xFFFFFC00  }
0x6c: {  	[spmem:s17] =	stream.linear.scatter [tilespmem:s24], [sflag:$0x7], $0x400, $0x38;
	[tilespmem:$0x1FC80] =	vst v63  }
0x6d: {  	_ =	swait.ge [sflag:s23], $0x400  }
0x6e: {  	[sflag:s23] =	ssyncset.done $0x0  }
0x6f: {  	s18 =	rddreg [dreg:$0xe];
	[sflag:s23] =	ssyncadd.s32 $0xFFFFFC00  }
0x70: {  	[spmem:s18] =	stream.linear.scatter [tilespmem:s24], [sflag:$0x7], $0x400, $0x38;
	[tilespmem:$0x1FC80] =	vst v63  }
0x71: {  	_ =	swait.ge [sflag:s23], $0x400  }
0x72: {  	[sflag:s23] =	ssyncset.done $0x0  }
0x73: {  	s30 =	rddreg [dreg:$0xf];
	[sflag:s23] =	ssyncadd.s32 $0xFFFFFC00  }
0x74: {  	[spmem:s30] =	stream.linear.scatter [tilespmem:s24], [sflag:$0x7], $0x400, $0x38;
	[tilespmem:$0x1FC80] =	vst v63  }
0x75: {  	_ =	swait.ge [sflag:s23], $0x400  }
0x76: {  	[sflag:s23] =	ssyncset.done $0x0  }
0x77: {  	s31 =	rddreg [dreg:$0x10];
	[sflag:s23] =	ssyncadd.s32 $0xFFFFFC00  }
0x78: {  	[spmem:s31] =	stream.linear.scatter [tilespmem:s24], [sflag:$0x7], $0x400, $0x38;
	[tilespmem:$0x1FC80] =	vst v63  }
0x79: {  	_ =	swait.ge [sflag:s23], $0x400  }
0x7a: {  	[sflag:s23] =	ssyncset.done $0x0  }
0x7b: {  	s10 =	rddreg [dreg:$0x11];
	[sflag:s23] =	ssyncadd.s32 $0xFFFFFC00  }
0x7c: {  	[spmem:s10] =	stream.linear.scatter [tilespmem:s24], [sflag:$0x7], $0x400, $0x38;
	[tilespmem:$0x1FC80] =	vst v63  }
0x7d: {  	_ =	swait.ge [sflag:s23], $0x400  }
0x7e: {  	[sflag:s23] =	ssyncset.done $0x0  }
0x7f: {  	s11 =	rddreg [dreg:$0x12];
	[sflag:s23] =	ssyncadd.s32 $0xFFFFFC00  }
0x80: {  	[spmem:s11] =	stream.linear.scatter [tilespmem:s24], [sflag:$0x7], $0x400, $0x38;
	[tilespmem:$0x1FC80] =	vst v63  }
0x81: {  	_ =	swait.ge [sflag:s23], $0x400  }
0x82: {  	[sflag:s23] =	ssyncset.done $0x0  }
0x83: {  	s12 =	rddreg [dreg:$0x13];
	[sflag:s23] =	ssyncadd.s32 $0xFFFFFC00  }
0x84: {  	[spmem:s12] =	stream.linear.scatter [tilespmem:s24], [sflag:$0x7], $0x400, $0x38;
	[tilespmem:$0x1FC80] =	vst v63  }
0x85: {  	_ =	swait.ge [sflag:s23], $0x400  }
0x86: {  	[sflag:s23] =	ssyncset.done $0x0  }
0x87: {  	s13 =	rddreg [dreg:$0x14];
	[sflag:s23] =	ssyncadd.s32 $0xFFFFFC00  }
0x88: {  	[spmem:s13] =	stream.linear.scatter [tilespmem:s24], [sflag:$0x7], $0x400, $0x38;
	[tilespmem:$0x1FC80] =	vst v63  }
0x89: {  	_ =	swait.ge [sflag:s23], $0x400  }
0x8a: {  	[sflag:s23] =	ssyncset.done $0x0  }
0x8b: {  	s15 =	rddreg [dreg:$0x15];
	[sflag:s23] =	ssyncadd.s32 $0xFFFFFC00  }
0x8c: {  	[spmem:s15] =	stream.linear.scatter [tilespmem:s24], [sflag:$0x7], $0x400, $0x38;
	[tilespmem:$0x1FC80] =	vst v63  }
0x8d: {  	_ =	swait.ge [sflag:s23], $0x400  }
0x8e: {  	[sflag:s23] =	ssyncset.done $0x0  }
0x8f: {  	[sflag:s23] =	ssyncadd.s32 $0xFFFFFC00  }
0x90: {  	[bflag:$0x0] =	sbarrier.arrive $0xFFFF  }
0x91: {  	[tilespmem:s28], [sflag:$0x7] =	stream.strided.gather [hbm4b:s4+s25], $0xA0, s26, s25, $0x38;
	[tilespmem:$0x1FC80] =	vst v63  }
0x92: {  	_ =	swait.ge [sflag:s23], $0xA0  }
0x93: {  	[sflag:s23] =	ssyncset.done $0x0  }
0x94: {  	[sflag:s23] =	ssyncadd.s32 $0xFFFFFF60  }
0x95: {  	v7 =	vld [tilespmem:$0x16800]  }
0x96: {  	v8 =	vld [tilespmem:$0x16850]  }
0x97: {  	v10 =	vld [tilespmem:$0x16860]  }
0x98: {  	v9 =	vld [tilespmem:$0x16810]  }
0x99: {  	v11 =	vld [tilespmem:$0x16820]  }
0x9a: {  	v12 =	vld [tilespmem:$0x16870]  }
0x9b: {  	v61 =	vld [tilespmem:$0x16880];
	[tilespmem:$0x169E0] =	vst v8  }
0x9c: {  	v63 =	vld [tilespmem:$0x16890];
	v7 =	vadd.s32 v0, v7;
	[tilespmem:$0x169F0] =	vst v10  }
0x9d: {  	v8 =	vadd.s32 v0, v9;
	[tilespmem:$0x16940] =	vst v7;
	v7 =	vld [tilespmem:$0x16830]  }
0x9e: {  	[tilespmem:$0x16950] =	vst v8;
	v8 =	vld [tilespmem:$0x16840]  }
0x9f: {  	[tilespmem:$0x16A00] =	vst v12  }
0xa0: {  	[tilespmem:$0x16A10] =	vst v61  }
0xa1: {  	v62 =	vadd.s32 v0, v11;
	[tilespmem:$0x16A20] =	vst v63  }
0xa2: {  	[tilespmem:$0x16960] =	vst v62;
	v7 =	vadd.s32 v0, v7  }
0xa3: {  	[tilespmem:$0x16970] =	vst v7;
	v7 =	vadd.s32 v0, v8  }
0xa4: {  	s16 =	simm.s32 $0x16A80;
	[tilespmem:$0x16980] =	vst v7  }
0xa5: {  	[tilespmem:s16], [sflag:$0x1] =	stream.indirect.gather [hbm4b:s6+s25], $0x10, s28, s25, $0xb8;
	[tilespmem:$0x1FC80] =	vst v63  }
0xa6: {  	s17 =	simm.s32 $0x16850;
	s18 =	simm.s32 $0x17480  }
0xa7: {  	[tilespmem:s18], [sflag:$0x1] =	stream.indirect.gather [hbm4b:s7+s25], $0x10, s17, s25, $0xb8;
	[tilespmem:$0x1FC80] =	vst v63  }
0xa8: {  	s30 =	simm.s32 $0x16940;
	s31 =	simm.s32 $0x17E80;
	s11 =	simm.s32 $0x0  }
0xa9: {  	[tilespmem:s31], [sflag:$0x1] =	stream.indirect.gather [hbm4b:s5+s25], $0x80, s30, s25, $0xb8;
	[tilespmem:$0x1FC80] =	vst v63  }
.LBB2_6:
0xaa: {  	s0 =	sand.u32 $0x1, s11  }
0xab: {  	p1 =	seq.s32 s11, $0x0;
	s10 =	sxor.u32 $0x1, s0  }
0xac: {  	p2 =	seq.s32 @!p1 s11, $0x7C;
	s12 =	sadd.s32 @!p1 $0x3, s10  }
0xad: {  	p2 =	por p1, !p2;
	_ =	swait.ge @!p1 [sflag:s12], $0x2800  }
.Ltmp2:
0xae: {  	[sflag:s12] =	ssyncset.done @!p1 $0x0;
	(pc) =	sbr.rel @!p2 .LBB2_8-.Ltmp2, $4  }
0xaf: {  	[sflag:s12] =	ssyncadd.s32 @!p1 $0xFFFFD800;
	s12 =	sadd.s32 @!p1 $0x5, s10  }
0xb0: {  	_ =	swait.ge @!p1 [sflag:s12], $0x500  }
0xb1: {  	[sflag:s12] =	ssyncset.done @!p1 $0x0  }
0xb2: {  	s13 =	simm.s32 @!p1 $0x7D;
	[sflag:s12] =	ssyncadd.s32 @!p1 $0xFFFFFB00  }
0xb3: {  	s13 =	sadd.s32 @!p1 $0x1, s11  }
0xb4: {  	s13 =	simm.s32 @p1 $0x1  }
0xb5: {  	s17 =	smul.u32 $0x50, s13  }
0xb6: {  	s12 =	smul.u32 $0x280, s10  }
0xb7: {  	s11 =	sadd.s32 s29, s17  }
0xb8: {  	s12 =	sshrl.u32 s12, $0x2;
	s11 =	sshrl.u32 s11, $0x3  }
0xb9: {  	s15 =	sor.u32 $0x16800, s12;
	s11 =	sadd.s32 s8, s11  }
0xba: {  	[tilespmem:s15], [sflag:$0x7] =	stream.strided.gather [hbm4b:s11+s25], $0xA0, s26, s25, $0x38;
	[tilespmem:$0x1FC80] =	vst v63  }
0xbb: {  	_ =	swait.ge [sflag:s23], $0xA0  }
0xbc: {  	[sflag:s23] =	ssyncset.done $0x0  }
0xbd: {  	[sflag:s23] =	ssyncadd.s32 $0xFFFFFF60  }
0xbe: {  	v7 =	vld [tilespmem:s12+$0x16800];
	_ =	sdelay $0x3  }
0xbf: {  	s11 =	smul.u32 $0x50, s10  }
0xc0: {  	v7 =	vadd.s32 v0, v7  }
0xc1: {  	[tilespmem:s11+$0x16940] =	vst v7  }
0xc2: {  	v7 =	vld [tilespmem:s12+$0x16850];
	_ =	sdelay $0x4  }
0xc3: {  	[tilespmem:s11+$0x169E0] =	vst v7  }
0xc4: {  	v7 =	vld [tilespmem:s12+$0x16810];
	_ =	sdelay $0x4  }
0xc5: {  	v7 =	vadd.s32 v0, v7  }
0xc6: {  	[tilespmem:s11+$0x16950] =	vst v7  }
0xc7: {  	v7 =	vld [tilespmem:s12+$0x16860];
	_ =	sdelay $0x4  }
0xc8: {  	[tilespmem:s11+$0x169F0] =	vst v7  }
0xc9: {  	v7 =	vld [tilespmem:s12+$0x16820];
	_ =	sdelay $0x4  }
0xca: {  	v7 =	vadd.s32 v0, v7  }
0xcb: {  	[tilespmem:s11+$0x16960] =	vst v7  }
0xcc: {  	v7 =	vld [tilespmem:s12+$0x16870];
	_ =	sdelay $0x4  }
0xcd: {  	[tilespmem:s11+$0x16A00] =	vst v7  }
0xce: {  	v7 =	vld [tilespmem:s12+$0x16830];
	_ =	sdelay $0x4  }
0xcf: {  	v7 =	vadd.s32 v0, v7  }
0xd0: {  	[tilespmem:s11+$0x16970] =	vst v7  }
0xd1: {  	v7 =	vld [tilespmem:s12+$0x16880];
	_ =	sdelay $0x4  }
0xd2: {  	[tilespmem:s11+$0x16A10] =	vst v7  }
0xd3: {  	v7 =	vld [tilespmem:s12+$0x16840];
	_ =	sdelay $0x4  }
0xd4: {  	v7 =	vadd.s32 v0, v7  }
0xd5: {  	[tilespmem:s11+$0x16980] =	vst v7  }
0xd6: {  	v7 =	vld [tilespmem:s12+$0x16890];
	_ =	sdelay $0x2  }
0xd7: {  	s16 =	smul.u32 $0x500, s10;
	_ =	sdelay $0x1  }
0xd8: {  	s30 =	sadd.s32 $0x1, s10;
	s31 =	smul.u32 $0xA000, s10;
	s17 =	sadd.s32 $0x16A80, s16;
	[tilespmem:s11+$0x16A20] =	vst v7  }
0xd9: {  	[tilespmem:s17], [sflag:s30] =	stream.indirect.gather [hbm4b:s6+s25], $0x10, s15, s25, $0xb8;
	[tilespmem:$0x1FC80] =	vst v63  }
0xda: {  	s18 =	sadd.s32 $0x17480, s16;
	s10 =	sshrl.u32 s31, $0x2;
	s12 =	sadd.s32 $0x16850, s12  }
0xdb: {  	[tilespmem:s18], [sflag:s30] =	stream.indirect.gather [hbm4b:s7+s25], $0x10, s12, s25, $0xb8;
	[tilespmem:$0x1FC80] =	vst v63  }
0xdc: {  	s10 =	sadd.s32 $0x17E80, s10;
	s11 =	sadd.s32 $0x16940, s11  }
0xdd: {  	[tilespmem:s10], [sflag:s30] =	stream.indirect.gather [hbm4b:s5+s25], $0x80, s11, s25, $0xb8;
	[tilespmem:$0x1FC80] =	vst v63  }
.LBB2_8:
0xde: {  	s31 =	sadd.s32 $0x1, s0  }
0xdf: {  	_ =	swait.ge [sflag:s31], $0x500  }
0xe0: {  	[sflag:s31] =	ssyncset.done $0x0  }
0xe1: {  	s10 =	smul.u32 $0x1400, s0;
	[sflag:s31] =	ssyncadd.s32 $0xFFFFFB00  }
0xe2: {  	_ =	swait.ge [sflag:s31], $0x500  }
0xe3: {  	s30 =	sshrl.u32 s10, $0x2;
	[sflag:s31] =	ssyncset.done $0x0  }
0xe4: {  	s10 =	sadd.s32 $0x16AA0, s30;
	[sflag:s31] =	ssyncadd.s32 $0xFFFFFB00  }
0xe5: {  	s11 =	sadd.s32 $0x174A0, s30;
	v7 =	vld [tilespmem:s10+$0x10]  }
0xe6: {  	v8 =	vld [tilespmem:s11+$0x10]  }
0xe7: {  	v9 =	vld [tilespmem:s11+$0xFFFFFFE0]  }
0xe8: {  	v10 =	vld [tilespmem:s10+$0xFFFFFFF0]  }
0xe9: {  	v11 =	vld [tilespmem:s11+$0xFFFFFFF0]  }
0xea: {  	v12 =	vld [tilespmem:s10+$0x0]  }
0xeb: {  	v13 =	vld [tilespmem:s11+$0x0];
	s11 =	sadd.s32 $0x40, s11  }
0xec: {  	v16 =	vld [tilespmem:s11+$0x10];
	v7 =	vadd.f32 v8, v7  }
0xed: {  	v8 =	vld [tilespmem:s10+$0xFFFFFFE0];
	s10 =	sadd.s32 $0x40, s10  }
0xee: {  	v14 =	vld [tilespmem:s10+$0x10];
	v15 =	vmul.f32 $2.000000030e-01, v7;
	_ =	sdelay $0x1  }
0xef: {  	v17 =	vld [tilespmem:s11+$0xFFFFFFE0];
	v10 =	vadd.f32 v11, v10;
	v7 =	vmax.f32 v7, v15  }
0xf0: {  	v18 =	vld [tilespmem:s11+$0x0];
	v7 =	vmul.f32 $1.442695020e+00, v7  }
0xf1: {  	v12 =	vadd.f32 v13, v12;
	v13 =	vld [tilespmem:s11+$0xFFFFFFF0];
	v15 =	vmul.f32 $2.000000030e-01, v10;
	v8 =	vadd.f32 v9, v8  }
0xf2: {  	v11 =	vld [tilespmem:s10+$0xFFFFFFF0];
	v14 =	vadd.f32 v16, v14;
	(erf) = vpow2.f32 v7  }
0xf3: {  	v9 =	vld [tilespmem:s10+$0x0];
	v10 =	vmax.f32 v10, v15;
	v7 =	vmul.f32 $2.000000030e-01, v12;
	v15 =	vmul.f32 $2.000000030e-01, v8  }
0xf4: {  	s15 =	sadd.s32 $0x40, s10;
	v16 =	vld [tilespmem:s10+$0xFFFFFFE0];
	v10 =	vmul.f32 $1.442695020e+00, v10;
	v19 =	vmul.f32 $2.000000030e-01, v14  }
0xf5: {  	s11 =	sadd.s32 $0x40, s11;
	v7 =	vmax.f32 v12, v7;
	v12 =	vld [tilespmem:s15+$0x10];
	v8 =	vmax.f32 v8, v15  }
0xf6: {  	v15 =	vld [tilespmem:s11+$0x10];
	(erf) = vpow2.f32 v10;
	v7 =	vmul.f32 $1.442695020e+00, v7;
	v10 =	vmax.f32 v14, v19  }
0xf7: {  	v11 =	vadd.f32 v13, v11;
	v20 =	vmul.f32 $1.442695020e+00, v8;
	v8 =	vld [tilespmem:s11+$0xFFFFFFE0];
	v19 =	vmul.f32 $1.442695020e+00, v10  }
0xf8: {  	v18 =	vadd.f32 v18, v9;
	v10 =	vld [tilespmem:s11+$0xFFFFFFF0];
	(erf) = vpow2.f32 v7  }
0xf9: {  	v14 =	vmul.f32 $2.000000030e-01, v11;
	v7 =	vld [tilespmem:s15+$0xFFFFFFF0]  }
0xfa: {  	v9 =	vld [tilespmem:s15+$0x0];
	v13 =	vadd.f32 v17, v16;
	v17 =	vmul.f32 $2.000000030e-01, v18;
	(erf) = vpow2.f32 v20  }
0xfb: {  	s10 =	sadd.s32 $0x1CEA0, s30;
	v14 =	vmax.f32 v11, v14;
	v11 =	vld [tilespmem:s11+$0x0];
	(erf) = vpow2.f32 v19;
	v12 =	vadd.f32 v15, v12;
	v19 =	vpop (erf)  }
0xfc: {  	s12 =	simm.s32 $0x8;
	v16 =	vmul.f32 $2.000000030e-01, v13;
	v15 =	vmul.f32 $1.442695020e+00, v14;
	v14 =	vld [tilespmem:s15+$0xFFFFFFE0];
	s15 =	sadd.s32 $0x40, s15;
	v17 =	vmax.f32 v18, v17;
	[tilespmem:s10+$0x10] =	vst v19  }
.LBB2_9:
0xfd: {  	v19 =	vmul.f32 $2.000000030e-01, v12  }
0xfe: {  	v18 =	vld [tilespmem:s15+$0x10];
	s11 =	sadd.s32 $0x40, s11;
	v13 =	vmax.f32 v13, v16;
	v16 =	vmul.f32 $1.442695020e+00, v17;
	v20 =	vadd.f32 v10, v7  }
0xff: {  	s12 =	sadd.s32 $0x4, s12;
	v17 =	vld [tilespmem:s11+$0x10];
	v21 =	vmul.f32 $1.442695020e+00, v13;
	(erf) = vpow2.f32 v15  }
0x100: {  	p1 =	slt.u32 s12, $0x4C;
	v22 =	vld [tilespmem:s11+$0xFFFFFFE0];
	v10 =	vmax.f32 v12, v19;
	(erf) = vpow2.f32 v16;
	v12 =	vpop (erf);
	v15 =	vmul.f32 $2.000000030e-01, v20  }
.Ltmp3:
0x101: {  	v7 =	vld [tilespmem:s15+$0xFFFFFFF0];
	v19 =	vadd.f32 v11, v9;
	v11 =	vmul.f32 $1.442695020e+00, v10;
	[tilespmem:s10+$0xFFFFFFF0] =	vst v12;
	v9 =	vpop (erf);
	(pc) =	sbr.rel @p1 .LBB2_9-.Ltmp3, $4  }
0x102: {  	v10 =	vld [tilespmem:s11+$0xFFFFFFF0];
	v13 =	vadd.f32 v8, v14;
	(erf) = vpow2.f32 v21;
	[tilespmem:s10+$0x0] =	vst v9  }
0x103: {  	v9 =	vld [tilespmem:s15+$0x0];
	v21 =	vmax.f32 v20, v15;
	v20 =	vmul.f32 $2.000000030e-01, v19;
	(erf) = vpow2.f32 v11;
	v14 =	vpop (erf)  }
0x104: {  	v11 =	vld [tilespmem:s11+$0x0];
	v12 =	vadd.f32 v17, v18;
	v16 =	vmul.f32 $2.000000030e-01, v13;
	v15 =	vmul.f32 $1.442695020e+00, v21;
	v8 =	vpop (erf);
	[tilespmem:s10+$0xFFFFFFE0] =	vst v14;
	s10 =	sadd.s32 $0x40, s10  }
0x105: {  	v14 =	vld [tilespmem:s15+$0xFFFFFFE0];
	s15 =	sadd.s32 $0x40, s15;
	v17 =	vmax.f32 v19, v20;
	[tilespmem:s10+$0x10] =	vst v8;
	v8 =	vmov v22  }
0x106: {  	_ = 	snop  }
0x107: {  	v18 =	vmul.f32 $2.000000030e-01, v12  }
0x108: {  	v13 =	vmax.f32 v13, v16;
	(erf) = vpow2.f32 v15;
	v7 =	vadd.f32 v10, v7  }
0x109: {  	v10 =	vmul.f32 $1.442695020e+00, v17;
	v13 =	vmul.f32 $1.442695020e+00, v13;
	v12 =	vmax.f32 v12, v18  }
0x10a: {  	v9 =	vadd.f32 v11, v9;
	v11 =	vmul.f32 $2.000000030e-01, v7;
	v8 =	vadd.f32 v8, v14  }
0x10b: {  	(erf) = vpow2.f32 v10;
	v12 =	vmul.f32 $1.442695020e+00, v12  }
0x10c: {  	v10 =	vmul.f32 $2.000000030e-01, v9;
	v7 =	vmax.f32 v7, v11;
	v11 =	vmul.f32 $2.000000030e-01, v8  }
0x10d: {  	(erf) = vpow2.f32 v13;
	v7 =	vmul.f32 $1.442695020e+00, v7  }
0x10e: {  	(erf) = vpow2.f32 v12;
	v9 =	vmax.f32 v9, v10;
	v8 =	vmax.f32 v8, v11  }
0x10f: {  	v9 =	vmul.f32 $1.442695020e+00, v9;
	v8 =	vmul.f32 $1.442695020e+00, v8  }
0x110: {  	(erf) = vpow2.f32 v7  }
0x111: {  	v7 =	vpop (erf);
	(erf) = vpow2.f32 v9  }
0x112: {  	[tilespmem:s10+$0xFFFFFFF0] =	vst v7;
	v7 =	vpop (erf);
	(erf) = vpow2.f32 v8  }
0x113: {  	[tilespmem:s10+$0x0] =	vst v7;
	v8 =	vpop (erf)  }
0x114: {  	s17 =	sadd.s32 $0x40, s10;
	v7 =	vpop (erf);
	[tilespmem:s10+$0xFFFFFFE0] =	vst v8  }
0x115: {  	v8 =	vpop (erf);
	[tilespmem:s17+$0x10] =	vst v7  }
0x116: {  	[tilespmem:s17+$0xFFFFFFF0] =	vst v8;
	v7 =	vpop (erf)  }
0x117: {  	[tilespmem:s17+$0x0] =	vst v7;
	v7 =	vpop (erf)  }
0x118: {  	s10 =	sadd.s32 $0x40, s17;
	v8 =	vpop (erf);
	[tilespmem:s17+$0xFFFFFFE0] =	vst v7  }
0x119: {  	[tilespmem:s10+$0x10] =	vst v8;
	v7 =	vpop (erf)  }
0x11a: {  	[tilespmem:s10+$0xFFFFFFF0] =	vst v7;
	v7 =	vpop (erf)  }
0x11b: {  	[tilespmem:s10+$0x0] =	vst v7;
	v7 =	vpop (erf)  }
0x11c: {  	[tilespmem:s10+$0xFFFFFFE0] =	vst v7  }
0x11d: {  	_ =	swait.ge [sflag:s31], $0x2800  }
0x11e: {  	s18 =	smul.u32 $0xA000, s0;
	[sflag:s31] =	ssyncset.done $0x0  }
0x11f: {  	s12 =	sadd.s32 $0x1CE90, s30;
	[sflag:s31] =	ssyncadd.s32 $0xFFFFD800  }
0x120: {  	s15 =	sshrl.u32 s18, $0x2;
	v9 =	vld [tilespmem:s12+$0xFFFFFFF0]  }
0x121: {  	s10 =	sadd.s32 $0x17F00, s15;
	v8 =	vld [tilespmem:s12+$0x0]  }
0x122: {  	v11 =	vld [tilespmem:s10+$0xFFFFFF80]  }
0x123: {  	v10 =	vld [tilespmem:s10+$0x70]  }
0x124: {  	v12 =	vld [tilespmem:s10+$0xFFFFFF90]  }
0x125: {  	v13 =	vld [tilespmem:s10+$0xFFFFFFA0];
	v14 =	vperm.xlane v9, v2  }
0x126: {  	v15 =	vld [tilespmem:s10+$0xFFFFFFB0];
	v7 =	vperm.xlane v8, v3  }
0x127: {  	v16 =	vld [tilespmem:s10+$0xFFFFFFC0];
	v11 =	vmul.f32 v11, v14  }
0x128: {  	v17 =	vld [tilespmem:s10+$0xFFFFFFD0];
	v10 =	vmul.f32 v10, v7  }
0x129: {  	v63 =	vld [tilespmem:s10+$0xFFFFFFE0];
	v12 =	vmul.f32 v12, v14;
	[tilespmem:s10+$0xFFFFFF80] =	vst v11  }
0x12a: {  	v11 =	vperm.xlane v9, v3;
	[tilespmem:s10+$0x70] =	vst v10;
	v9 =	vmul.f32 v13, v14;
	v13 =	vld [tilespmem:s10+$0xFFFFFFF0]  }
0x12b: {  	[tilespmem:s10+$0xFFFFFF90] =	vst v12;
	v10 =	vmul.f32 v15, v14;
	v14 =	vld [tilespmem:s10+$0x0]  }
0x12c: {  	[tilespmem:s10+$0xFFFFFFA0] =	vst v9;
	v12 =	vmul.f32 v16, v11;
	v16 =	vld [tilespmem:s10+$0x10]  }
0x12d: {  	[tilespmem:s10+$0xFFFFFFB0] =	vst v10;
	v15 =	vmul.f32 v17, v11;
	v9 =	vld [tilespmem:s10+$0x20]  }
0x12e: {  	v8 =	vperm.xlane v8, v2;
	v10 =	vld [tilespmem:s10+$0x30];
	[tilespmem:s10+$0xFFFFFFC0] =	vst v12;
	v12 =	vmul.f32 v63, v11  }
0x12f: {  	[tilespmem:s10+$0xFFFFFFD0] =	vst v15;
	v13 =	vmul.f32 v13, v11;
	v11 =	vld [tilespmem:s10+$0x40]  }
0x130: {  	s11 =	sadd.s32 $0x1CE80, s30;
	s30 =	sadd.s32 $0x17E80, s15;
	v15 =	vmul.f32 v14, v8;
	[tilespmem:s10+$0xFFFFFFE0] =	vst v12;
	v12 =	vld [tilespmem:s10+$0x50]  }
0x131: {  	s15 =	simm.s32 $0x0;
	s31 =	sadd.s32 $0x20, s12;
	s12 =	smov.u32 s10;
	[tilespmem:s10+$0xFFFFFFF0] =	vst v13;
	v14 =	vmul.f32 v16, v8;
	v13 =	vld [tilespmem:s10+$0x60]  }
.LBB2_11:
0x132: {  	v16 =	vld [tilespmem:s31+$0x0];
	s15 =	sadd.s32 $0x2, s15;
	[tilespmem:s10+$0x0] =	vst v15;
	v9 =	vmul.f32 v9, v8  }
0x133: {  	s10 =	sadd.s32 $0x100, s10;
	v15 =	vld [tilespmem:s31+$0xFFFFFFF0];
	p1 =	slt.u32 s15, $0x4E;
	[tilespmem:s12+$0x10] =	vst v14;
	v8 =	vmul.f32 v10, v8  }
0x134: {  	v10 =	vld [tilespmem:s10+$0x70];
	[tilespmem:s12+$0x20] =	vst v9;
	v9 =	vmul.f32 v11, v7  }
0x135: {  	v11 =	vld [tilespmem:s10+$0xFFFFFF80];
	[tilespmem:s12+$0x30] =	vst v8;
	v12 =	vmul.f32 v12, v7  }
0x136: {  	v14 =	vld [tilespmem:s10+$0xFFFFFF90];
	[tilespmem:s12+$0x40] =	vst v9;
	v9 =	vmul.f32 v13, v7  }
0x137: {  	v13 =	vld [tilespmem:s10+$0xFFFFFFA0];
	v8 =	vperm.xlane v16, v2;
	v7 =	vperm.xlane v16, v3;
	[tilespmem:s12+$0x50] =	vst v12  }
0x138: {  	v12 =	vperm.xlane v15, v2;
	v15 =	vperm.xlane v15, v3;
	v16 =	vld [tilespmem:s10+$0xFFFFFFB0];
	[tilespmem:s12+$0x60] =	vst v9;
	s12 =	smov.u32 s10  }
0x139: {  	v9 =	vld [tilespmem:s10+$0xFFFFFFC0];
	v10 =	vmul.f32 v10, v7  }
0x13a: {  	v11 =	vmul.f32 v11, v12;
	v17 =	vld [tilespmem:s10+$0xFFFFFFD0]  }
0x13b: {  	v14 =	vmul.f32 v14, v12;
	v18 =	vld [tilespmem:s10+$0xFFFFFFE0];
	[tilespmem:s10+$0x70] =	vst v10  }
0x13c: {  	[tilespmem:s10+$0xFFFFFF80] =	vst v11;
	v10 =	vmul.f32 v13, v12;
	v11 =	vld [tilespmem:s10+$0xFFFFFFF0]  }
0x13d: {  	[tilespmem:s10+$0xFFFFFF90] =	vst v14;
	v12 =	vmul.f32 v16, v12;
	v13 =	vld [tilespmem:s10+$0x0]  }
0x13e: {  	[tilespmem:s10+$0xFFFFFFA0] =	vst v10;
	v10 =	vmul.f32 v9, v15;
	v14 =	vld [tilespmem:s10+$0x10]  }
.Ltmp4:
0x13f: {  	[tilespmem:s10+$0xFFFFFFB0] =	vst v12;
	v12 =	vmul.f32 v17, v15;
	v9 =	vld [tilespmem:s10+$0x20];
	(pc) =	sbr.rel @p1 .LBB2_11-.Ltmp4, $4  }
0x140: {  	[tilespmem:s10+$0xFFFFFFC0] =	vst v10;
	v16 =	vmul.f32 v18, v15;
	v10 =	vld [tilespmem:s10+$0x30]  }
0x141: {  	[tilespmem:s10+$0xFFFFFFD0] =	vst v12;
	v17 =	vmul.f32 v11, v15;
	v11 =	vld [tilespmem:s10+$0x40]  }
0x142: {  	[tilespmem:s10+$0xFFFFFFE0] =	vst v16;
	v15 =	vmul.f32 v13, v8;
	v12 =	vld [tilespmem:s10+$0x50]  }
0x143: {  	s31 =	sadd.s32 $0x20, s31;
	[tilespmem:s10+$0xFFFFFFF0] =	vst v17;
	v14 =	vmul.f32 v14, v8;
	v13 =	vld [tilespmem:s10+$0x60]  }
0x144: {  	[tilespmem:s10+$0x0] =	vst v15;
	v9 =	vmul.f32 v9, v8  }
0x145: {  	[tilespmem:s12+$0x10] =	vst v14;
	v8 =	vmul.f32 v10, v8  }
0x146: {  	[tilespmem:s12+$0x20] =	vst v9;
	v63 =	vmul.f32 v11, v7  }
0x147: {  	s17 =	smul.u32 $0x140, s0;
	[tilespmem:s12+$0x30] =	vst v8;
	v8 =	vmul.f32 v12, v7  }
0x148: {  	[tilespmem:s12+$0x40] =	vst v63;
	v7 =	vmul.f32 v13, v7  }
0x149: {  	p1 =	slt.u32 s13, $0x7D;
	s10 =	sshrl.u32 s17, $0x2;
	[tilespmem:s12+$0x50] =	vst v8  }
.Ltmp5:
0x14a: {  	s18 =	sadd.s32 $0x3, s0;
	s10 =	sadd.s32 $0x169E0, s10;
	[tilespmem:s12+$0x60] =	vst v7;
	(pc) =	sbr.rel @p1 .LBB2_6-.Ltmp5, $4  }
0x14b: {  	[spmem:s1] =	stream.indirect.scatter.add.f32 [tilespmem:s30], [sflag:s18], $0x80, s10, s25, $0xb8;
	[tilespmem:$0x1FC80] =	vst v63  }
0x14c: {  	s31 =	sadd.s32 $0x5, s0  }
0x14d: {  	[spmem:s2] =	stream.indirect.scatter.add.f32 [tilespmem:s11], [sflag:s31], $0x10, s10, s25, $0xb8;
	[tilespmem:$0x1FC80] =	vst v63  }
0x14e: {  	s11 =	smov.u32 s13  }
0x14f: {  	_ =	swait.ge [sflag:s14], $0x2800  }
0x150: {  	[sflag:s14] =	ssyncset.done $0x0  }
0x151: {  	s0 =	simm.s32 $0x5;
	[sflag:s14] =	ssyncadd.s32 $0xFFFFD800  }
0x152: {  	_ =	swait.ge [sflag:s0], $0x500  }
0x153: {  	[sflag:s0] =	ssyncset.done $0x0  }
0x154: {  	s16 =	stileid.u32;
	[sflag:s0] =	ssyncadd.s32 $0xFFFFFB00  }
0x155: {  	s0 =	sshll.u32 s16, $0x6;
	[bflag:$0x0] =	sbarrier.arrive $0xFFFF  }
0x156: {  	s13 =	sshrl.u32 s9, $0x3;
	s0 =	sor.u32 $0x1C07, s0;
	s10 =	rddreg [dreg:$0x7]  }
0x157: {  	[hbm:s10], [sflag:s0] =	dma.local [spmem:s13], $0x2800  }
0x158: {  	_ =	swait.ge [sflag:s23], $0x2800  }
0x159: {  	[sflag:s23] =	ssyncset.done $0x0  }
0x15a: {  	s10 =	sshrl.u32 @!p0 s21, $0x3;
	s11 =	rddreg [dreg:$0x16];
	[sflag:s23] =	ssyncadd.s32 $0xFFFFD800  }
0x15b: {  	[hbm:s11], [sflag:s0] =	dma.local @!p0 [spmem:s10], $0x500  }
0x15c: {  	s10 =	simm.s32 @!p0 $0x7  }
0x15d: {  	_ =	swait.ge @!p0 [sflag:s10], $0x500  }
0x15e: {  	[sflag:s10] =	ssyncset.done @!p0 $0x0  }
0x15f: {  	[sflag:s10] =	ssyncadd.s32 @!p0 $0xFFFFFB00  }
0x160: {  	[spmem:s9] =	stream.linear.scatter [tilespmem:s22], [sflag:$0x7], $0x2000, $0x38;
	[tilespmem:$0x1FC80] =	vst v63  }
0x161: {  	_ =	swait.ge [sflag:s23], $0x2000  }
0x162: {  	[sflag:s23] =	ssyncset.done $0x0  }
0x163: {  	s17 =	rddreg [dreg:$0x4];
	[sflag:s23] =	ssyncadd.s32 $0xFFFFE000  }
0x164: {  	[spmem:s17] =	stream.linear.scatter [tilespmem:s22], [sflag:$0x7], $0x2000, $0x38;
	[tilespmem:$0x1FC80] =	vst v63  }
0x165: {  	_ =	swait.ge [sflag:s23], $0x2000  }
0x166: {  	[sflag:s23] =	ssyncset.done $0x0  }
0x167: {  	s18 =	rddreg [dreg:$0x5];
	[sflag:s23] =	ssyncadd.s32 $0xFFFFE000  }
0x168: {  	[spmem:s18] =	stream.linear.scatter [tilespmem:s22], [sflag:$0x7], $0x2000, $0x38;
	[tilespmem:$0x1FC80] =	vst v63  }
0x169: {  	_ =	swait.ge [sflag:s23], $0x2000  }
0x16a: {  	[sflag:s23] =	ssyncset.done $0x0  }
0x16b: {  	s30 =	rddreg [dreg:$0x6];
	[sflag:s23] =	ssyncadd.s32 $0xFFFFE000  }
0x16c: {  	[spmem:s30] =	stream.linear.scatter [tilespmem:s22], [sflag:$0x7], $0x2000, $0x38;
	[tilespmem:$0x1FC80] =	vst v63  }
0x16d: {  	_ =	swait.ge [sflag:s23], $0x2000  }
0x16e: {  	[sflag:s23] =	ssyncset.done $0x0  }
0x16f: {  	s31 =	rddreg [dreg:$0x9];
	[sflag:s23] =	ssyncadd.s32 $0xFFFFE000  }
0x170: {  	[spmem:s31] =	stream.linear.scatter [tilespmem:s22], [sflag:$0x7], $0x2000, $0x38;
	[tilespmem:$0x1FC80] =	vst v63  }
0x171: {  	_ =	swait.ge [sflag:s23], $0x2000  }
0x172: {  	[sflag:s23] =	ssyncset.done $0x0  }
0x173: {  	s11 =	rddreg [dreg:$0xa];
	[sflag:s23] =	ssyncadd.s32 $0xFFFFE000  }
0x174: {  	[spmem:s11] =	stream.linear.scatter [tilespmem:s22], [sflag:$0x7], $0x2000, $0x38;
	[tilespmem:$0x1FC80] =	vst v63  }
0x175: {  	_ =	swait.ge [sflag:s23], $0x2000  }
0x176: {  	[sflag:s23] =	ssyncset.done $0x0  }
0x177: {  	s12 =	rddreg [dreg:$0xb];
	[sflag:s23] =	ssyncadd.s32 $0xFFFFE000  }
0x178: {  	[spmem:s12] =	stream.linear.scatter [tilespmem:s22], [sflag:$0x7], $0x2000, $0x38;
	[tilespmem:$0x1FC80] =	vst v63  }
0x179: {  	_ =	swait.ge [sflag:s23], $0x2000  }
0x17a: {  	[sflag:s23] =	ssyncset.done $0x0  }
0x17b: {  	s15 =	rddreg [dreg:$0xc];
	[sflag:s23] =	ssyncadd.s32 $0xFFFFE000  }
0x17c: {  	[spmem:s15] =	stream.linear.scatter [tilespmem:s22], [sflag:$0x7], $0x2000, $0x38;
	[tilespmem:$0x1FC80] =	vst v63  }
0x17d: {  	_ =	swait.ge [sflag:s23], $0x2000  }
0x17e: {  	[sflag:s23] =	ssyncset.done $0x0  }
0x17f: {  	[sflag:s23] =	ssyncadd.s32 $0xFFFFE000  }
0x180: {  	[spmem:s19] =	stream.linear.scatter [tilespmem:s22], [sflag:$0x7], $0x2000, $0x38;
	[tilespmem:$0x1FC80] =	vst v63  }
0x181: {  	_ =	swait.ge [sflag:s23], $0x2000  }
0x182: {  	[sflag:s23] =	ssyncset.done $0x0  }
0x183: {  	[sflag:s23] =	ssyncadd.s32 $0xFFFFE000  }
0x184: {  	[spmem:s20] =	stream.linear.scatter [tilespmem:s22], [sflag:$0x7], $0x2000, $0x38;
	[tilespmem:$0x1FC80] =	vst v63  }
0x185: {  	_ =	swait.ge [sflag:s23], $0x2000  }
0x186: {  	[sflag:s23] =	ssyncset.done $0x0  }
0x187: {  	[sflag:s23] =	ssyncadd.s32 $0xFFFFE000  }
0x188: {  	[bflag:$0x0] =	sbarrier.arrive $0xFFFF  }
0x189: {  	[tilespmem:s28], [sflag:$0x7] =	stream.strided.gather [hbm4b:s4+s25], $0xA0, s26, s25, $0x38;
	[tilespmem:$0x1FC80] =	vst v63  }
0x18a: {  	_ =	swait.ge [sflag:s23], $0xA0  }
0x18b: {  	[sflag:s23] =	ssyncset.done $0x0  }
0x18c: {  	[sflag:s23] =	ssyncadd.s32 $0xFFFFFF60  }
0x18d: {  	v7 =	vld [tilespmem:$0x16800]  }
0x18e: {  	v8 =	vld [tilespmem:$0x16850]  }
0x18f: {  	v10 =	vld [tilespmem:$0x16860]  }
0x190: {  	v9 =	vld [tilespmem:$0x16810]  }
0x191: {  	v11 =	vld [tilespmem:$0x16820]  }
0x192: {  	v12 =	vld [tilespmem:$0x16870]  }
0x193: {  	v61 =	vld [tilespmem:$0x16880];
	[tilespmem:$0x169E0] =	vst v8  }
0x194: {  	v63 =	vld [tilespmem:$0x16890];
	v7 =	vadd.s32 v1, v7;
	[tilespmem:$0x169F0] =	vst v10  }
0x195: {  	v8 =	vadd.s32 v1, v9;
	[tilespmem:$0x16940] =	vst v7;
	v7 =	vld [tilespmem:$0x16830]  }
0x196: {  	[tilespmem:$0x16950] =	vst v8;
	v8 =	vld [tilespmem:$0x16840]  }
0x197: {  	[tilespmem:$0x16A00] =	vst v12  }
0x198: {  	[tilespmem:$0x16A10] =	vst v61  }
0x199: {  	v62 =	vadd.s32 v1, v11;
	[tilespmem:$0x16A20] =	vst v63  }
0x19a: {  	[tilespmem:$0x16960] =	vst v62;
	v7 =	vadd.s32 v1, v7  }
0x19b: {  	[tilespmem:$0x16970] =	vst v7;
	v7 =	vadd.s32 v1, v8  }
0x19c: {  	s16 =	simm.s32 $0x16A80;
	[tilespmem:$0x16980] =	vst v7  }
0x19d: {  	[tilespmem:s16], [sflag:$0x1] =	stream.indirect.gather [hbm4b:s6+s25], $0x10, s28, s25, $0xb8;
	[tilespmem:$0x1FC80] =	vst v63  }
0x19e: {  	s17 =	simm.s32 $0x16850;
	s18 =	simm.s32 $0x17480  }
0x19f: {  	[tilespmem:s18], [sflag:$0x1] =	stream.indirect.gather [hbm4b:s7+s25], $0x10, s17, s25, $0xb8;
	[tilespmem:$0x1FC80] =	vst v63  }
0x1a0: {  	s30 =	simm.s32 $0x16940;
	s31 =	simm.s32 $0x17E80;
	s11 =	simm.s32 $0x0  }
0x1a1: {  	[tilespmem:s31], [sflag:$0x1] =	stream.indirect.gather [hbm4b:s5+s25], $0x80, s30, s25, $0xb8;
	[tilespmem:$0x1FC80] =	vst v63  }
.LBB2_14:
0x1a2: {  	p1 =	seq.s32 s11, $0x0  }
0x1a3: {  	p2 =	seq.s32 @!p1 s11, $0x7C  }
0x1a4: {  	s30 =	sand.u32 $0x1, s11;
	p2 =	por p1, !p2  }
.Ltmp6:
0x1a5: {  	s10 =	sxor.u32 $0x1, s30;
	(pc) =	sbr.rel @!p2 .LBB2_16-.Ltmp6, $4  }
0x1a6: {  	s12 =	sadd.s32 @!p1 $0x3, s10  }
0x1a7: {  	_ =	swait.ge @!p1 [sflag:s12], $0x2800  }
0x1a8: {  	[sflag:s12] =	ssyncset.done @!p1 $0x0  }
0x1a9: {  	s31 =	simm.s32 @!p1 $0x7D;
	[sflag:s12] =	ssyncadd.s32 @!p1 $0xFFFFD800  }
0x1aa: {  	s31 =	sadd.s32 @!p1 $0x1, s11  }
0x1ab: {  	s31 =	simm.s32 @p1 $0x1  }
0x1ac: {  	s15 =	smul.u32 $0x50, s31  }
0x1ad: {  	s12 =	smul.u32 $0x280, s10  }
0x1ae: {  	s11 =	sadd.s32 s29, s15  }
0x1af: {  	s12 =	sshrl.u32 s12, $0x2;
	s11 =	sshrl.u32 s11, $0x3  }
0x1b0: {  	s15 =	sor.u32 $0x16800, s12;
	s11 =	sadd.s32 s8, s11  }
0x1b1: {  	[tilespmem:s15], [sflag:$0x7] =	stream.strided.gather [hbm4b:s11+s25], $0xA0, s26, s25, $0x38;
	[tilespmem:$0x1FC80] =	vst v63  }
0x1b2: {  	_ =	swait.ge [sflag:s23], $0xA0  }
0x1b3: {  	[sflag:s23] =	ssyncset.done $0x0  }
0x1b4: {  	[sflag:s23] =	ssyncadd.s32 $0xFFFFFF60  }
0x1b5: {  	v7 =	vld [tilespmem:s12+$0x16800];
	_ =	sdelay $0x3  }
0x1b6: {  	s11 =	smul.u32 $0x50, s10  }
0x1b7: {  	v7 =	vadd.s32 v1, v7  }
0x1b8: {  	[tilespmem:s11+$0x16940] =	vst v7  }
0x1b9: {  	v7 =	vld [tilespmem:s12+$0x16850];
	_ =	sdelay $0x4  }
0x1ba: {  	[tilespmem:s11+$0x169E0] =	vst v7  }
0x1bb: {  	v7 =	vld [tilespmem:s12+$0x16810];
	_ =	sdelay $0x4  }
0x1bc: {  	v7 =	vadd.s32 v1, v7  }
0x1bd: {  	[tilespmem:s11+$0x16950] =	vst v7  }
0x1be: {  	v7 =	vld [tilespmem:s12+$0x16860];
	_ =	sdelay $0x4  }
0x1bf: {  	[tilespmem:s11+$0x169F0] =	vst v7  }
0x1c0: {  	v7 =	vld [tilespmem:s12+$0x16820];
	_ =	sdelay $0x4  }
0x1c1: {  	v7 =	vadd.s32 v1, v7  }
0x1c2: {  	[tilespmem:s11+$0x16960] =	vst v7  }
0x1c3: {  	v7 =	vld [tilespmem:s12+$0x16870];
	_ =	sdelay $0x4  }
0x1c4: {  	[tilespmem:s11+$0x16A00] =	vst v7  }
0x1c5: {  	v7 =	vld [tilespmem:s12+$0x16830];
	_ =	sdelay $0x4  }
0x1c6: {  	v7 =	vadd.s32 v1, v7  }
0x1c7: {  	[tilespmem:s11+$0x16970] =	vst v7  }
0x1c8: {  	v7 =	vld [tilespmem:s12+$0x16880];
	_ =	sdelay $0x4  }
0x1c9: {  	[tilespmem:s11+$0x16A10] =	vst v7  }
0x1ca: {  	v7 =	vld [tilespmem:s12+$0x16840];
	_ =	sdelay $0x4  }
0x1cb: {  	v7 =	vadd.s32 v1, v7  }
0x1cc: {  	[tilespmem:s11+$0x16980] =	vst v7  }
0x1cd: {  	v7 =	vld [tilespmem:s12+$0x16890];
	_ =	sdelay $0x2  }
0x1ce: {  	s16 =	smul.u32 $0x500, s10;
	_ =	sdelay $0x1  }
0x1cf: {  	s18 =	sadd.s32 $0x1, s10;
	s17 =	sadd.s32 $0x16A80, s16;
	[tilespmem:s11+$0x16A20] =	vst v7  }
0x1d0: {  	[tilespmem:s17], [sflag:s18] =	stream.indirect.gather [hbm4b:s6+s25], $0x10, s15, s25, $0xb8;
	[tilespmem:$0x1FC80] =	vst v63  }
0x1d1: {  	s16 =	sadd.s32 $0x17480, s16;
	s12 =	sadd.s32 $0x16850, s12;
	s17 =	smul.u32 $0xA000, s10  }
0x1d2: {  	[tilespmem:s16], [sflag:s18] =	stream.indirect.gather [hbm4b:s7+s25], $0x10, s12, s25, $0xb8;
	[tilespmem:$0x1FC80] =	vst v63  }
0x1d3: {  	s10 =	sshrl.u32 s17, $0x2  }
0x1d4: {  	s11 =	sadd.s32 $0x16940, s11;
	s10 =	sadd.s32 $0x17E80, s10  }
0x1d5: {  	[tilespmem:s10], [sflag:s18] =	stream.indirect.gather [hbm4b:s5+s25], $0x80, s11, s25, $0xb8;
	[tilespmem:$0x1FC80] =	vst v63  }
.LBB2_16:
0x1d6: {  	s10 =	sadd.s32 $0x1, s30  }
0x1d7: {  	_ =	swait.ge [sflag:s10], $0x500  }
0x1d8: {  	[sflag:s10] =	ssyncset.done $0x0  }
0x1d9: {  	s11 =	smul.u32 $0x1400, s30;
	[sflag:s10] =	ssyncadd.s32 $0xFFFFFB00  }
0x1da: {  	_ =	swait.ge [sflag:s10], $0x500  }
0x1db: {  	s11 =	sshrl.u32 s11, $0x2;
	[sflag:s10] =	ssyncset.done $0x0  }
0x1dc: {  	s12 =	sadd.s32 $0x16AA0, s11;
	[sflag:s10] =	ssyncadd.s32 $0xFFFFFB00  }
0x1dd: {  	s15 =	sadd.s32 $0x174A0, s11;
	v7 =	vld [tilespmem:s12+$0x10]  }
0x1de: {  	v8 =	vld [tilespmem:s15+$0x10]  }
0x1df: {  	v9 =	vld [tilespmem:s15+$0xFFFFFFE0]  }
0x1e0: {  	v10 =	vld [tilespmem:s12+$0xFFFFFFF0]  }
0x1e1: {  	v11 =	vld [tilespmem:s15+$0xFFFFFFF0]  }
0x1e2: {  	v12 =	vld [tilespmem:s12+$0x0]  }
0x1e3: {  	v13 =	vld [tilespmem:s15+$0x0];
	s15 =	sadd.s32 $0x40, s15  }
0x1e4: {  	v16 =	vld [tilespmem:s15+$0x10];
	v7 =	vadd.f32 v8, v7  }
0x1e5: {  	v8 =	vld [tilespmem:s12+$0xFFFFFFE0];
	s12 =	sadd.s32 $0x40, s12  }
0x1e6: {  	v14 =	vld [tilespmem:s12+$0x10];
	v15 =	vmul.f32 $2.000000030e-01, v7;
	_ =	sdelay $0x1  }
0x1e7: {  	v17 =	vld [tilespmem:s15+$0xFFFFFFE0];
	v10 =	vadd.f32 v11, v10;
	v7 =	vmax.f32 v7, v15  }
0x1e8: {  	v18 =	vld [tilespmem:s15+$0x0];
	v7 =	vmul.f32 $1.442695020e+00, v7  }
0x1e9: {  	v12 =	vadd.f32 v13, v12;
	v13 =	vld [tilespmem:s15+$0xFFFFFFF0];
	v15 =	vmul.f32 $2.000000030e-01, v10;
	v8 =	vadd.f32 v9, v8  }
0x1ea: {  	v11 =	vld [tilespmem:s12+$0xFFFFFFF0];
	v14 =	vadd.f32 v16, v14;
	(erf) = vpow2.f32 v7  }
0x1eb: {  	v9 =	vld [tilespmem:s12+$0x0];
	v10 =	vmax.f32 v10, v15;
	v7 =	vmul.f32 $2.000000030e-01, v12;
	v15 =	vmul.f32 $2.000000030e-01, v8  }
0x1ec: {  	s17 =	sadd.s32 $0x40, s12;
	v16 =	vld [tilespmem:s12+$0xFFFFFFE0];
	v10 =	vmul.f32 $1.442695020e+00, v10;
	v19 =	vmul.f32 $2.000000030e-01, v14  }
0x1ed: {  	s15 =	sadd.s32 $0x40, s15;
	v7 =	vmax.f32 v12, v7;
	v12 =	vld [tilespmem:s17+$0x10];
	v8 =	vmax.f32 v8, v15  }
0x1ee: {  	v15 =	vld [tilespmem:s15+$0x10];
	(erf) = vpow2.f32 v10;
	v7 =	vmul.f32 $1.442695020e+00, v7;
	v10 =	vmax.f32 v14, v19  }
0x1ef: {  	v11 =	vadd.f32 v13, v11;
	v20 =	vmul.f32 $1.442695020e+00, v8;
	v8 =	vld [tilespmem:s15+$0xFFFFFFE0];
	v19 =	vmul.f32 $1.442695020e+00, v10  }
0x1f0: {  	v18 =	vadd.f32 v18, v9;
	v10 =	vld [tilespmem:s15+$0xFFFFFFF0];
	(erf) = vpow2.f32 v7  }
0x1f1: {  	v14 =	vmul.f32 $2.000000030e-01, v11;
	v7 =	vld [tilespmem:s17+$0xFFFFFFF0]  }
0x1f2: {  	v9 =	vld [tilespmem:s17+$0x0];
	v13 =	vadd.f32 v17, v16;
	v17 =	vmul.f32 $2.000000030e-01, v18;
	(erf) = vpow2.f32 v20  }
0x1f3: {  	s12 =	sadd.s32 $0x1CEA0, s11;
	v14 =	vmax.f32 v11, v14;
	v11 =	vld [tilespmem:s15+$0x0];
	(erf) = vpow2.f32 v19;
	v12 =	vadd.f32 v15, v12;
	v19 =	vpop (erf)  }
0x1f4: {  	s16 =	simm.s32 $0x8;
	v16 =	vmul.f32 $2.000000030e-01, v13;
	v15 =	vmul.f32 $1.442695020e+00, v14;
	v14 =	vld [tilespmem:s17+$0xFFFFFFE0];
	s17 =	sadd.s32 $0x40, s17;
	v17 =	vmax.f32 v18, v17;
	[tilespmem:s12+$0x10] =	vst v19  }
.LBB2_17:
0x1f5: {  	v19 =	vmul.f32 $2.000000030e-01, v12  }
0x1f6: {  	v18 =	vld [tilespmem:s17+$0x10];
	s15 =	sadd.s32 $0x40, s15;
	v13 =	vmax.f32 v13, v16;
	v16 =	vmul.f32 $1.442695020e+00, v17;
	v20 =	vadd.f32 v10, v7  }
0x1f7: {  	s16 =	sadd.s32 $0x4, s16;
	v17 =	vld [tilespmem:s15+$0x10];
	v21 =	vmul.f32 $1.442695020e+00, v13;
	(erf) = vpow2.f32 v15  }
0x1f8: {  	p1 =	slt.u32 s16, $0x4C;
	v22 =	vld [tilespmem:s15+$0xFFFFFFE0];
	v10 =	vmax.f32 v12, v19;
	(erf) = vpow2.f32 v16;
	v12 =	vpop (erf);
	v15 =	vmul.f32 $2.000000030e-01, v20  }
.Ltmp7:
0x1f9: {  	v7 =	vld [tilespmem:s17+$0xFFFFFFF0];
	v19 =	vadd.f32 v11, v9;
	v11 =	vmul.f32 $1.442695020e+00, v10;
	[tilespmem:s12+$0xFFFFFFF0] =	vst v12;
	v9 =	vpop (erf);
	(pc) =	sbr.rel @p1 .LBB2_17-.Ltmp7, $4  }
0x1fa: {  	v10 =	vld [tilespmem:s15+$0xFFFFFFF0];
	v13 =	vadd.f32 v8, v14;
	(erf) = vpow2.f32 v21;
	[tilespmem:s12+$0x0] =	vst v9  }
0x1fb: {  	v9 =	vld [tilespmem:s17+$0x0];
	v21 =	vmax.f32 v20, v15;
	v20 =	vmul.f32 $2.000000030e-01, v19;
	(erf) = vpow2.f32 v11;
	v14 =	vpop (erf)  }
0x1fc: {  	v11 =	vld [tilespmem:s15+$0x0];
	v12 =	vadd.f32 v17, v18;
	v16 =	vmul.f32 $2.000000030e-01, v13;
	v15 =	vmul.f32 $1.442695020e+00, v21;
	v8 =	vpop (erf);
	[tilespmem:s12+$0xFFFFFFE0] =	vst v14;
	s12 =	sadd.s32 $0x40, s12  }
0x1fd: {  	v14 =	vld [tilespmem:s17+$0xFFFFFFE0];
	s17 =	sadd.s32 $0x40, s17;
	v17 =	vmax.f32 v19, v20;
	[tilespmem:s12+$0x10] =	vst v8;
	v8 =	vmov v22  }
0x1fe: {  	_ = 	snop  }
0x1ff: {  	v18 =	vmul.f32 $2.000000030e-01, v12  }
0x200: {  	v13 =	vmax.f32 v13, v16;
	(erf) = vpow2.f32 v15;
	v7 =	vadd.f32 v10, v7  }
0x201: {  	v10 =	vmul.f32 $1.442695020e+00, v17;
	v13 =	vmul.f32 $1.442695020e+00, v13;
	v12 =	vmax.f32 v12, v18  }
0x202: {  	v9 =	vadd.f32 v11, v9;
	v11 =	vmul.f32 $2.000000030e-01, v7;
	v8 =	vadd.f32 v8, v14  }
0x203: {  	(erf) = vpow2.f32 v10;
	v12 =	vmul.f32 $1.442695020e+00, v12  }
0x204: {  	v10 =	vmul.f32 $2.000000030e-01, v9;
	v7 =	vmax.f32 v7, v11;
	v11 =	vmul.f32 $2.000000030e-01, v8  }
0x205: {  	(erf) = vpow2.f32 v13;
	v7 =	vmul.f32 $1.442695020e+00, v7  }
0x206: {  	(erf) = vpow2.f32 v12;
	v9 =	vmax.f32 v9, v10;
	v8 =	vmax.f32 v8, v11  }
0x207: {  	v9 =	vmul.f32 $1.442695020e+00, v9;
	v8 =	vmul.f32 $1.442695020e+00, v8  }
0x208: {  	(erf) = vpow2.f32 v7  }
0x209: {  	v7 =	vpop (erf);
	(erf) = vpow2.f32 v9  }
0x20a: {  	[tilespmem:s12+$0xFFFFFFF0] =	vst v7;
	v7 =	vpop (erf);
	(erf) = vpow2.f32 v8  }
0x20b: {  	[tilespmem:s12+$0x0] =	vst v7;
	v8 =	vpop (erf)  }
0x20c: {  	s16 =	sadd.s32 $0x40, s12;
	v7 =	vpop (erf);
	[tilespmem:s12+$0xFFFFFFE0] =	vst v8  }
0x20d: {  	v8 =	vpop (erf);
	[tilespmem:s16+$0x10] =	vst v7  }
0x20e: {  	[tilespmem:s16+$0xFFFFFFF0] =	vst v8;
	v7 =	vpop (erf)  }
0x20f: {  	[tilespmem:s16+$0x0] =	vst v7;
	v7 =	vpop (erf)  }
0x210: {  	s12 =	sadd.s32 $0x40, s16;
	v8 =	vpop (erf);
	[tilespmem:s16+$0xFFFFFFE0] =	vst v7  }
0x211: {  	[tilespmem:s12+$0x10] =	vst v8;
	v7 =	vpop (erf)  }
0x212: {  	[tilespmem:s12+$0xFFFFFFF0] =	vst v7;
	v7 =	vpop (erf)  }
0x213: {  	[tilespmem:s12+$0x0] =	vst v7;
	v7 =	vpop (erf)  }
0x214: {  	[tilespmem:s12+$0xFFFFFFE0] =	vst v7  }
0x215: {  	_ =	swait.ge [sflag:s10], $0x2800  }
0x216: {  	s17 =	smul.u32 $0xA000, s30;
	[sflag:s10] =	ssyncset.done $0x0  }
0x217: {  	s16 =	sadd.s32 $0x1CE90, s11;
	[sflag:s10] =	ssyncadd.s32 $0xFFFFD800  }
0x218: {  	s18 =	sshrl.u32 s17, $0x2;
	v9 =	vld [tilespmem:s16+$0xFFFFFFF0]  }
0x219: {  	s10 =	sadd.s32 $0x17F00, s18;
	v8 =	vld [tilespmem:s16+$0x0]  }
0x21a: {  	v11 =	vld [tilespmem:s10+$0xFFFFFF80]  }
0x21b: {  	v10 =	vld [tilespmem:s10+$0x70]  }
0x21c: {  	v12 =	vld [tilespmem:s10+$0xFFFFFF90]  }
0x21d: {  	v13 =	vld [tilespmem:s10+$0xFFFFFFA0];
	v14 =	vperm.xlane v9, v4  }
0x21e: {  	v15 =	vld [tilespmem:s10+$0xFFFFFFB0];
	v7 =	vperm.xlane v8, v5  }
0x21f: {  	v16 =	vld [tilespmem:s10+$0xFFFFFFC0];
	v11 =	vmul.f32 v11, v14  }
0x220: {  	v17 =	vld [tilespmem:s10+$0xFFFFFFD0];
	v10 =	vmul.f32 v10, v7  }
0x221: {  	v63 =	vld [tilespmem:s10+$0xFFFFFFE0];
	v12 =	vmul.f32 v12, v14;
	[tilespmem:s10+$0xFFFFFF80] =	vst v11  }
0x222: {  	v11 =	vperm.xlane v9, v5;
	[tilespmem:s10+$0x70] =	vst v10;
	v9 =	vmul.f32 v13, v14;
	v13 =	vld [tilespmem:s10+$0xFFFFFFF0]  }
0x223: {  	[tilespmem:s10+$0xFFFFFF90] =	vst v12;
	v10 =	vmul.f32 v15, v14;
	v14 =	vld [tilespmem:s10+$0x0]  }
0x224: {  	[tilespmem:s10+$0xFFFFFFA0] =	vst v9;
	v12 =	vmul.f32 v16, v11;
	v16 =	vld [tilespmem:s10+$0x10]  }
0x225: {  	[tilespmem:s10+$0xFFFFFFB0] =	vst v10;
	v15 =	vmul.f32 v17, v11;
	v9 =	vld [tilespmem:s10+$0x20]  }
0x226: {  	v8 =	vperm.xlane v8, v4;
	v10 =	vld [tilespmem:s10+$0x30];
	[tilespmem:s10+$0xFFFFFFC0] =	vst v12;
	v12 =	vmul.f32 v63, v11  }
0x227: {  	[tilespmem:s10+$0xFFFFFFD0] =	vst v15;
	v13 =	vmul.f32 v13, v11;
	v11 =	vld [tilespmem:s10+$0x40]  }
0x228: {  	s15 =	simm.s32 $0x0;
	v15 =	vmul.f32 v14, v8;
	[tilespmem:s10+$0xFFFFFFE0] =	vst v12;
	v12 =	vld [tilespmem:s10+$0x50]  }
0x229: {  	s11 =	sadd.s32 $0x17E80, s18;
	s16 =	sadd.s32 $0x20, s16;
	s12 =	smov.u32 s10;
	[tilespmem:s10+$0xFFFFFFF0] =	vst v13;
	v14 =	vmul.f32 v16, v8;
	v13 =	vld [tilespmem:s10+$0x60]  }
.LBB2_19:
0x22a: {  	v16 =	vld [tilespmem:s16+$0x0];
	s15 =	sadd.s32 $0x2, s15;
	[tilespmem:s10+$0x0] =	vst v15;
	v9 =	vmul.f32 v9, v8  }
0x22b: {  	s10 =	sadd.s32 $0x100, s10;
	v15 =	vld [tilespmem:s16+$0xFFFFFFF0];
	p1 =	slt.u32 s15, $0x4E;
	[tilespmem:s12+$0x10] =	vst v14;
	v8 =	vmul.f32 v10, v8  }
0x22c: {  	v10 =	vld [tilespmem:s10+$0x70];
	[tilespmem:s12+$0x20] =	vst v9;
	v9 =	vmul.f32 v11, v7  }
0x22d: {  	v11 =	vld [tilespmem:s10+$0xFFFFFF80];
	[tilespmem:s12+$0x30] =	vst v8;
	v12 =	vmul.f32 v12, v7  }
0x22e: {  	v14 =	vld [tilespmem:s10+$0xFFFFFF90];
	[tilespmem:s12+$0x40] =	vst v9;
	v9 =	vmul.f32 v13, v7  }
0x22f: {  	v13 =	vld [tilespmem:s10+$0xFFFFFFA0];
	v8 =	vperm.xlane v16, v4;
	v7 =	vperm.xlane v16, v5;
	[tilespmem:s12+$0x50] =	vst v12  }
0x230: {  	v12 =	vperm.xlane v15, v4;
	v15 =	vperm.xlane v15, v5;
	v16 =	vld [tilespmem:s10+$0xFFFFFFB0];
	[tilespmem:s12+$0x60] =	vst v9;
	s12 =	smov.u32 s10  }
0x231: {  	v9 =	vld [tilespmem:s10+$0xFFFFFFC0];
	v10 =	vmul.f32 v10, v7  }
0x232: {  	v11 =	vmul.f32 v11, v12;
	v17 =	vld [tilespmem:s10+$0xFFFFFFD0]  }
0x233: {  	v14 =	vmul.f32 v14, v12;
	v18 =	vld [tilespmem:s10+$0xFFFFFFE0];
	[tilespmem:s10+$0x70] =	vst v10  }
0x234: {  	[tilespmem:s10+$0xFFFFFF80] =	vst v11;
	v10 =	vmul.f32 v13, v12;
	v11 =	vld [tilespmem:s10+$0xFFFFFFF0]  }
0x235: {  	[tilespmem:s10+$0xFFFFFF90] =	vst v14;
	v12 =	vmul.f32 v16, v12;
	v13 =	vld [tilespmem:s10+$0x0]  }
0x236: {  	[tilespmem:s10+$0xFFFFFFA0] =	vst v10;
	v10 =	vmul.f32 v9, v15;
	v14 =	vld [tilespmem:s10+$0x10]  }
.Ltmp8:
0x237: {  	[tilespmem:s10+$0xFFFFFFB0] =	vst v12;
	v12 =	vmul.f32 v17, v15;
	v9 =	vld [tilespmem:s10+$0x20];
	(pc) =	sbr.rel @p1 .LBB2_19-.Ltmp8, $4  }
0x238: {  	[tilespmem:s10+$0xFFFFFFC0] =	vst v10;
	v16 =	vmul.f32 v18, v15;
	v10 =	vld [tilespmem:s10+$0x30]  }
0x239: {  	[tilespmem:s10+$0xFFFFFFD0] =	vst v12;
	v17 =	vmul.f32 v11, v15;
	v11 =	vld [tilespmem:s10+$0x40]  }
0x23a: {  	[tilespmem:s10+$0xFFFFFFE0] =	vst v16;
	v15 =	vmul.f32 v13, v8;
	v12 =	vld [tilespmem:s10+$0x50]  }
0x23b: {  	s16 =	sadd.s32 $0x20, s16;
	[tilespmem:s10+$0xFFFFFFF0] =	vst v17;
	v14 =	vmul.f32 v14, v8;
	v13 =	vld [tilespmem:s10+$0x60]  }
0x23c: {  	[tilespmem:s10+$0x0] =	vst v15;
	v9 =	vmul.f32 v9, v8  }
0x23d: {  	[tilespmem:s12+$0x10] =	vst v14;
	v8 =	vmul.f32 v10, v8  }
0x23e: {  	[tilespmem:s12+$0x20] =	vst v9;
	v63 =	vmul.f32 v11, v7  }
0x23f: {  	s18 =	smul.u32 $0x140, s30;
	p1 =	slt.u32 s31, $0x7D;
	[tilespmem:s12+$0x30] =	vst v8;
	v8 =	vmul.f32 v12, v7  }
.Ltmp9:
0x240: {  	[tilespmem:s12+$0x40] =	vst v63;
	v7 =	vmul.f32 v13, v7;
	(pc) =	sbr.rel @p1 .LBB2_14-.Ltmp9, $4  }
0x241: {  	s10 =	sshrl.u32 s18, $0x2;
	[tilespmem:s12+$0x50] =	vst v8  }
0x242: {  	s30 =	sadd.s32 $0x3, s30;
	s10 =	sadd.s32 $0x169E0, s10;
	[tilespmem:s12+$0x60] =	vst v7  }
0x243: {  	[spmem:s1] =	stream.indirect.scatter.add.f32 [tilespmem:s11], [sflag:s30], $0x80, s10, s25, $0xb8;
	[tilespmem:$0x1FC80] =	vst v63  }
0x244: {  	s11 =	smov.u32 s31  }
0x245: {  	_ =	swait.ge [sflag:s14], $0x2800  }
0x246: {  	[sflag:s14] =	ssyncset.done $0x0  }
0x247: {  	[sflag:s14] =	ssyncadd.s32 $0xFFFFD800  }
0x248: {  	[bflag:$0x0] =	sbarrier.arrive $0xFFFF  }
0x249: {  	s10 =	rddreg [dreg:$0x8]  }
0x24a: {  	[hbm:s10], [sflag:s0] =	dma.local [spmem:s13], $0x2800  }
0x24b: {  	_ =	swait.ge [sflag:s23], $0x2800  }
0x24c: {  	s3 =	sadd.s32 $0x1, s3;
	s31 =	rddreg [dreg:$0x17]  }
0x24d: {  	p1 =	sne.s32 s3, s31  }
.Ltmp10:
0x24e: {  	_ = 	snop;
	(pc) =	sbr.rel @p1 .LBB2_1-.Ltmp10, $3  }
0x24f: {  	_ =	sdelay $0x1  }
0x250: {  	[sflag:s23] =	ssyncset.done $0x0  }
0x251: {  	[sflag:s23] =	ssyncadd.s32 $0xFFFFD800  }
0x252: {  	_ =	sfence.sel $0x180000  }
0x253: {  	[bflag:$0x0] =	sbarrier.arrive $0xFFFF  }
0x254: {  	_ =	strace $0x90000047  }
0x255: {  	s0 =	stileid.u32;
	[bflag:$0x2] =	sbarrier.arrive $0xFFFF  }
0x256: {  	p0 =	sne.s32 s0, $0x0;
	s0 =	rddreg [dreg:$0x3]  }
0x257: {  	s0 =	sadd.s32 @!p0 $0x100000, s0  }
0x258: {  	[sflag:s0] =	ssyncadd.tile.s32 @!p0 $0x1;
	_ =	shalt  }
.Lfunc_end2:
_tile_overlayer_lowered:
.L_overlay_start_2:
0x259: {  	(tag) =	ssettag $0x2  }
0x25a: {  	s0 =	rddreg [dreg:$0x0];
	s2 =	stileid.u32  }
0x25b: {  	s1 =	rddreg [dreg:$0x1];
	p0 =	sne.s32 s2, $0x0  }
0x25c: {  	s3 =	rddreg [dreg:$0x2];
	[bflag:$0x3] =	sbarrier.arrive $0xFFFF;
	s2 =	simm.s32 @!p0 $0x1C07  }
0x25d: {  	[timem:s3], [sflag:s2] =	dma.local @!p0 [hbm:s0], s1  }
0x25e: {  	s0 =	simm.s32 @!p0 $0x7  }
0x25f: {  	_ =	swait.ge @!p0 [sflag:s0], s1  }
0x260: {  	s1 =	ssub.s32 @!p0 $0x0, s1;
	[sflag:s0] =	ssyncset.done @!p0 $0x0  }
0x261: {  	[sflag:s0] =	ssyncadd.s32 @!p0 s1  }
0x262: {  	[bflag:$0x3] =	sbarrier.arrive $0xFFFF  }
0x263: {  	_ =	shalt  }

</sc_bundles>
